<compile_context>
chip_gen: v7x
topology: tpu7x:2x2x1
jax: 0.10.2.dev20260603
libtpu: 0.0.44.dev20260713+nightly
codegen_flags: <defaults>
</compile_context>

<pallas_src>
import functools

import jax
import jax.numpy as jnp
from jax import lax
from jax.experimental import pallas as pl
from jax.experimental.pallas import tpu as pltpu
from jax.experimental.pallas import tpu_sc as plsc

_N = 10000
_E = 320000
_F = 128
_H = 128
_C = 40

_NC = 2
_NS = 16
_NW = _NC * _NS
_K = 80
_NWIN = 128
_EPW = _NWIN * _K
_PAD = _NW * _EPW - _E
_NPAD = 10240
_RPT = _NPAD // _NS
_RCH = 80
_NCH = _RPT // _RCH
_NBUF = 4
_PD = 2
_NREF = 16
_NG = _NWIN // _NREF


def _sc_agg_kernel():
    mesh = plsc.VectorSubcoreMesh(core_axis_name="c", subcore_axis_name="s")

    @functools.partial(
        pl.kernel,
        out_type=jax.ShapeDtypeStruct((_NC, _NPAD, _F), jnp.float32),
        mesh=mesh,
        scratch_types=[
            pltpu.VMEM((2 * _NREF * _K,), jnp.int32),
            pltpu.VMEM((2, _NREF, _K), jnp.int32),
            pltpu.VMEM((_NBUF, _K, _F), jnp.float32),
            pltpu.VMEM_SHARED((_NPAD, _F), jnp.float32),
            [pltpu.SemaphoreType.DMA] * _NBUF,
            [pltpu.SemaphoreType.DMA] * _NBUF,
        ],
    )
    def agg(x_hbm, src_hbm, dst_hbm, z_hbm, out_hbm,
            src_v, dst_v, rows_v, acc_sh, gsems, ssems):
        ck = _NREF * _K
        c = lax.axis_index("c")
        s = lax.axis_index("s")
        wid = s * _NC + c

        pltpu.sync_copy(src_hbm.at[wid, pl.ds(0, ck)], src_v.at[pl.ds(0, ck)])
        pltpu.sync_copy(dst_hbm.at[wid, pl.ds(0, _NREF)], dst_v.at[0])
        pltpu.sync_copy(z_hbm, rows_v.at[0])
        for t in range(_NCH):
            pltpu.sync_copy(
                rows_v.at[0], acc_sh.at[pl.ds(s * _RPT + t * _RCH, _RCH)])
        plsc.subcore_barrier()

        for b in range(_PD):
            pltpu.async_copy(x_hbm.at[src_v.at[pl.ds(b * _K, _K)]],
                             rows_v.at[b], gsems[b])

        def step(i, carry):
            for b in range(_NBUF):
                j = i * _NBUF + b
                b2 = (b + _PD) % _NBUF
                g = j // _NREF
                w = j - g * _NREF
                p = lax.rem(g, 2)

                @pl.when(jnp.logical_and(w == _NREF // 2,
                                         j + _NREF <= _NWIN))
                def _():
                    pltpu.sync_copy(
                        src_hbm.at[wid, pl.ds((g + 1) * ck, ck)],
                        src_v.at[pl.ds((1 - p) * ck, ck)])
                    pltpu.sync_copy(
                        dst_hbm.at[wid, pl.ds((g + 1) * _NREF, _NREF)],
                        dst_v.at[1 - p])

                @pl.when(j >= _PD)
                def _():
                    jd = j - _PD
                    gd = jd // _NREF
                    pltpu.make_async_copy(
                        rows_v.at[b2],
                        acc_sh.at[dst_v.at[lax.rem(gd, 2), jd - gd * _NREF]],
                        ssems[b2]).wait()

                @pl.when(j + _PD < _NWIN)
                def _():
                    jn = j + _PD
                    gn = jn // _NREF
                    off = lax.rem(gn, 2) * ck + (jn - gn * _NREF) * _K
                    pltpu.async_copy(
                        x_hbm.at[src_v.at[pl.ds(off, _K)]],
                        rows_v.at[b2], gsems[b2])

                pltpu.make_async_copy(
                    x_hbm.at[src_v.at[pl.ds(p * ck + w * _K, _K)]],
                    rows_v.at[b], gsems[b]).wait()
                pltpu.async_copy(
                    rows_v.at[b], acc_sh.at[dst_v.at[p, w]], ssems[b],
                    add=True)
            return carry

        lax.fori_loop(0, _NWIN // _NBUF, step, 0)
        for j in range(_NWIN - _PD, _NWIN):
            b = j % _NBUF
            g = j // _NREF
            pltpu.make_async_copy(
                rows_v.at[b], acc_sh.at[dst_v.at[g % 2, j - g * _NREF]],
                ssems[b]).wait()
        plsc.subcore_barrier()

        for t in range(_NCH):
            b = t % _NBUF
            base = s * _RPT + t * _RCH
            if t >= _NBUF:
                pb = s * _RPT + (t - _NBUF) * _RCH
                pltpu.make_async_copy(
                    rows_v.at[b], out_hbm.at[c, pl.ds(pb, _RCH)],
                    gsems[b]).wait()
            pltpu.sync_copy(acc_sh.at[pl.ds(base, _RCH)], rows_v.at[b])
            pltpu.async_copy(
                rows_v.at[b], out_hbm.at[c, pl.ds(base, _RCH)], gsems[b])
        for t in range(_NCH - _NBUF, _NCH):
            b = t % _NBUF
            base = s * _RPT + t * _RCH
            pltpu.make_async_copy(
                rows_v.at[b], out_hbm.at[c, pl.ds(base, _RCH)],
                gsems[b]).wait()

    return agg


_sc_agg = _sc_agg_kernel()


def _bn_mlp(h, w1, b1, w2, b2, g, bb):
    h = jnp.dot(h, w1, preferred_element_type=jnp.float32) + b1
    h = jnp.maximum(h, 0.0)
    h = jnp.dot(h, w2, preferred_element_type=jnp.float32) + b2
    mu = jnp.mean(h, axis=0, keepdims=True)
    d = h - mu
    var = jnp.mean(d * d, axis=0, keepdims=True)
    return g * d * lax.rsqrt(var + 1e-5) + bb


def _tc_layer_body(x_ref, agg_ref, w1_ref, b1_ref, w2_ref, b2_ref,
                   g_ref, bb_ref, o_ref):
    agg = agg_ref[0, :_N] + agg_ref[1, :_N]
    o_ref[...] = _bn_mlp(x_ref[...] + agg, w1_ref[...], b1_ref[...],
                         w2_ref[...], b2_ref[...], g_ref[...], bb_ref[...])


_tc_layer = pl.pallas_call(
    _tc_layer_body,
    out_shape=jax.ShapeDtypeStruct((_N, _H), jnp.float32),
)


def _tc_out_body(x_ref, h0_ref, agg_ref, w1_ref, b1_ref, w2_ref,
                 b2_ref, g_ref, bb_ref, wx_ref, wh0_ref, wh1_ref, bo_ref,
                 o_ref):
    agg = agg_ref[0, :_N] + agg_ref[1, :_N]
    h1 = _bn_mlp(h0_ref[...] + agg, w1_ref[...], b1_ref[...], w2_ref[...],
                 b2_ref[...], g_ref[...], bb_ref[...])
    o_ref[...] = (
        jnp.dot(x_ref[...], wx_ref[...], preferred_element_type=jnp.float32)
        + jnp.dot(h0_ref[...], wh0_ref[...], preferred_element_type=jnp.float32)
        + jnp.dot(h1, wh1_ref[...], preferred_element_type=jnp.float32)
        + bo_ref[...]
    )


_tc_out = pl.pallas_call(
    _tc_out_body,
    out_shape=jax.ShapeDtypeStruct((_N, _C), jnp.float32),
)


def kernel(x, edge_index, W1_0, b1_0, W2_0, b2_0, bn_g0, bn_b0,
           W1_1, b1_1, W2_1, b2_1, bn_g1, bn_b1, W_out, b_out):
    ar = jnp.arange(_PAD, dtype=jnp.int32)
    src_pad = (ar * 131) % _N
    dst_pad = _N + (ar % 16)
    src_a = jnp.concatenate([edge_index[0].astype(jnp.int32), src_pad])
    dst_a = jnp.concatenate([edge_index[1].astype(jnp.int32), dst_pad])
    src_a = src_a.reshape(_NW, _EPW)
    dst_a = dst_a.reshape(_NW, _NWIN, _K)
    zrows = jnp.zeros((_RCH, _F), jnp.float32)

    agg0 = _sc_agg(x, src_a, dst_a, zrows)
    h0 = _tc_layer(x, agg0, W1_0, b1_0.reshape(1, _H), W2_0,
                   b2_0.reshape(1, _H), bn_g0.reshape(1, _H),
                   bn_b0.reshape(1, _H))
    agg1 = _sc_agg(h0, src_a, dst_a, zrows)
    out = _tc_out(x, h0, agg1, W1_1, b1_1.reshape(1, _H), W2_1,
                  b2_1.reshape(1, _H), bn_g1.reshape(1, _H),
                  bn_b1.reshape(1, _H), W_out[:_F], W_out[_F:_F + _H],
                  W_out[_F + _H:], b_out.reshape(1, _C))
    return out

# --- scband reference (transcript-rebuilt; emitter-appended) ---
"""Pipeline reference for scband-gnn-nodes-1047972021082 (READ-ONLY COPY).

The authoritative reference and input builder live on the scoring server;
editing this copy changes nothing except your own understanding.
"""

import jax, jax.numpy as jnp
import numpy as np

N = 10000
E = 320000
F = 128
H = 128
C = 40

def setup_inputs(seed: int = 0):
    key = jax.random.key(seed)
    ks = jax.random.split(key, 16)
    inp = {}
    inp["x"] = jax.random.normal(ks[0], (N, F), dtype=jnp.float32)
    inp["edge_index"] = jax.random.randint(ks[1], (2, E), 0, N)
    inp["W1_0"] = jax.random.normal(ks[2], (F, H), dtype=jnp.float32) * 0.05
    inp["b1_0"] = jnp.zeros((H,), dtype=jnp.float32)
    inp["W2_0"] = jax.random.normal(ks[3], (H, H), dtype=jnp.float32) * 0.05
    inp["b2_0"] = jnp.zeros((H,), dtype=jnp.float32)
    inp["bn_g0"] = jnp.ones((H,), dtype=jnp.float32)
    inp["bn_b0"] = jnp.zeros((H,), dtype=jnp.float32)
    inp["W1_1"] = jax.random.normal(ks[4], (H, H), dtype=jnp.float32) * 0.05
    inp["b1_1"] = jnp.zeros((H,), dtype=jnp.float32)
    inp["W2_1"] = jax.random.normal(ks[5], (H, H), dtype=jnp.float32) * 0.05
    inp["b2_1"] = jnp.zeros((H,), dtype=jnp.float32)
    inp["bn_g1"] = jnp.ones((H,), dtype=jnp.float32)
    inp["bn_b1"] = jnp.zeros((H,), dtype=jnp.float32)
    inp["W_out"] = jax.random.normal(ks[6], (F + 2 * H, C), dtype=jnp.float32) * 0.05
    inp["b_out"] = jnp.zeros((C,), dtype=jnp.float32)
    return inp

def _gin_conv(x, src, dst, W1, b1, W2, b2):
    # GINConv (eps=0, not trained): mlp((1+eps)*x_i + sum_{j->i} x_j)
    agg = jnp.zeros_like(x).at[dst].add(x[src])
    h = x + agg
    h = jax.nn.relu(h @ W1 + b1)
    h = h @ W2 + b2  # make_mlp with hidden_layers=2: last Linear has no activation
    return h

def _batchnorm(h, g, b, eps=1e-5):
    # BatchNorm1d in training mode: batch statistics (biased variance)
    mu = jnp.mean(h, axis=0)
    var = jnp.mean((h - mu) ** 2, axis=0)
    return g * (h - mu) / jnp.sqrt(var + eps) + b

def reference(x, edge_index, W1_0, b1_0, W2_0, b2_0, bn_g0, bn_b0, W1_1, b1_1, W2_1, b2_1, bn_g1, bn_b1, W_out, b_out):
    src = edge_index[0]
    dst = edge_index[1]
    feats = [x]
    h = _gin_conv(x, src, dst, W1_0, b1_0, W2_0, b2_0)
    h = _batchnorm(h, bn_g0, bn_b0)
    feats.append(h)
    h = _gin_conv(h, src, dst, W1_1, b1_1, W2_1, b2_1)
    h = _batchnorm(h, bn_g1, bn_b1)
    feats.append(h)
    out = jnp.concatenate(feats, axis=1) @ W_out + b_out  # skip connections concat, dropout=0.0 is identity
    return out

if __name__ == "__main__":
    import jax
    _d = setup_inputs()
    print(jax.jit(kernel)(*tuple(_d.values())))

</pallas_src>

<mosaic_0001>
#map = affine_map<(d0, d1) -> (0, 0)>
#map1 = affine_map<(d0, d1) -> (0, 0, 0)>
module attributes {stable_mosaic.version = 14 : i64} {
  func.func @agg(%arg0: i32, %arg1: i32, %arg2: memref<10000x128xf32, #tpu.memory_space<hbm>>, %arg3: memref<32x10240xi32, #tpu.memory_space<hbm>>, %arg4: memref<32x128x80xi32, #tpu.memory_space<hbm>>, %arg5: memref<80x128xf32, #tpu.memory_space<hbm>>, %arg6: memref<2x10240x128xf32, #tpu.memory_space<hbm>>, %arg7: memref<2560xi32, #tpu.memory_space<vmem>>, %arg8: memref<2x16x80xi32, #tpu.memory_space<vmem>>, %arg9: memref<4x80x128xf32, #tpu.memory_space<vmem>>, %arg10: memref<10240x128xf32, #tpu.memory_space<vmem_shared>>, %arg11: memref<!tpu.dma_semaphore, #tpu.memory_space<semaphore_mem>>, %arg12: memref<!tpu.dma_semaphore, #tpu.memory_space<semaphore_mem>>, %arg13: memref<!tpu.dma_semaphore, #tpu.memory_space<semaphore_mem>>, %arg14: memref<!tpu.dma_semaphore, #tpu.memory_space<semaphore_mem>>, %arg15: memref<!tpu.dma_semaphore, #tpu.memory_space<semaphore_mem>>, %arg16: memref<!tpu.dma_semaphore, #tpu.memory_space<semaphore_mem>>, %arg17: memref<!tpu.dma_semaphore, #tpu.memory_space<semaphore_mem>>, %arg18: memref<!tpu.dma_semaphore, #tpu.memory_space<semaphore_mem>>) attributes {dimension_semantics = [#tpu.dimension_semantics<core_parallel>, #tpu.dimension_semantics<subcore_parallel>], iteration_bounds = array<i64: 2, 16>, scalar_prefetch = 0 : i64, scratch_operands = 12 : i64, tpu.core_type = #tpu.core_type<sc_vector_subcore>, window_params = [{transform_indices = #map}, {transform_indices = #map}, {transform_indices = #map1}, {transform_indices = #map}, {transform_indices = #map1}]} {
    %mul3A = arith.constant 2 : i32
    %mul3A_0 = arith.muli %arg1, %mul3A : i32
    %add3A = arith.addi %mul3A_0, %arg0 : i32
    "tpu.region"() ({
      %run_scoped3A_404 = tpu.sem_alloc : memref<!tpu.dma_semaphore, #tpu.memory_space<semaphore_mem>>
      %dma_start3A_405 = arith.constant 0 : i32
      %dma_start3A_406 = tpu.memref_slice %arg7[%dma_start3A_405] : memref<2560xi32, #tpu.memory_space<vmem>> -> memref<1280xi32, #tpu.memory_space<vmem>>
      %dma_start3A_407 = arith.constant 0 : i32
      %dma_start3A_408 = tpu.memref_slice %arg3[%add3A, %dma_start3A_407] : memref<32x10240xi32, #tpu.memory_space<hbm>> -> memref<1x1280xi32, #tpu.memory_space<hbm>>
      %dma_start3A_409 = tpu.memref_squeeze %dma_start3A_408 : memref<1x1280xi32, #tpu.memory_space<hbm>> -> memref<1280xi32, #tpu.memory_space<hbm>>
      %dma_start3A_410 = arith.constant 0 : i32
      %dma_start3A_411 = tpu.memref_slice %arg7[%dma_start3A_410] : memref<2560xi32, #tpu.memory_space<vmem>> -> memref<1280xi32, #tpu.memory_space<vmem>>
      %dma_start3A_412 = arith.constant 0 : i32
      %dma_start3A_413 = tpu.memref_slice %arg3[%add3A, %dma_start3A_412] : memref<32x10240xi32, #tpu.memory_space<hbm>> -> memref<1x1280xi32, #tpu.memory_space<hbm>>
      %dma_start3A_414 = tpu.memref_squeeze %dma_start3A_413 : memref<1x1280xi32, #tpu.memory_space<hbm>> -> memref<1280xi32, #tpu.memory_space<hbm>>
      tpu.enqueue_dma source(%dma_start3A_414 : memref<1280xi32, #tpu.memory_space<hbm>>) target(%dma_start3A_411 : memref<1280xi32, #tpu.memory_space<vmem>>) target_semaphore(%run_scoped3A_404 : memref<!tpu.dma_semaphore, #tpu.memory_space<semaphore_mem>>)
      %dma_wait3A_415 = arith.constant 0 : i32
      %dma_wait3A_416 = tpu.memref_slice %arg7[%dma_wait3A_415] : memref<2560xi32, #tpu.memory_space<vmem>> -> memref<1280xi32, #tpu.memory_space<vmem>>
      %dma_wait3A_417 = arith.constant 0 : i32
      %dma_wait3A_418 = tpu.memref_slice %arg3[%add3A, %dma_wait3A_417] : memref<32x10240xi32, #tpu.memory_space<hbm>> -> memref<1x1280xi32, #tpu.memory_space<hbm>>
      %dma_wait3A_419 = tpu.memref_squeeze %dma_wait3A_418 : memref<1x1280xi32, #tpu.memory_space<hbm>> -> memref<1280xi32, #tpu.memory_space<hbm>>
      %dma_wait3A_420 = arith.constant 0 : i32
      %dma_wait3A_421 = tpu.memref_slice %arg7[%dma_wait3A_420] : memref<2560xi32, #tpu.memory_space<vmem>> -> memref<1280xi32, #tpu.memory_space<vmem>>
      %dma_wait3A_422 = arith.constant 0 : i32
      %dma_wait3A_423 = tpu.memref_slice %arg3[%add3A, %dma_wait3A_422] : memref<32x10240xi32, #tpu.memory_space<hbm>> -> memref<1x1280xi32, #tpu.memory_space<hbm>>
      %dma_wait3A_424 = tpu.memref_squeeze %dma_wait3A_423 : memref<1x1280xi32, #tpu.memory_space<hbm>> -> memref<1280xi32, #tpu.memory_space<hbm>>
      tpu.wait_dma2 semaphore(%run_scoped3A_404 : memref<!tpu.dma_semaphore, #tpu.memory_space<semaphore_mem>>) src(%dma_wait3A_424 : memref<1280xi32, #tpu.memory_space<hbm>>) dst(%dma_wait3A_421 : memref<1280xi32, #tpu.memory_space<vmem>>)
      tpu.yield
    }) : () -> ()
    %run_scoped3A = arith.constant 0 : i32
    "tpu.region"() ({
      %run_scoped3A_404 = tpu.sem_alloc : memref<!tpu.dma_semaphore, #tpu.memory_space<semaphore_mem>>
      %dma_start3A_405 = arith.constant 0 : i32
      %dma_start3A_406 = arith.constant 0 : i32
      %dma_start3A_407 = tpu.memref_slice %arg8[%run_scoped3A, %dma_start3A_405, %dma_start3A_406] : memref<2x16x80xi32, #tpu.memory_space<vmem>> -> memref<1x16x80xi32, #tpu.memory_space<vmem>>
      %dma_start3A_408 = tpu.memref_squeeze %dma_start3A_407 : memref<1x16x80xi32, #tpu.memory_space<vmem>> -> memref<16x80xi32, #tpu.memory_space<vmem>>
      %dma_start3A_409 = arith.constant 0 : i32
      %dma_start3A_410 = arith.constant 0 : i32
      %dma_start3A_411 = tpu.memref_slice %arg4[%add3A, %dma_start3A_409, %dma_start3A_410] : memref<32x128x80xi32, #tpu.memory_space<hbm>> -> memref<1x16x80xi32, #tpu.memory_space<hbm>>
      %dma_start3A_412 = tpu.memref_squeeze %dma_start3A_411 : memref<1x16x80xi32, #tpu.memory_space<hbm>> -> memref<16x80xi32, #tpu.memory_space<hbm>>
      %dma_start3A_413 = arith.constant 0 : i32
      %dma_start3A_414 = arith.constant 0 : i32
      %dma_start3A_415 = tpu.memref_slice %arg8[%run_scoped3A, %dma_start3A_413, %dma_start3A_414] : memref<2x16x80xi32, #tpu.memory_space<vmem>> -> memref<1x16x80xi32, #tpu.memory_space<vmem>>
      %dma_start3A_416 = tpu.memref_squeeze %dma_start3A_415 : memref<1x16x80xi32, #tpu.memory_space<vmem>> -> memref<16x80xi32, #tpu.memory_space<vmem>>
      %dma_start3A_417 = arith.constant 0 : i32
      %dma_start3A_418 = arith.constant 0 : i32
      %dma_start3A_419 = tpu.memref_slice %arg4[%add3A, %dma_start3A_417, %dma_start3A_418] : memref<32x128x80xi32, #tpu.memory_space<hbm>> -> memref<1x16x80xi32, #tpu.memory_space<hbm>>
      %dma_start3A_420 = tpu.memref_squeeze %dma_start3A_419 : memref<1x16x80xi32, #tpu.memory_space<hbm>> -> memref<16x80xi32, #tpu.memory_space<hbm>>
      tpu.enqueue_dma source(%dma_start3A_420 : memref<16x80xi32, #tpu.memory_space<hbm>>) target(%dma_start3A_416 : memref<16x80xi32, #tpu.memory_space<vmem>>) target_semaphore(%run_scoped3A_404 : memref<!tpu.dma_semaphore, #tpu.memory_space<semaphore_mem>>)
      %dma_wait3A_421 = arith.constant 0 : i32
      %dma_wait3A_422 = arith.constant 0 : i32
      %dma_wait3A_423 = tpu.memref_slice %arg8[%run_scoped3A, %dma_wait3A_421, %dma_wait3A_422] : memref<2x16x80xi32, #tpu.memory_space<vmem>> -> memref<1x16x80xi32, #tpu.memory_space<vmem>>
      %dma_wait3A_424 = tpu.memref_squeeze %dma_wait3A_423 : memref<1x16x80xi32, #tpu.memory_space<vmem>> -> memref<16x80xi32, #tpu.memory_space<vmem>>
      %dma_wait3A_425 = arith.constant 0 : i32
      %dma_wait3A_426 = arith.constant 0 : i32
      %dma_wait3A_427 = tpu.memref_slice %arg4[%add3A, %dma_wait3A_425, %dma_wait3A_426] : memref<32x128x80xi32, #tpu.memory_space<hbm>> -> memref<1x16x80xi32, #tpu.memory_space<hbm>>
      %dma_wait3A_428 = tpu.memref_squeeze %dma_wait3A_427 : memref<1x16x80xi32, #tpu.memory_space<hbm>> -> memref<16x80xi32, #tpu.memory_space<hbm>>
      %dma_wait3A_429 = arith.constant 0 : i32
      %dma_wait3A_430 = arith.constant 0 : i32
      %dma_wait3A_431 = tpu.memref_slice %arg8[%run_scoped3A, %dma_wait3A_429, %dma_wait3A_430] : memref<2x16x80xi32, #tpu.memory_space<vmem>> -> memref<1x16x80xi32, #tpu.memory_space<vmem>>
      %dma_wait3A_432 = tpu.memref_squeeze %dma_wait3A_431 : memref<1x16x80xi32, #tpu.memory_space<vmem>> -> memref<16x80xi32, #tpu.memory_space<vmem>>
      %dma_wait3A_433 = arith.constant 0 : i32
      %dma_wait3A_434 = arith.constant 0 : i32
      %dma_wait3A_435 = tpu.memref_slice %arg4[%add3A, %dma_wait3A_433, %dma_wait3A_434] : memref<32x128x80xi32, #tpu.memory_space<hbm>> -> memref<1x16x80xi32, #tpu.memory_space<hbm>>
      %dma_wait3A_436 = tpu.memref_squeeze %dma_wait3A_435 : memref<1x16x80xi32, #tpu.memory_space<hbm>> -> memref<16x80xi32, #tpu.memory_space<hbm>>
      tpu.wait_dma2 semaphore(%run_scoped3A_404 : memref<!tpu.dma_semaphore, #tpu.memory_space<semaphore_mem>>) src(%dma_wait3A_436 : memref<16x80xi32, #tpu.memory_space<hbm>>) dst(%dma_wait3A_432 : memref<16x80xi32, #tpu.memory_space<vmem>>)
      tpu.yield
    }) : () -> ()
    %run_scoped3A_1 = arith.constant 0 : i32
    "tpu.region"() ({
      %run_scoped3A_404 = tpu.sem_alloc : memref<!tpu.dma_semaphore, #tpu.memory_space<semaphore_mem>>
      %dma_start3A_405 = arith.constant 0 : i32
      %dma_start3A_406 = arith.constant 0 : i32
      %dma_start3A_407 = tpu.memref_slice %arg9[%run_scoped3A_1, %dma_start3A_405, %dma_start3A_406] : memref<4x80x128xf32, #tpu.memory_space<vmem>> -> memref<1x80x128xf32, #tpu.memory_space<vmem>>
      %dma_start3A_408 = tpu.memref_squeeze %dma_start3A_407 : memref<1x80x128xf32, #tpu.memory_space<vmem>> -> memref<80x128xf32, #tpu.memory_space<vmem>>
      %dma_start3A_409 = arith.constant 0 : i32
      %dma_start3A_410 = arith.constant 0 : i32
      %dma_start3A_411 = tpu.memref_slice %arg9[%run_scoped3A_1, %dma_start3A_409, %dma_start3A_410] : memref<4x80x128xf32, #tpu.memory_space<vmem>> -> memref<1x80x128xf32, #tpu.memory_space<vmem>>
      %dma_start3A_412 = tpu.memref_squeeze %dma_start3A_411 : memref<1x80x128xf32, #tpu.memory_space<vmem>> -> memref<80x128xf32, #tpu.memory_space<vmem>>
      tpu.enqueue_dma source(%arg5 : memref<80x128xf32, #tpu.memory_space<hbm>>) target(%dma_start3A_412 : memref<80x128xf32, #tpu.memory_space<vmem>>) target_semaphore(%run_scoped3A_404 : memref<!tpu.dma_semaphore, #tpu.memory_space<semaphore_mem>>)
      %dma_wait3A_413 = arith.constant 0 : i32
      %dma_wait3A_414 = arith.constant 0 : i32
      %dma_wait3A_415 = tpu.memref_slice %arg9[%run_scoped3A_1, %dma_wait3A_413, %dma_wait3A_414] : memref<4x80x128xf32, #tpu.memory_space<vmem>> -> memref<1x80x128xf32, #tpu.memory_space<vmem>>
      %dma_wait3A_416 = tpu.memref_squeeze %dma_wait3A_415 : memref<1x80x128xf32, #tpu.memory_space<vmem>> -> memref<80x128xf32, #tpu.memory_space<vmem>>
      %dma_wait3A_417 = arith.constant 0 : i32
      %dma_wait3A_418 = arith.constant 0 : i32
      %dma_wait3A_419 = tpu.memref_slice %arg9[%run_scoped3A_1, %dma_wait3A_417, %dma_wait3A_418] : memref<4x80x128xf32, #tpu.memory_space<vmem>> -> memref<1x80x128xf32, #tpu.memory_space<vmem>>
      %dma_wait3A_420 = tpu.memref_squeeze %dma_wait3A_419 : memref<1x80x128xf32, #tpu.memory_space<vmem>> -> memref<80x128xf32, #tpu.memory_space<vmem>>
      tpu.wait_dma2 semaphore(%run_scoped3A_404 : memref<!tpu.dma_semaphore, #tpu.memory_space<semaphore_mem>>) src(%arg5 : memref<80x128xf32, #tpu.memory_space<hbm>>) dst(%dma_wait3A_420 : memref<80x128xf32, #tpu.memory_space<vmem>>)
      tpu.yield
    }) : () -> ()
    %mul3A_2 = arith.constant 640 : i32
    %mul3A_3 = arith.muli %arg1, %mul3A_2 : i32
    %add3A_4 = arith.constant 0 : i32
    %add3A_5 = arith.addi %mul3A_3, %add3A_4 : i32
    %run_scoped3A_6 = arith.constant 0 : i32
    "tpu.region"() ({
      %run_scoped3A_404 = tpu.sem_alloc : memref<!tpu.dma_semaphore, #tpu.memory_space<semaphore_mem>>
      %dma_start3A_405 = arith.constant 0 : i32
      %dma_start3A_406 = arith.constant 0 : i32
      %dma_start3A_407 = tpu.memref_slice %arg9[%run_scoped3A_6, %dma_start3A_405, %dma_start3A_406] : memref<4x80x128xf32, #tpu.memory_space<vmem>> -> memref<1x80x128xf32, #tpu.memory_space<vmem>>
      %dma_start3A_408 = tpu.memref_squeeze %dma_start3A_407 : memref<1x80x128xf32, #tpu.memory_space<vmem>> -> memref<80x128xf32, #tpu.memory_space<vmem>>
      %dma_start3A_409 = arith.constant 0 : i32
      %dma_start3A_410 = tpu.memref_slice %arg10[%add3A_5, %dma_start3A_409] : memref<10240x128xf32, #tpu.memory_space<vmem_shared>> -> memref<80x128xf32, #tpu.memory_space<vmem_shared>>
      %dma_start3A_411 = arith.constant 0 : i32
      %dma_start3A_412 = tpu.memref_slice %arg10[%add3A_5, %dma_start3A_411] : memref<10240x128xf32, #tpu.memory_space<vmem_shared>> -> memref<80x128xf32, #tpu.memory_space<vmem_shared>>
      %dma_start3A_413 = arith.constant 0 : i32
      %dma_start3A_414 = arith.constant 0 : i32
      %dma_start3A_415 = tpu.memref_slice %arg9[%run_scoped3A_6, %dma_start3A_413, %dma_start3A_414] : memref<4x80x128xf32, #tpu.memory_space<vmem>> -> memref<1x80x128xf32, #tpu.memory_space<vmem>>
      %dma_start3A_416 = tpu.memref_squeeze %dma_start3A_415 : memref<1x80x128xf32, #tpu.memory_space<vmem>> -> memref<80x128xf32, #tpu.memory_space<vmem>>
      tpu.enqueue_dma source(%dma_start3A_416 : memref<80x128xf32, #tpu.memory_space<vmem>>) target(%dma_start3A_412 : memref<80x128xf32, #tpu.memory_space<vmem_shared>>) target_semaphore(%run_scoped3A_404 : memref<!tpu.dma_semaphore, #tpu.memory_space<semaphore_mem>>)
      %dma_wait3A_417 = arith.constant 0 : i32
      %dma_wait3A_418 = arith.constant 0 : i32
      %dma_wait3A_419 = tpu.memref_slice %arg9[%run_scoped3A_6, %dma_wait3A_417, %dma_wait3A_418] : memref<4x80x128xf32, #tpu.memory_space<vmem>> -> memref<1x80x128xf32, #tpu.memory_space<vmem>>
      %dma_wait3A_420 = tpu.memref_squeeze %dma_wait3A_419 : memref<1x80x128xf32, #tpu.memory_space<vmem>> -> memref<80x128xf32, #tpu.memory_space<vmem>>
      %dma_wait3A_421 = arith.constant 0 : i32
      %dma_wait3A_422 = tpu.memref_slice %arg10[%add3A_5, %dma_wait3A_421] : memref<10240x128xf32, #tpu.memory_space<vmem_shared>> -> memref<80x128xf32, #tpu.memory_space<vmem_shared>>
      %dma_wait3A_423 = arith.constant 0 : i32
      %dma_wait3A_424 = tpu.memref_slice %arg10[%add3A_5, %dma_wait3A_423] : memref<10240x128xf32, #tpu.memory_space<vmem_shared>> -> memref<80x128xf32, #tpu.memory_space<vmem_shared>>
      %dma_wait3A_425 = arith.constant 0 : i32
      %dma_wait3A_426 = arith.constant 0 : i32
      %dma_wait3A_427 = tpu.memref_slice %arg9[%run_scoped3A_6, %dma_wait3A_425, %dma_wait3A_426] : memref<4x80x128xf32, #tpu.memory_space<vmem>> -> memref<1x80x128xf32, #tpu.memory_space<vmem>>
      %dma_wait3A_428 = tpu.memref_squeeze %dma_wait3A_427 : memref<1x80x128xf32, #tpu.memory_space<vmem>> -> memref<80x128xf32, #tpu.memory_space<vmem>>
      tpu.wait_dma2 semaphore(%run_scoped3A_404 : memref<!tpu.dma_semaphore, #tpu.memory_space<semaphore_mem>>) src(%dma_wait3A_428 : memref<80x128xf32, #tpu.memory_space<vmem>>) dst(%dma_wait3A_424 : memref<80x128xf32, #tpu.memory_space<vmem_shared>>)
      tpu.yield
    }) : () -> ()
    %mul3A_7 = arith.constant 640 : i32
    %mul3A_8 = arith.muli %arg1, %mul3A_7 : i32
    %add3A_9 = arith.constant 80 : i32
    %add3A_10 = arith.addi %mul3A_8, %add3A_9 : i32
    %run_scoped3A_11 = arith.constant 0 : i32
    "tpu.region"() ({
      %run_scoped3A_404 = tpu.sem_alloc : memref<!tpu.dma_semaphore, #tpu.memory_space<semaphore_mem>>
      %dma_start3A_405 = arith.constant 0 : i32
      %dma_start3A_406 = arith.constant 0 : i32
      %dma_start3A_407 = tpu.memref_slice %arg9[%run_scoped3A_11, %dma_start3A_405, %dma_start3A_406] : memref<4x80x128xf32, #tpu.memory_space<vmem>> -> memref<1x80x128xf32, #tpu.memory_space<vmem>>
      %dma_start3A_408 = tpu.memref_squeeze %dma_start3A_407 : memref<1x80x128xf32, #tpu.memory_space<vmem>> -> memref<80x128xf32, #tpu.memory_space<vmem>>
      %dma_start3A_409 = arith.constant 0 : i32
      %dma_start3A_410 = tpu.memref_slice %arg10[%add3A_10, %dma_start3A_409] : memref<10240x128xf32, #tpu.memory_space<vmem_shared>> -> memref<80x128xf32, #tpu.memory_space<vmem_shared>>
      %dma_start3A_411 = arith.constant 0 : i32
      %dma_start3A_412 = tpu.memref_slice %arg10[%add3A_10, %dma_start3A_411] : memref<10240x128xf32, #tpu.memory_space<vmem_shared>> -> memref<80x128xf32, #tpu.memory_space<vmem_shared>>
      %dma_start3A_413 = arith.constant 0 : i32
      %dma_start3A_414 = arith.constant 0 : i32
      %dma_start3A_415 = tpu.memref_slice %arg9[%run_scoped3A_11, %dma_start3A_413, %dma_start3A_414] : memref<4x80x128xf32, #tpu.memory_space<vmem>> -> memref<1x80x128xf32, #tpu.memory_space<vmem>>
      %dma_start3A_416 = tpu.memref_squeeze %dma_start3A_415 : memref<1x80x128xf32, #tpu.memory_space<vmem>> -> memref<80x128xf32, #tpu.memory_space<vmem>>
      tpu.enqueue_dma source(%dma_start3A_416 : memref<80x128xf32, #tpu.memory_space<vmem>>) target(%dma_start3A_412 : memref<80x128xf32, #tpu.memory_space<vmem_shared>>) target_semaphore(%run_scoped3A_404 : memref<!tpu.dma_semaphore, #tpu.memory_space<semaphore_mem>>)
      %dma_wait3A_417 = arith.constant 0 : i32
      %dma_wait3A_418 = arith.constant 0 : i32
      %dma_wait3A_419 = tpu.memref_slice %arg9[%run_scoped3A_11, %dma_wait3A_417, %dma_wait3A_418] : memref<4x80x128xf32, #tpu.memory_space<vmem>> -> memref<1x80x128xf32, #tpu.memory_space<vmem>>
      %dma_wait3A_420 = tpu.memref_squeeze %dma_wait3A_419 : memref<1x80x128xf32, #tpu.memory_space<vmem>> -> memref<80x128xf32, #tpu.memory_space<vmem>>
      %dma_wait3A_421 = arith.constant 0 : i32
      %dma_wait3A_422 = tpu.memref_slice %arg10[%add3A_10, %dma_wait3A_421] : memref<10240x128xf32, #tpu.memory_space<vmem_shared>> -> memref<80x128xf32, #tpu.memory_space<vmem_shared>>
      %dma_wait3A_423 = arith.constant 0 : i32
      %dma_wait3A_424 = tpu.memref_slice %arg10[%add3A_10, %dma_wait3A_423] : memref<10240x128xf32, #tpu.memory_space<vmem_shared>> -> memref<80x128xf32, #tpu.memory_space<vmem_shared>>
      %dma_wait3A_425 = arith.constant 0 : i32
      %dma_wait3A_426 = arith.constant 0 : i32
      %dma_wait3A_427 = tpu.memref_slice %arg9[%run_scoped3A_11, %dma_wait3A_425, %dma_wait3A_426] : memref<4x80x128xf32, #tpu.memory_space<vmem>> -> memref<1x80x128xf32, #tpu.memory_space<vmem>>
      %dma_wait3A_428 = tpu.memref_squeeze %dma_wait3A_427 : memref<1x80x128xf32, #tpu.memory_space<vmem>> -> memref<80x128xf32, #tpu.memory_space<vmem>>
      tpu.wait_dma2 semaphore(%run_scoped3A_404 : memref<!tpu.dma_semaphore, #tpu.memory_space<semaphore_mem>>) src(%dma_wait3A_428 : memref<80x128xf32, #tpu.memory_space<vmem>>) dst(%dma_wait3A_424 : memref<80x128xf32, #tpu.memory_space<vmem_shared>>)
      tpu.yield
    }) : () -> ()
    %mul3A_12 = arith.constant 640 : i32
    %mul3A_13 = arith.muli %arg1, %mul3A_12 : i32
    %add3A_14 = arith.constant 160 : i32
    %add3A_15 = arith.addi %mul3A_13, %add3A_14 : i32
    %run_scoped3A_16 = arith.constant 0 : i32
    "tpu.region"() ({
      %run_scoped3A_404 = tpu.sem_alloc : memref<!tpu.dma_semaphore, #tpu.memory_space<semaphore_mem>>
      %dma_start3A_405 = arith.constant 0 : i32
      %dma_start3A_406 = arith.constant 0 : i32
      %dma_start3A_407 = tpu.memref_slice %arg9[%run_scoped3A_16, %dma_start3A_405, %dma_start3A_406] : memref<4x80x128xf32, #tpu.memory_space<vmem>> -> memref<1x80x128xf32, #tpu.memory_space<vmem>>
      %dma_start3A_408 = tpu.memref_squeeze %dma_start3A_407 : memref<1x80x128xf32, #tpu.memory_space<vmem>> -> memref<80x128xf32, #tpu.memory_space<vmem>>
      %dma_start3A_409 = arith.constant 0 : i32
      %dma_start3A_410 = tpu.memref_slice %arg10[%add3A_15, %dma_start3A_409] : memref<10240x128xf32, #tpu.memory_space<vmem_shared>> -> memref<80x128xf32, #tpu.memory_space<vmem_shared>>
      %dma_start3A_411 = arith.constant 0 : i32
      %dma_start3A_412 = tpu.memref_slice %arg10[%add3A_15, %dma_start3A_411] : memref<10240x128xf32, #tpu.memory_space<vmem_shared>> -> memref<80x128xf32, #tpu.memory_space<vmem_shared>>
      %dma_start3A_413 = arith.constant 0 : i32
      %dma_start3A_414 = arith.constant 0 : i32
      %dma_start3A_415 = tpu.memref_slice %arg9[%run_scoped3A_16, %dma_start3A_413, %dma_start3A_414] : memref<4x80x128xf32, #tpu.memory_space<vmem>> -> memref<1x80x128xf32, #tpu.memory_space<vmem>>
      %dma_start3A_416 = tpu.memref_squeeze %dma_start3A_415 : memref<1x80x128xf32, #tpu.memory_space<vmem>> -> memref<80x128xf32, #tpu.memory_space<vmem>>
      tpu.enqueue_dma source(%dma_start3A_416 : memref<80x128xf32, #tpu.memory_space<vmem>>) target(%dma_start3A_412 : memref<80x128xf32, #tpu.memory_space<vmem_shared>>) target_semaphore(%run_scoped3A_404 : memref<!tpu.dma_semaphore, #tpu.memory_space<semaphore_mem>>)
      %dma_wait3A_417 = arith.constant 0 : i32
      %dma_wait3A_418 = arith.constant 0 : i32
      %dma_wait3A_419 = tpu.memref_slice %arg9[%run_scoped3A_16, %dma_wait3A_417, %dma_wait3A_418] : memref<4x80x128xf32, #tpu.memory_space<vmem>> -> memref<1x80x128xf32, #tpu.memory_space<vmem>>
      %dma_wait3A_420 = tpu.memref_squeeze %dma_wait3A_419 : memref<1x80x128xf32, #tpu.memory_space<vmem>> -> memref<80x128xf32, #tpu.memory_space<vmem>>
      %dma_wait3A_421 = arith.constant 0 : i32
      %dma_wait3A_422 = tpu.memref_slice %arg10[%add3A_15, %dma_wait3A_421] : memref<10240x128xf32, #tpu.memory_space<vmem_shared>> -> memref<80x128xf32, #tpu.memory_space<vmem_shared>>
      %dma_wait3A_423 = arith.constant 0 : i32
      %dma_wait3A_424 = tpu.memref_slice %arg10[%add3A_15, %dma_wait3A_423] : memref<10240x128xf32, #tpu.memory_space<vmem_shared>> -> memref<80x128xf32, #tpu.memory_space<vmem_shared>>
      %dma_wait3A_425 = arith.constant 0 : i32
      %dma_wait3A_426 = arith.constant 0 : i32
      %dma_wait3A_427 = tpu.memref_slice %arg9[%run_scoped3A_16, %dma_wait3A_425, %dma_wait3A_426] : memref<4x80x128xf32, #tpu.memory_space<vmem>> -> memref<1x80x128xf32, #tpu.memory_space<vmem>>
      %dma_wait3A_428 = tpu.memref_squeeze %dma_wait3A_427 : memref<1x80x128xf32, #tpu.memory_space<vmem>> -> memref<80x128xf32, #tpu.memory_space<vmem>>
      tpu.wait_dma2 semaphore(%run_scoped3A_404 : memref<!tpu.dma_semaphore, #tpu.memory_space<semaphore_mem>>) src(%dma_wait3A_428 : memref<80x128xf32, #tpu.memory_space<vmem>>) dst(%dma_wait3A_424 : memref<80x128xf32, #tpu.memory_space<vmem_shared>>)
      tpu.yield
    }) : () -> ()
    %mul3A_17 = arith.constant 640 : i32
    %mul3A_18 = arith.muli %arg1, %mul3A_17 : i32
    %add3A_19 = arith.constant 240 : i32
    %add3A_20 = arith.addi %mul3A_18, %add3A_19 : i32
    %run_scoped3A_21 = arith.constant 0 : i32
    "tpu.region"() ({
      %run_scoped3A_404 = tpu.sem_alloc : memref<!tpu.dma_semaphore, #tpu.memory_space<semaphore_mem>>
      %dma_start3A_405 = arith.constant 0 : i32
      %dma_start3A_406 = arith.constant 0 : i32
      %dma_start3A_407 = tpu.memref_slice %arg9[%run_scoped3A_21, %dma_start3A_405, %dma_start3A_406] : memref<4x80x128xf32, #tpu.memory_space<vmem>> -> memref<1x80x128xf32, #tpu.memory_space<vmem>>
      %dma_start3A_408 = tpu.memref_squeeze %dma_start3A_407 : memref<1x80x128xf32, #tpu.memory_space<vmem>> -> memref<80x128xf32, #tpu.memory_space<vmem>>
      %dma_start3A_409 = arith.constant 0 : i32
      %dma_start3A_410 = tpu.memref_slice %arg10[%add3A_20, %dma_start3A_409] : memref<10240x128xf32, #tpu.memory_space<vmem_shared>> -> memref<80x128xf32, #tpu.memory_space<vmem_shared>>
      %dma_start3A_411 = arith.constant 0 : i32
      %dma_start3A_412 = tpu.memref_slice %arg10[%add3A_20, %dma_start3A_411] : memref<10240x128xf32, #tpu.memory_space<vmem_shared>> -> memref<80x128xf32, #tpu.memory_space<vmem_shared>>
      %dma_start3A_413 = arith.constant 0 : i32
      %dma_start3A_414 = arith.constant 0 : i32
      %dma_start3A_415 = tpu.memref_slice %arg9[%run_scoped3A_21, %dma_start3A_413, %dma_start3A_414] : memref<4x80x128xf32, #tpu.memory_space<vmem>> -> memref<1x80x128xf32, #tpu.memory_space<vmem>>
      %dma_start3A_416 = tpu.memref_squeeze %dma_start3A_415 : memref<1x80x128xf32, #tpu.memory_space<vmem>> -> memref<80x128xf32, #tpu.memory_space<vmem>>
      tpu.enqueue_dma source(%dma_start3A_416 : memref<80x128xf32, #tpu.memory_space<vmem>>) target(%dma_start3A_412 : memref<80x128xf32, #tpu.memory_space<vmem_shared>>) target_semaphore(%run_scoped3A_404 : memref<!tpu.dma_semaphore, #tpu.memory_space<semaphore_mem>>)
      %dma_wait3A_417 = arith.constant 0 : i32
      %dma_wait3A_418 = arith.constant 0 : i32
      %dma_wait3A_419 = tpu.memref_slice %arg9[%run_scoped3A_21, %dma_wait3A_417, %dma_wait3A_418] : memref<4x80x128xf32, #tpu.memory_space<vmem>> -> memref<1x80x128xf32, #tpu.memory_space<vmem>>
      %dma_wait3A_420 = tpu.memref_squeeze %dma_wait3A_419 : memref<1x80x128xf32, #tpu.memory_space<vmem>> -> memref<80x128xf32, #tpu.memory_space<vmem>>
      %dma_wait3A_421 = arith.constant 0 : i32
      %dma_wait3A_422 = tpu.memref_slice %arg10[%add3A_20, %dma_wait3A_421] : memref<10240x128xf32, #tpu.memory_space<vmem_shared>> -> memref<80x128xf32, #tpu.memory_space<vmem_shared>>
      %dma_wait3A_423 = arith.constant 0 : i32
      %dma_wait3A_424 = tpu.memref_slice %arg10[%add3A_20, %dma_wait3A_423] : memref<10240x128xf32, #tpu.memory_space<vmem_shared>> -> memref<80x128xf32, #tpu.memory_space<vmem_shared>>
      %dma_wait3A_425 = arith.constant 0 : i32
      %dma_wait3A_426 = arith.constant 0 : i32
      %dma_wait3A_427 = tpu.memref_slice %arg9[%run_scoped3A_21, %dma_wait3A_425, %dma_wait3A_426] : memref<4x80x128xf32, #tpu.memory_space<vmem>> -> memref<1x80x128xf32, #tpu.memory_space<vmem>>
      %dma_wait3A_428 = tpu.memref_squeeze %dma_wait3A_427 : memref<1x80x128xf32, #tpu.memory_space<vmem>> -> memref<80x128xf32, #tpu.memory_space<vmem>>
      tpu.wait_dma2 semaphore(%run_scoped3A_404 : memref<!tpu.dma_semaphore, #tpu.memory_space<semaphore_mem>>) src(%dma_wait3A_428 : memref<80x128xf32, #tpu.memory_space<vmem>>) dst(%dma_wait3A_424 : memref<80x128xf32, #tpu.memory_space<vmem_shared>>)
      tpu.yield
    }) : () -> ()
    %mul3A_22 = arith.constant 640 : i32
    %mul3A_23 = arith.muli %arg1, %mul3A_22 : i32
    %add3A_24 = arith.constant 320 : i32
    %add3A_25 = arith.addi %mul3A_23, %add3A_24 : i32
    %run_scoped3A_26 = arith.constant 0 : i32
    "tpu.region"() ({
      %run_scoped3A_404 = tpu.sem_alloc : memref<!tpu.dma_semaphore, #tpu.memory_space<semaphore_mem>>
      %dma_start3A_405 = arith.constant 0 : i32
      %dma_start3A_406 = arith.constant 0 : i32
      %dma_start3A_407 = tpu.memref_slice %arg9[%run_scoped3A_26, %dma_start3A_405, %dma_start3A_406] : memref<4x80x128xf32, #tpu.memory_space<vmem>> -> memref<1x80x128xf32, #tpu.memory_space<vmem>>
      %dma_start3A_408 = tpu.memref_squeeze %dma_start3A_407 : memref<1x80x128xf32, #tpu.memory_space<vmem>> -> memref<80x128xf32, #tpu.memory_space<vmem>>
      %dma_start3A_409 = arith.constant 0 : i32
      %dma_start3A_410 = tpu.memref_slice %arg10[%add3A_25, %dma_start3A_409] : memref<10240x128xf32, #tpu.memory_space<vmem_shared>> -> memref<80x128xf32, #tpu.memory_space<vmem_shared>>
      %dma_start3A_411 = arith.constant 0 : i32
      %dma_start3A_412 = tpu.memref_slice %arg10[%add3A_25, %dma_start3A_411] : memref<10240x128xf32, #tpu.memory_space<vmem_shared>> -> memref<80x128xf32, #tpu.memory_space<vmem_shared>>
      %dma_start3A_413 = arith.constant 0 : i32
      %dma_start3A_414 = arith.constant 0 : i32
      %dma_start3A_415 = tpu.memref_slice %arg9[%run_scoped3A_26, %dma_start3A_413, %dma_start3A_414] : memref<4x80x128xf32, #tpu.memory_space<vmem>> -> memref<1x80x128xf32, #tpu.memory_space<vmem>>
      %dma_start3A_416 = tpu.memref_squeeze %dma_start3A_415 : memref<1x80x128xf32, #tpu.memory_space<vmem>> -> memref<80x128xf32, #tpu.memory_space<vmem>>
      tpu.enqueue_dma source(%dma_start3A_416 : memref<80x128xf32, #tpu.memory_space<vmem>>) target(%dma_start3A_412 : memref<80x128xf32, #tpu.memory_space<vmem_shared>>) target_semaphore(%run_scoped3A_404 : memref<!tpu.dma_semaphore, #tpu.memory_space<semaphore_mem>>)
      %dma_wait3A_417 = arith.constant 0 : i32
      %dma_wait3A_418 = arith.constant 0 : i32
      %dma_wait3A_419 = tpu.memref_slice %arg9[%run_scoped3A_26, %dma_wait3A_417, %dma_wait3A_418] : memref<4x80x128xf32, #tpu.memory_space<vmem>> -> memref<1x80x128xf32, #tpu.memory_space<vmem>>
      %dma_wait3A_420 = tpu.memref_squeeze %dma_wait3A_419 : memref<1x80x128xf32, #tpu.memory_space<vmem>> -> memref<80x128xf32, #tpu.memory_space<vmem>>
      %dma_wait3A_421 = arith.constant 0 : i32
      %dma_wait3A_422 = tpu.memref_slice %arg10[%add3A_25, %dma_wait3A_421] : memref<10240x128xf32, #tpu.memory_space<vmem_shared>> -> memref<80x128xf32, #tpu.memory_space<vmem_shared>>
      %dma_wait3A_423 = arith.constant 0 : i32
      %dma_wait3A_424 = tpu.memref_slice %arg10[%add3A_25, %dma_wait3A_423] : memref<10240x128xf32, #tpu.memory_space<vmem_shared>> -> memref<80x128xf32, #tpu.memory_space<vmem_shared>>
      %dma_wait3A_425 = arith.constant 0 : i32
      %dma_wait3A_426 = arith.constant 0 : i32
      %dma_wait3A_427 = tpu.memref_slice %arg9[%run_scoped3A_26, %dma_wait3A_425, %dma_wait3A_426] : memref<4x80x128xf32, #tpu.memory_space<vmem>> -> memref<1x80x128xf32, #tpu.memory_space<vmem>>
      %dma_wait3A_428 = tpu.memref_squeeze %dma_wait3A_427 : memref<1x80x128xf32, #tpu.memory_space<vmem>> -> memref<80x128xf32, #tpu.memory_space<vmem>>
      tpu.wait_dma2 semaphore(%run_scoped3A_404 : memref<!tpu.dma_semaphore, #tpu.memory_space<semaphore_mem>>) src(%dma_wait3A_428 : memref<80x128xf32, #tpu.memory_space<vmem>>) dst(%dma_wait3A_424 : memref<80x128xf32, #tpu.memory_space<vmem_shared>>)
      tpu.yield
    }) : () -> ()
    %mul3A_27 = arith.constant 640 : i32
    %mul3A_28 = arith.muli %arg1, %mul3A_27 : i32
    %add3A_29 = arith.constant 400 : i32
    %add3A_30 = arith.addi %mul3A_28, %add3A_29 : i32
    %run_scoped3A_31 = arith.constant 0 : i32
    "tpu.region"() ({
      %run_scoped3A_404 = tpu.sem_alloc : memref<!tpu.dma_semaphore, #tpu.memory_space<semaphore_mem>>
      %dma_start3A_405 = arith.constant 0 : i32
      %dma_start3A_406 = arith.constant 0 : i32
      %dma_start3A_407 = tpu.memref_slice %arg9[%run_scoped3A_31, %dma_start3A_405, %dma_start3A_406] : memref<4x80x128xf32, #tpu.memory_space<vmem>> -> memref<1x80x128xf32, #tpu.memory_space<vmem>>
      %dma_start3A_408 = tpu.memref_squeeze %dma_start3A_407 : memref<1x80x128xf32, #tpu.memory_space<vmem>> -> memref<80x128xf32, #tpu.memory_space<vmem>>
      %dma_start3A_409 = arith.constant 0 : i32
      %dma_start3A_410 = tpu.memref_slice %arg10[%add3A_30, %dma_start3A_409] : memref<10240x128xf32, #tpu.memory_space<vmem_shared>> -> memref<80x128xf32, #tpu.memory_space<vmem_shared>>
      %dma_start3A_411 = arith.constant 0 : i32
      %dma_start3A_412 = tpu.memref_slice %arg10[%add3A_30, %dma_start3A_411] : memref<10240x128xf32, #tpu.memory_space<vmem_shared>> -> memref<80x128xf32, #tpu.memory_space<vmem_shared>>
      %dma_start3A_413 = arith.constant 0 : i32
      %dma_start3A_414 = arith.constant 0 : i32
      %dma_start3A_415 = tpu.memref_slice %arg9[%run_scoped3A_31, %dma_start3A_413, %dma_start3A_414] : memref<4x80x128xf32, #tpu.memory_space<vmem>> -> memref<1x80x128xf32, #tpu.memory_space<vmem>>
      %dma_start3A_416 = tpu.memref_squeeze %dma_start3A_415 : memref<1x80x128xf32, #tpu.memory_space<vmem>> -> memref<80x128xf32, #tpu.memory_space<vmem>>
      tpu.enqueue_dma source(%dma_start3A_416 : memref<80x128xf32, #tpu.memory_space<vmem>>) target(%dma_start3A_412 : memref<80x128xf32, #tpu.memory_space<vmem_shared>>) target_semaphore(%run_scoped3A_404 : memref<!tpu.dma_semaphore, #tpu.memory_space<semaphore_mem>>)
      %dma_wait3A_417 = arith.constant 0 : i32
      %dma_wait3A_418 = arith.constant 0 : i32
      %dma_wait3A_419 = tpu.memref_slice %arg9[%run_scoped3A_31, %dma_wait3A_417, %dma_wait3A_418] : memref<4x80x128xf32, #tpu.memory_space<vmem>> -> memref<1x80x128xf32, #tpu.memory_space<vmem>>
      %dma_wait3A_420 = tpu.memref_squeeze %dma_wait3A_419 : memref<1x80x128xf32, #tpu.memory_space<vmem>> -> memref<80x128xf32, #tpu.memory_space<vmem>>
      %dma_wait3A_421 = arith.constant 0 : i32
      %dma_wait3A_422 = tpu.memref_slice %arg10[%add3A_30, %dma_wait3A_421] : memref<10240x128xf32, #tpu.memory_space<vmem_shared>> -> memref<80x128xf32, #tpu.memory_space<vmem_shared>>
      %dma_wait3A_423 = arith.constant 0 : i32
      %dma_wait3A_424 = tpu.memref_slice %arg10[%add3A_30, %dma_wait3A_423] : memref<10240x128xf32, #tpu.memory_space<vmem_shared>> -> memref<80x128xf32, #tpu.memory_space<vmem_shared>>
      %dma_wait3A_425 = arith.constant 0 : i32
      %dma_wait3A_426 = arith.constant 0 : i32
      %dma_wait3A_427 = tpu.memref_slice %arg9[%run_scoped3A_31, %dma_wait3A_425, %dma_wait3A_426] : memref<4x80x128xf32, #tpu.memory_space<vmem>> -> memref<1x80x128xf32, #tpu.memory_space<vmem>>
      %dma_wait3A_428 = tpu.memref_squeeze %dma_wait3A_427 : memref<1x80x128xf32, #tpu.memory_space<vmem>> -> memref<80x128xf32, #tpu.memory_space<vmem>>
      tpu.wait_dma2 semaphore(%run_scoped3A_404 : memref<!tpu.dma_semaphore, #tpu.memory_space<semaphore_mem>>) src(%dma_wait3A_428 : memref<80x128xf32, #tpu.memory_space<vmem>>) dst(%dma_wait3A_424 : memref<80x128xf32, #tpu.memory_space<vmem_shared>>)
      tpu.yield
    }) : () -> ()
    %mul3A_32 = arith.constant 640 : i32
    %mul3A_33 = arith.muli %arg1, %mul3A_32 : i32
    %add3A_34 = arith.constant 480 : i32
    %add3A_35 = arith.addi %mul3A_33, %add3A_34 : i32
    %run_scoped3A_36 = arith.constant 0 : i32
    "tpu.region"() ({
      %run_scoped3A_404 = tpu.sem_alloc : memref<!tpu.dma_semaphore, #tpu.memory_space<semaphore_mem>>
      %dma_start3A_405 = arith.constant 0 : i32
      %dma_start3A_406 = arith.constant 0 : i32
      %dma_start3A_407 = tpu.memref_slice %arg9[%run_scoped3A_36, %dma_start3A_405, %dma_start3A_406] : memref<4x80x128xf32, #tpu.memory_space<vmem>> -> memref<1x80x128xf32, #tpu.memory_space<vmem>>
      %dma_start3A_408 = tpu.memref_squeeze %dma_start3A_407 : memref<1x80x128xf32, #tpu.memory_space<vmem>> -> memref<80x128xf32, #tpu.memory_space<vmem>>
      %dma_start3A_409 = arith.constant 0 : i32
      %dma_start3A_410 = tpu.memref_slice %arg10[%add3A_35, %dma_start3A_409] : memref<10240x128xf32, #tpu.memory_space<vmem_shared>> -> memref<80x128xf32, #tpu.memory_space<vmem_shared>>
      %dma_start3A_411 = arith.constant 0 : i32
      %dma_start3A_412 = tpu.memref_slice %arg10[%add3A_35, %dma_start3A_411] : memref<10240x128xf32, #tpu.memory_space<vmem_shared>> -> memref<80x128xf32, #tpu.memory_space<vmem_shared>>
      %dma_start3A_413 = arith.constant 0 : i32
      %dma_start3A_414 = arith.constant 0 : i32
      %dma_start3A_415 = tpu.memref_slice %arg9[%run_scoped3A_36, %dma_start3A_413, %dma_start3A_414] : memref<4x80x128xf32, #tpu.memory_space<vmem>> -> memref<1x80x128xf32, #tpu.memory_space<vmem>>
      %dma_start3A_416 = tpu.memref_squeeze %dma_start3A_415 : memref<1x80x128xf32, #tpu.memory_space<vmem>> -> memref<80x128xf32, #tpu.memory_space<vmem>>
      tpu.enqueue_dma source(%dma_start3A_416 : memref<80x128xf32, #tpu.memory_space<vmem>>) target(%dma_start3A_412 : memref<80x128xf32, #tpu.memory_space<vmem_shared>>) target_semaphore(%run_scoped3A_404 : memref<!tpu.dma_semaphore, #tpu.memory_space<semaphore_mem>>)
      %dma_wait3A_417 = arith.constant 0 : i32
      %dma_wait3A_418 = arith.constant 0 : i32
      %dma_wait3A_419 = tpu.memref_slice %arg9[%run_scoped3A_36, %dma_wait3A_417, %dma_wait3A_418] : memref<4x80x128xf32, #tpu.memory_space<vmem>> -> memref<1x80x128xf32, #tpu.memory_space<vmem>>
      %dma_wait3A_420 = tpu.memref_squeeze %dma_wait3A_419 : memref<1x80x128xf32, #tpu.memory_space<vmem>> -> memref<80x128xf32, #tpu.memory_space<vmem>>
      %dma_wait3A_421 = arith.constant 0 : i32
      %dma_wait3A_422 = tpu.memref_slice %arg10[%add3A_35, %dma_wait3A_421] : memref<10240x128xf32, #tpu.memory_space<vmem_shared>> -> memref<80x128xf32, #tpu.memory_space<vmem_shared>>
      %dma_wait3A_423 = arith.constant 0 : i32
      %dma_wait3A_424 = tpu.memref_slice %arg10[%add3A_35, %dma_wait3A_423] : memref<10240x128xf32, #tpu.memory_space<vmem_shared>> -> memref<80x128xf32, #tpu.memory_space<vmem_shared>>
      %dma_wait3A_425 = arith.constant 0 : i32
      %dma_wait3A_426 = arith.constant 0 : i32
      %dma_wait3A_427 = tpu.memref_slice %arg9[%run_scoped3A_36, %dma_wait3A_425, %dma_wait3A_426] : memref<4x80x128xf32, #tpu.memory_space<vmem>> -> memref<1x80x128xf32, #tpu.memory_space<vmem>>
      %dma_wait3A_428 = tpu.memref_squeeze %dma_wait3A_427 : memref<1x80x128xf32, #tpu.memory_space<vmem>> -> memref<80x128xf32, #tpu.memory_space<vmem>>
      tpu.wait_dma2 semaphore(%run_scoped3A_404 : memref<!tpu.dma_semaphore, #tpu.memory_space<semaphore_mem>>) src(%dma_wait3A_428 : memref<80x128xf32, #tpu.memory_space<vmem>>) dst(%dma_wait3A_424 : memref<80x128xf32, #tpu.memory_space<vmem_shared>>)
      tpu.yield
    }) : () -> ()
    %mul3A_37 = arith.constant 640 : i32
    %mul3A_38 = arith.muli %arg1, %mul3A_37 : i32
    %add3A_39 = arith.constant 560 : i32
    %add3A_40 = arith.addi %mul3A_38, %add3A_39 : i32
    %run_scoped3A_41 = arith.constant 0 : i32
    "tpu.region"() ({
      %run_scoped3A_404 = tpu.sem_alloc : memref<!tpu.dma_semaphore, #tpu.memory_space<semaphore_mem>>
      %dma_start3A_405 = arith.constant 0 : i32
      %dma_start3A_406 = arith.constant 0 : i32
      %dma_start3A_407 = tpu.memref_slice %arg9[%run_scoped3A_41, %dma_start3A_405, %dma_start3A_406] : memref<4x80x128xf32, #tpu.memory_space<vmem>> -> memref<1x80x128xf32, #tpu.memory_space<vmem>>
      %dma_start3A_408 = tpu.memref_squeeze %dma_start3A_407 : memref<1x80x128xf32, #tpu.memory_space<vmem>> -> memref<80x128xf32, #tpu.memory_space<vmem>>
      %dma_start3A_409 = arith.constant 0 : i32
      %dma_start3A_410 = tpu.memref_slice %arg10[%add3A_40, %dma_start3A_409] : memref<10240x128xf32, #tpu.memory_space<vmem_shared>> -> memref<80x128xf32, #tpu.memory_space<vmem_shared>>
      %dma_start3A_411 = arith.constant 0 : i32
      %dma_start3A_412 = tpu.memref_slice %arg10[%add3A_40, %dma_start3A_411] : memref<10240x128xf32, #tpu.memory_space<vmem_shared>> -> memref<80x128xf32, #tpu.memory_space<vmem_shared>>
      %dma_start3A_413 = arith.constant 0 : i32
      %dma_start3A_414 = arith.constant 0 : i32
      %dma_start3A_415 = tpu.memref_slice %arg9[%run_scoped3A_41, %dma_start3A_413, %dma_start3A_414] : memref<4x80x128xf32, #tpu.memory_space<vmem>> -> memref<1x80x128xf32, #tpu.memory_space<vmem>>
      %dma_start3A_416 = tpu.memref_squeeze %dma_start3A_415 : memref<1x80x128xf32, #tpu.memory_space<vmem>> -> memref<80x128xf32, #tpu.memory_space<vmem>>
      tpu.enqueue_dma source(%dma_start3A_416 : memref<80x128xf32, #tpu.memory_space<vmem>>) target(%dma_start3A_412 : memref<80x128xf32, #tpu.memory_space<vmem_shared>>) target_semaphore(%run_scoped3A_404 : memref<!tpu.dma_semaphore, #tpu.memory_space<semaphore_mem>>)
      %dma_wait3A_417 = arith.constant 0 : i32
      %dma_wait3A_418 = arith.constant 0 : i32
      %dma_wait3A_419 = tpu.memref_slice %arg9[%run_scoped3A_41, %dma_wait3A_417, %dma_wait3A_418] : memref<4x80x128xf32, #tpu.memory_space<vmem>> -> memref<1x80x128xf32, #tpu.memory_space<vmem>>
      %dma_wait3A_420 = tpu.memref_squeeze %dma_wait3A_419 : memref<1x80x128xf32, #tpu.memory_space<vmem>> -> memref<80x128xf32, #tpu.memory_space<vmem>>
      %dma_wait3A_421 = arith.constant 0 : i32
      %dma_wait3A_422 = tpu.memref_slice %arg10[%add3A_40, %dma_wait3A_421] : memref<10240x128xf32, #tpu.memory_space<vmem_shared>> -> memref<80x128xf32, #tpu.memory_space<vmem_shared>>
      %dma_wait3A_423 = arith.constant 0 : i32
      %dma_wait3A_424 = tpu.memref_slice %arg10[%add3A_40, %dma_wait3A_423] : memref<10240x128xf32, #tpu.memory_space<vmem_shared>> -> memref<80x128xf32, #tpu.memory_space<vmem_shared>>
      %dma_wait3A_425 = arith.constant 0 : i32
      %dma_wait3A_426 = arith.constant 0 : i32
      %dma_wait3A_427 = tpu.memref_slice %arg9[%run_scoped3A_41, %dma_wait3A_425, %dma_wait3A_426] : memref<4x80x128xf32, #tpu.memory_space<vmem>> -> memref<1x80x128xf32, #tpu.memory_space<vmem>>
      %dma_wait3A_428 = tpu.memref_squeeze %dma_wait3A_427 : memref<1x80x128xf32, #tpu.memory_space<vmem>> -> memref<80x128xf32, #tpu.memory_space<vmem>>
      tpu.wait_dma2 semaphore(%run_scoped3A_404 : memref<!tpu.dma_semaphore, #tpu.memory_space<semaphore_mem>>) src(%dma_wait3A_428 : memref<80x128xf32, #tpu.memory_space<vmem>>) dst(%dma_wait3A_424 : memref<80x128xf32, #tpu.memory_space<vmem_shared>>)
      tpu.yield
    }) : () -> ()
    %barrier3A = arith.constant 0 : index
    tpu.barrier barrier_id(%barrier3A)
    %dma_start3A = arith.constant 0 : i32
    %dma_start3A_42 = arith.constant 0 : i32
    %dma_start3A_43 = arith.constant 0 : i32
    %dma_start3A_44 = tpu.memref_slice %arg9[%dma_start3A, %dma_start3A_42, %dma_start3A_43] : memref<4x80x128xf32, #tpu.memory_space<vmem>> -> memref<1x80x128xf32, #tpu.memory_space<vmem>>
    %dma_start3A_45 = tpu.memref_squeeze %dma_start3A_44 : memref<1x80x128xf32, #tpu.memory_space<vmem>> -> memref<80x128xf32, #tpu.memory_space<vmem>>
    %dma_start3A_46 = arith.constant 0 : i32
    %dma_start3A_47 = tpu.memref_slice %arg7[%dma_start3A_46] : memref<2560xi32, #tpu.memory_space<vmem>> -> memref<80xi32, #tpu.memory_space<vmem>>
    %dma_start3A_48 = arith.constant 0 : i32
    %dma_start3A_49 = arith.constant 0 : i32
    %dma_start3A_50 = tpu.memref_slice %arg2[%dma_start3A_48, %dma_start3A_49] : memref<10000x128xf32, #tpu.memory_space<hbm>> -> memref<10000x128xf32, #tpu.memory_space<hbm>>
    tpu.enqueue_indirect_dma source(%dma_start3A_50 : memref<10000x128xf32, #tpu.memory_space<hbm>>) target(%dma_start3A_45 : memref<80x128xf32, #tpu.memory_space<vmem>>) offsets(%dma_start3A_47 : memref<80xi32, #tpu.memory_space<vmem>>) semaphore(%arg11 : memref<!tpu.dma_semaphore, #tpu.memory_space<semaphore_mem>>)
    %dma_start3A_51 = arith.constant 1 : i32
    %dma_start3A_52 = arith.constant 0 : i32
    %dma_start3A_53 = arith.constant 0 : i32
    %dma_start3A_54 = tpu.memref_slice %arg9[%dma_start3A_51, %dma_start3A_52, %dma_start3A_53] : memref<4x80x128xf32, #tpu.memory_space<vmem>> -> memref<1x80x128xf32, #tpu.memory_space<vmem>>
    %dma_start3A_55 = tpu.memref_squeeze %dma_start3A_54 : memref<1x80x128xf32, #tpu.memory_space<vmem>> -> memref<80x128xf32, #tpu.memory_space<vmem>>
    %dma_start3A_56 = arith.constant 80 : i32
    %dma_start3A_57 = tpu.memref_slice %arg7[%dma_start3A_56] : memref<2560xi32, #tpu.memory_space<vmem>> -> memref<80xi32, #tpu.memory_space<vmem>>
    %dma_start3A_58 = arith.constant 0 : i32
    %dma_start3A_59 = arith.constant 0 : i32
    %dma_start3A_60 = tpu.memref_slice %arg2[%dma_start3A_58, %dma_start3A_59] : memref<10000x128xf32, #tpu.memory_space<hbm>> -> memref<10000x128xf32, #tpu.memory_space<hbm>>
    tpu.enqueue_indirect_dma source(%dma_start3A_60 : memref<10000x128xf32, #tpu.memory_space<hbm>>) target(%dma_start3A_55 : memref<80x128xf32, #tpu.memory_space<vmem>>) offsets(%dma_start3A_57 : memref<80xi32, #tpu.memory_space<vmem>>) semaphore(%arg12 : memref<!tpu.dma_semaphore, #tpu.memory_space<semaphore_mem>>)
    %scan3A = arith.constant 0 : i32
    %scan3A_61 = arith.constant 0 : i32
    %scan3A_62 = arith.constant 32 : i32
    %scan3A_63 = arith.addi %scan3A_61, %scan3A_62 : i32
    %scan3A_64 = arith.constant 1 : i32
    scf.for %scan3A_404 = %scan3A_61 to %scan3A_63 step %scan3A_64  : i32 {
      %mul3A_405 = arith.constant 4 : i32
      %mul3A_406 = arith.muli %scan3A_404, %mul3A_405 : i32
      %add3A_407 = arith.constant 0 : i32
      %add3A_408 = arith.addi %mul3A_406, %add3A_407 : i32
      %jit3A = arith.constant 16 : i32
      %div3A = arith.divsi %add3A_408, %jit3A : i32
      %sign3A = arith.constant 0 : i32
      %sign3A_409 = arith.cmpi sgt, %add3A_408, %sign3A : i32
      %sign3A_410 = arith.extui %sign3A_409 : i1 to i32
      %sign3A_411 = arith.constant 0 : i32
      %sign3A_412 = arith.cmpi slt, %add3A_408, %sign3A_411 : i32
      %sign3A_413 = arith.extui %sign3A_412 : i1 to i32
      %sign3A_414 = arith.subi %sign3A_410, %sign3A_413 : i32
      %sign3A_415 = arith.constant 0 : i32
      %sign3A_416 = arith.cmpi sgt, %jit3A, %sign3A_415 : i32
      %sign3A_417 = arith.extui %sign3A_416 : i1 to i32
      %sign3A_418 = arith.constant 0 : i32
      %sign3A_419 = arith.cmpi slt, %jit3A, %sign3A_418 : i32
      %sign3A_420 = arith.extui %sign3A_419 : i1 to i32
      %sign3A_421 = arith.subi %sign3A_417, %sign3A_420 : i32
      %ne3A = arith.cmpi ne, %sign3A_414, %sign3A_421 : i32
      %rem3A = arith.remsi %add3A_408, %jit3A : i32
      %ne3A_422 = arith.constant 0 : i32
      %ne3A_423 = arith.cmpi ne, %rem3A, %ne3A_422 : i32
      %and3A = arith.andi %ne3A, %ne3A_423 : i1
      %sub3A = arith.constant 1 : i32
      %sub3A_424 = arith.subi %div3A, %sub3A : i32
      %select_n3A = arith.select %and3A, %sub3A_424, %div3A : i32
      %mul3A_425 = arith.constant 16 : i32
      %mul3A_426 = arith.muli %select_n3A, %mul3A_425 : i32
      %sub3A_427 = arith.subi %add3A_408, %mul3A_426 : i32
      %rem3A_428 = arith.constant 2 : i32
      %rem3A_429 = arith.remsi %select_n3A, %rem3A_428 : i32
      %eq3A = arith.constant 8 : i32
      %eq3A_430 = arith.cmpi eq, %sub3A_427, %eq3A : i32
      %add3A_431 = arith.constant 16 : i32
      %add3A_432 = arith.addi %add3A_408, %add3A_431 : i32
      %le3A = arith.constant 128 : i32
      %le3A_433 = arith.cmpi sle, %add3A_432, %le3A : i32
      %and3A_434 = arith.andi %eq3A_430, %le3A_433 : i1
      %convert_element_type3A = arith.extui %and3A_434 : i1 to i32
      %cond3A = arith.constant 0 : i32
      %cond3A_435 = arith.cmpi ne, %convert_element_type3A, %cond3A : i32
      scf.if %cond3A_435 {
        %add3A_711 = arith.constant 1 : i32
        %add3A_712 = arith.addi %select_n3A, %add3A_711 : i32
        %mul3A_713 = arith.constant 1280 : i32
        %mul3A_714 = arith.muli %add3A_712, %mul3A_713 : i32
        %sub3A_715 = arith.constant 1 : i32
        %sub3A_716 = arith.subi %sub3A_715, %rem3A_429 : i32
        %mul3A_717 = arith.constant 1280 : i32
        %mul3A_718 = arith.muli %sub3A_716, %mul3A_717 : i32
        "tpu.region"() ({
          %run_scoped3A_725 = tpu.sem_alloc : memref<!tpu.dma_semaphore, #tpu.memory_space<semaphore_mem>>
          %dma_start3A_726 = tpu.memref_slice %arg7[%mul3A_718] : memref<2560xi32, #tpu.memory_space<vmem>> -> memref<1280xi32, #tpu.memory_space<vmem>>
          %dma_start3A_727 = tpu.memref_slice %arg3[%add3A, %mul3A_714] : memref<32x10240xi32, #tpu.memory_space<hbm>> -> memref<1x1280xi32, #tpu.memory_space<hbm>>
          %dma_start3A_728 = tpu.memref_squeeze %dma_start3A_727 : memref<1x1280xi32, #tpu.memory_space<hbm>> -> memref<1280xi32, #tpu.memory_space<hbm>>
          %dma_start3A_729 = tpu.memref_slice %arg7[%mul3A_718] : memref<2560xi32, #tpu.memory_space<vmem>> -> memref<1280xi32, #tpu.memory_space<vmem>>
          %dma_start3A_730 = tpu.memref_slice %arg3[%add3A, %mul3A_714] : memref<32x10240xi32, #tpu.memory_space<hbm>> -> memref<1x1280xi32, #tpu.memory_space<hbm>>
          %dma_start3A_731 = tpu.memref_squeeze %dma_start3A_730 : memref<1x1280xi32, #tpu.memory_space<hbm>> -> memref<1280xi32, #tpu.memory_space<hbm>>
          tpu.enqueue_dma source(%dma_start3A_731 : memref<1280xi32, #tpu.memory_space<hbm>>) target(%dma_start3A_729 : memref<1280xi32, #tpu.memory_space<vmem>>) target_semaphore(%run_scoped3A_725 : memref<!tpu.dma_semaphore, #tpu.memory_space<semaphore_mem>>)
          %dma_wait3A_732 = tpu.memref_slice %arg7[%mul3A_718] : memref<2560xi32, #tpu.memory_space<vmem>> -> memref<1280xi32, #tpu.memory_space<vmem>>
          %dma_wait3A_733 = tpu.memref_slice %arg3[%add3A, %mul3A_714] : memref<32x10240xi32, #tpu.memory_space<hbm>> -> memref<1x1280xi32, #tpu.memory_space<hbm>>
          %dma_wait3A_734 = tpu.memref_squeeze %dma_wait3A_733 : memref<1x1280xi32, #tpu.memory_space<hbm>> -> memref<1280xi32, #tpu.memory_space<hbm>>
          %dma_wait3A_735 = tpu.memref_slice %arg7[%mul3A_718] : memref<2560xi32, #tpu.memory_space<vmem>> -> memref<1280xi32, #tpu.memory_space<vmem>>
          %dma_wait3A_736 = tpu.memref_slice %arg3[%add3A, %mul3A_714] : memref<32x10240xi32, #tpu.memory_space<hbm>> -> memref<1x1280xi32, #tpu.memory_space<hbm>>
          %dma_wait3A_737 = tpu.memref_squeeze %dma_wait3A_736 : memref<1x1280xi32, #tpu.memory_space<hbm>> -> memref<1280xi32, #tpu.memory_space<hbm>>
          tpu.wait_dma2 semaphore(%run_scoped3A_725 : memref<!tpu.dma_semaphore, #tpu.memory_space<semaphore_mem>>) src(%dma_wait3A_737 : memref<1280xi32, #tpu.memory_space<hbm>>) dst(%dma_wait3A_735 : memref<1280xi32, #tpu.memory_space<vmem>>)
          tpu.yield
        }) : () -> ()
        %add3A_719 = arith.constant 1 : i32
        %add3A_720 = arith.addi %select_n3A, %add3A_719 : i32
        %mul3A_721 = arith.constant 16 : i32
        %mul3A_722 = arith.muli %add3A_720, %mul3A_721 : i32
        %sub3A_723 = arith.constant 1 : i32
        %sub3A_724 = arith.subi %sub3A_723, %rem3A_429 : i32
        "tpu.region"() ({
          %run_scoped3A_725 = tpu.sem_alloc : memref<!tpu.dma_semaphore, #tpu.memory_space<semaphore_mem>>
          %dma_start3A_726 = arith.constant 0 : i32
          %dma_start3A_727 = arith.constant 0 : i32
          %dma_start3A_728 = tpu.memref_slice %arg8[%sub3A_724, %dma_start3A_726, %dma_start3A_727] : memref<2x16x80xi32, #tpu.memory_space<vmem>> -> memref<1x16x80xi32, #tpu.memory_space<vmem>>
          %dma_start3A_729 = tpu.memref_squeeze %dma_start3A_728 : memref<1x16x80xi32, #tpu.memory_space<vmem>> -> memref<16x80xi32, #tpu.memory_space<vmem>>
          %dma_start3A_730 = arith.constant 0 : i32
          %dma_start3A_731 = tpu.memref_slice %arg4[%add3A, %mul3A_722, %dma_start3A_730] : memref<32x128x80xi32, #tpu.memory_space<hbm>> -> memref<1x16x80xi32, #tpu.memory_space<hbm>>
          %dma_start3A_732 = tpu.memref_squeeze %dma_start3A_731 : memref<1x16x80xi32, #tpu.memory_space<hbm>> -> memref<16x80xi32, #tpu.memory_space<hbm>>
          %dma_start3A_733 = arith.constant 0 : i32
          %dma_start3A_734 = arith.constant 0 : i32
          %dma_start3A_735 = tpu.memref_slice %arg8[%sub3A_724, %dma_start3A_733, %dma_start3A_734] : memref<2x16x80xi32, #tpu.memory_space<vmem>> -> memref<1x16x80xi32, #tpu.memory_space<vmem>>
          %dma_start3A_736 = tpu.memref_squeeze %dma_start3A_735 : memref<1x16x80xi32, #tpu.memory_space<vmem>> -> memref<16x80xi32, #tpu.memory_space<vmem>>
          %dma_start3A_737 = arith.constant 0 : i32
          %dma_start3A_738 = tpu.memref_slice %arg4[%add3A, %mul3A_722, %dma_start3A_737] : memref<32x128x80xi32, #tpu.memory_space<hbm>> -> memref<1x16x80xi32, #tpu.memory_space<hbm>>
          %dma_start3A_739 = tpu.memref_squeeze %dma_start3A_738 : memref<1x16x80xi32, #tpu.memory_space<hbm>> -> memref<16x80xi32, #tpu.memory_space<hbm>>
          tpu.enqueue_dma source(%dma_start3A_739 : memref<16x80xi32, #tpu.memory_space<hbm>>) target(%dma_start3A_736 : memref<16x80xi32, #tpu.memory_space<vmem>>) target_semaphore(%run_scoped3A_725 : memref<!tpu.dma_semaphore, #tpu.memory_space<semaphore_mem>>)
          %dma_wait3A_740 = arith.constant 0 : i32
          %dma_wait3A_741 = arith.constant 0 : i32
          %dma_wait3A_742 = tpu.memref_slice %arg8[%sub3A_724, %dma_wait3A_740, %dma_wait3A_741] : memref<2x16x80xi32, #tpu.memory_space<vmem>> -> memref<1x16x80xi32, #tpu.memory_space<vmem>>
          %dma_wait3A_743 = tpu.memref_squeeze %dma_wait3A_742 : memref<1x16x80xi32, #tpu.memory_space<vmem>> -> memref<16x80xi32, #tpu.memory_space<vmem>>
          %dma_wait3A_744 = arith.constant 0 : i32
          %dma_wait3A_745 = tpu.memref_slice %arg4[%add3A, %mul3A_722, %dma_wait3A_744] : memref<32x128x80xi32, #tpu.memory_space<hbm>> -> memref<1x16x80xi32, #tpu.memory_space<hbm>>
          %dma_wait3A_746 = tpu.memref_squeeze %dma_wait3A_745 : memref<1x16x80xi32, #tpu.memory_space<hbm>> -> memref<16x80xi32, #tpu.memory_space<hbm>>
          %dma_wait3A_747 = arith.constant 0 : i32
          %dma_wait3A_748 = arith.constant 0 : i32
          %dma_wait3A_749 = tpu.memref_slice %arg8[%sub3A_724, %dma_wait3A_747, %dma_wait3A_748] : memref<2x16x80xi32, #tpu.memory_space<vmem>> -> memref<1x16x80xi32, #tpu.memory_space<vmem>>
          %dma_wait3A_750 = tpu.memref_squeeze %dma_wait3A_749 : memref<1x16x80xi32, #tpu.memory_space<vmem>> -> memref<16x80xi32, #tpu.memory_space<vmem>>
          %dma_wait3A_751 = arith.constant 0 : i32
          %dma_wait3A_752 = tpu.memref_slice %arg4[%add3A, %mul3A_722, %dma_wait3A_751] : memref<32x128x80xi32, #tpu.memory_space<hbm>> -> memref<1x16x80xi32, #tpu.memory_space<hbm>>
          %dma_wait3A_753 = tpu.memref_squeeze %dma_wait3A_752 : memref<1x16x80xi32, #tpu.memory_space<hbm>> -> memref<16x80xi32, #tpu.memory_space<hbm>>
          tpu.wait_dma2 semaphore(%run_scoped3A_725 : memref<!tpu.dma_semaphore, #tpu.memory_space<semaphore_mem>>) src(%dma_wait3A_753 : memref<16x80xi32, #tpu.memory_space<hbm>>) dst(%dma_wait3A_750 : memref<16x80xi32, #tpu.memory_space<vmem>>)
          tpu.yield
        }) : () -> ()
      } else {
      }
      %ge3A = arith.constant 2 : i32
      %ge3A_436 = arith.cmpi sge, %add3A_408, %ge3A : i32
      %convert_element_type3A_437 = arith.extui %ge3A_436 : i1 to i32
      %cond3A_438 = arith.constant 0 : i32
      %cond3A_439 = arith.cmpi ne, %convert_element_type3A_437, %cond3A_438 : i32
      scf.if %cond3A_439 {
        %sub3A_711 = arith.constant 2 : i32
        %sub3A_712 = arith.subi %add3A_408, %sub3A_711 : i32
        %jit3A_713 = arith.constant 16 : i32
        %div3A_714 = arith.divsi %sub3A_712, %jit3A_713 : i32
        %sign3A_715 = arith.constant 0 : i32
        %sign3A_716 = arith.cmpi sgt, %sub3A_712, %sign3A_715 : i32
        %sign3A_717 = arith.extui %sign3A_716 : i1 to i32
        %sign3A_718 = arith.constant 0 : i32
        %sign3A_719 = arith.cmpi slt, %sub3A_712, %sign3A_718 : i32
        %sign3A_720 = arith.extui %sign3A_719 : i1 to i32
        %sign3A_721 = arith.subi %sign3A_717, %sign3A_720 : i32
        %sign3A_722 = arith.constant 0 : i32
        %sign3A_723 = arith.cmpi sgt, %jit3A_713, %sign3A_722 : i32
        %sign3A_724 = arith.extui %sign3A_723 : i1 to i32
        %sign3A_725 = arith.constant 0 : i32
        %sign3A_726 = arith.cmpi slt, %jit3A_713, %sign3A_725 : i32
        %sign3A_727 = arith.extui %sign3A_726 : i1 to i32
        %sign3A_728 = arith.subi %sign3A_724, %sign3A_727 : i32
        %ne3A_729 = arith.cmpi ne, %sign3A_721, %sign3A_728 : i32
        %rem3A_730 = arith.remsi %sub3A_712, %jit3A_713 : i32
        %ne3A_731 = arith.constant 0 : i32
        %ne3A_732 = arith.cmpi ne, %rem3A_730, %ne3A_731 : i32
        %and3A_733 = arith.andi %ne3A_729, %ne3A_732 : i1
        %sub3A_734 = arith.constant 1 : i32
        %sub3A_735 = arith.subi %div3A_714, %sub3A_734 : i32
        %select_n3A_736 = arith.select %and3A_733, %sub3A_735, %div3A_714 : i32
        %rem3A_737 = arith.constant 2 : i32
        %rem3A_738 = arith.remsi %select_n3A_736, %rem3A_737 : i32
        %mul3A_739 = arith.constant 16 : i32
        %mul3A_740 = arith.muli %select_n3A_736, %mul3A_739 : i32
        %sub3A_741 = arith.subi %sub3A_712, %mul3A_740 : i32
        %dma_wait3A_742 = arith.constant 2 : i32
        %dma_wait3A_743 = arith.constant 0 : i32
        %dma_wait3A_744 = arith.constant 0 : i32
        %dma_wait3A_745 = tpu.memref_slice %arg9[%dma_wait3A_742, %dma_wait3A_743, %dma_wait3A_744] : memref<4x80x128xf32, #tpu.memory_space<vmem>> -> memref<1x80x128xf32, #tpu.memory_space<vmem>>
        %dma_wait3A_746 = tpu.memref_squeeze %dma_wait3A_745 : memref<1x80x128xf32, #tpu.memory_space<vmem>> -> memref<80x128xf32, #tpu.memory_space<vmem>>
        %dma_wait3A_747 = arith.constant 0 : i32
        %dma_wait3A_748 = tpu.memref_slice %arg8[%rem3A_738, %sub3A_741, %dma_wait3A_747] : memref<2x16x80xi32, #tpu.memory_space<vmem>> -> memref<1x1x80xi32, #tpu.memory_space<vmem>>
        %dma_wait3A_749 = tpu.memref_squeeze %dma_wait3A_748 : memref<1x1x80xi32, #tpu.memory_space<vmem>> -> memref<80xi32, #tpu.memory_space<vmem>>
        %dma_wait3A_750 = arith.constant 0 : i32
        %dma_wait3A_751 = arith.constant 0 : i32
        %dma_wait3A_752 = tpu.memref_slice %arg10[%dma_wait3A_750, %dma_wait3A_751] : memref<10240x128xf32, #tpu.memory_space<vmem_shared>> -> memref<10240x128xf32, #tpu.memory_space<vmem_shared>>
        tpu.wait_indirect_dma semaphore(%arg17 : memref<!tpu.dma_semaphore, #tpu.memory_space<semaphore_mem>>) src(%dma_wait3A_746 : memref<80x128xf32, #tpu.memory_space<vmem>>) dst(%dma_wait3A_752 : memref<10240x128xf32, #tpu.memory_space<vmem_shared>>)
      } else {
      }
      %add3A_440 = arith.constant 2 : i32
      %add3A_441 = arith.addi %add3A_408, %add3A_440 : i32
      %lt3A = arith.constant 128 : i32
      %lt3A_442 = arith.cmpi slt, %add3A_441, %lt3A : i32
      %convert_element_type3A_443 = arith.extui %lt3A_442 : i1 to i32
      %cond3A_444 = arith.constant 0 : i32
      %cond3A_445 = arith.cmpi ne, %convert_element_type3A_443, %cond3A_444 : i32
      scf.if %cond3A_445 {
        %add3A_711 = arith.constant 2 : i32
        %add3A_712 = arith.addi %add3A_408, %add3A_711 : i32
        %jit3A_713 = arith.constant 16 : i32
        %div3A_714 = arith.divsi %add3A_712, %jit3A_713 : i32
        %sign3A_715 = arith.constant 0 : i32
        %sign3A_716 = arith.cmpi sgt, %add3A_712, %sign3A_715 : i32
        %sign3A_717 = arith.extui %sign3A_716 : i1 to i32
        %sign3A_718 = arith.constant 0 : i32
        %sign3A_719 = arith.cmpi slt, %add3A_712, %sign3A_718 : i32
        %sign3A_720 = arith.extui %sign3A_719 : i1 to i32
        %sign3A_721 = arith.subi %sign3A_717, %sign3A_720 : i32
        %sign3A_722 = arith.constant 0 : i32
        %sign3A_723 = arith.cmpi sgt, %jit3A_713, %sign3A_722 : i32
        %sign3A_724 = arith.extui %sign3A_723 : i1 to i32
        %sign3A_725 = arith.constant 0 : i32
        %sign3A_726 = arith.cmpi slt, %jit3A_713, %sign3A_725 : i32
        %sign3A_727 = arith.extui %sign3A_726 : i1 to i32
        %sign3A_728 = arith.subi %sign3A_724, %sign3A_727 : i32
        %ne3A_729 = arith.cmpi ne, %sign3A_721, %sign3A_728 : i32
        %rem3A_730 = arith.remsi %add3A_712, %jit3A_713 : i32
        %ne3A_731 = arith.constant 0 : i32
        %ne3A_732 = arith.cmpi ne, %rem3A_730, %ne3A_731 : i32
        %and3A_733 = arith.andi %ne3A_729, %ne3A_732 : i1
        %sub3A_734 = arith.constant 1 : i32
        %sub3A_735 = arith.subi %div3A_714, %sub3A_734 : i32
        %select_n3A_736 = arith.select %and3A_733, %sub3A_735, %div3A_714 : i32
        %rem3A_737 = arith.constant 2 : i32
        %rem3A_738 = arith.remsi %select_n3A_736, %rem3A_737 : i32
        %mul3A_739 = arith.constant 1280 : i32
        %mul3A_740 = arith.muli %rem3A_738, %mul3A_739 : i32
        %mul3A_741 = arith.constant 16 : i32
        %mul3A_742 = arith.muli %select_n3A_736, %mul3A_741 : i32
        %sub3A_743 = arith.subi %add3A_712, %mul3A_742 : i32
        %mul3A_744 = arith.constant 80 : i32
        %mul3A_745 = arith.muli %sub3A_743, %mul3A_744 : i32
        %add3A_746 = arith.addi %mul3A_740, %mul3A_745 : i32
        %dma_start3A_747 = arith.constant 2 : i32
        %dma_start3A_748 = arith.constant 0 : i32
        %dma_start3A_749 = arith.constant 0 : i32
        %dma_start3A_750 = tpu.memref_slice %arg9[%dma_start3A_747, %dma_start3A_748, %dma_start3A_749] : memref<4x80x128xf32, #tpu.memory_space<vmem>> -> memref<1x80x128xf32, #tpu.memory_space<vmem>>
        %dma_start3A_751 = tpu.memref_squeeze %dma_start3A_750 : memref<1x80x128xf32, #tpu.memory_space<vmem>> -> memref<80x128xf32, #tpu.memory_space<vmem>>
        %dma_start3A_752 = tpu.memref_slice %arg7[%add3A_746] : memref<2560xi32, #tpu.memory_space<vmem>> -> memref<80xi32, #tpu.memory_space<vmem>>
        %dma_start3A_753 = arith.constant 0 : i32
        %dma_start3A_754 = arith.constant 0 : i32
        %dma_start3A_755 = tpu.memref_slice %arg2[%dma_start3A_753, %dma_start3A_754] : memref<10000x128xf32, #tpu.memory_space<hbm>> -> memref<10000x128xf32, #tpu.memory_space<hbm>>
        tpu.enqueue_indirect_dma source(%dma_start3A_755 : memref<10000x128xf32, #tpu.memory_space<hbm>>) target(%dma_start3A_751 : memref<80x128xf32, #tpu.memory_space<vmem>>) offsets(%dma_start3A_752 : memref<80xi32, #tpu.memory_space<vmem>>) semaphore(%arg13 : memref<!tpu.dma_semaphore, #tpu.memory_space<semaphore_mem>>)
      } else {
      }
      %mul3A_446 = arith.constant 1280 : i32
      %mul3A_447 = arith.muli %rem3A_429, %mul3A_446 : i32
      %mul3A_448 = arith.constant 80 : i32
      %mul3A_449 = arith.muli %sub3A_427, %mul3A_448 : i32
      %add3A_450 = arith.addi %mul3A_447, %mul3A_449 : i32
      %dma_wait3A_451 = arith.constant 0 : i32
      %dma_wait3A_452 = arith.constant 0 : i32
      %dma_wait3A_453 = arith.constant 0 : i32
      %dma_wait3A_454 = tpu.memref_slice %arg9[%dma_wait3A_451, %dma_wait3A_452, %dma_wait3A_453] : memref<4x80x128xf32, #tpu.memory_space<vmem>> -> memref<1x80x128xf32, #tpu.memory_space<vmem>>
      %dma_wait3A_455 = tpu.memref_squeeze %dma_wait3A_454 : memref<1x80x128xf32, #tpu.memory_space<vmem>> -> memref<80x128xf32, #tpu.memory_space<vmem>>
      %dma_wait3A_456 = tpu.memref_slice %arg7[%add3A_450] : memref<2560xi32, #tpu.memory_space<vmem>> -> memref<80xi32, #tpu.memory_space<vmem>>
      %dma_wait3A_457 = arith.constant 0 : i32
      %dma_wait3A_458 = arith.constant 0 : i32
      %dma_wait3A_459 = tpu.memref_slice %arg2[%dma_wait3A_457, %dma_wait3A_458] : memref<10000x128xf32, #tpu.memory_space<hbm>> -> memref<10000x128xf32, #tpu.memory_space<hbm>>
      tpu.wait_indirect_dma semaphore(%arg11 : memref<!tpu.dma_semaphore, #tpu.memory_space<semaphore_mem>>) src(%dma_wait3A_459 : memref<10000x128xf32, #tpu.memory_space<hbm>>) dst(%dma_wait3A_455 : memref<80x128xf32, #tpu.memory_space<vmem>>)
      %dma_start3A_460 = arith.constant 0 : i32
      %dma_start3A_461 = arith.constant 0 : i32
      %dma_start3A_462 = arith.constant 0 : i32
      %dma_start3A_463 = tpu.memref_slice %arg9[%dma_start3A_460, %dma_start3A_461, %dma_start3A_462] : memref<4x80x128xf32, #tpu.memory_space<vmem>> -> memref<1x80x128xf32, #tpu.memory_space<vmem>>
      %dma_start3A_464 = tpu.memref_squeeze %dma_start3A_463 : memref<1x80x128xf32, #tpu.memory_space<vmem>> -> memref<80x128xf32, #tpu.memory_space<vmem>>
      %dma_start3A_465 = arith.constant 0 : i32
      %dma_start3A_466 = tpu.memref_slice %arg8[%rem3A_429, %sub3A_427, %dma_start3A_465] : memref<2x16x80xi32, #tpu.memory_space<vmem>> -> memref<1x1x80xi32, #tpu.memory_space<vmem>>
      %dma_start3A_467 = tpu.memref_squeeze %dma_start3A_466 : memref<1x1x80xi32, #tpu.memory_space<vmem>> -> memref<80xi32, #tpu.memory_space<vmem>>
      %dma_start3A_468 = arith.constant 0 : i32
      %dma_start3A_469 = arith.constant 0 : i32
      %dma_start3A_470 = tpu.memref_slice %arg10[%dma_start3A_468, %dma_start3A_469] : memref<10240x128xf32, #tpu.memory_space<vmem_shared>> -> memref<10240x128xf32, #tpu.memory_space<vmem_shared>>
      tpu.enqueue_indirect_dma source(%dma_start3A_464 : memref<80x128xf32, #tpu.memory_space<vmem>>) target(%dma_start3A_470 : memref<10240x128xf32, #tpu.memory_space<vmem_shared>>) offsets(%dma_start3A_467 : memref<80xi32, #tpu.memory_space<vmem>>) semaphore(%arg15 : memref<!tpu.dma_semaphore, #tpu.memory_space<semaphore_mem>>) {add = true}
      %mul3A_471 = arith.constant 4 : i32
      %mul3A_472 = arith.muli %scan3A_404, %mul3A_471 : i32
      %add3A_473 = arith.constant 1 : i32
      %add3A_474 = arith.addi %mul3A_472, %add3A_473 : i32
      %jit3A_475 = arith.constant 16 : i32
      %div3A_476 = arith.divsi %add3A_474, %jit3A_475 : i32
      %sign3A_477 = arith.constant 0 : i32
      %sign3A_478 = arith.cmpi sgt, %add3A_474, %sign3A_477 : i32
      %sign3A_479 = arith.extui %sign3A_478 : i1 to i32
      %sign3A_480 = arith.constant 0 : i32
      %sign3A_481 = arith.cmpi slt, %add3A_474, %sign3A_480 : i32
      %sign3A_482 = arith.extui %sign3A_481 : i1 to i32
      %sign3A_483 = arith.subi %sign3A_479, %sign3A_482 : i32
      %sign3A_484 = arith.constant 0 : i32
      %sign3A_485 = arith.cmpi sgt, %jit3A_475, %sign3A_484 : i32
      %sign3A_486 = arith.extui %sign3A_485 : i1 to i32
      %sign3A_487 = arith.constant 0 : i32
      %sign3A_488 = arith.cmpi slt, %jit3A_475, %sign3A_487 : i32
      %sign3A_489 = arith.extui %sign3A_488 : i1 to i32
      %sign3A_490 = arith.subi %sign3A_486, %sign3A_489 : i32
      %ne3A_491 = arith.cmpi ne, %sign3A_483, %sign3A_490 : i32
      %rem3A_492 = arith.remsi %add3A_474, %jit3A_475 : i32
      %ne3A_493 = arith.constant 0 : i32
      %ne3A_494 = arith.cmpi ne, %rem3A_492, %ne3A_493 : i32
      %and3A_495 = arith.andi %ne3A_491, %ne3A_494 : i1
      %sub3A_496 = arith.constant 1 : i32
      %sub3A_497 = arith.subi %div3A_476, %sub3A_496 : i32
      %select_n3A_498 = arith.select %and3A_495, %sub3A_497, %div3A_476 : i32
      %mul3A_499 = arith.constant 16 : i32
      %mul3A_500 = arith.muli %select_n3A_498, %mul3A_499 : i32
      %sub3A_501 = arith.subi %add3A_474, %mul3A_500 : i32
      %rem3A_502 = arith.constant 2 : i32
      %rem3A_503 = arith.remsi %select_n3A_498, %rem3A_502 : i32
      %eq3A_504 = arith.constant 8 : i32
      %eq3A_505 = arith.cmpi eq, %sub3A_501, %eq3A_504 : i32
      %add3A_506 = arith.constant 16 : i32
      %add3A_507 = arith.addi %add3A_474, %add3A_506 : i32
      %le3A_508 = arith.constant 128 : i32
      %le3A_509 = arith.cmpi sle, %add3A_507, %le3A_508 : i32
      %and3A_510 = arith.andi %eq3A_505, %le3A_509 : i1
      %convert_element_type3A_511 = arith.extui %and3A_510 : i1 to i32
      %cond3A_512 = arith.constant 0 : i32
      %cond3A_513 = arith.cmpi ne, %convert_element_type3A_511, %cond3A_512 : i32
      scf.if %cond3A_513 {
        %add3A_711 = arith.constant 1 : i32
        %add3A_712 = arith.addi %select_n3A_498, %add3A_711 : i32
        %mul3A_713 = arith.constant 1280 : i32
        %mul3A_714 = arith.muli %add3A_712, %mul3A_713 : i32
        %sub3A_715 = arith.constant 1 : i32
        %sub3A_716 = arith.subi %sub3A_715, %rem3A_503 : i32
        %mul3A_717 = arith.constant 1280 : i32
        %mul3A_718 = arith.muli %sub3A_716, %mul3A_717 : i32
        "tpu.region"() ({
          %run_scoped3A_725 = tpu.sem_alloc : memref<!tpu.dma_semaphore, #tpu.memory_space<semaphore_mem>>
          %dma_start3A_726 = tpu.memref_slice %arg7[%mul3A_718] : memref<2560xi32, #tpu.memory_space<vmem>> -> memref<1280xi32, #tpu.memory_space<vmem>>
          %dma_start3A_727 = tpu.memref_slice %arg3[%add3A, %mul3A_714] : memref<32x10240xi32, #tpu.memory_space<hbm>> -> memref<1x1280xi32, #tpu.memory_space<hbm>>
          %dma_start3A_728 = tpu.memref_squeeze %dma_start3A_727 : memref<1x1280xi32, #tpu.memory_space<hbm>> -> memref<1280xi32, #tpu.memory_space<hbm>>
          %dma_start3A_729 = tpu.memref_slice %arg7[%mul3A_718] : memref<2560xi32, #tpu.memory_space<vmem>> -> memref<1280xi32, #tpu.memory_space<vmem>>
          %dma_start3A_730 = tpu.memref_slice %arg3[%add3A, %mul3A_714] : memref<32x10240xi32, #tpu.memory_space<hbm>> -> memref<1x1280xi32, #tpu.memory_space<hbm>>
          %dma_start3A_731 = tpu.memref_squeeze %dma_start3A_730 : memref<1x1280xi32, #tpu.memory_space<hbm>> -> memref<1280xi32, #tpu.memory_space<hbm>>
          tpu.enqueue_dma source(%dma_start3A_731 : memref<1280xi32, #tpu.memory_space<hbm>>) target(%dma_start3A_729 : memref<1280xi32, #tpu.memory_space<vmem>>) target_semaphore(%run_scoped3A_725 : memref<!tpu.dma_semaphore, #tpu.memory_space<semaphore_mem>>)
          %dma_wait3A_732 = tpu.memref_slice %arg7[%mul3A_718] : memref<2560xi32, #tpu.memory_space<vmem>> -> memref<1280xi32, #tpu.memory_space<vmem>>
          %dma_wait3A_733 = tpu.memref_slice %arg3[%add3A, %mul3A_714] : memref<32x10240xi32, #tpu.memory_space<hbm>> -> memref<1x1280xi32, #tpu.memory_space<hbm>>
          %dma_wait3A_734 = tpu.memref_squeeze %dma_wait3A_733 : memref<1x1280xi32, #tpu.memory_space<hbm>> -> memref<1280xi32, #tpu.memory_space<hbm>>
          %dma_wait3A_735 = tpu.memref_slice %arg7[%mul3A_718] : memref<2560xi32, #tpu.memory_space<vmem>> -> memref<1280xi32, #tpu.memory_space<vmem>>
          %dma_wait3A_736 = tpu.memref_slice %arg3[%add3A, %mul3A_714] : memref<32x10240xi32, #tpu.memory_space<hbm>> -> memref<1x1280xi32, #tpu.memory_space<hbm>>
          %dma_wait3A_737 = tpu.memref_squeeze %dma_wait3A_736 : memref<1x1280xi32, #tpu.memory_space<hbm>> -> memref<1280xi32, #tpu.memory_space<hbm>>
          tpu.wait_dma2 semaphore(%run_scoped3A_725 : memref<!tpu.dma_semaphore, #tpu.memory_space<semaphore_mem>>) src(%dma_wait3A_737 : memref<1280xi32, #tpu.memory_space<hbm>>) dst(%dma_wait3A_735 : memref<1280xi32, #tpu.memory_space<vmem>>)
          tpu.yield
        }) : () -> ()
        %add3A_719 = arith.constant 1 : i32
        %add3A_720 = arith.addi %select_n3A_498, %add3A_719 : i32
        %mul3A_721 = arith.constant 16 : i32
        %mul3A_722 = arith.muli %add3A_720, %mul3A_721 : i32
        %sub3A_723 = arith.constant 1 : i32
        %sub3A_724 = arith.subi %sub3A_723, %rem3A_503 : i32
        "tpu.region"() ({
          %run_scoped3A_725 = tpu.sem_alloc : memref<!tpu.dma_semaphore, #tpu.memory_space<semaphore_mem>>
          %dma_start3A_726 = arith.constant 0 : i32
          %dma_start3A_727 = arith.constant 0 : i32
          %dma_start3A_728 = tpu.memref_slice %arg8[%sub3A_724, %dma_start3A_726, %dma_start3A_727] : memref<2x16x80xi32, #tpu.memory_space<vmem>> -> memref<1x16x80xi32, #tpu.memory_space<vmem>>
          %dma_start3A_729 = tpu.memref_squeeze %dma_start3A_728 : memref<1x16x80xi32, #tpu.memory_space<vmem>> -> memref<16x80xi32, #tpu.memory_space<vmem>>
          %dma_start3A_730 = arith.constant 0 : i32
          %dma_start3A_731 = tpu.memref_slice %arg4[%add3A, %mul3A_722, %dma_start3A_730] : memref<32x128x80xi32, #tpu.memory_space<hbm>> -> memref<1x16x80xi32, #tpu.memory_space<hbm>>
          %dma_start3A_732 = tpu.memref_squeeze %dma_start3A_731 : memref<1x16x80xi32, #tpu.memory_space<hbm>> -> memref<16x80xi32, #tpu.memory_space<hbm>>
          %dma_start3A_733 = arith.constant 0 : i32
          %dma_start3A_734 = arith.constant 0 : i32
          %dma_start3A_735 = tpu.memref_slice %arg8[%sub3A_724, %dma_start3A_733, %dma_start3A_734] : memref<2x16x80xi32, #tpu.memory_space<vmem>> -> memref<1x16x80xi32, #tpu.memory_space<vmem>>
          %dma_start3A_736 = tpu.memref_squeeze %dma_start3A_735 : memref<1x16x80xi32, #tpu.memory_space<vmem>> -> memref<16x80xi32, #tpu.memory_space<vmem>>
          %dma_start3A_737 = arith.constant 0 : i32
          %dma_start3A_738 = tpu.memref_slice %arg4[%add3A, %mul3A_722, %dma_start3A_737] : memref<32x128x80xi32, #tpu.memory_space<hbm>> -> memref<1x16x80xi32, #tpu.memory_space<hbm>>
          %dma_start3A_739 = tpu.memref_squeeze %dma_start3A_738 : memref<1x16x80xi32, #tpu.memory_space<hbm>> -> memref<16x80xi32, #tpu.memory_space<hbm>>
          tpu.enqueue_dma source(%dma_start3A_739 : memref<16x80xi32, #tpu.memory_space<hbm>>) target(%dma_start3A_736 : memref<16x80xi32, #tpu.memory_space<vmem>>) target_semaphore(%run_scoped3A_725 : memref<!tpu.dma_semaphore, #tpu.memory_space<semaphore_mem>>)
          %dma_wait3A_740 = arith.constant 0 : i32
          %dma_wait3A_741 = arith.constant 0 : i32
          %dma_wait3A_742 = tpu.memref_slice %arg8[%sub3A_724, %dma_wait3A_740, %dma_wait3A_741] : memref<2x16x80xi32, #tpu.memory_space<vmem>> -> memref<1x16x80xi32, #tpu.memory_space<vmem>>
          %dma_wait3A_743 = tpu.memref_squeeze %dma_wait3A_742 : memref<1x16x80xi32, #tpu.memory_space<vmem>> -> memref<16x80xi32, #tpu.memory_space<vmem>>
          %dma_wait3A_744 = arith.constant 0 : i32
          %dma_wait3A_745 = tpu.memref_slice %arg4[%add3A, %mul3A_722, %dma_wait3A_744] : memref<32x128x80xi32, #tpu.memory_space<hbm>> -> memref<1x16x80xi32, #tpu.memory_space<hbm>>
          %dma_wait3A_746 = tpu.memref_squeeze %dma_wait3A_745 : memref<1x16x80xi32, #tpu.memory_space<hbm>> -> memref<16x80xi32, #tpu.memory_space<hbm>>
          %dma_wait3A_747 = arith.constant 0 : i32
          %dma_wait3A_748 = arith.constant 0 : i32
          %dma_wait3A_749 = tpu.memref_slice %arg8[%sub3A_724, %dma_wait3A_747, %dma_wait3A_748] : memref<2x16x80xi32, #tpu.memory_space<vmem>> -> memref<1x16x80xi32, #tpu.memory_space<vmem>>
          %dma_wait3A_750 = tpu.memref_squeeze %dma_wait3A_749 : memref<1x16x80xi32, #tpu.memory_space<vmem>> -> memref<16x80xi32, #tpu.memory_space<vmem>>
          %dma_wait3A_751 = arith.constant 0 : i32
          %dma_wait3A_752 = tpu.memref_slice %arg4[%add3A, %mul3A_722, %dma_wait3A_751] : memref<32x128x80xi32, #tpu.memory_space<hbm>> -> memref<1x16x80xi32, #tpu.memory_space<hbm>>
          %dma_wait3A_753 = tpu.memref_squeeze %dma_wait3A_752 : memref<1x16x80xi32, #tpu.memory_space<hbm>> -> memref<16x80xi32, #tpu.memory_space<hbm>>
          tpu.wait_dma2 semaphore(%run_scoped3A_725 : memref<!tpu.dma_semaphore, #tpu.memory_space<semaphore_mem>>) src(%dma_wait3A_753 : memref<16x80xi32, #tpu.memory_space<hbm>>) dst(%dma_wait3A_750 : memref<16x80xi32, #tpu.memory_space<vmem>>)
          tpu.yield
        }) : () -> ()
      } else {
      }
      %ge3A_514 = arith.constant 2 : i32
      %ge3A_515 = arith.cmpi sge, %add3A_474, %ge3A_514 : i32
      %convert_element_type3A_516 = arith.extui %ge3A_515 : i1 to i32
      %cond3A_517 = arith.constant 0 : i32
      %cond3A_518 = arith.cmpi ne, %convert_element_type3A_516, %cond3A_517 : i32
      scf.if %cond3A_518 {
        %sub3A_711 = arith.constant 2 : i32
        %sub3A_712 = arith.subi %add3A_474, %sub3A_711 : i32
        %jit3A_713 = arith.constant 16 : i32
        %div3A_714 = arith.divsi %sub3A_712, %jit3A_713 : i32
        %sign3A_715 = arith.constant 0 : i32
        %sign3A_716 = arith.cmpi sgt, %sub3A_712, %sign3A_715 : i32
        %sign3A_717 = arith.extui %sign3A_716 : i1 to i32
        %sign3A_718 = arith.constant 0 : i32
        %sign3A_719 = arith.cmpi slt, %sub3A_712, %sign3A_718 : i32
        %sign3A_720 = arith.extui %sign3A_719 : i1 to i32
        %sign3A_721 = arith.subi %sign3A_717, %sign3A_720 : i32
        %sign3A_722 = arith.constant 0 : i32
        %sign3A_723 = arith.cmpi sgt, %jit3A_713, %sign3A_722 : i32
        %sign3A_724 = arith.extui %sign3A_723 : i1 to i32
        %sign3A_725 = arith.constant 0 : i32
        %sign3A_726 = arith.cmpi slt, %jit3A_713, %sign3A_725 : i32
        %sign3A_727 = arith.extui %sign3A_726 : i1 to i32
        %sign3A_728 = arith.subi %sign3A_724, %sign3A_727 : i32
        %ne3A_729 = arith.cmpi ne, %sign3A_721, %sign3A_728 : i32
        %rem3A_730 = arith.remsi %sub3A_712, %jit3A_713 : i32
        %ne3A_731 = arith.constant 0 : i32
        %ne3A_732 = arith.cmpi ne, %rem3A_730, %ne3A_731 : i32
        %and3A_733 = arith.andi %ne3A_729, %ne3A_732 : i1
        %sub3A_734 = arith.constant 1 : i32
        %sub3A_735 = arith.subi %div3A_714, %sub3A_734 : i32
        %select_n3A_736 = arith.select %and3A_733, %sub3A_735, %div3A_714 : i32
        %rem3A_737 = arith.constant 2 : i32
        %rem3A_738 = arith.remsi %select_n3A_736, %rem3A_737 : i32
        %mul3A_739 = arith.constant 16 : i32
        %mul3A_740 = arith.muli %select_n3A_736, %mul3A_739 : i32
        %sub3A_741 = arith.subi %sub3A_712, %mul3A_740 : i32
        %dma_wait3A_742 = arith.constant 3 : i32
        %dma_wait3A_743 = arith.constant 0 : i32
        %dma_wait3A_744 = arith.constant 0 : i32
        %dma_wait3A_745 = tpu.memref_slice %arg9[%dma_wait3A_742, %dma_wait3A_743, %dma_wait3A_744] : memref<4x80x128xf32, #tpu.memory_space<vmem>> -> memref<1x80x128xf32, #tpu.memory_space<vmem>>
        %dma_wait3A_746 = tpu.memref_squeeze %dma_wait3A_745 : memref<1x80x128xf32, #tpu.memory_space<vmem>> -> memref<80x128xf32, #tpu.memory_space<vmem>>
        %dma_wait3A_747 = arith.constant 0 : i32
        %dma_wait3A_748 = tpu.memref_slice %arg8[%rem3A_738, %sub3A_741, %dma_wait3A_747] : memref<2x16x80xi32, #tpu.memory_space<vmem>> -> memref<1x1x80xi32, #tpu.memory_space<vmem>>
        %dma_wait3A_749 = tpu.memref_squeeze %dma_wait3A_748 : memref<1x1x80xi32, #tpu.memory_space<vmem>> -> memref<80xi32, #tpu.memory_space<vmem>>
        %dma_wait3A_750 = arith.constant 0 : i32
        %dma_wait3A_751 = arith.constant 0 : i32
        %dma_wait3A_752 = tpu.memref_slice %arg10[%dma_wait3A_750, %dma_wait3A_751] : memref<10240x128xf32, #tpu.memory_space<vmem_shared>> -> memref<10240x128xf32, #tpu.memory_space<vmem_shared>>
        tpu.wait_indirect_dma semaphore(%arg18 : memref<!tpu.dma_semaphore, #tpu.memory_space<semaphore_mem>>) src(%dma_wait3A_746 : memref<80x128xf32, #tpu.memory_space<vmem>>) dst(%dma_wait3A_752 : memref<10240x128xf32, #tpu.memory_space<vmem_shared>>)
      } else {
      }
      %add3A_519 = arith.constant 2 : i32
      %add3A_520 = arith.addi %add3A_474, %add3A_519 : i32
      %lt3A_521 = arith.constant 128 : i32
      %lt3A_522 = arith.cmpi slt, %add3A_520, %lt3A_521 : i32
      %convert_element_type3A_523 = arith.extui %lt3A_522 : i1 to i32
      %cond3A_524 = arith.constant 0 : i32
      %cond3A_525 = arith.cmpi ne, %convert_element_type3A_523, %cond3A_524 : i32
      scf.if %cond3A_525 {
        %add3A_711 = arith.constant 2 : i32
        %add3A_712 = arith.addi %add3A_474, %add3A_711 : i32
        %jit3A_713 = arith.constant 16 : i32
        %div3A_714 = arith.divsi %add3A_712, %jit3A_713 : i32
        %sign3A_715 = arith.constant 0 : i32
        %sign3A_716 = arith.cmpi sgt, %add3A_712, %sign3A_715 : i32
        %sign3A_717 = arith.extui %sign3A_716 : i1 to i32
        %sign3A_718 = arith.constant 0 : i32
        %sign3A_719 = arith.cmpi slt, %add3A_712, %sign3A_718 : i32
        %sign3A_720 = arith.extui %sign3A_719 : i1 to i32
        %sign3A_721 = arith.subi %sign3A_717, %sign3A_720 : i32
        %sign3A_722 = arith.constant 0 : i32
        %sign3A_723 = arith.cmpi sgt, %jit3A_713, %sign3A_722 : i32
        %sign3A_724 = arith.extui %sign3A_723 : i1 to i32
        %sign3A_725 = arith.constant 0 : i32
        %sign3A_726 = arith.cmpi slt, %jit3A_713, %sign3A_725 : i32
        %sign3A_727 = arith.extui %sign3A_726 : i1 to i32
        %sign3A_728 = arith.subi %sign3A_724, %sign3A_727 : i32
        %ne3A_729 = arith.cmpi ne, %sign3A_721, %sign3A_728 : i32
        %rem3A_730 = arith.remsi %add3A_712, %jit3A_713 : i32
        %ne3A_731 = arith.constant 0 : i32
        %ne3A_732 = arith.cmpi ne, %rem3A_730, %ne3A_731 : i32
        %and3A_733 = arith.andi %ne3A_729, %ne3A_732 : i1
        %sub3A_734 = arith.constant 1 : i32
        %sub3A_735 = arith.subi %div3A_714, %sub3A_734 : i32
        %select_n3A_736 = arith.select %and3A_733, %sub3A_735, %div3A_714 : i32
        %rem3A_737 = arith.constant 2 : i32
        %rem3A_738 = arith.remsi %select_n3A_736, %rem3A_737 : i32
        %mul3A_739 = arith.constant 1280 : i32
        %mul3A_740 = arith.muli %rem3A_738, %mul3A_739 : i32
        %mul3A_741 = arith.constant 16 : i32
        %mul3A_742 = arith.muli %select_n3A_736, %mul3A_741 : i32
        %sub3A_743 = arith.subi %add3A_712, %mul3A_742 : i32
        %mul3A_744 = arith.constant 80 : i32
        %mul3A_745 = arith.muli %sub3A_743, %mul3A_744 : i32
        %add3A_746 = arith.addi %mul3A_740, %mul3A_745 : i32
        %dma_start3A_747 = arith.constant 3 : i32
        %dma_start3A_748 = arith.constant 0 : i32
        %dma_start3A_749 = arith.constant 0 : i32
        %dma_start3A_750 = tpu.memref_slice %arg9[%dma_start3A_747, %dma_start3A_748, %dma_start3A_749] : memref<4x80x128xf32, #tpu.memory_space<vmem>> -> memref<1x80x128xf32, #tpu.memory_space<vmem>>
        %dma_start3A_751 = tpu.memref_squeeze %dma_start3A_750 : memref<1x80x128xf32, #tpu.memory_space<vmem>> -> memref<80x128xf32, #tpu.memory_space<vmem>>
        %dma_start3A_752 = tpu.memref_slice %arg7[%add3A_746] : memref<2560xi32, #tpu.memory_space<vmem>> -> memref<80xi32, #tpu.memory_space<vmem>>
        %dma_start3A_753 = arith.constant 0 : i32
        %dma_start3A_754 = arith.constant 0 : i32
        %dma_start3A_755 = tpu.memref_slice %arg2[%dma_start3A_753, %dma_start3A_754] : memref<10000x128xf32, #tpu.memory_space<hbm>> -> memref<10000x128xf32, #tpu.memory_space<hbm>>
        tpu.enqueue_indirect_dma source(%dma_start3A_755 : memref<10000x128xf32, #tpu.memory_space<hbm>>) target(%dma_start3A_751 : memref<80x128xf32, #tpu.memory_space<vmem>>) offsets(%dma_start3A_752 : memref<80xi32, #tpu.memory_space<vmem>>) semaphore(%arg14 : memref<!tpu.dma_semaphore, #tpu.memory_space<semaphore_mem>>)
      } else {
      }
      %mul3A_526 = arith.constant 1280 : i32
      %mul3A_527 = arith.muli %rem3A_503, %mul3A_526 : i32
      %mul3A_528 = arith.constant 80 : i32
      %mul3A_529 = arith.muli %sub3A_501, %mul3A_528 : i32
      %add3A_530 = arith.addi %mul3A_527, %mul3A_529 : i32
      %dma_wait3A_531 = arith.constant 1 : i32
      %dma_wait3A_532 = arith.constant 0 : i32
      %dma_wait3A_533 = arith.constant 0 : i32
      %dma_wait3A_534 = tpu.memref_slice %arg9[%dma_wait3A_531, %dma_wait3A_532, %dma_wait3A_533] : memref<4x80x128xf32, #tpu.memory_space<vmem>> -> memref<1x80x128xf32, #tpu.memory_space<vmem>>
      %dma_wait3A_535 = tpu.memref_squeeze %dma_wait3A_534 : memref<1x80x128xf32, #tpu.memory_space<vmem>> -> memref<80x128xf32, #tpu.memory_space<vmem>>
      %dma_wait3A_536 = tpu.memref_slice %arg7[%add3A_530] : memref<2560xi32, #tpu.memory_space<vmem>> -> memref<80xi32, #tpu.memory_space<vmem>>
      %dma_wait3A_537 = arith.constant 0 : i32
      %dma_wait3A_538 = arith.constant 0 : i32
      %dma_wait3A_539 = tpu.memref_slice %arg2[%dma_wait3A_537, %dma_wait3A_538] : memref<10000x128xf32, #tpu.memory_space<hbm>> -> memref<10000x128xf32, #tpu.memory_space<hbm>>
      tpu.wait_indirect_dma semaphore(%arg12 : memref<!tpu.dma_semaphore, #tpu.memory_space<semaphore_mem>>) src(%dma_wait3A_539 : memref<10000x128xf32, #tpu.memory_space<hbm>>) dst(%dma_wait3A_535 : memref<80x128xf32, #tpu.memory_space<vmem>>)
      %dma_start3A_540 = arith.constant 1 : i32
      %dma_start3A_541 = arith.constant 0 : i32
      %dma_start3A_542 = arith.constant 0 : i32
      %dma_start3A_543 = tpu.memref_slice %arg9[%dma_start3A_540, %dma_start3A_541, %dma_start3A_542] : memref<4x80x128xf32, #tpu.memory_space<vmem>> -> memref<1x80x128xf32, #tpu.memory_space<vmem>>
      %dma_start3A_544 = tpu.memref_squeeze %dma_start3A_543 : memref<1x80x128xf32, #tpu.memory_space<vmem>> -> memref<80x128xf32, #tpu.memory_space<vmem>>
      %dma_start3A_545 = arith.constant 0 : i32
      %dma_start3A_546 = tpu.memref_slice %arg8[%rem3A_503, %sub3A_501, %dma_start3A_545] : memref<2x16x80xi32, #tpu.memory_space<vmem>> -> memref<1x1x80xi32, #tpu.memory_space<vmem>>
      %dma_start3A_547 = tpu.memref_squeeze %dma_start3A_546 : memref<1x1x80xi32, #tpu.memory_space<vmem>> -> memref<80xi32, #tpu.memory_space<vmem>>
      %dma_start3A_548 = arith.constant 0 : i32
      %dma_start3A_549 = arith.constant 0 : i32
      %dma_start3A_550 = tpu.memref_slice %arg10[%dma_start3A_548, %dma_start3A_549] : memref<10240x128xf32, #tpu.memory_space<vmem_shared>> -> memref<10240x128xf32, #tpu.memory_space<vmem_shared>>
      tpu.enqueue_indirect_dma source(%dma_start3A_544 : memref<80x128xf32, #tpu.memory_space<vmem>>) target(%dma_start3A_550 : memref<10240x128xf32, #tpu.memory_space<vmem_shared>>) offsets(%dma_start3A_547 : memref<80xi32, #tpu.memory_space<vmem>>) semaphore(%arg16 : memref<!tpu.dma_semaphore, #tpu.memory_space<semaphore_mem>>) {add = true}
      %mul3A_551 = arith.constant 4 : i32
      %mul3A_552 = arith.muli %scan3A_404, %mul3A_551 : i32
      %add3A_553 = arith.constant 2 : i32
      %add3A_554 = arith.addi %mul3A_552, %add3A_553 : i32
      %jit3A_555 = arith.constant 16 : i32
      %div3A_556 = arith.divsi %add3A_554, %jit3A_555 : i32
      %sign3A_557 = arith.constant 0 : i32
      %sign3A_558 = arith.cmpi sgt, %add3A_554, %sign3A_557 : i32
      %sign3A_559 = arith.extui %sign3A_558 : i1 to i32
      %sign3A_560 = arith.constant 0 : i32
      %sign3A_561 = arith.cmpi slt, %add3A_554, %sign3A_560 : i32
      %sign3A_562 = arith.extui %sign3A_561 : i1 to i32
      %sign3A_563 = arith.subi %sign3A_559, %sign3A_562 : i32
      %sign3A_564 = arith.constant 0 : i32
      %sign3A_565 = arith.cmpi sgt, %jit3A_555, %sign3A_564 : i32
      %sign3A_566 = arith.extui %sign3A_565 : i1 to i32
      %sign3A_567 = arith.constant 0 : i32
      %sign3A_568 = arith.cmpi slt, %jit3A_555, %sign3A_567 : i32
      %sign3A_569 = arith.extui %sign3A_568 : i1 to i32
      %sign3A_570 = arith.subi %sign3A_566, %sign3A_569 : i32
      %ne3A_571 = arith.cmpi ne, %sign3A_563, %sign3A_570 : i32
      %rem3A_572 = arith.remsi %add3A_554, %jit3A_555 : i32
      %ne3A_573 = arith.constant 0 : i32
      %ne3A_574 = arith.cmpi ne, %rem3A_572, %ne3A_573 : i32
      %and3A_575 = arith.andi %ne3A_571, %ne3A_574 : i1
      %sub3A_576 = arith.constant 1 : i32
      %sub3A_577 = arith.subi %div3A_556, %sub3A_576 : i32
      %select_n3A_578 = arith.select %and3A_575, %sub3A_577, %div3A_556 : i32
      %mul3A_579 = arith.constant 16 : i32
      %mul3A_580 = arith.muli %select_n3A_578, %mul3A_579 : i32
      %sub3A_581 = arith.subi %add3A_554, %mul3A_580 : i32
      %rem3A_582 = arith.constant 2 : i32
      %rem3A_583 = arith.remsi %select_n3A_578, %rem3A_582 : i32
      %eq3A_584 = arith.constant 8 : i32
      %eq3A_585 = arith.cmpi eq, %sub3A_581, %eq3A_584 : i32
      %add3A_586 = arith.constant 16 : i32
      %add3A_587 = arith.addi %add3A_554, %add3A_586 : i32
      %le3A_588 = arith.constant 128 : i32
      %le3A_589 = arith.cmpi sle, %add3A_587, %le3A_588 : i32
      %and3A_590 = arith.andi %eq3A_585, %le3A_589 : i1
      %convert_element_type3A_591 = arith.extui %and3A_590 : i1 to i32
      %cond3A_592 = arith.constant 0 : i32
      %cond3A_593 = arith.cmpi ne, %convert_element_type3A_591, %cond3A_592 : i32
      scf.if %cond3A_593 {
        %add3A_711 = arith.constant 1 : i32
        %add3A_712 = arith.addi %select_n3A_578, %add3A_711 : i32
        %mul3A_713 = arith.constant 1280 : i32
        %mul3A_714 = arith.muli %add3A_712, %mul3A_713 : i32
        %sub3A_715 = arith.constant 1 : i32
        %sub3A_716 = arith.subi %sub3A_715, %rem3A_583 : i32
        %mul3A_717 = arith.constant 1280 : i32
        %mul3A_718 = arith.muli %sub3A_716, %mul3A_717 : i32
        "tpu.region"() ({
          %run_scoped3A_725 = tpu.sem_alloc : memref<!tpu.dma_semaphore, #tpu.memory_space<semaphore_mem>>
          %dma_start3A_726 = tpu.memref_slice %arg7[%mul3A_718] : memref<2560xi32, #tpu.memory_space<vmem>> -> memref<1280xi32, #tpu.memory_space<vmem>>
          %dma_start3A_727 = tpu.memref_slice %arg3[%add3A, %mul3A_714] : memref<32x10240xi32, #tpu.memory_space<hbm>> -> memref<1x1280xi32, #tpu.memory_space<hbm>>
          %dma_start3A_728 = tpu.memref_squeeze %dma_start3A_727 : memref<1x1280xi32, #tpu.memory_space<hbm>> -> memref<1280xi32, #tpu.memory_space<hbm>>
          %dma_start3A_729 = tpu.memref_slice %arg7[%mul3A_718] : memref<2560xi32, #tpu.memory_space<vmem>> -> memref<1280xi32, #tpu.memory_space<vmem>>
          %dma_start3A_730 = tpu.memref_slice %arg3[%add3A, %mul3A_714] : memref<32x10240xi32, #tpu.memory_space<hbm>> -> memref<1x1280xi32, #tpu.memory_space<hbm>>
          %dma_start3A_731 = tpu.memref_squeeze %dma_start3A_730 : memref<1x1280xi32, #tpu.memory_space<hbm>> -> memref<1280xi32, #tpu.memory_space<hbm>>
          tpu.enqueue_dma source(%dma_start3A_731 : memref<1280xi32, #tpu.memory_space<hbm>>) target(%dma_start3A_729 : memref<1280xi32, #tpu.memory_space<vmem>>) target_semaphore(%run_scoped3A_725 : memref<!tpu.dma_semaphore, #tpu.memory_space<semaphore_mem>>)
          %dma_wait3A_732 = tpu.memref_slice %arg7[%mul3A_718] : memref<2560xi32, #tpu.memory_space<vmem>> -> memref<1280xi32, #tpu.memory_space<vmem>>
          %dma_wait3A_733 = tpu.memref_slice %arg3[%add3A, %mul3A_714] : memref<32x10240xi32, #tpu.memory_space<hbm>> -> memref<1x1280xi32, #tpu.memory_space<hbm>>
          %dma_wait3A_734 = tpu.memref_squeeze %dma_wait3A_733 : memref<1x1280xi32, #tpu.memory_space<hbm>> -> memref<1280xi32, #tpu.memory_space<hbm>>
          %dma_wait3A_735 = tpu.memref_slice %arg7[%mul3A_718] : memref<2560xi32, #tpu.memory_space<vmem>> -> memref<1280xi32, #tpu.memory_space<vmem>>
          %dma_wait3A_736 = tpu.memref_slice %arg3[%add3A, %mul3A_714] : memref<32x10240xi32, #tpu.memory_space<hbm>> -> memref<1x1280xi32, #tpu.memory_space<hbm>>
          %dma_wait3A_737 = tpu.memref_squeeze %dma_wait3A_736 : memref<1x1280xi32, #tpu.memory_space<hbm>> -> memref<1280xi32, #tpu.memory_space<hbm>>
          tpu.wait_dma2 semaphore(%run_scoped3A_725 : memref<!tpu.dma_semaphore, #tpu.memory_space<semaphore_mem>>) src(%dma_wait3A_737 : memref<1280xi32, #tpu.memory_space<hbm>>) dst(%dma_wait3A_735 : memref<1280xi32, #tpu.memory_space<vmem>>)
          tpu.yield
        }) : () -> ()
        %add3A_719 = arith.constant 1 : i32
        %add3A_720 = arith.addi %select_n3A_578, %add3A_719 : i32
        %mul3A_721 = arith.constant 16 : i32
        %mul3A_722 = arith.muli %add3A_720, %mul3A_721 : i32
        %sub3A_723 = arith.constant 1 : i32
        %sub3A_724 = arith.subi %sub3A_723, %rem3A_583 : i32
        "tpu.region"() ({
          %run_scoped3A_725 = tpu.sem_alloc : memref<!tpu.dma_semaphore, #tpu.memory_space<semaphore_mem>>
          %dma_start3A_726 = arith.constant 0 : i32
          %dma_start3A_727 = arith.constant 0 : i32
          %dma_start3A_728 = tpu.memref_slice %arg8[%sub3A_724, %dma_start3A_726, %dma_start3A_727] : memref<2x16x80xi32, #tpu.memory_space<vmem>> -> memref<1x16x80xi32, #tpu.memory_space<vmem>>
          %dma_start3A_729 = tpu.memref_squeeze %dma_start3A_728 : memref<1x16x80xi32, #tpu.memory_space<vmem>> -> memref<16x80xi32, #tpu.memory_space<vmem>>
          %dma_start3A_730 = arith.constant 0 : i32
          %dma_start3A_731 = tpu.memref_slice %arg4[%add3A, %mul3A_722, %dma_start3A_730] : memref<32x128x80xi32, #tpu.memory_space<hbm>> -> memref<1x16x80xi32, #tpu.memory_space<hbm>>
          %dma_start3A_732 = tpu.memref_squeeze %dma_start3A_731 : memref<1x16x80xi32, #tpu.memory_space<hbm>> -> memref<16x80xi32, #tpu.memory_space<hbm>>
          %dma_start3A_733 = arith.constant 0 : i32
          %dma_start3A_734 = arith.constant 0 : i32
          %dma_start3A_735 = tpu.memref_slice %arg8[%sub3A_724, %dma_start3A_733, %dma_start3A_734] : memref<2x16x80xi32, #tpu.memory_space<vmem>> -> memref<1x16x80xi32, #tpu.memory_space<vmem>>
          %dma_start3A_736 = tpu.memref_squeeze %dma_start3A_735 : memref<1x16x80xi32, #tpu.memory_space<vmem>> -> memref<16x80xi32, #tpu.memory_space<vmem>>
          %dma_start3A_737 = arith.constant 0 : i32
          %dma_start3A_738 = tpu.memref_slice %arg4[%add3A, %mul3A_722, %dma_start3A_737] : memref<32x128x80xi32, #tpu.memory_space<hbm>> -> memref<1x16x80xi32, #tpu.memory_space<hbm>>
          %dma_start3A_739 = tpu.memref_squeeze %dma_start3A_738 : memref<1x16x80xi32, #tpu.memory_space<hbm>> -> memref<16x80xi32, #tpu.memory_space<hbm>>
          tpu.enqueue_dma source(%dma_start3A_739 : memref<16x80xi32, #tpu.memory_space<hbm>>) target(%dma_start3A_736 : memref<16x80xi32, #tpu.memory_space<vmem>>) target_semaphore(%run_scoped3A_725 : memref<!tpu.dma_semaphore, #tpu.memory_space<semaphore_mem>>)
          %dma_wait3A_740 = arith.constant 0 : i32
          %dma_wait3A_741 = arith.constant 0 : i32
          %dma_wait3A_742 = tpu.memref_slice %arg8[%sub3A_724, %dma_wait3A_740, %dma_wait3A_741] : memref<2x16x80xi32, #tpu.memory_space<vmem>> -> memref<1x16x80xi32, #tpu.memory_space<vmem>>
          %dma_wait3A_743 = tpu.memref_squeeze %dma_wait3A_742 : memref<1x16x80xi32, #tpu.memory_space<vmem>> -> memref<16x80xi32, #tpu.memory_space<vmem>>
          %dma_wait3A_744 = arith.constant 0 : i32
          %dma_wait3A_745 = tpu.memref_slice %arg4[%add3A, %mul3A_722, %dma_wait3A_744] : memref<32x128x80xi32, #tpu.memory_space<hbm>> -> memref<1x16x80xi32, #tpu.memory_space<hbm>>
          %dma_wait3A_746 = tpu.memref_squeeze %dma_wait3A_745 : memref<1x16x80xi32, #tpu.memory_space<hbm>> -> memref<16x80xi32, #tpu.memory_space<hbm>>
          %dma_wait3A_747 = arith.constant 0 : i32
          %dma_wait3A_748 = arith.constant 0 : i32
          %dma_wait3A_749 = tpu.memref_slice %arg8[%sub3A_724, %dma_wait3A_747, %dma_wait3A_748] : memref<2x16x80xi32, #tpu.memory_space<vmem>> -> memref<1x16x80xi32, #tpu.memory_space<vmem>>
          %dma_wait3A_750 = tpu.memref_squeeze %dma_wait3A_749 : memref<1x16x80xi32, #tpu.memory_space<vmem>> -> memref<16x80xi32, #tpu.memory_space<vmem>>
          %dma_wait3A_751 = arith.constant 0 : i32
          %dma_wait3A_752 = tpu.memref_slice %arg4[%add3A, %mul3A_722, %dma_wait3A_751] : memref<32x128x80xi32, #tpu.memory_space<hbm>> -> memref<1x16x80xi32, #tpu.memory_space<hbm>>
          %dma_wait3A_753 = tpu.memref_squeeze %dma_wait3A_752 : memref<1x16x80xi32, #tpu.memory_space<hbm>> -> memref<16x80xi32, #tpu.memory_space<hbm>>
          tpu.wait_dma2 semaphore(%run_scoped3A_725 : memref<!tpu.dma_semaphore, #tpu.memory_space<semaphore_mem>>) src(%dma_wait3A_753 : memref<16x80xi32, #tpu.memory_space<hbm>>) dst(%dma_wait3A_750 : memref<16x80xi32, #tpu.memory_space<vmem>>)
          tpu.yield
        }) : () -> ()
      } else {
      }
      %ge3A_594 = arith.constant 2 : i32
      %ge3A_595 = arith.cmpi sge, %add3A_554, %ge3A_594 : i32
      %convert_element_type3A_596 = arith.extui %ge3A_595 : i1 to i32
      %cond3A_597 = arith.constant 0 : i32
      %cond3A_598 = arith.cmpi ne, %convert_element_type3A_596, %cond3A_597 : i32
      scf.if %cond3A_598 {
        %sub3A_711 = arith.constant 2 : i32
        %sub3A_712 = arith.subi %add3A_554, %sub3A_711 : i32
        %jit3A_713 = arith.constant 16 : i32
        %div3A_714 = arith.divsi %sub3A_712, %jit3A_713 : i32
        %sign3A_715 = arith.constant 0 : i32
        %sign3A_716 = arith.cmpi sgt, %sub3A_712, %sign3A_715 : i32
        %sign3A_717 = arith.extui %sign3A_716 : i1 to i32
        %sign3A_718 = arith.constant 0 : i32
        %sign3A_719 = arith.cmpi slt, %sub3A_712, %sign3A_718 : i32
        %sign3A_720 = arith.extui %sign3A_719 : i1 to i32
        %sign3A_721 = arith.subi %sign3A_717, %sign3A_720 : i32
        %sign3A_722 = arith.constant 0 : i32
        %sign3A_723 = arith.cmpi sgt, %jit3A_713, %sign3A_722 : i32
        %sign3A_724 = arith.extui %sign3A_723 : i1 to i32
        %sign3A_725 = arith.constant 0 : i32
        %sign3A_726 = arith.cmpi slt, %jit3A_713, %sign3A_725 : i32
        %sign3A_727 = arith.extui %sign3A_726 : i1 to i32
        %sign3A_728 = arith.subi %sign3A_724, %sign3A_727 : i32
        %ne3A_729 = arith.cmpi ne, %sign3A_721, %sign3A_728 : i32
        %rem3A_730 = arith.remsi %sub3A_712, %jit3A_713 : i32
        %ne3A_731 = arith.constant 0 : i32
        %ne3A_732 = arith.cmpi ne, %rem3A_730, %ne3A_731 : i32
        %and3A_733 = arith.andi %ne3A_729, %ne3A_732 : i1
        %sub3A_734 = arith.constant 1 : i32
        %sub3A_735 = arith.subi %div3A_714, %sub3A_734 : i32
        %select_n3A_736 = arith.select %and3A_733, %sub3A_735, %div3A_714 : i32
        %rem3A_737 = arith.constant 2 : i32
        %rem3A_738 = arith.remsi %select_n3A_736, %rem3A_737 : i32
        %mul3A_739 = arith.constant 16 : i32
        %mul3A_740 = arith.muli %select_n3A_736, %mul3A_739 : i32
        %sub3A_741 = arith.subi %sub3A_712, %mul3A_740 : i32
        %dma_wait3A_742 = arith.constant 0 : i32
        %dma_wait3A_743 = arith.constant 0 : i32
        %dma_wait3A_744 = arith.constant 0 : i32
        %dma_wait3A_745 = tpu.memref_slice %arg9[%dma_wait3A_742, %dma_wait3A_743, %dma_wait3A_744] : memref<4x80x128xf32, #tpu.memory_space<vmem>> -> memref<1x80x128xf32, #tpu.memory_space<vmem>>
        %dma_wait3A_746 = tpu.memref_squeeze %dma_wait3A_745 : memref<1x80x128xf32, #tpu.memory_space<vmem>> -> memref<80x128xf32, #tpu.memory_space<vmem>>
        %dma_wait3A_747 = arith.constant 0 : i32
        %dma_wait3A_748 = tpu.memref_slice %arg8[%rem3A_738, %sub3A_741, %dma_wait3A_747] : memref<2x16x80xi32, #tpu.memory_space<vmem>> -> memref<1x1x80xi32, #tpu.memory_space<vmem>>
        %dma_wait3A_749 = tpu.memref_squeeze %dma_wait3A_748 : memref<1x1x80xi32, #tpu.memory_space<vmem>> -> memref<80xi32, #tpu.memory_space<vmem>>
        %dma_wait3A_750 = arith.constant 0 : i32
        %dma_wait3A_751 = arith.constant 0 : i32
        %dma_wait3A_752 = tpu.memref_slice %arg10[%dma_wait3A_750, %dma_wait3A_751] : memref<10240x128xf32, #tpu.memory_space<vmem_shared>> -> memref<10240x128xf32, #tpu.memory_space<vmem_shared>>
        tpu.wait_indirect_dma semaphore(%arg15 : memref<!tpu.dma_semaphore, #tpu.memory_space<semaphore_mem>>) src(%dma_wait3A_746 : memref<80x128xf32, #tpu.memory_space<vmem>>) dst(%dma_wait3A_752 : memref<10240x128xf32, #tpu.memory_space<vmem_shared>>)
      } else {
      }
      %add3A_599 = arith.constant 2 : i32
      %add3A_600 = arith.addi %add3A_554, %add3A_599 : i32
      %lt3A_601 = arith.constant 128 : i32
      %lt3A_602 = arith.cmpi slt, %add3A_600, %lt3A_601 : i32
      %convert_element_type3A_603 = arith.extui %lt3A_602 : i1 to i32
      %cond3A_604 = arith.constant 0 : i32
      %cond3A_605 = arith.cmpi ne, %convert_element_type3A_603, %cond3A_604 : i32
      scf.if %cond3A_605 {
        %add3A_711 = arith.constant 2 : i32
        %add3A_712 = arith.addi %add3A_554, %add3A_711 : i32
        %jit3A_713 = arith.constant 16 : i32
        %div3A_714 = arith.divsi %add3A_712, %jit3A_713 : i32
        %sign3A_715 = arith.constant 0 : i32
        %sign3A_716 = arith.cmpi sgt, %add3A_712, %sign3A_715 : i32
        %sign3A_717 = arith.extui %sign3A_716 : i1 to i32
        %sign3A_718 = arith.constant 0 : i32
        %sign3A_719 = arith.cmpi slt, %add3A_712, %sign3A_718 : i32
        %sign3A_720 = arith.extui %sign3A_719 : i1 to i32
        %sign3A_721 = arith.subi %sign3A_717, %sign3A_720 : i32
        %sign3A_722 = arith.constant 0 : i32
        %sign3A_723 = arith.cmpi sgt, %jit3A_713, %sign3A_722 : i32
        %sign3A_724 = arith.extui %sign3A_723 : i1 to i32
        %sign3A_725 = arith.constant 0 : i32
        %sign3A_726 = arith.cmpi slt, %jit3A_713, %sign3A_725 : i32
        %sign3A_727 = arith.extui %sign3A_726 : i1 to i32
        %sign3A_728 = arith.subi %sign3A_724, %sign3A_727 : i32
        %ne3A_729 = arith.cmpi ne, %sign3A_721, %sign3A_728 : i32
        %rem3A_730 = arith.remsi %add3A_712, %jit3A_713 : i32
        %ne3A_731 = arith.constant 0 : i32
        %ne3A_732 = arith.cmpi ne, %rem3A_730, %ne3A_731 : i32
        %and3A_733 = arith.andi %ne3A_729, %ne3A_732 : i1
        %sub3A_734 = arith.constant 1 : i32
        %sub3A_735 = arith.subi %div3A_714, %sub3A_734 : i32
        %select_n3A_736 = arith.select %and3A_733, %sub3A_735, %div3A_714 : i32
        %rem3A_737 = arith.constant 2 : i32
        %rem3A_738 = arith.remsi %select_n3A_736, %rem3A_737 : i32
        %mul3A_739 = arith.constant 1280 : i32
        %mul3A_740 = arith.muli %rem3A_738, %mul3A_739 : i32
        %mul3A_741 = arith.constant 16 : i32
        %mul3A_742 = arith.muli %select_n3A_736, %mul3A_741 : i32
        %sub3A_743 = arith.subi %add3A_712, %mul3A_742 : i32
        %mul3A_744 = arith.constant 80 : i32
        %mul3A_745 = arith.muli %sub3A_743, %mul3A_744 : i32
        %add3A_746 = arith.addi %mul3A_740, %mul3A_745 : i32
        %dma_start3A_747 = arith.constant 0 : i32
        %dma_start3A_748 = arith.constant 0 : i32
        %dma_start3A_749 = arith.constant 0 : i32
        %dma_start3A_750 = tpu.memref_slice %arg9[%dma_start3A_747, %dma_start3A_748, %dma_start3A_749] : memref<4x80x128xf32, #tpu.memory_space<vmem>> -> memref<1x80x128xf32, #tpu.memory_space<vmem>>
        %dma_start3A_751 = tpu.memref_squeeze %dma_start3A_750 : memref<1x80x128xf32, #tpu.memory_space<vmem>> -> memref<80x128xf32, #tpu.memory_space<vmem>>
        %dma_start3A_752 = tpu.memref_slice %arg7[%add3A_746] : memref<2560xi32, #tpu.memory_space<vmem>> -> memref<80xi32, #tpu.memory_space<vmem>>
        %dma_start3A_753 = arith.constant 0 : i32
        %dma_start3A_754 = arith.constant 0 : i32
        %dma_start3A_755 = tpu.memref_slice %arg2[%dma_start3A_753, %dma_start3A_754] : memref<10000x128xf32, #tpu.memory_space<hbm>> -> memref<10000x128xf32, #tpu.memory_space<hbm>>
        tpu.enqueue_indirect_dma source(%dma_start3A_755 : memref<10000x128xf32, #tpu.memory_space<hbm>>) target(%dma_start3A_751 : memref<80x128xf32, #tpu.memory_space<vmem>>) offsets(%dma_start3A_752 : memref<80xi32, #tpu.memory_space<vmem>>) semaphore(%arg11 : memref<!tpu.dma_semaphore, #tpu.memory_space<semaphore_mem>>)
      } else {
      }
      %mul3A_606 = arith.constant 1280 : i32
      %mul3A_607 = arith.muli %rem3A_583, %mul3A_606 : i32
      %mul3A_608 = arith.constant 80 : i32
      %mul3A_609 = arith.muli %sub3A_581, %mul3A_608 : i32
      %add3A_610 = arith.addi %mul3A_607, %mul3A_609 : i32
      %dma_wait3A_611 = arith.constant 2 : i32
      %dma_wait3A_612 = arith.constant 0 : i32
      %dma_wait3A_613 = arith.constant 0 : i32
      %dma_wait3A_614 = tpu.memref_slice %arg9[%dma_wait3A_611, %dma_wait3A_612, %dma_wait3A_613] : memref<4x80x128xf32, #tpu.memory_space<vmem>> -> memref<1x80x128xf32, #tpu.memory_space<vmem>>
      %dma_wait3A_615 = tpu.memref_squeeze %dma_wait3A_614 : memref<1x80x128xf32, #tpu.memory_space<vmem>> -> memref<80x128xf32, #tpu.memory_space<vmem>>
      %dma_wait3A_616 = tpu.memref_slice %arg7[%add3A_610] : memref<2560xi32, #tpu.memory_space<vmem>> -> memref<80xi32, #tpu.memory_space<vmem>>
      %dma_wait3A_617 = arith.constant 0 : i32
      %dma_wait3A_618 = arith.constant 0 : i32
      %dma_wait3A_619 = tpu.memref_slice %arg2[%dma_wait3A_617, %dma_wait3A_618] : memref<10000x128xf32, #tpu.memory_space<hbm>> -> memref<10000x128xf32, #tpu.memory_space<hbm>>
      tpu.wait_indirect_dma semaphore(%arg13 : memref<!tpu.dma_semaphore, #tpu.memory_space<semaphore_mem>>) src(%dma_wait3A_619 : memref<10000x128xf32, #tpu.memory_space<hbm>>) dst(%dma_wait3A_615 : memref<80x128xf32, #tpu.memory_space<vmem>>)
      %dma_start3A_620 = arith.constant 2 : i32
      %dma_start3A_621 = arith.constant 0 : i32
      %dma_start3A_622 = arith.constant 0 : i32
      %dma_start3A_623 = tpu.memref_slice %arg9[%dma_start3A_620, %dma_start3A_621, %dma_start3A_622] : memref<4x80x128xf32, #tpu.memory_space<vmem>> -> memref<1x80x128xf32, #tpu.memory_space<vmem>>
      %dma_start3A_624 = tpu.memref_squeeze %dma_start3A_623 : memref<1x80x128xf32, #tpu.memory_space<vmem>> -> memref<80x128xf32, #tpu.memory_space<vmem>>
      %dma_start3A_625 = arith.constant 0 : i32
      %dma_start3A_626 = tpu.memref_slice %arg8[%rem3A_583, %sub3A_581, %dma_start3A_625] : memref<2x16x80xi32, #tpu.memory_space<vmem>> -> memref<1x1x80xi32, #tpu.memory_space<vmem>>
      %dma_start3A_627 = tpu.memref_squeeze %dma_start3A_626 : memref<1x1x80xi32, #tpu.memory_space<vmem>> -> memref<80xi32, #tpu.memory_space<vmem>>
      %dma_start3A_628 = arith.constant 0 : i32
      %dma_start3A_629 = arith.constant 0 : i32
      %dma_start3A_630 = tpu.memref_slice %arg10[%dma_start3A_628, %dma_start3A_629] : memref<10240x128xf32, #tpu.memory_space<vmem_shared>> -> memref<10240x128xf32, #tpu.memory_space<vmem_shared>>
      tpu.enqueue_indirect_dma source(%dma_start3A_624 : memref<80x128xf32, #tpu.memory_space<vmem>>) target(%dma_start3A_630 : memref<10240x128xf32, #tpu.memory_space<vmem_shared>>) offsets(%dma_start3A_627 : memref<80xi32, #tpu.memory_space<vmem>>) semaphore(%arg17 : memref<!tpu.dma_semaphore, #tpu.memory_space<semaphore_mem>>) {add = true}
      %mul3A_631 = arith.constant 4 : i32
      %mul3A_632 = arith.muli %scan3A_404, %mul3A_631 : i32
      %add3A_633 = arith.constant 3 : i32
      %add3A_634 = arith.addi %mul3A_632, %add3A_633 : i32
      %jit3A_635 = arith.constant 16 : i32
      %div3A_636 = arith.divsi %add3A_634, %jit3A_635 : i32
      %sign3A_637 = arith.constant 0 : i32
      %sign3A_638 = arith.cmpi sgt, %add3A_634, %sign3A_637 : i32
      %sign3A_639 = arith.extui %sign3A_638 : i1 to i32
      %sign3A_640 = arith.constant 0 : i32
      %sign3A_641 = arith.cmpi slt, %add3A_634, %sign3A_640 : i32
      %sign3A_642 = arith.extui %sign3A_641 : i1 to i32
      %sign3A_643 = arith.subi %sign3A_639, %sign3A_642 : i32
      %sign3A_644 = arith.constant 0 : i32
      %sign3A_645 = arith.cmpi sgt, %jit3A_635, %sign3A_644 : i32
      %sign3A_646 = arith.extui %sign3A_645 : i1 to i32
      %sign3A_647 = arith.constant 0 : i32
      %sign3A_648 = arith.cmpi slt, %jit3A_635, %sign3A_647 : i32
      %sign3A_649 = arith.extui %sign3A_648 : i1 to i32
      %sign3A_650 = arith.subi %sign3A_646, %sign3A_649 : i32
      %ne3A_651 = arith.cmpi ne, %sign3A_643, %sign3A_650 : i32
      %rem3A_652 = arith.remsi %add3A_634, %jit3A_635 : i32
      %ne3A_653 = arith.constant 0 : i32
      %ne3A_654 = arith.cmpi ne, %rem3A_652, %ne3A_653 : i32
      %and3A_655 = arith.andi %ne3A_651, %ne3A_654 : i1
      %sub3A_656 = arith.constant 1 : i32
      %sub3A_657 = arith.subi %div3A_636, %sub3A_656 : i32
      %select_n3A_658 = arith.select %and3A_655, %sub3A_657, %div3A_636 : i32
      %mul3A_659 = arith.constant 16 : i32
      %mul3A_660 = arith.muli %select_n3A_658, %mul3A_659 : i32
      %sub3A_661 = arith.subi %add3A_634, %mul3A_660 : i32
      %rem3A_662 = arith.constant 2 : i32
      %rem3A_663 = arith.remsi %select_n3A_658, %rem3A_662 : i32
      %eq3A_664 = arith.constant 8 : i32
      %eq3A_665 = arith.cmpi eq, %sub3A_661, %eq3A_664 : i32
      %add3A_666 = arith.constant 16 : i32
      %add3A_667 = arith.addi %add3A_634, %add3A_666 : i32
      %le3A_668 = arith.constant 128 : i32
      %le3A_669 = arith.cmpi sle, %add3A_667, %le3A_668 : i32
      %and3A_670 = arith.andi %eq3A_665, %le3A_669 : i1
      %convert_element_type3A_671 = arith.extui %and3A_670 : i1 to i32
      %cond3A_672 = arith.constant 0 : i32
      %cond3A_673 = arith.cmpi ne, %convert_element_type3A_671, %cond3A_672 : i32
      scf.if %cond3A_673 {
        %add3A_711 = arith.constant 1 : i32
        %add3A_712 = arith.addi %select_n3A_658, %add3A_711 : i32
        %mul3A_713 = arith.constant 1280 : i32
        %mul3A_714 = arith.muli %add3A_712, %mul3A_713 : i32
        %sub3A_715 = arith.constant 1 : i32
        %sub3A_716 = arith.subi %sub3A_715, %rem3A_663 : i32
        %mul3A_717 = arith.constant 1280 : i32
        %mul3A_718 = arith.muli %sub3A_716, %mul3A_717 : i32
        "tpu.region"() ({
          %run_scoped3A_725 = tpu.sem_alloc : memref<!tpu.dma_semaphore, #tpu.memory_space<semaphore_mem>>
          %dma_start3A_726 = tpu.memref_slice %arg7[%mul3A_718] : memref<2560xi32, #tpu.memory_space<vmem>> -> memref<1280xi32, #tpu.memory_space<vmem>>
          %dma_start3A_727 = tpu.memref_slice %arg3[%add3A, %mul3A_714] : memref<32x10240xi32, #tpu.memory_space<hbm>> -> memref<1x1280xi32, #tpu.memory_space<hbm>>
          %dma_start3A_728 = tpu.memref_squeeze %dma_start3A_727 : memref<1x1280xi32, #tpu.memory_space<hbm>> -> memref<1280xi32, #tpu.memory_space<hbm>>
          %dma_start3A_729 = tpu.memref_slice %arg7[%mul3A_718] : memref<2560xi32, #tpu.memory_space<vmem>> -> memref<1280xi32, #tpu.memory_space<vmem>>
          %dma_start3A_730 = tpu.memref_slice %arg3[%add3A, %mul3A_714] : memref<32x10240xi32, #tpu.memory_space<hbm>> -> memref<1x1280xi32, #tpu.memory_space<hbm>>
          %dma_start3A_731 = tpu.memref_squeeze %dma_start3A_730 : memref<1x1280xi32, #tpu.memory_space<hbm>> -> memref<1280xi32, #tpu.memory_space<hbm>>
          tpu.enqueue_dma source(%dma_start3A_731 : memref<1280xi32, #tpu.memory_space<hbm>>) target(%dma_start3A_729 : memref<1280xi32, #tpu.memory_space<vmem>>) target_semaphore(%run_scoped3A_725 : memref<!tpu.dma_semaphore, #tpu.memory_space<semaphore_mem>>)
          %dma_wait3A_732 = tpu.memref_slice %arg7[%mul3A_718] : memref<2560xi32, #tpu.memory_space<vmem>> -> memref<1280xi32, #tpu.memory_space<vmem>>
          %dma_wait3A_733 = tpu.memref_slice %arg3[%add3A, %mul3A_714] : memref<32x10240xi32, #tpu.memory_space<hbm>> -> memref<1x1280xi32, #tpu.memory_space<hbm>>
          %dma_wait3A_734 = tpu.memref_squeeze %dma_wait3A_733 : memref<1x1280xi32, #tpu.memory_space<hbm>> -> memref<1280xi32, #tpu.memory_space<hbm>>
          %dma_wait3A_735 = tpu.memref_slice %arg7[%mul3A_718] : memref<2560xi32, #tpu.memory_space<vmem>> -> memref<1280xi32, #tpu.memory_space<vmem>>
          %dma_wait3A_736 = tpu.memref_slice %arg3[%add3A, %mul3A_714] : memref<32x10240xi32, #tpu.memory_space<hbm>> -> memref<1x1280xi32, #tpu.memory_space<hbm>>
          %dma_wait3A_737 = tpu.memref_squeeze %dma_wait3A_736 : memref<1x1280xi32, #tpu.memory_space<hbm>> -> memref<1280xi32, #tpu.memory_space<hbm>>
          tpu.wait_dma2 semaphore(%run_scoped3A_725 : memref<!tpu.dma_semaphore, #tpu.memory_space<semaphore_mem>>) src(%dma_wait3A_737 : memref<1280xi32, #tpu.memory_space<hbm>>) dst(%dma_wait3A_735 : memref<1280xi32, #tpu.memory_space<vmem>>)
          tpu.yield
        }) : () -> ()
        %add3A_719 = arith.constant 1 : i32
        %add3A_720 = arith.addi %select_n3A_658, %add3A_719 : i32
        %mul3A_721 = arith.constant 16 : i32
        %mul3A_722 = arith.muli %add3A_720, %mul3A_721 : i32
        %sub3A_723 = arith.constant 1 : i32
        %sub3A_724 = arith.subi %sub3A_723, %rem3A_663 : i32
        "tpu.region"() ({
          %run_scoped3A_725 = tpu.sem_alloc : memref<!tpu.dma_semaphore, #tpu.memory_space<semaphore_mem>>
          %dma_start3A_726 = arith.constant 0 : i32
          %dma_start3A_727 = arith.constant 0 : i32
          %dma_start3A_728 = tpu.memref_slice %arg8[%sub3A_724, %dma_start3A_726, %dma_start3A_727] : memref<2x16x80xi32, #tpu.memory_space<vmem>> -> memref<1x16x80xi32, #tpu.memory_space<vmem>>
          %dma_start3A_729 = tpu.memref_squeeze %dma_start3A_728 : memref<1x16x80xi32, #tpu.memory_space<vmem>> -> memref<16x80xi32, #tpu.memory_space<vmem>>
          %dma_start3A_730 = arith.constant 0 : i32
          %dma_start3A_731 = tpu.memref_slice %arg4[%add3A, %mul3A_722, %dma_start3A_730] : memref<32x128x80xi32, #tpu.memory_space<hbm>> -> memref<1x16x80xi32, #tpu.memory_space<hbm>>
          %dma_start3A_732 = tpu.memref_squeeze %dma_start3A_731 : memref<1x16x80xi32, #tpu.memory_space<hbm>> -> memref<16x80xi32, #tpu.memory_space<hbm>>
          %dma_start3A_733 = arith.constant 0 : i32
          %dma_start3A_734 = arith.constant 0 : i32
          %dma_start3A_735 = tpu.memref_slice %arg8[%sub3A_724, %dma_start3A_733, %dma_start3A_734] : memref<2x16x80xi32, #tpu.memory_space<vmem>> -> memref<1x16x80xi32, #tpu.memory_space<vmem>>
          %dma_start3A_736 = tpu.memref_squeeze %dma_start3A_735 : memref<1x16x80xi32, #tpu.memory_space<vmem>> -> memref<16x80xi32, #tpu.memory_space<vmem>>
          %dma_start3A_737 = arith.constant 0 : i32
          %dma_start3A_738 = tpu.memref_slice %arg4[%add3A, %mul3A_722, %dma_start3A_737] : memref<32x128x80xi32, #tpu.memory_space<hbm>> -> memref<1x16x80xi32, #tpu.memory_space<hbm>>
          %dma_start3A_739 = tpu.memref_squeeze %dma_start3A_738 : memref<1x16x80xi32, #tpu.memory_space<hbm>> -> memref<16x80xi32, #tpu.memory_space<hbm>>
          tpu.enqueue_dma source(%dma_start3A_739 : memref<16x80xi32, #tpu.memory_space<hbm>>) target(%dma_start3A_736 : memref<16x80xi32, #tpu.memory_space<vmem>>) target_semaphore(%run_scoped3A_725 : memref<!tpu.dma_semaphore, #tpu.memory_space<semaphore_mem>>)
          %dma_wait3A_740 = arith.constant 0 : i32
          %dma_wait3A_741 = arith.constant 0 : i32
          %dma_wait3A_742 = tpu.memref_slice %arg8[%sub3A_724, %dma_wait3A_740, %dma_wait3A_741] : memref<2x16x80xi32, #tpu.memory_space<vmem>> -> memref<1x16x80xi32, #tpu.memory_space<vmem>>
          %dma_wait3A_743 = tpu.memref_squeeze %dma_wait3A_742 : memref<1x16x80xi32, #tpu.memory_space<vmem>> -> memref<16x80xi32, #tpu.memory_space<vmem>>
          %dma_wait3A_744 = arith.constant 0 : i32
          %dma_wait3A_745 = tpu.memref_slice %arg4[%add3A, %mul3A_722, %dma_wait3A_744] : memref<32x128x80xi32, #tpu.memory_space<hbm>> -> memref<1x16x80xi32, #tpu.memory_space<hbm>>
          %dma_wait3A_746 = tpu.memref_squeeze %dma_wait3A_745 : memref<1x16x80xi32, #tpu.memory_space<hbm>> -> memref<16x80xi32, #tpu.memory_space<hbm>>
          %dma_wait3A_747 = arith.constant 0 : i32
          %dma_wait3A_748 = arith.constant 0 : i32
          %dma_wait3A_749 = tpu.memref_slice %arg8[%sub3A_724, %dma_wait3A_747, %dma_wait3A_748] : memref<2x16x80xi32, #tpu.memory_space<vmem>> -> memref<1x16x80xi32, #tpu.memory_space<vmem>>
          %dma_wait3A_750 = tpu.memref_squeeze %dma_wait3A_749 : memref<1x16x80xi32, #tpu.memory_space<vmem>> -> memref<16x80xi32, #tpu.memory_space<vmem>>
          %dma_wait3A_751 = arith.constant 0 : i32
          %dma_wait3A_752 = tpu.memref_slice %arg4[%add3A, %mul3A_722, %dma_wait3A_751] : memref<32x128x80xi32, #tpu.memory_space<hbm>> -> memref<1x16x80xi32, #tpu.memory_space<hbm>>
          %dma_wait3A_753 = tpu.memref_squeeze %dma_wait3A_752 : memref<1x16x80xi32, #tpu.memory_space<hbm>> -> memref<16x80xi32, #tpu.memory_space<hbm>>
          tpu.wait_dma2 semaphore(%run_scoped3A_725 : memref<!tpu.dma_semaphore, #tpu.memory_space<semaphore_mem>>) src(%dma_wait3A_753 : memref<16x80xi32, #tpu.memory_space<hbm>>) dst(%dma_wait3A_750 : memref<16x80xi32, #tpu.memory_space<vmem>>)
          tpu.yield
        }) : () -> ()
      } else {
      }
      %ge3A_674 = arith.constant 2 : i32
      %ge3A_675 = arith.cmpi sge, %add3A_634, %ge3A_674 : i32
      %convert_element_type3A_676 = arith.extui %ge3A_675 : i1 to i32
      %cond3A_677 = arith.constant 0 : i32
      %cond3A_678 = arith.cmpi ne, %convert_element_type3A_676, %cond3A_677 : i32
      scf.if %cond3A_678 {
        %sub3A_711 = arith.constant 2 : i32
        %sub3A_712 = arith.subi %add3A_634, %sub3A_711 : i32
        %jit3A_713 = arith.constant 16 : i32
        %div3A_714 = arith.divsi %sub3A_712, %jit3A_713 : i32
        %sign3A_715 = arith.constant 0 : i32
        %sign3A_716 = arith.cmpi sgt, %sub3A_712, %sign3A_715 : i32
        %sign3A_717 = arith.extui %sign3A_716 : i1 to i32
        %sign3A_718 = arith.constant 0 : i32
        %sign3A_719 = arith.cmpi slt, %sub3A_712, %sign3A_718 : i32
        %sign3A_720 = arith.extui %sign3A_719 : i1 to i32
        %sign3A_721 = arith.subi %sign3A_717, %sign3A_720 : i32
        %sign3A_722 = arith.constant 0 : i32
        %sign3A_723 = arith.cmpi sgt, %jit3A_713, %sign3A_722 : i32
        %sign3A_724 = arith.extui %sign3A_723 : i1 to i32
        %sign3A_725 = arith.constant 0 : i32
        %sign3A_726 = arith.cmpi slt, %jit3A_713, %sign3A_725 : i32
        %sign3A_727 = arith.extui %sign3A_726 : i1 to i32
        %sign3A_728 = arith.subi %sign3A_724, %sign3A_727 : i32
        %ne3A_729 = arith.cmpi ne, %sign3A_721, %sign3A_728 : i32
        %rem3A_730 = arith.remsi %sub3A_712, %jit3A_713 : i32
        %ne3A_731 = arith.constant 0 : i32
        %ne3A_732 = arith.cmpi ne, %rem3A_730, %ne3A_731 : i32
        %and3A_733 = arith.andi %ne3A_729, %ne3A_732 : i1
        %sub3A_734 = arith.constant 1 : i32
        %sub3A_735 = arith.subi %div3A_714, %sub3A_734 : i32
        %select_n3A_736 = arith.select %and3A_733, %sub3A_735, %div3A_714 : i32
        %rem3A_737 = arith.constant 2 : i32
        %rem3A_738 = arith.remsi %select_n3A_736, %rem3A_737 : i32
        %mul3A_739 = arith.constant 16 : i32
        %mul3A_740 = arith.muli %select_n3A_736, %mul3A_739 : i32
        %sub3A_741 = arith.subi %sub3A_712, %mul3A_740 : i32
        %dma_wait3A_742 = arith.constant 1 : i32
        %dma_wait3A_743 = arith.constant 0 : i32
        %dma_wait3A_744 = arith.constant 0 : i32
        %dma_wait3A_745 = tpu.memref_slice %arg9[%dma_wait3A_742, %dma_wait3A_743, %dma_wait3A_744] : memref<4x80x128xf32, #tpu.memory_space<vmem>> -> memref<1x80x128xf32, #tpu.memory_space<vmem>>
        %dma_wait3A_746 = tpu.memref_squeeze %dma_wait3A_745 : memref<1x80x128xf32, #tpu.memory_space<vmem>> -> memref<80x128xf32, #tpu.memory_space<vmem>>
        %dma_wait3A_747 = arith.constant 0 : i32
        %dma_wait3A_748 = tpu.memref_slice %arg8[%rem3A_738, %sub3A_741, %dma_wait3A_747] : memref<2x16x80xi32, #tpu.memory_space<vmem>> -> memref<1x1x80xi32, #tpu.memory_space<vmem>>
        %dma_wait3A_749 = tpu.memref_squeeze %dma_wait3A_748 : memref<1x1x80xi32, #tpu.memory_space<vmem>> -> memref<80xi32, #tpu.memory_space<vmem>>
        %dma_wait3A_750 = arith.constant 0 : i32
        %dma_wait3A_751 = arith.constant 0 : i32
        %dma_wait3A_752 = tpu.memref_slice %arg10[%dma_wait3A_750, %dma_wait3A_751] : memref<10240x128xf32, #tpu.memory_space<vmem_shared>> -> memref<10240x128xf32, #tpu.memory_space<vmem_shared>>
        tpu.wait_indirect_dma semaphore(%arg16 : memref<!tpu.dma_semaphore, #tpu.memory_space<semaphore_mem>>) src(%dma_wait3A_746 : memref<80x128xf32, #tpu.memory_space<vmem>>) dst(%dma_wait3A_752 : memref<10240x128xf32, #tpu.memory_space<vmem_shared>>)
      } else {
      }
      %add3A_679 = arith.constant 2 : i32
      %add3A_680 = arith.addi %add3A_634, %add3A_679 : i32
      %lt3A_681 = arith.constant 128 : i32
      %lt3A_682 = arith.cmpi slt, %add3A_680, %lt3A_681 : i32
      %convert_element_type3A_683 = arith.extui %lt3A_682 : i1 to i32
      %cond3A_684 = arith.constant 0 : i32
      %cond3A_685 = arith.cmpi ne, %convert_element_type3A_683, %cond3A_684 : i32
      scf.if %cond3A_685 {
        %add3A_711 = arith.constant 2 : i32
        %add3A_712 = arith.addi %add3A_634, %add3A_711 : i32
        %jit3A_713 = arith.constant 16 : i32
        %div3A_714 = arith.divsi %add3A_712, %jit3A_713 : i32
        %sign3A_715 = arith.constant 0 : i32
        %sign3A_716 = arith.cmpi sgt, %add3A_712, %sign3A_715 : i32
        %sign3A_717 = arith.extui %sign3A_716 : i1 to i32
        %sign3A_718 = arith.constant 0 : i32
        %sign3A_719 = arith.cmpi slt, %add3A_712, %sign3A_718 : i32
        %sign3A_720 = arith.extui %sign3A_719 : i1 to i32
        %sign3A_721 = arith.subi %sign3A_717, %sign3A_720 : i32
        %sign3A_722 = arith.constant 0 : i32
        %sign3A_723 = arith.cmpi sgt, %jit3A_713, %sign3A_722 : i32
        %sign3A_724 = arith.extui %sign3A_723 : i1 to i32
        %sign3A_725 = arith.constant 0 : i32
        %sign3A_726 = arith.cmpi slt, %jit3A_713, %sign3A_725 : i32
        %sign3A_727 = arith.extui %sign3A_726 : i1 to i32
        %sign3A_728 = arith.subi %sign3A_724, %sign3A_727 : i32
        %ne3A_729 = arith.cmpi ne, %sign3A_721, %sign3A_728 : i32
        %rem3A_730 = arith.remsi %add3A_712, %jit3A_713 : i32
        %ne3A_731 = arith.constant 0 : i32
        %ne3A_732 = arith.cmpi ne, %rem3A_730, %ne3A_731 : i32
        %and3A_733 = arith.andi %ne3A_729, %ne3A_732 : i1
        %sub3A_734 = arith.constant 1 : i32
        %sub3A_735 = arith.subi %div3A_714, %sub3A_734 : i32
        %select_n3A_736 = arith.select %and3A_733, %sub3A_735, %div3A_714 : i32
        %rem3A_737 = arith.constant 2 : i32
        %rem3A_738 = arith.remsi %select_n3A_736, %rem3A_737 : i32
        %mul3A_739 = arith.constant 1280 : i32
        %mul3A_740 = arith.muli %rem3A_738, %mul3A_739 : i32
        %mul3A_741 = arith.constant 16 : i32
        %mul3A_742 = arith.muli %select_n3A_736, %mul3A_741 : i32
        %sub3A_743 = arith.subi %add3A_712, %mul3A_742 : i32
        %mul3A_744 = arith.constant 80 : i32
        %mul3A_745 = arith.muli %sub3A_743, %mul3A_744 : i32
        %add3A_746 = arith.addi %mul3A_740, %mul3A_745 : i32
        %dma_start3A_747 = arith.constant 1 : i32
        %dma_start3A_748 = arith.constant 0 : i32
        %dma_start3A_749 = arith.constant 0 : i32
        %dma_start3A_750 = tpu.memref_slice %arg9[%dma_start3A_747, %dma_start3A_748, %dma_start3A_749] : memref<4x80x128xf32, #tpu.memory_space<vmem>> -> memref<1x80x128xf32, #tpu.memory_space<vmem>>
        %dma_start3A_751 = tpu.memref_squeeze %dma_start3A_750 : memref<1x80x128xf32, #tpu.memory_space<vmem>> -> memref<80x128xf32, #tpu.memory_space<vmem>>
        %dma_start3A_752 = tpu.memref_slice %arg7[%add3A_746] : memref<2560xi32, #tpu.memory_space<vmem>> -> memref<80xi32, #tpu.memory_space<vmem>>
        %dma_start3A_753 = arith.constant 0 : i32
        %dma_start3A_754 = arith.constant 0 : i32
        %dma_start3A_755 = tpu.memref_slice %arg2[%dma_start3A_753, %dma_start3A_754] : memref<10000x128xf32, #tpu.memory_space<hbm>> -> memref<10000x128xf32, #tpu.memory_space<hbm>>
        tpu.enqueue_indirect_dma source(%dma_start3A_755 : memref<10000x128xf32, #tpu.memory_space<hbm>>) target(%dma_start3A_751 : memref<80x128xf32, #tpu.memory_space<vmem>>) offsets(%dma_start3A_752 : memref<80xi32, #tpu.memory_space<vmem>>) semaphore(%arg12 : memref<!tpu.dma_semaphore, #tpu.memory_space<semaphore_mem>>)
      } else {
      }
      %mul3A_686 = arith.constant 1280 : i32
      %mul3A_687 = arith.muli %rem3A_663, %mul3A_686 : i32
      %mul3A_688 = arith.constant 80 : i32
      %mul3A_689 = arith.muli %sub3A_661, %mul3A_688 : i32
      %add3A_690 = arith.addi %mul3A_687, %mul3A_689 : i32
      %dma_wait3A_691 = arith.constant 3 : i32
      %dma_wait3A_692 = arith.constant 0 : i32
      %dma_wait3A_693 = arith.constant 0 : i32
      %dma_wait3A_694 = tpu.memref_slice %arg9[%dma_wait3A_691, %dma_wait3A_692, %dma_wait3A_693] : memref<4x80x128xf32, #tpu.memory_space<vmem>> -> memref<1x80x128xf32, #tpu.memory_space<vmem>>
      %dma_wait3A_695 = tpu.memref_squeeze %dma_wait3A_694 : memref<1x80x128xf32, #tpu.memory_space<vmem>> -> memref<80x128xf32, #tpu.memory_space<vmem>>
      %dma_wait3A_696 = tpu.memref_slice %arg7[%add3A_690] : memref<2560xi32, #tpu.memory_space<vmem>> -> memref<80xi32, #tpu.memory_space<vmem>>
      %dma_wait3A_697 = arith.constant 0 : i32
      %dma_wait3A_698 = arith.constant 0 : i32
      %dma_wait3A_699 = tpu.memref_slice %arg2[%dma_wait3A_697, %dma_wait3A_698] : memref<10000x128xf32, #tpu.memory_space<hbm>> -> memref<10000x128xf32, #tpu.memory_space<hbm>>
      tpu.wait_indirect_dma semaphore(%arg14 : memref<!tpu.dma_semaphore, #tpu.memory_space<semaphore_mem>>) src(%dma_wait3A_699 : memref<10000x128xf32, #tpu.memory_space<hbm>>) dst(%dma_wait3A_695 : memref<80x128xf32, #tpu.memory_space<vmem>>)
      %dma_start3A_700 = arith.constant 3 : i32
      %dma_start3A_701 = arith.constant 0 : i32
      %dma_start3A_702 = arith.constant 0 : i32
      %dma_start3A_703 = tpu.memref_slice %arg9[%dma_start3A_700, %dma_start3A_701, %dma_start3A_702] : memref<4x80x128xf32, #tpu.memory_space<vmem>> -> memref<1x80x128xf32, #tpu.memory_space<vmem>>
      %dma_start3A_704 = tpu.memref_squeeze %dma_start3A_703 : memref<1x80x128xf32, #tpu.memory_space<vmem>> -> memref<80x128xf32, #tpu.memory_space<vmem>>
      %dma_start3A_705 = arith.constant 0 : i32
      %dma_start3A_706 = tpu.memref_slice %arg8[%rem3A_663, %sub3A_661, %dma_start3A_705] : memref<2x16x80xi32, #tpu.memory_space<vmem>> -> memref<1x1x80xi32, #tpu.memory_space<vmem>>
      %dma_start3A_707 = tpu.memref_squeeze %dma_start3A_706 : memref<1x1x80xi32, #tpu.memory_space<vmem>> -> memref<80xi32, #tpu.memory_space<vmem>>
      %dma_start3A_708 = arith.constant 0 : i32
      %dma_start3A_709 = arith.constant 0 : i32
      %dma_start3A_710 = tpu.memref_slice %arg10[%dma_start3A_708, %dma_start3A_709] : memref<10240x128xf32, #tpu.memory_space<vmem_shared>> -> memref<10240x128xf32, #tpu.memory_space<vmem_shared>>
      tpu.enqueue_indirect_dma source(%dma_start3A_704 : memref<80x128xf32, #tpu.memory_space<vmem>>) target(%dma_start3A_710 : memref<10240x128xf32, #tpu.memory_space<vmem_shared>>) offsets(%dma_start3A_707 : memref<80xi32, #tpu.memory_space<vmem>>) semaphore(%arg18 : memref<!tpu.dma_semaphore, #tpu.memory_space<semaphore_mem>>) {add = true}
    }
    %scan3A_65 = arith.constant 32 : i32
    %dma_wait3A = arith.constant 2 : i32
    %dma_wait3A_66 = arith.constant 1 : i32
    %dma_wait3A_67 = arith.constant 14 : i32
    %dma_wait3A_68 = arith.constant 0 : i32
    %dma_wait3A_69 = arith.constant 0 : i32
    %dma_wait3A_70 = tpu.memref_slice %arg9[%dma_wait3A, %dma_wait3A_68, %dma_wait3A_69] : memref<4x80x128xf32, #tpu.memory_space<vmem>> -> memref<1x80x128xf32, #tpu.memory_space<vmem>>
    %dma_wait3A_71 = tpu.memref_squeeze %dma_wait3A_70 : memref<1x80x128xf32, #tpu.memory_space<vmem>> -> memref<80x128xf32, #tpu.memory_space<vmem>>
    %dma_wait3A_72 = arith.constant 0 : i32
    %dma_wait3A_73 = tpu.memref_slice %arg8[%dma_wait3A_66, %dma_wait3A_67, %dma_wait3A_72] : memref<2x16x80xi32, #tpu.memory_space<vmem>> -> memref<1x1x80xi32, #tpu.memory_space<vmem>>
    %dma_wait3A_74 = tpu.memref_squeeze %dma_wait3A_73 : memref<1x1x80xi32, #tpu.memory_space<vmem>> -> memref<80xi32, #tpu.memory_space<vmem>>
    %dma_wait3A_75 = arith.constant 0 : i32
    %dma_wait3A_76 = arith.constant 0 : i32
    %dma_wait3A_77 = tpu.memref_slice %arg10[%dma_wait3A_75, %dma_wait3A_76] : memref<10240x128xf32, #tpu.memory_space<vmem_shared>> -> memref<10240x128xf32, #tpu.memory_space<vmem_shared>>
    tpu.wait_indirect_dma semaphore(%arg17 : memref<!tpu.dma_semaphore, #tpu.memory_space<semaphore_mem>>) src(%dma_wait3A_71 : memref<80x128xf32, #tpu.memory_space<vmem>>) dst(%dma_wait3A_77 : memref<10240x128xf32, #tpu.memory_space<vmem_shared>>)
    %dma_wait3A_78 = arith.constant 3 : i32
    %dma_wait3A_79 = arith.constant 1 : i32
    %dma_wait3A_80 = arith.constant 15 : i32
    %dma_wait3A_81 = arith.constant 0 : i32
    %dma_wait3A_82 = arith.constant 0 : i32
    %dma_wait3A_83 = tpu.memref_slice %arg9[%dma_wait3A_78, %dma_wait3A_81, %dma_wait3A_82] : memref<4x80x128xf32, #tpu.memory_space<vmem>> -> memref<1x80x128xf32, #tpu.memory_space<vmem>>
    %dma_wait3A_84 = tpu.memref_squeeze %dma_wait3A_83 : memref<1x80x128xf32, #tpu.memory_space<vmem>> -> memref<80x128xf32, #tpu.memory_space<vmem>>
    %dma_wait3A_85 = arith.constant 0 : i32
    %dma_wait3A_86 = tpu.memref_slice %arg8[%dma_wait3A_79, %dma_wait3A_80, %dma_wait3A_85] : memref<2x16x80xi32, #tpu.memory_space<vmem>> -> memref<1x1x80xi32, #tpu.memory_space<vmem>>
    %dma_wait3A_87 = tpu.memref_squeeze %dma_wait3A_86 : memref<1x1x80xi32, #tpu.memory_space<vmem>> -> memref<80xi32, #tpu.memory_space<vmem>>
    %dma_wait3A_88 = arith.constant 0 : i32
    %dma_wait3A_89 = arith.constant 0 : i32
    %dma_wait3A_90 = tpu.memref_slice %arg10[%dma_wait3A_88, %dma_wait3A_89] : memref<10240x128xf32, #tpu.memory_space<vmem_shared>> -> memref<10240x128xf32, #tpu.memory_space<vmem_shared>>
    tpu.wait_indirect_dma semaphore(%arg18 : memref<!tpu.dma_semaphore, #tpu.memory_space<semaphore_mem>>) src(%dma_wait3A_84 : memref<80x128xf32, #tpu.memory_space<vmem>>) dst(%dma_wait3A_90 : memref<10240x128xf32, #tpu.memory_space<vmem_shared>>)
    %barrier3A_91 = arith.constant 0 : index
    tpu.barrier barrier_id(%barrier3A_91)
    %mul3A_92 = arith.constant 640 : i32
    %mul3A_93 = arith.muli %arg1, %mul3A_92 : i32
    %add3A_94 = arith.constant 0 : i32
    %add3A_95 = arith.addi %mul3A_93, %add3A_94 : i32
    %run_scoped3A_96 = arith.constant 0 : i32
    "tpu.region"() ({
      %run_scoped3A_404 = tpu.sem_alloc : memref<!tpu.dma_semaphore, #tpu.memory_space<semaphore_mem>>
      %dma_start3A_405 = arith.constant 0 : i32
      %dma_start3A_406 = arith.constant 0 : i32
      %dma_start3A_407 = tpu.memref_slice %arg9[%run_scoped3A_96, %dma_start3A_405, %dma_start3A_406] : memref<4x80x128xf32, #tpu.memory_space<vmem>> -> memref<1x80x128xf32, #tpu.memory_space<vmem>>
      %dma_start3A_408 = tpu.memref_squeeze %dma_start3A_407 : memref<1x80x128xf32, #tpu.memory_space<vmem>> -> memref<80x128xf32, #tpu.memory_space<vmem>>
      %dma_start3A_409 = arith.constant 0 : i32
      %dma_start3A_410 = tpu.memref_slice %arg10[%add3A_95, %dma_start3A_409] : memref<10240x128xf32, #tpu.memory_space<vmem_shared>> -> memref<80x128xf32, #tpu.memory_space<vmem_shared>>
      %dma_start3A_411 = arith.constant 0 : i32
      %dma_start3A_412 = arith.constant 0 : i32
      %dma_start3A_413 = tpu.memref_slice %arg9[%run_scoped3A_96, %dma_start3A_411, %dma_start3A_412] : memref<4x80x128xf32, #tpu.memory_space<vmem>> -> memref<1x80x128xf32, #tpu.memory_space<vmem>>
      %dma_start3A_414 = tpu.memref_squeeze %dma_start3A_413 : memref<1x80x128xf32, #tpu.memory_space<vmem>> -> memref<80x128xf32, #tpu.memory_space<vmem>>
      %dma_start3A_415 = arith.constant 0 : i32
      %dma_start3A_416 = tpu.memref_slice %arg10[%add3A_95, %dma_start3A_415] : memref<10240x128xf32, #tpu.memory_space<vmem_shared>> -> memref<80x128xf32, #tpu.memory_space<vmem_shared>>
      tpu.enqueue_dma source(%dma_start3A_416 : memref<80x128xf32, #tpu.memory_space<vmem_shared>>) target(%dma_start3A_414 : memref<80x128xf32, #tpu.memory_space<vmem>>) target_semaphore(%run_scoped3A_404 : memref<!tpu.dma_semaphore, #tpu.memory_space<semaphore_mem>>)
      %dma_wait3A_417 = arith.constant 0 : i32
      %dma_wait3A_418 = arith.constant 0 : i32
      %dma_wait3A_419 = tpu.memref_slice %arg9[%run_scoped3A_96, %dma_wait3A_417, %dma_wait3A_418] : memref<4x80x128xf32, #tpu.memory_space<vmem>> -> memref<1x80x128xf32, #tpu.memory_space<vmem>>
      %dma_wait3A_420 = tpu.memref_squeeze %dma_wait3A_419 : memref<1x80x128xf32, #tpu.memory_space<vmem>> -> memref<80x128xf32, #tpu.memory_space<vmem>>
      %dma_wait3A_421 = arith.constant 0 : i32
      %dma_wait3A_422 = tpu.memref_slice %arg10[%add3A_95, %dma_wait3A_421] : memref<10240x128xf32, #tpu.memory_space<vmem_shared>> -> memref<80x128xf32, #tpu.memory_space<vmem_shared>>
      %dma_wait3A_423 = arith.constant 0 : i32
      %dma_wait3A_424 = arith.constant 0 : i32
      %dma_wait3A_425 = tpu.memref_slice %arg9[%run_scoped3A_96, %dma_wait3A_423, %dma_wait3A_424] : memref<4x80x128xf32, #tpu.memory_space<vmem>> -> memref<1x80x128xf32, #tpu.memory_space<vmem>>
      %dma_wait3A_426 = tpu.memref_squeeze %dma_wait3A_425 : memref<1x80x128xf32, #tpu.memory_space<vmem>> -> memref<80x128xf32, #tpu.memory_space<vmem>>
      %dma_wait3A_427 = arith.constant 0 : i32
      %dma_wait3A_428 = tpu.memref_slice %arg10[%add3A_95, %dma_wait3A_427] : memref<10240x128xf32, #tpu.memory_space<vmem_shared>> -> memref<80x128xf32, #tpu.memory_space<vmem_shared>>
      tpu.wait_dma2 semaphore(%run_scoped3A_404 : memref<!tpu.dma_semaphore, #tpu.memory_space<semaphore_mem>>) src(%dma_wait3A_428 : memref<80x128xf32, #tpu.memory_space<vmem_shared>>) dst(%dma_wait3A_426 : memref<80x128xf32, #tpu.memory_space<vmem>>)
      tpu.yield
    }) : () -> ()
    %dma_start3A_97 = arith.constant 0 : i32
    %dma_start3A_98 = arith.constant 0 : i32
    %dma_start3A_99 = arith.constant 0 : i32
    %dma_start3A_100 = tpu.memref_slice %arg9[%dma_start3A_97, %dma_start3A_98, %dma_start3A_99] : memref<4x80x128xf32, #tpu.memory_space<vmem>> -> memref<1x80x128xf32, #tpu.memory_space<vmem>>
    %dma_start3A_101 = tpu.memref_squeeze %dma_start3A_100 : memref<1x80x128xf32, #tpu.memory_space<vmem>> -> memref<80x128xf32, #tpu.memory_space<vmem>>
    %dma_start3A_102 = arith.constant 0 : i32
    %dma_start3A_103 = tpu.memref_slice %arg6[%arg0, %add3A_95, %dma_start3A_102] : memref<2x10240x128xf32, #tpu.memory_space<hbm>> -> memref<1x80x128xf32, #tpu.memory_space<hbm>>
    %dma_start3A_104 = tpu.memref_squeeze %dma_start3A_103 : memref<1x80x128xf32, #tpu.memory_space<hbm>> -> memref<80x128xf32, #tpu.memory_space<hbm>>
    %dma_start3A_105 = arith.constant 0 : i32
    %dma_start3A_106 = tpu.memref_slice %arg6[%arg0, %add3A_95, %dma_start3A_105] : memref<2x10240x128xf32, #tpu.memory_space<hbm>> -> memref<1x80x128xf32, #tpu.memory_space<hbm>>
    %dma_start3A_107 = tpu.memref_squeeze %dma_start3A_106 : memref<1x80x128xf32, #tpu.memory_space<hbm>> -> memref<80x128xf32, #tpu.memory_space<hbm>>
    %dma_start3A_108 = arith.constant 0 : i32
    %dma_start3A_109 = arith.constant 0 : i32
    %dma_start3A_110 = tpu.memref_slice %arg9[%dma_start3A_97, %dma_start3A_108, %dma_start3A_109] : memref<4x80x128xf32, #tpu.memory_space<vmem>> -> memref<1x80x128xf32, #tpu.memory_space<vmem>>
    %dma_start3A_111 = tpu.memref_squeeze %dma_start3A_110 : memref<1x80x128xf32, #tpu.memory_space<vmem>> -> memref<80x128xf32, #tpu.memory_space<vmem>>
    tpu.enqueue_dma source(%dma_start3A_111 : memref<80x128xf32, #tpu.memory_space<vmem>>) target(%dma_start3A_107 : memref<80x128xf32, #tpu.memory_space<hbm>>) target_semaphore(%arg11 : memref<!tpu.dma_semaphore, #tpu.memory_space<semaphore_mem>>)
    %mul3A_112 = arith.constant 640 : i32
    %mul3A_113 = arith.muli %arg1, %mul3A_112 : i32
    %add3A_114 = arith.constant 80 : i32
    %add3A_115 = arith.addi %mul3A_113, %add3A_114 : i32
    %run_scoped3A_116 = arith.constant 1 : i32
    "tpu.region"() ({
      %run_scoped3A_404 = tpu.sem_alloc : memref<!tpu.dma_semaphore, #tpu.memory_space<semaphore_mem>>
      %dma_start3A_405 = arith.constant 0 : i32
      %dma_start3A_406 = arith.constant 0 : i32
      %dma_start3A_407 = tpu.memref_slice %arg9[%run_scoped3A_116, %dma_start3A_405, %dma_start3A_406] : memref<4x80x128xf32, #tpu.memory_space<vmem>> -> memref<1x80x128xf32, #tpu.memory_space<vmem>>
      %dma_start3A_408 = tpu.memref_squeeze %dma_start3A_407 : memref<1x80x128xf32, #tpu.memory_space<vmem>> -> memref<80x128xf32, #tpu.memory_space<vmem>>
      %dma_start3A_409 = arith.constant 0 : i32
      %dma_start3A_410 = tpu.memref_slice %arg10[%add3A_115, %dma_start3A_409] : memref<10240x128xf32, #tpu.memory_space<vmem_shared>> -> memref<80x128xf32, #tpu.memory_space<vmem_shared>>
      %dma_start3A_411 = arith.constant 0 : i32
      %dma_start3A_412 = arith.constant 0 : i32
      %dma_start3A_413 = tpu.memref_slice %arg9[%run_scoped3A_116, %dma_start3A_411, %dma_start3A_412] : memref<4x80x128xf32, #tpu.memory_space<vmem>> -> memref<1x80x128xf32, #tpu.memory_space<vmem>>
      %dma_start3A_414 = tpu.memref_squeeze %dma_start3A_413 : memref<1x80x128xf32, #tpu.memory_space<vmem>> -> memref<80x128xf32, #tpu.memory_space<vmem>>
      %dma_start3A_415 = arith.constant 0 : i32
      %dma_start3A_416 = tpu.memref_slice %arg10[%add3A_115, %dma_start3A_415] : memref<10240x128xf32, #tpu.memory_space<vmem_shared>> -> memref<80x128xf32, #tpu.memory_space<vmem_shared>>
      tpu.enqueue_dma source(%dma_start3A_416 : memref<80x128xf32, #tpu.memory_space<vmem_shared>>) target(%dma_start3A_414 : memref<80x128xf32, #tpu.memory_space<vmem>>) target_semaphore(%run_scoped3A_404 : memref<!tpu.dma_semaphore, #tpu.memory_space<semaphore_mem>>)
      %dma_wait3A_417 = arith.constant 0 : i32
      %dma_wait3A_418 = arith.constant 0 : i32
      %dma_wait3A_419 = tpu.memref_slice %arg9[%run_scoped3A_116, %dma_wait3A_417, %dma_wait3A_418] : memref<4x80x128xf32, #tpu.memory_space<vmem>> -> memref<1x80x128xf32, #tpu.memory_space<vmem>>
      %dma_wait3A_420 = tpu.memref_squeeze %dma_wait3A_419 : memref<1x80x128xf32, #tpu.memory_space<vmem>> -> memref<80x128xf32, #tpu.memory_space<vmem>>
      %dma_wait3A_421 = arith.constant 0 : i32
      %dma_wait3A_422 = tpu.memref_slice %arg10[%add3A_115, %dma_wait3A_421] : memref<10240x128xf32, #tpu.memory_space<vmem_shared>> -> memref<80x128xf32, #tpu.memory_space<vmem_shared>>
      %dma_wait3A_423 = arith.constant 0 : i32
      %dma_wait3A_424 = arith.constant 0 : i32
      %dma_wait3A_425 = tpu.memref_slice %arg9[%run_scoped3A_116, %dma_wait3A_423, %dma_wait3A_424] : memref<4x80x128xf32, #tpu.memory_space<vmem>> -> memref<1x80x128xf32, #tpu.memory_space<vmem>>
      %dma_wait3A_426 = tpu.memref_squeeze %dma_wait3A_425 : memref<1x80x128xf32, #tpu.memory_space<vmem>> -> memref<80x128xf32, #tpu.memory_space<vmem>>
      %dma_wait3A_427 = arith.constant 0 : i32
      %dma_wait3A_428 = tpu.memref_slice %arg10[%add3A_115, %dma_wait3A_427] : memref<10240x128xf32, #tpu.memory_space<vmem_shared>> -> memref<80x128xf32, #tpu.memory_space<vmem_shared>>
      tpu.wait_dma2 semaphore(%run_scoped3A_404 : memref<!tpu.dma_semaphore, #tpu.memory_space<semaphore_mem>>) src(%dma_wait3A_428 : memref<80x128xf32, #tpu.memory_space<vmem_shared>>) dst(%dma_wait3A_426 : memref<80x128xf32, #tpu.memory_space<vmem>>)
      tpu.yield
    }) : () -> ()
    %dma_start3A_117 = arith.constant 1 : i32
    %dma_start3A_118 = arith.constant 0 : i32
    %dma_start3A_119 = arith.constant 0 : i32
    %dma_start3A_120 = tpu.memref_slice %arg9[%dma_start3A_117, %dma_start3A_118, %dma_start3A_119] : memref<4x80x128xf32, #tpu.memory_space<vmem>> -> memref<1x80x128xf32, #tpu.memory_space<vmem>>
    %dma_start3A_121 = tpu.memref_squeeze %dma_start3A_120 : memref<1x80x128xf32, #tpu.memory_space<vmem>> -> memref<80x128xf32, #tpu.memory_space<vmem>>
    %dma_start3A_122 = arith.constant 0 : i32
    %dma_start3A_123 = tpu.memref_slice %arg6[%arg0, %add3A_115, %dma_start3A_122] : memref<2x10240x128xf32, #tpu.memory_space<hbm>> -> memref<1x80x128xf32, #tpu.memory_space<hbm>>
    %dma_start3A_124 = tpu.memref_squeeze %dma_start3A_123 : memref<1x80x128xf32, #tpu.memory_space<hbm>> -> memref<80x128xf32, #tpu.memory_space<hbm>>
    %dma_start3A_125 = arith.constant 0 : i32
    %dma_start3A_126 = tpu.memref_slice %arg6[%arg0, %add3A_115, %dma_start3A_125] : memref<2x10240x128xf32, #tpu.memory_space<hbm>> -> memref<1x80x128xf32, #tpu.memory_space<hbm>>
    %dma_start3A_127 = tpu.memref_squeeze %dma_start3A_126 : memref<1x80x128xf32, #tpu.memory_space<hbm>> -> memref<80x128xf32, #tpu.memory_space<hbm>>
    %dma_start3A_128 = arith.constant 0 : i32
    %dma_start3A_129 = arith.constant 0 : i32
    %dma_start3A_130 = tpu.memref_slice %arg9[%dma_start3A_117, %dma_start3A_128, %dma_start3A_129] : memref<4x80x128xf32, #tpu.memory_space<vmem>> -> memref<1x80x128xf32, #tpu.memory_space<vmem>>
    %dma_start3A_131 = tpu.memref_squeeze %dma_start3A_130 : memref<1x80x128xf32, #tpu.memory_space<vmem>> -> memref<80x128xf32, #tpu.memory_space<vmem>>
    tpu.enqueue_dma source(%dma_start3A_131 : memref<80x128xf32, #tpu.memory_space<vmem>>) target(%dma_start3A_127 : memref<80x128xf32, #tpu.memory_space<hbm>>) target_semaphore(%arg12 : memref<!tpu.dma_semaphore, #tpu.memory_space<semaphore_mem>>)
    %mul3A_132 = arith.constant 640 : i32
    %mul3A_133 = arith.muli %arg1, %mul3A_132 : i32
    %add3A_134 = arith.constant 160 : i32
    %add3A_135 = arith.addi %mul3A_133, %add3A_134 : i32
    %run_scoped3A_136 = arith.constant 2 : i32
    "tpu.region"() ({
      %run_scoped3A_404 = tpu.sem_alloc : memref<!tpu.dma_semaphore, #tpu.memory_space<semaphore_mem>>
      %dma_start3A_405 = arith.constant 0 : i32
      %dma_start3A_406 = arith.constant 0 : i32
      %dma_start3A_407 = tpu.memref_slice %arg9[%run_scoped3A_136, %dma_start3A_405, %dma_start3A_406] : memref<4x80x128xf32, #tpu.memory_space<vmem>> -> memref<1x80x128xf32, #tpu.memory_space<vmem>>
      %dma_start3A_408 = tpu.memref_squeeze %dma_start3A_407 : memref<1x80x128xf32, #tpu.memory_space<vmem>> -> memref<80x128xf32, #tpu.memory_space<vmem>>
      %dma_start3A_409 = arith.constant 0 : i32
      %dma_start3A_410 = tpu.memref_slice %arg10[%add3A_135, %dma_start3A_409] : memref<10240x128xf32, #tpu.memory_space<vmem_shared>> -> memref<80x128xf32, #tpu.memory_space<vmem_shared>>
      %dma_start3A_411 = arith.constant 0 : i32
      %dma_start3A_412 = arith.constant 0 : i32
      %dma_start3A_413 = tpu.memref_slice %arg9[%run_scoped3A_136, %dma_start3A_411, %dma_start3A_412] : memref<4x80x128xf32, #tpu.memory_space<vmem>> -> memref<1x80x128xf32, #tpu.memory_space<vmem>>
      %dma_start3A_414 = tpu.memref_squeeze %dma_start3A_413 : memref<1x80x128xf32, #tpu.memory_space<vmem>> -> memref<80x128xf32, #tpu.memory_space<vmem>>
      %dma_start3A_415 = arith.constant 0 : i32
      %dma_start3A_416 = tpu.memref_slice %arg10[%add3A_135, %dma_start3A_415] : memref<10240x128xf32, #tpu.memory_space<vmem_shared>> -> memref<80x128xf32, #tpu.memory_space<vmem_shared>>
      tpu.enqueue_dma source(%dma_start3A_416 : memref<80x128xf32, #tpu.memory_space<vmem_shared>>) target(%dma_start3A_414 : memref<80x128xf32, #tpu.memory_space<vmem>>) target_semaphore(%run_scoped3A_404 : memref<!tpu.dma_semaphore, #tpu.memory_space<semaphore_mem>>)
      %dma_wait3A_417 = arith.constant 0 : i32
      %dma_wait3A_418 = arith.constant 0 : i32
      %dma_wait3A_419 = tpu.memref_slice %arg9[%run_scoped3A_136, %dma_wait3A_417, %dma_wait3A_418] : memref<4x80x128xf32, #tpu.memory_space<vmem>> -> memref<1x80x128xf32, #tpu.memory_space<vmem>>
      %dma_wait3A_420 = tpu.memref_squeeze %dma_wait3A_419 : memref<1x80x128xf32, #tpu.memory_space<vmem>> -> memref<80x128xf32, #tpu.memory_space<vmem>>
      %dma_wait3A_421 = arith.constant 0 : i32
      %dma_wait3A_422 = tpu.memref_slice %arg10[%add3A_135, %dma_wait3A_421] : memref<10240x128xf32, #tpu.memory_space<vmem_shared>> -> memref<80x128xf32, #tpu.memory_space<vmem_shared>>
      %dma_wait3A_423 = arith.constant 0 : i32
      %dma_wait3A_424 = arith.constant 0 : i32
      %dma_wait3A_425 = tpu.memref_slice %arg9[%run_scoped3A_136, %dma_wait3A_423, %dma_wait3A_424] : memref<4x80x128xf32, #tpu.memory_space<vmem>> -> memref<1x80x128xf32, #tpu.memory_space<vmem>>
      %dma_wait3A_426 = tpu.memref_squeeze %dma_wait3A_425 : memref<1x80x128xf32, #tpu.memory_space<vmem>> -> memref<80x128xf32, #tpu.memory_space<vmem>>
      %dma_wait3A_427 = arith.constant 0 : i32
      %dma_wait3A_428 = tpu.memref_slice %arg10[%add3A_135, %dma_wait3A_427] : memref<10240x128xf32, #tpu.memory_space<vmem_shared>> -> memref<80x128xf32, #tpu.memory_space<vmem_shared>>
      tpu.wait_dma2 semaphore(%run_scoped3A_404 : memref<!tpu.dma_semaphore, #tpu.memory_space<semaphore_mem>>) src(%dma_wait3A_428 : memref<80x128xf32, #tpu.memory_space<vmem_shared>>) dst(%dma_wait3A_426 : memref<80x128xf32, #tpu.memory_space<vmem>>)
      tpu.yield
    }) : () -> ()
    %dma_start3A_137 = arith.constant 2 : i32
    %dma_start3A_138 = arith.constant 0 : i32
    %dma_start3A_139 = arith.constant 0 : i32
    %dma_start3A_140 = tpu.memref_slice %arg9[%dma_start3A_137, %dma_start3A_138, %dma_start3A_139] : memref<4x80x128xf32, #tpu.memory_space<vmem>> -> memref<1x80x128xf32, #tpu.memory_space<vmem>>
    %dma_start3A_141 = tpu.memref_squeeze %dma_start3A_140 : memref<1x80x128xf32, #tpu.memory_space<vmem>> -> memref<80x128xf32, #tpu.memory_space<vmem>>
    %dma_start3A_142 = arith.constant 0 : i32
    %dma_start3A_143 = tpu.memref_slice %arg6[%arg0, %add3A_135, %dma_start3A_142] : memref<2x10240x128xf32, #tpu.memory_space<hbm>> -> memref<1x80x128xf32, #tpu.memory_space<hbm>>
    %dma_start3A_144 = tpu.memref_squeeze %dma_start3A_143 : memref<1x80x128xf32, #tpu.memory_space<hbm>> -> memref<80x128xf32, #tpu.memory_space<hbm>>
    %dma_start3A_145 = arith.constant 0 : i32
    %dma_start3A_146 = tpu.memref_slice %arg6[%arg0, %add3A_135, %dma_start3A_145] : memref<2x10240x128xf32, #tpu.memory_space<hbm>> -> memref<1x80x128xf32, #tpu.memory_space<hbm>>
    %dma_start3A_147 = tpu.memref_squeeze %dma_start3A_146 : memref<1x80x128xf32, #tpu.memory_space<hbm>> -> memref<80x128xf32, #tpu.memory_space<hbm>>
    %dma_start3A_148 = arith.constant 0 : i32
    %dma_start3A_149 = arith.constant 0 : i32
    %dma_start3A_150 = tpu.memref_slice %arg9[%dma_start3A_137, %dma_start3A_148, %dma_start3A_149] : memref<4x80x128xf32, #tpu.memory_space<vmem>> -> memref<1x80x128xf32, #tpu.memory_space<vmem>>
    %dma_start3A_151 = tpu.memref_squeeze %dma_start3A_150 : memref<1x80x128xf32, #tpu.memory_space<vmem>> -> memref<80x128xf32, #tpu.memory_space<vmem>>
    tpu.enqueue_dma source(%dma_start3A_151 : memref<80x128xf32, #tpu.memory_space<vmem>>) target(%dma_start3A_147 : memref<80x128xf32, #tpu.memory_space<hbm>>) target_semaphore(%arg13 : memref<!tpu.dma_semaphore, #tpu.memory_space<semaphore_mem>>)
    %mul3A_152 = arith.constant 640 : i32
    %mul3A_153 = arith.muli %arg1, %mul3A_152 : i32
    %add3A_154 = arith.constant 240 : i32
    %add3A_155 = arith.addi %mul3A_153, %add3A_154 : i32
    %run_scoped3A_156 = arith.constant 3 : i32
    "tpu.region"() ({
      %run_scoped3A_404 = tpu.sem_alloc : memref<!tpu.dma_semaphore, #tpu.memory_space<semaphore_mem>>
      %dma_start3A_405 = arith.constant 0 : i32
      %dma_start3A_406 = arith.constant 0 : i32
      %dma_start3A_407 = tpu.memref_slice %arg9[%run_scoped3A_156, %dma_start3A_405, %dma_start3A_406] : memref<4x80x128xf32, #tpu.memory_space<vmem>> -> memref<1x80x128xf32, #tpu.memory_space<vmem>>
      %dma_start3A_408 = tpu.memref_squeeze %dma_start3A_407 : memref<1x80x128xf32, #tpu.memory_space<vmem>> -> memref<80x128xf32, #tpu.memory_space<vmem>>
      %dma_start3A_409 = arith.constant 0 : i32
      %dma_start3A_410 = tpu.memref_slice %arg10[%add3A_155, %dma_start3A_409] : memref<10240x128xf32, #tpu.memory_space<vmem_shared>> -> memref<80x128xf32, #tpu.memory_space<vmem_shared>>
      %dma_start3A_411 = arith.constant 0 : i32
      %dma_start3A_412 = arith.constant 0 : i32
      %dma_start3A_413 = tpu.memref_slice %arg9[%run_scoped3A_156, %dma_start3A_411, %dma_start3A_412] : memref<4x80x128xf32, #tpu.memory_space<vmem>> -> memref<1x80x128xf32, #tpu.memory_space<vmem>>
      %dma_start3A_414 = tpu.memref_squeeze %dma_start3A_413 : memref<1x80x128xf32, #tpu.memory_space<vmem>> -> memref<80x128xf32, #tpu.memory_space<vmem>>
      %dma_start3A_415 = arith.constant 0 : i32
      %dma_start3A_416 = tpu.memref_slice %arg10[%add3A_155, %dma_start3A_415] : memref<10240x128xf32, #tpu.memory_space<vmem_shared>> -> memref<80x128xf32, #tpu.memory_space<vmem_shared>>
      tpu.enqueue_dma source(%dma_start3A_416 : memref<80x128xf32, #tpu.memory_space<vmem_shared>>) target(%dma_start3A_414 : memref<80x128xf32, #tpu.memory_space<vmem>>) target_semaphore(%run_scoped3A_404 : memref<!tpu.dma_semaphore, #tpu.memory_space<semaphore_mem>>)
      %dma_wait3A_417 = arith.constant 0 : i32
      %dma_wait3A_418 = arith.constant 0 : i32
      %dma_wait3A_419 = tpu.memref_slice %arg9[%run_scoped3A_156, %dma_wait3A_417, %dma_wait3A_418] : memref<4x80x128xf32, #tpu.memory_space<vmem>> -> memref<1x80x128xf32, #tpu.memory_space<vmem>>
      %dma_wait3A_420 = tpu.memref_squeeze %dma_wait3A_419 : memref<1x80x128xf32, #tpu.memory_space<vmem>> -> memref<80x128xf32, #tpu.memory_space<vmem>>
      %dma_wait3A_421 = arith.constant 0 : i32
      %dma_wait3A_422 = tpu.memref_slice %arg10[%add3A_155, %dma_wait3A_421] : memref<10240x128xf32, #tpu.memory_space<vmem_shared>> -> memref<80x128xf32, #tpu.memory_space<vmem_shared>>
      %dma_wait3A_423 = arith.constant 0 : i32
      %dma_wait3A_424 = arith.constant 0 : i32
      %dma_wait3A_425 = tpu.memref_slice %arg9[%run_scoped3A_156, %dma_wait3A_423, %dma_wait3A_424] : memref<4x80x128xf32, #tpu.memory_space<vmem>> -> memref<1x80x128xf32, #tpu.memory_space<vmem>>
      %dma_wait3A_426 = tpu.memref_squeeze %dma_wait3A_425 : memref<1x80x128xf32, #tpu.memory_space<vmem>> -> memref<80x128xf32, #tpu.memory_space<vmem>>
      %dma_wait3A_427 = arith.constant 0 : i32
      %dma_wait3A_428 = tpu.memref_slice %arg10[%add3A_155, %dma_wait3A_427] : memref<10240x128xf32, #tpu.memory_space<vmem_shared>> -> memref<80x128xf32, #tpu.memory_space<vmem_shared>>
      tpu.wait_dma2 semaphore(%run_scoped3A_404 : memref<!tpu.dma_semaphore, #tpu.memory_space<semaphore_mem>>) src(%dma_wait3A_428 : memref<80x128xf32, #tpu.memory_space<vmem_shared>>) dst(%dma_wait3A_426 : memref<80x128xf32, #tpu.memory_space<vmem>>)
      tpu.yield
    }) : () -> ()
    %dma_start3A_157 = arith.constant 3 : i32
    %dma_start3A_158 = arith.constant 0 : i32
    %dma_start3A_159 = arith.constant 0 : i32
    %dma_start3A_160 = tpu.memref_slice %arg9[%dma_start3A_157, %dma_start3A_158, %dma_start3A_159] : memref<4x80x128xf32, #tpu.memory_space<vmem>> -> memref<1x80x128xf32, #tpu.memory_space<vmem>>
    %dma_start3A_161 = tpu.memref_squeeze %dma_start3A_160 : memref<1x80x128xf32, #tpu.memory_space<vmem>> -> memref<80x128xf32, #tpu.memory_space<vmem>>
    %dma_start3A_162 = arith.constant 0 : i32
    %dma_start3A_163 = tpu.memref_slice %arg6[%arg0, %add3A_155, %dma_start3A_162] : memref<2x10240x128xf32, #tpu.memory_space<hbm>> -> memref<1x80x128xf32, #tpu.memory_space<hbm>>
    %dma_start3A_164 = tpu.memref_squeeze %dma_start3A_163 : memref<1x80x128xf32, #tpu.memory_space<hbm>> -> memref<80x128xf32, #tpu.memory_space<hbm>>
    %dma_start3A_165 = arith.constant 0 : i32
    %dma_start3A_166 = tpu.memref_slice %arg6[%arg0, %add3A_155, %dma_start3A_165] : memref<2x10240x128xf32, #tpu.memory_space<hbm>> -> memref<1x80x128xf32, #tpu.memory_space<hbm>>
    %dma_start3A_167 = tpu.memref_squeeze %dma_start3A_166 : memref<1x80x128xf32, #tpu.memory_space<hbm>> -> memref<80x128xf32, #tpu.memory_space<hbm>>
    %dma_start3A_168 = arith.constant 0 : i32
    %dma_start3A_169 = arith.constant 0 : i32
    %dma_start3A_170 = tpu.memref_slice %arg9[%dma_start3A_157, %dma_start3A_168, %dma_start3A_169] : memref<4x80x128xf32, #tpu.memory_space<vmem>> -> memref<1x80x128xf32, #tpu.memory_space<vmem>>
    %dma_start3A_171 = tpu.memref_squeeze %dma_start3A_170 : memref<1x80x128xf32, #tpu.memory_space<vmem>> -> memref<80x128xf32, #tpu.memory_space<vmem>>
    tpu.enqueue_dma source(%dma_start3A_171 : memref<80x128xf32, #tpu.memory_space<vmem>>) target(%dma_start3A_167 : memref<80x128xf32, #tpu.memory_space<hbm>>) target_semaphore(%arg14 : memref<!tpu.dma_semaphore, #tpu.memory_space<semaphore_mem>>)
    %mul3A_172 = arith.constant 640 : i32
    %mul3A_173 = arith.muli %arg1, %mul3A_172 : i32
    %add3A_174 = arith.constant 320 : i32
    %add3A_175 = arith.addi %mul3A_173, %add3A_174 : i32
    %mul3A_176 = arith.constant 640 : i32
    %mul3A_177 = arith.muli %arg1, %mul3A_176 : i32
    %add3A_178 = arith.constant 0 : i32
    %add3A_179 = arith.addi %mul3A_177, %add3A_178 : i32
    %dma_wait3A_180 = arith.constant 0 : i32
    %dma_wait3A_181 = arith.constant 0 : i32
    %dma_wait3A_182 = arith.constant 0 : i32
    %dma_wait3A_183 = tpu.memref_slice %arg9[%dma_wait3A_180, %dma_wait3A_181, %dma_wait3A_182] : memref<4x80x128xf32, #tpu.memory_space<vmem>> -> memref<1x80x128xf32, #tpu.memory_space<vmem>>
    %dma_wait3A_184 = tpu.memref_squeeze %dma_wait3A_183 : memref<1x80x128xf32, #tpu.memory_space<vmem>> -> memref<80x128xf32, #tpu.memory_space<vmem>>
    %dma_wait3A_185 = arith.constant 0 : i32
    %dma_wait3A_186 = tpu.memref_slice %arg6[%arg0, %add3A_179, %dma_wait3A_185] : memref<2x10240x128xf32, #tpu.memory_space<hbm>> -> memref<1x80x128xf32, #tpu.memory_space<hbm>>
    %dma_wait3A_187 = tpu.memref_squeeze %dma_wait3A_186 : memref<1x80x128xf32, #tpu.memory_space<hbm>> -> memref<80x128xf32, #tpu.memory_space<hbm>>
    %dma_wait3A_188 = arith.constant 0 : i32
    %dma_wait3A_189 = tpu.memref_slice %arg6[%arg0, %add3A_179, %dma_wait3A_188] : memref<2x10240x128xf32, #tpu.memory_space<hbm>> -> memref<1x80x128xf32, #tpu.memory_space<hbm>>
    %dma_wait3A_190 = tpu.memref_squeeze %dma_wait3A_189 : memref<1x80x128xf32, #tpu.memory_space<hbm>> -> memref<80x128xf32, #tpu.memory_space<hbm>>
    %dma_wait3A_191 = arith.constant 0 : i32
    %dma_wait3A_192 = arith.constant 0 : i32
    %dma_wait3A_193 = tpu.memref_slice %arg9[%dma_wait3A_180, %dma_wait3A_191, %dma_wait3A_192] : memref<4x80x128xf32, #tpu.memory_space<vmem>> -> memref<1x80x128xf32, #tpu.memory_space<vmem>>
    %dma_wait3A_194 = tpu.memref_squeeze %dma_wait3A_193 : memref<1x80x128xf32, #tpu.memory_space<vmem>> -> memref<80x128xf32, #tpu.memory_space<vmem>>
    tpu.wait_dma2 semaphore(%arg11 : memref<!tpu.dma_semaphore, #tpu.memory_space<semaphore_mem>>) src(%dma_wait3A_194 : memref<80x128xf32, #tpu.memory_space<vmem>>) dst(%dma_wait3A_190 : memref<80x128xf32, #tpu.memory_space<hbm>>)
    %run_scoped3A_195 = arith.constant 0 : i32
    "tpu.region"() ({
      %run_scoped3A_404 = tpu.sem_alloc : memref<!tpu.dma_semaphore, #tpu.memory_space<semaphore_mem>>
      %dma_start3A_405 = arith.constant 0 : i32
      %dma_start3A_406 = arith.constant 0 : i32
      %dma_start3A_407 = tpu.memref_slice %arg9[%run_scoped3A_195, %dma_start3A_405, %dma_start3A_406] : memref<4x80x128xf32, #tpu.memory_space<vmem>> -> memref<1x80x128xf32, #tpu.memory_space<vmem>>
      %dma_start3A_408 = tpu.memref_squeeze %dma_start3A_407 : memref<1x80x128xf32, #tpu.memory_space<vmem>> -> memref<80x128xf32, #tpu.memory_space<vmem>>
      %dma_start3A_409 = arith.constant 0 : i32
      %dma_start3A_410 = tpu.memref_slice %arg10[%add3A_175, %dma_start3A_409] : memref<10240x128xf32, #tpu.memory_space<vmem_shared>> -> memref<80x128xf32, #tpu.memory_space<vmem_shared>>
      %dma_start3A_411 = arith.constant 0 : i32
      %dma_start3A_412 = arith.constant 0 : i32
      %dma_start3A_413 = tpu.memref_slice %arg9[%run_scoped3A_195, %dma_start3A_411, %dma_start3A_412] : memref<4x80x128xf32, #tpu.memory_space<vmem>> -> memref<1x80x128xf32, #tpu.memory_space<vmem>>
      %dma_start3A_414 = tpu.memref_squeeze %dma_start3A_413 : memref<1x80x128xf32, #tpu.memory_space<vmem>> -> memref<80x128xf32, #tpu.memory_space<vmem>>
      %dma_start3A_415 = arith.constant 0 : i32
      %dma_start3A_416 = tpu.memref_slice %arg10[%add3A_175, %dma_start3A_415] : memref<10240x128xf32, #tpu.memory_space<vmem_shared>> -> memref<80x128xf32, #tpu.memory_space<vmem_shared>>
      tpu.enqueue_dma source(%dma_start3A_416 : memref<80x128xf32, #tpu.memory_space<vmem_shared>>) target(%dma_start3A_414 : memref<80x128xf32, #tpu.memory_space<vmem>>) target_semaphore(%run_scoped3A_404 : memref<!tpu.dma_semaphore, #tpu.memory_space<semaphore_mem>>)
      %dma_wait3A_417 = arith.constant 0 : i32
      %dma_wait3A_418 = arith.constant 0 : i32
      %dma_wait3A_419 = tpu.memref_slice %arg9[%run_scoped3A_195, %dma_wait3A_417, %dma_wait3A_418] : memref<4x80x128xf32, #tpu.memory_space<vmem>> -> memref<1x80x128xf32, #tpu.memory_space<vmem>>
      %dma_wait3A_420 = tpu.memref_squeeze %dma_wait3A_419 : memref<1x80x128xf32, #tpu.memory_space<vmem>> -> memref<80x128xf32, #tpu.memory_space<vmem>>
      %dma_wait3A_421 = arith.constant 0 : i32
      %dma_wait3A_422 = tpu.memref_slice %arg10[%add3A_175, %dma_wait3A_421] : memref<10240x128xf32, #tpu.memory_space<vmem_shared>> -> memref<80x128xf32, #tpu.memory_space<vmem_shared>>
      %dma_wait3A_423 = arith.constant 0 : i32
      %dma_wait3A_424 = arith.constant 0 : i32
      %dma_wait3A_425 = tpu.memref_slice %arg9[%run_scoped3A_195, %dma_wait3A_423, %dma_wait3A_424] : memref<4x80x128xf32, #tpu.memory_space<vmem>> -> memref<1x80x128xf32, #tpu.memory_space<vmem>>
      %dma_wait3A_426 = tpu.memref_squeeze %dma_wait3A_425 : memref<1x80x128xf32, #tpu.memory_space<vmem>> -> memref<80x128xf32, #tpu.memory_space<vmem>>
      %dma_wait3A_427 = arith.constant 0 : i32
      %dma_wait3A_428 = tpu.memref_slice %arg10[%add3A_175, %dma_wait3A_427] : memref<10240x128xf32, #tpu.memory_space<vmem_shared>> -> memref<80x128xf32, #tpu.memory_space<vmem_shared>>
      tpu.wait_dma2 semaphore(%run_scoped3A_404 : memref<!tpu.dma_semaphore, #tpu.memory_space<semaphore_mem>>) src(%dma_wait3A_428 : memref<80x128xf32, #tpu.memory_space<vmem_shared>>) dst(%dma_wait3A_426 : memref<80x128xf32, #tpu.memory_space<vmem>>)
      tpu.yield
    }) : () -> ()
    %dma_start3A_196 = arith.constant 0 : i32
    %dma_start3A_197 = arith.constant 0 : i32
    %dma_start3A_198 = arith.constant 0 : i32
    %dma_start3A_199 = tpu.memref_slice %arg9[%dma_start3A_196, %dma_start3A_197, %dma_start3A_198] : memref<4x80x128xf32, #tpu.memory_space<vmem>> -> memref<1x80x128xf32, #tpu.memory_space<vmem>>
    %dma_start3A_200 = tpu.memref_squeeze %dma_start3A_199 : memref<1x80x128xf32, #tpu.memory_space<vmem>> -> memref<80x128xf32, #tpu.memory_space<vmem>>
    %dma_start3A_201 = arith.constant 0 : i32
    %dma_start3A_202 = tpu.memref_slice %arg6[%arg0, %add3A_175, %dma_start3A_201] : memref<2x10240x128xf32, #tpu.memory_space<hbm>> -> memref<1x80x128xf32, #tpu.memory_space<hbm>>
    %dma_start3A_203 = tpu.memref_squeeze %dma_start3A_202 : memref<1x80x128xf32, #tpu.memory_space<hbm>> -> memref<80x128xf32, #tpu.memory_space<hbm>>
    %dma_start3A_204 = arith.constant 0 : i32
    %dma_start3A_205 = tpu.memref_slice %arg6[%arg0, %add3A_175, %dma_start3A_204] : memref<2x10240x128xf32, #tpu.memory_space<hbm>> -> memref<1x80x128xf32, #tpu.memory_space<hbm>>
    %dma_start3A_206 = tpu.memref_squeeze %dma_start3A_205 : memref<1x80x128xf32, #tpu.memory_space<hbm>> -> memref<80x128xf32, #tpu.memory_space<hbm>>
    %dma_start3A_207 = arith.constant 0 : i32
    %dma_start3A_208 = arith.constant 0 : i32
    %dma_start3A_209 = tpu.memref_slice %arg9[%dma_start3A_196, %dma_start3A_207, %dma_start3A_208] : memref<4x80x128xf32, #tpu.memory_space<vmem>> -> memref<1x80x128xf32, #tpu.memory_space<vmem>>
    %dma_start3A_210 = tpu.memref_squeeze %dma_start3A_209 : memref<1x80x128xf32, #tpu.memory_space<vmem>> -> memref<80x128xf32, #tpu.memory_space<vmem>>
    tpu.enqueue_dma source(%dma_start3A_210 : memref<80x128xf32, #tpu.memory_space<vmem>>) target(%dma_start3A_206 : memref<80x128xf32, #tpu.memory_space<hbm>>) target_semaphore(%arg11 : memref<!tpu.dma_semaphore, #tpu.memory_space<semaphore_mem>>)
    %mul3A_211 = arith.constant 640 : i32
    %mul3A_212 = arith.muli %arg1, %mul3A_211 : i32
    %add3A_213 = arith.constant 400 : i32
    %add3A_214 = arith.addi %mul3A_212, %add3A_213 : i32
    %mul3A_215 = arith.constant 640 : i32
    %mul3A_216 = arith.muli %arg1, %mul3A_215 : i32
    %add3A_217 = arith.constant 80 : i32
    %add3A_218 = arith.addi %mul3A_216, %add3A_217 : i32
    %dma_wait3A_219 = arith.constant 1 : i32
    %dma_wait3A_220 = arith.constant 0 : i32
    %dma_wait3A_221 = arith.constant 0 : i32
    %dma_wait3A_222 = tpu.memref_slice %arg9[%dma_wait3A_219, %dma_wait3A_220, %dma_wait3A_221] : memref<4x80x128xf32, #tpu.memory_space<vmem>> -> memref<1x80x128xf32, #tpu.memory_space<vmem>>
    %dma_wait3A_223 = tpu.memref_squeeze %dma_wait3A_222 : memref<1x80x128xf32, #tpu.memory_space<vmem>> -> memref<80x128xf32, #tpu.memory_space<vmem>>
    %dma_wait3A_224 = arith.constant 0 : i32
    %dma_wait3A_225 = tpu.memref_slice %arg6[%arg0, %add3A_218, %dma_wait3A_224] : memref<2x10240x128xf32, #tpu.memory_space<hbm>> -> memref<1x80x128xf32, #tpu.memory_space<hbm>>
    %dma_wait3A_226 = tpu.memref_squeeze %dma_wait3A_225 : memref<1x80x128xf32, #tpu.memory_space<hbm>> -> memref<80x128xf32, #tpu.memory_space<hbm>>
    %dma_wait3A_227 = arith.constant 0 : i32
    %dma_wait3A_228 = tpu.memref_slice %arg6[%arg0, %add3A_218, %dma_wait3A_227] : memref<2x10240x128xf32, #tpu.memory_space<hbm>> -> memref<1x80x128xf32, #tpu.memory_space<hbm>>
    %dma_wait3A_229 = tpu.memref_squeeze %dma_wait3A_228 : memref<1x80x128xf32, #tpu.memory_space<hbm>> -> memref<80x128xf32, #tpu.memory_space<hbm>>
    %dma_wait3A_230 = arith.constant 0 : i32
    %dma_wait3A_231 = arith.constant 0 : i32
    %dma_wait3A_232 = tpu.memref_slice %arg9[%dma_wait3A_219, %dma_wait3A_230, %dma_wait3A_231] : memref<4x80x128xf32, #tpu.memory_space<vmem>> -> memref<1x80x128xf32, #tpu.memory_space<vmem>>
    %dma_wait3A_233 = tpu.memref_squeeze %dma_wait3A_232 : memref<1x80x128xf32, #tpu.memory_space<vmem>> -> memref<80x128xf32, #tpu.memory_space<vmem>>
    tpu.wait_dma2 semaphore(%arg12 : memref<!tpu.dma_semaphore, #tpu.memory_space<semaphore_mem>>) src(%dma_wait3A_233 : memref<80x128xf32, #tpu.memory_space<vmem>>) dst(%dma_wait3A_229 : memref<80x128xf32, #tpu.memory_space<hbm>>)
    %run_scoped3A_234 = arith.constant 1 : i32
    "tpu.region"() ({
      %run_scoped3A_404 = tpu.sem_alloc : memref<!tpu.dma_semaphore, #tpu.memory_space<semaphore_mem>>
      %dma_start3A_405 = arith.constant 0 : i32
      %dma_start3A_406 = arith.constant 0 : i32
      %dma_start3A_407 = tpu.memref_slice %arg9[%run_scoped3A_234, %dma_start3A_405, %dma_start3A_406] : memref<4x80x128xf32, #tpu.memory_space<vmem>> -> memref<1x80x128xf32, #tpu.memory_space<vmem>>
      %dma_start3A_408 = tpu.memref_squeeze %dma_start3A_407 : memref<1x80x128xf32, #tpu.memory_space<vmem>> -> memref<80x128xf32, #tpu.memory_space<vmem>>
      %dma_start3A_409 = arith.constant 0 : i32
      %dma_start3A_410 = tpu.memref_slice %arg10[%add3A_214, %dma_start3A_409] : memref<10240x128xf32, #tpu.memory_space<vmem_shared>> -> memref<80x128xf32, #tpu.memory_space<vmem_shared>>
      %dma_start3A_411 = arith.constant 0 : i32
      %dma_start3A_412 = arith.constant 0 : i32
      %dma_start3A_413 = tpu.memref_slice %arg9[%run_scoped3A_234, %dma_start3A_411, %dma_start3A_412] : memref<4x80x128xf32, #tpu.memory_space<vmem>> -> memref<1x80x128xf32, #tpu.memory_space<vmem>>
      %dma_start3A_414 = tpu.memref_squeeze %dma_start3A_413 : memref<1x80x128xf32, #tpu.memory_space<vmem>> -> memref<80x128xf32, #tpu.memory_space<vmem>>
      %dma_start3A_415 = arith.constant 0 : i32
      %dma_start3A_416 = tpu.memref_slice %arg10[%add3A_214, %dma_start3A_415] : memref<10240x128xf32, #tpu.memory_space<vmem_shared>> -> memref<80x128xf32, #tpu.memory_space<vmem_shared>>
      tpu.enqueue_dma source(%dma_start3A_416 : memref<80x128xf32, #tpu.memory_space<vmem_shared>>) target(%dma_start3A_414 : memref<80x128xf32, #tpu.memory_space<vmem>>) target_semaphore(%run_scoped3A_404 : memref<!tpu.dma_semaphore, #tpu.memory_space<semaphore_mem>>)
      %dma_wait3A_417 = arith.constant 0 : i32
      %dma_wait3A_418 = arith.constant 0 : i32
      %dma_wait3A_419 = tpu.memref_slice %arg9[%run_scoped3A_234, %dma_wait3A_417, %dma_wait3A_418] : memref<4x80x128xf32, #tpu.memory_space<vmem>> -> memref<1x80x128xf32, #tpu.memory_space<vmem>>
      %dma_wait3A_420 = tpu.memref_squeeze %dma_wait3A_419 : memref<1x80x128xf32, #tpu.memory_space<vmem>> -> memref<80x128xf32, #tpu.memory_space<vmem>>
      %dma_wait3A_421 = arith.constant 0 : i32
      %dma_wait3A_422 = tpu.memref_slice %arg10[%add3A_214, %dma_wait3A_421] : memref<10240x128xf32, #tpu.memory_space<vmem_shared>> -> memref<80x128xf32, #tpu.memory_space<vmem_shared>>
      %dma_wait3A_423 = arith.constant 0 : i32
      %dma_wait3A_424 = arith.constant 0 : i32
      %dma_wait3A_425 = tpu.memref_slice %arg9[%run_scoped3A_234, %dma_wait3A_423, %dma_wait3A_424] : memref<4x80x128xf32, #tpu.memory_space<vmem>> -> memref<1x80x128xf32, #tpu.memory_space<vmem>>
      %dma_wait3A_426 = tpu.memref_squeeze %dma_wait3A_425 : memref<1x80x128xf32, #tpu.memory_space<vmem>> -> memref<80x128xf32, #tpu.memory_space<vmem>>
      %dma_wait3A_427 = arith.constant 0 : i32
      %dma_wait3A_428 = tpu.memref_slice %arg10[%add3A_214, %dma_wait3A_427] : memref<10240x128xf32, #tpu.memory_space<vmem_shared>> -> memref<80x128xf32, #tpu.memory_space<vmem_shared>>
      tpu.wait_dma2 semaphore(%run_scoped3A_404 : memref<!tpu.dma_semaphore, #tpu.memory_space<semaphore_mem>>) src(%dma_wait3A_428 : memref<80x128xf32, #tpu.memory_space<vmem_shared>>) dst(%dma_wait3A_426 : memref<80x128xf32, #tpu.memory_space<vmem>>)
      tpu.yield
    }) : () -> ()
    %dma_start3A_235 = arith.constant 1 : i32
    %dma_start3A_236 = arith.constant 0 : i32
    %dma_start3A_237 = arith.constant 0 : i32
    %dma_start3A_238 = tpu.memref_slice %arg9[%dma_start3A_235, %dma_start3A_236, %dma_start3A_237] : memref<4x80x128xf32, #tpu.memory_space<vmem>> -> memref<1x80x128xf32, #tpu.memory_space<vmem>>
    %dma_start3A_239 = tpu.memref_squeeze %dma_start3A_238 : memref<1x80x128xf32, #tpu.memory_space<vmem>> -> memref<80x128xf32, #tpu.memory_space<vmem>>
    %dma_start3A_240 = arith.constant 0 : i32
    %dma_start3A_241 = tpu.memref_slice %arg6[%arg0, %add3A_214, %dma_start3A_240] : memref<2x10240x128xf32, #tpu.memory_space<hbm>> -> memref<1x80x128xf32, #tpu.memory_space<hbm>>
    %dma_start3A_242 = tpu.memref_squeeze %dma_start3A_241 : memref<1x80x128xf32, #tpu.memory_space<hbm>> -> memref<80x128xf32, #tpu.memory_space<hbm>>
    %dma_start3A_243 = arith.constant 0 : i32
    %dma_start3A_244 = tpu.memref_slice %arg6[%arg0, %add3A_214, %dma_start3A_243] : memref<2x10240x128xf32, #tpu.memory_space<hbm>> -> memref<1x80x128xf32, #tpu.memory_space<hbm>>
    %dma_start3A_245 = tpu.memref_squeeze %dma_start3A_244 : memref<1x80x128xf32, #tpu.memory_space<hbm>> -> memref<80x128xf32, #tpu.memory_space<hbm>>
    %dma_start3A_246 = arith.constant 0 : i32
    %dma_start3A_247 = arith.constant 0 : i32
    %dma_start3A_248 = tpu.memref_slice %arg9[%dma_start3A_235, %dma_start3A_246, %dma_start3A_247] : memref<4x80x128xf32, #tpu.memory_space<vmem>> -> memref<1x80x128xf32, #tpu.memory_space<vmem>>
    %dma_start3A_249 = tpu.memref_squeeze %dma_start3A_248 : memref<1x80x128xf32, #tpu.memory_space<vmem>> -> memref<80x128xf32, #tpu.memory_space<vmem>>
    tpu.enqueue_dma source(%dma_start3A_249 : memref<80x128xf32, #tpu.memory_space<vmem>>) target(%dma_start3A_245 : memref<80x128xf32, #tpu.memory_space<hbm>>) target_semaphore(%arg12 : memref<!tpu.dma_semaphore, #tpu.memory_space<semaphore_mem>>)
    %mul3A_250 = arith.constant 640 : i32
    %mul3A_251 = arith.muli %arg1, %mul3A_250 : i32
    %add3A_252 = arith.constant 480 : i32
    %add3A_253 = arith.addi %mul3A_251, %add3A_252 : i32
    %mul3A_254 = arith.constant 640 : i32
    %mul3A_255 = arith.muli %arg1, %mul3A_254 : i32
    %add3A_256 = arith.constant 160 : i32
    %add3A_257 = arith.addi %mul3A_255, %add3A_256 : i32
    %dma_wait3A_258 = arith.constant 2 : i32
    %dma_wait3A_259 = arith.constant 0 : i32
    %dma_wait3A_260 = arith.constant 0 : i32
    %dma_wait3A_261 = tpu.memref_slice %arg9[%dma_wait3A_258, %dma_wait3A_259, %dma_wait3A_260] : memref<4x80x128xf32, #tpu.memory_space<vmem>> -> memref<1x80x128xf32, #tpu.memory_space<vmem>>
    %dma_wait3A_262 = tpu.memref_squeeze %dma_wait3A_261 : memref<1x80x128xf32, #tpu.memory_space<vmem>> -> memref<80x128xf32, #tpu.memory_space<vmem>>
    %dma_wait3A_263 = arith.constant 0 : i32
    %dma_wait3A_264 = tpu.memref_slice %arg6[%arg0, %add3A_257, %dma_wait3A_263] : memref<2x10240x128xf32, #tpu.memory_space<hbm>> -> memref<1x80x128xf32, #tpu.memory_space<hbm>>
    %dma_wait3A_265 = tpu.memref_squeeze %dma_wait3A_264 : memref<1x80x128xf32, #tpu.memory_space<hbm>> -> memref<80x128xf32, #tpu.memory_space<hbm>>
    %dma_wait3A_266 = arith.constant 0 : i32
    %dma_wait3A_267 = tpu.memref_slice %arg6[%arg0, %add3A_257, %dma_wait3A_266] : memref<2x10240x128xf32, #tpu.memory_space<hbm>> -> memref<1x80x128xf32, #tpu.memory_space<hbm>>
    %dma_wait3A_268 = tpu.memref_squeeze %dma_wait3A_267 : memref<1x80x128xf32, #tpu.memory_space<hbm>> -> memref<80x128xf32, #tpu.memory_space<hbm>>
    %dma_wait3A_269 = arith.constant 0 : i32
    %dma_wait3A_270 = arith.constant 0 : i32
    %dma_wait3A_271 = tpu.memref_slice %arg9[%dma_wait3A_258, %dma_wait3A_269, %dma_wait3A_270] : memref<4x80x128xf32, #tpu.memory_space<vmem>> -> memref<1x80x128xf32, #tpu.memory_space<vmem>>
    %dma_wait3A_272 = tpu.memref_squeeze %dma_wait3A_271 : memref<1x80x128xf32, #tpu.memory_space<vmem>> -> memref<80x128xf32, #tpu.memory_space<vmem>>
    tpu.wait_dma2 semaphore(%arg13 : memref<!tpu.dma_semaphore, #tpu.memory_space<semaphore_mem>>) src(%dma_wait3A_272 : memref<80x128xf32, #tpu.memory_space<vmem>>) dst(%dma_wait3A_268 : memref<80x128xf32, #tpu.memory_space<hbm>>)
    %run_scoped3A_273 = arith.constant 2 : i32
    "tpu.region"() ({
      %run_scoped3A_404 = tpu.sem_alloc : memref<!tpu.dma_semaphore, #tpu.memory_space<semaphore_mem>>
      %dma_start3A_405 = arith.constant 0 : i32
      %dma_start3A_406 = arith.constant 0 : i32
      %dma_start3A_407 = tpu.memref_slice %arg9[%run_scoped3A_273, %dma_start3A_405, %dma_start3A_406] : memref<4x80x128xf32, #tpu.memory_space<vmem>> -> memref<1x80x128xf32, #tpu.memory_space<vmem>>
      %dma_start3A_408 = tpu.memref_squeeze %dma_start3A_407 : memref<1x80x128xf32, #tpu.memory_space<vmem>> -> memref<80x128xf32, #tpu.memory_space<vmem>>
      %dma_start3A_409 = arith.constant 0 : i32
      %dma_start3A_410 = tpu.memref_slice %arg10[%add3A_253, %dma_start3A_409] : memref<10240x128xf32, #tpu.memory_space<vmem_shared>> -> memref<80x128xf32, #tpu.memory_space<vmem_shared>>
      %dma_start3A_411 = arith.constant 0 : i32
      %dma_start3A_412 = arith.constant 0 : i32
      %dma_start3A_413 = tpu.memref_slice %arg9[%run_scoped3A_273, %dma_start3A_411, %dma_start3A_412] : memref<4x80x128xf32, #tpu.memory_space<vmem>> -> memref<1x80x128xf32, #tpu.memory_space<vmem>>
      %dma_start3A_414 = tpu.memref_squeeze %dma_start3A_413 : memref<1x80x128xf32, #tpu.memory_space<vmem>> -> memref<80x128xf32, #tpu.memory_space<vmem>>
      %dma_start3A_415 = arith.constant 0 : i32
      %dma_start3A_416 = tpu.memref_slice %arg10[%add3A_253, %dma_start3A_415] : memref<10240x128xf32, #tpu.memory_space<vmem_shared>> -> memref<80x128xf32, #tpu.memory_space<vmem_shared>>
      tpu.enqueue_dma source(%dma_start3A_416 : memref<80x128xf32, #tpu.memory_space<vmem_shared>>) target(%dma_start3A_414 : memref<80x128xf32, #tpu.memory_space<vmem>>) target_semaphore(%run_scoped3A_404 : memref<!tpu.dma_semaphore, #tpu.memory_space<semaphore_mem>>)
      %dma_wait3A_417 = arith.constant 0 : i32
      %dma_wait3A_418 = arith.constant 0 : i32
      %dma_wait3A_419 = tpu.memref_slice %arg9[%run_scoped3A_273, %dma_wait3A_417, %dma_wait3A_418] : memref<4x80x128xf32, #tpu.memory_space<vmem>> -> memref<1x80x128xf32, #tpu.memory_space<vmem>>
      %dma_wait3A_420 = tpu.memref_squeeze %dma_wait3A_419 : memref<1x80x128xf32, #tpu.memory_space<vmem>> -> memref<80x128xf32, #tpu.memory_space<vmem>>
      %dma_wait3A_421 = arith.constant 0 : i32
      %dma_wait3A_422 = tpu.memref_slice %arg10[%add3A_253, %dma_wait3A_421] : memref<10240x128xf32, #tpu.memory_space<vmem_shared>> -> memref<80x128xf32, #tpu.memory_space<vmem_shared>>
      %dma_wait3A_423 = arith.constant 0 : i32
      %dma_wait3A_424 = arith.constant 0 : i32
      %dma_wait3A_425 = tpu.memref_slice %arg9[%run_scoped3A_273, %dma_wait3A_423, %dma_wait3A_424] : memref<4x80x128xf32, #tpu.memory_space<vmem>> -> memref<1x80x128xf32, #tpu.memory_space<vmem>>
      %dma_wait3A_426 = tpu.memref_squeeze %dma_wait3A_425 : memref<1x80x128xf32, #tpu.memory_space<vmem>> -> memref<80x128xf32, #tpu.memory_space<vmem>>
      %dma_wait3A_427 = arith.constant 0 : i32
      %dma_wait3A_428 = tpu.memref_slice %arg10[%add3A_253, %dma_wait3A_427] : memref<10240x128xf32, #tpu.memory_space<vmem_shared>> -> memref<80x128xf32, #tpu.memory_space<vmem_shared>>
      tpu.wait_dma2 semaphore(%run_scoped3A_404 : memref<!tpu.dma_semaphore, #tpu.memory_space<semaphore_mem>>) src(%dma_wait3A_428 : memref<80x128xf32, #tpu.memory_space<vmem_shared>>) dst(%dma_wait3A_426 : memref<80x128xf32, #tpu.memory_space<vmem>>)
      tpu.yield
    }) : () -> ()
    %dma_start3A_274 = arith.constant 2 : i32
    %dma_start3A_275 = arith.constant 0 : i32
    %dma_start3A_276 = arith.constant 0 : i32
    %dma_start3A_277 = tpu.memref_slice %arg9[%dma_start3A_274, %dma_start3A_275, %dma_start3A_276] : memref<4x80x128xf32, #tpu.memory_space<vmem>> -> memref<1x80x128xf32, #tpu.memory_space<vmem>>
    %dma_start3A_278 = tpu.memref_squeeze %dma_start3A_277 : memref<1x80x128xf32, #tpu.memory_space<vmem>> -> memref<80x128xf32, #tpu.memory_space<vmem>>
    %dma_start3A_279 = arith.constant 0 : i32
    %dma_start3A_280 = tpu.memref_slice %arg6[%arg0, %add3A_253, %dma_start3A_279] : memref<2x10240x128xf32, #tpu.memory_space<hbm>> -> memref<1x80x128xf32, #tpu.memory_space<hbm>>
    %dma_start3A_281 = tpu.memref_squeeze %dma_start3A_280 : memref<1x80x128xf32, #tpu.memory_space<hbm>> -> memref<80x128xf32, #tpu.memory_space<hbm>>
    %dma_start3A_282 = arith.constant 0 : i32
    %dma_start3A_283 = tpu.memref_slice %arg6[%arg0, %add3A_253, %dma_start3A_282] : memref<2x10240x128xf32, #tpu.memory_space<hbm>> -> memref<1x80x128xf32, #tpu.memory_space<hbm>>
    %dma_start3A_284 = tpu.memref_squeeze %dma_start3A_283 : memref<1x80x128xf32, #tpu.memory_space<hbm>> -> memref<80x128xf32, #tpu.memory_space<hbm>>
    %dma_start3A_285 = arith.constant 0 : i32
    %dma_start3A_286 = arith.constant 0 : i32
    %dma_start3A_287 = tpu.memref_slice %arg9[%dma_start3A_274, %dma_start3A_285, %dma_start3A_286] : memref<4x80x128xf32, #tpu.memory_space<vmem>> -> memref<1x80x128xf32, #tpu.memory_space<vmem>>
    %dma_start3A_288 = tpu.memref_squeeze %dma_start3A_287 : memref<1x80x128xf32, #tpu.memory_space<vmem>> -> memref<80x128xf32, #tpu.memory_space<vmem>>
    tpu.enqueue_dma source(%dma_start3A_288 : memref<80x128xf32, #tpu.memory_space<vmem>>) target(%dma_start3A_284 : memref<80x128xf32, #tpu.memory_space<hbm>>) target_semaphore(%arg13 : memref<!tpu.dma_semaphore, #tpu.memory_space<semaphore_mem>>)
    %mul3A_289 = arith.constant 640 : i32
    %mul3A_290 = arith.muli %arg1, %mul3A_289 : i32
    %add3A_291 = arith.constant 560 : i32
    %add3A_292 = arith.addi %mul3A_290, %add3A_291 : i32
    %mul3A_293 = arith.constant 640 : i32
    %mul3A_294 = arith.muli %arg1, %mul3A_293 : i32
    %add3A_295 = arith.constant 240 : i32
    %add3A_296 = arith.addi %mul3A_294, %add3A_295 : i32
    %dma_wait3A_297 = arith.constant 3 : i32
    %dma_wait3A_298 = arith.constant 0 : i32
    %dma_wait3A_299 = arith.constant 0 : i32
    %dma_wait3A_300 = tpu.memref_slice %arg9[%dma_wait3A_297, %dma_wait3A_298, %dma_wait3A_299] : memref<4x80x128xf32, #tpu.memory_space<vmem>> -> memref<1x80x128xf32, #tpu.memory_space<vmem>>
    %dma_wait3A_301 = tpu.memref_squeeze %dma_wait3A_300 : memref<1x80x128xf32, #tpu.memory_space<vmem>> -> memref<80x128xf32, #tpu.memory_space<vmem>>
    %dma_wait3A_302 = arith.constant 0 : i32
    %dma_wait3A_303 = tpu.memref_slice %arg6[%arg0, %add3A_296, %dma_wait3A_302] : memref<2x10240x128xf32, #tpu.memory_space<hbm>> -> memref<1x80x128xf32, #tpu.memory_space<hbm>>
    %dma_wait3A_304 = tpu.memref_squeeze %dma_wait3A_303 : memref<1x80x128xf32, #tpu.memory_space<hbm>> -> memref<80x128xf32, #tpu.memory_space<hbm>>
    %dma_wait3A_305 = arith.constant 0 : i32
    %dma_wait3A_306 = tpu.memref_slice %arg6[%arg0, %add3A_296, %dma_wait3A_305] : memref<2x10240x128xf32, #tpu.memory_space<hbm>> -> memref<1x80x128xf32, #tpu.memory_space<hbm>>
    %dma_wait3A_307 = tpu.memref_squeeze %dma_wait3A_306 : memref<1x80x128xf32, #tpu.memory_space<hbm>> -> memref<80x128xf32, #tpu.memory_space<hbm>>
    %dma_wait3A_308 = arith.constant 0 : i32
    %dma_wait3A_309 = arith.constant 0 : i32
    %dma_wait3A_310 = tpu.memref_slice %arg9[%dma_wait3A_297, %dma_wait3A_308, %dma_wait3A_309] : memref<4x80x128xf32, #tpu.memory_space<vmem>> -> memref<1x80x128xf32, #tpu.memory_space<vmem>>
    %dma_wait3A_311 = tpu.memref_squeeze %dma_wait3A_310 : memref<1x80x128xf32, #tpu.memory_space<vmem>> -> memref<80x128xf32, #tpu.memory_space<vmem>>
    tpu.wait_dma2 semaphore(%arg14 : memref<!tpu.dma_semaphore, #tpu.memory_space<semaphore_mem>>) src(%dma_wait3A_311 : memref<80x128xf32, #tpu.memory_space<vmem>>) dst(%dma_wait3A_307 : memref<80x128xf32, #tpu.memory_space<hbm>>)
    %run_scoped3A_312 = arith.constant 3 : i32
    "tpu.region"() ({
      %run_scoped3A_404 = tpu.sem_alloc : memref<!tpu.dma_semaphore, #tpu.memory_space<semaphore_mem>>
      %dma_start3A_405 = arith.constant 0 : i32
      %dma_start3A_406 = arith.constant 0 : i32
      %dma_start3A_407 = tpu.memref_slice %arg9[%run_scoped3A_312, %dma_start3A_405, %dma_start3A_406] : memref<4x80x128xf32, #tpu.memory_space<vmem>> -> memref<1x80x128xf32, #tpu.memory_space<vmem>>
      %dma_start3A_408 = tpu.memref_squeeze %dma_start3A_407 : memref<1x80x128xf32, #tpu.memory_space<vmem>> -> memref<80x128xf32, #tpu.memory_space<vmem>>
      %dma_start3A_409 = arith.constant 0 : i32
      %dma_start3A_410 = tpu.memref_slice %arg10[%add3A_292, %dma_start3A_409] : memref<10240x128xf32, #tpu.memory_space<vmem_shared>> -> memref<80x128xf32, #tpu.memory_space<vmem_shared>>
      %dma_start3A_411 = arith.constant 0 : i32
      %dma_start3A_412 = arith.constant 0 : i32
      %dma_start3A_413 = tpu.memref_slice %arg9[%run_scoped3A_312, %dma_start3A_411, %dma_start3A_412] : memref<4x80x128xf32, #tpu.memory_space<vmem>> -> memref<1x80x128xf32, #tpu.memory_space<vmem>>
      %dma_start3A_414 = tpu.memref_squeeze %dma_start3A_413 : memref<1x80x128xf32, #tpu.memory_space<vmem>> -> memref<80x128xf32, #tpu.memory_space<vmem>>
      %dma_start3A_415 = arith.constant 0 : i32
      %dma_start3A_416 = tpu.memref_slice %arg10[%add3A_292, %dma_start3A_415] : memref<10240x128xf32, #tpu.memory_space<vmem_shared>> -> memref<80x128xf32, #tpu.memory_space<vmem_shared>>
      tpu.enqueue_dma source(%dma_start3A_416 : memref<80x128xf32, #tpu.memory_space<vmem_shared>>) target(%dma_start3A_414 : memref<80x128xf32, #tpu.memory_space<vmem>>) target_semaphore(%run_scoped3A_404 : memref<!tpu.dma_semaphore, #tpu.memory_space<semaphore_mem>>)
      %dma_wait3A_417 = arith.constant 0 : i32
      %dma_wait3A_418 = arith.constant 0 : i32
      %dma_wait3A_419 = tpu.memref_slice %arg9[%run_scoped3A_312, %dma_wait3A_417, %dma_wait3A_418] : memref<4x80x128xf32, #tpu.memory_space<vmem>> -> memref<1x80x128xf32, #tpu.memory_space<vmem>>
      %dma_wait3A_420 = tpu.memref_squeeze %dma_wait3A_419 : memref<1x80x128xf32, #tpu.memory_space<vmem>> -> memref<80x128xf32, #tpu.memory_space<vmem>>
      %dma_wait3A_421 = arith.constant 0 : i32
      %dma_wait3A_422 = tpu.memref_slice %arg10[%add3A_292, %dma_wait3A_421] : memref<10240x128xf32, #tpu.memory_space<vmem_shared>> -> memref<80x128xf32, #tpu.memory_space<vmem_shared>>
      %dma_wait3A_423 = arith.constant 0 : i32
      %dma_wait3A_424 = arith.constant 0 : i32
      %dma_wait3A_425 = tpu.memref_slice %arg9[%run_scoped3A_312, %dma_wait3A_423, %dma_wait3A_424] : memref<4x80x128xf32, #tpu.memory_space<vmem>> -> memref<1x80x128xf32, #tpu.memory_space<vmem>>
      %dma_wait3A_426 = tpu.memref_squeeze %dma_wait3A_425 : memref<1x80x128xf32, #tpu.memory_space<vmem>> -> memref<80x128xf32, #tpu.memory_space<vmem>>
      %dma_wait3A_427 = arith.constant 0 : i32
      %dma_wait3A_428 = tpu.memref_slice %arg10[%add3A_292, %dma_wait3A_427] : memref<10240x128xf32, #tpu.memory_space<vmem_shared>> -> memref<80x128xf32, #tpu.memory_space<vmem_shared>>
      tpu.wait_dma2 semaphore(%run_scoped3A_404 : memref<!tpu.dma_semaphore, #tpu.memory_space<semaphore_mem>>) src(%dma_wait3A_428 : memref<80x128xf32, #tpu.memory_space<vmem_shared>>) dst(%dma_wait3A_426 : memref<80x128xf32, #tpu.memory_space<vmem>>)
      tpu.yield
    }) : () -> ()
    %dma_start3A_313 = arith.constant 3 : i32
    %dma_start3A_314 = arith.constant 0 : i32
    %dma_start3A_315 = arith.constant 0 : i32
    %dma_start3A_316 = tpu.memref_slice %arg9[%dma_start3A_313, %dma_start3A_314, %dma_start3A_315] : memref<4x80x128xf32, #tpu.memory_space<vmem>> -> memref<1x80x128xf32, #tpu.memory_space<vmem>>
    %dma_start3A_317 = tpu.memref_squeeze %dma_start3A_316 : memref<1x80x128xf32, #tpu.memory_space<vmem>> -> memref<80x128xf32, #tpu.memory_space<vmem>>
    %dma_start3A_318 = arith.constant 0 : i32
    %dma_start3A_319 = tpu.memref_slice %arg6[%arg0, %add3A_292, %dma_start3A_318] : memref<2x10240x128xf32, #tpu.memory_space<hbm>> -> memref<1x80x128xf32, #tpu.memory_space<hbm>>
    %dma_start3A_320 = tpu.memref_squeeze %dma_start3A_319 : memref<1x80x128xf32, #tpu.memory_space<hbm>> -> memref<80x128xf32, #tpu.memory_space<hbm>>
    %dma_start3A_321 = arith.constant 0 : i32
    %dma_start3A_322 = tpu.memref_slice %arg6[%arg0, %add3A_292, %dma_start3A_321] : memref<2x10240x128xf32, #tpu.memory_space<hbm>> -> memref<1x80x128xf32, #tpu.memory_space<hbm>>
    %dma_start3A_323 = tpu.memref_squeeze %dma_start3A_322 : memref<1x80x128xf32, #tpu.memory_space<hbm>> -> memref<80x128xf32, #tpu.memory_space<hbm>>
    %dma_start3A_324 = arith.constant 0 : i32
    %dma_start3A_325 = arith.constant 0 : i32
    %dma_start3A_326 = tpu.memref_slice %arg9[%dma_start3A_313, %dma_start3A_324, %dma_start3A_325] : memref<4x80x128xf32, #tpu.memory_space<vmem>> -> memref<1x80x128xf32, #tpu.memory_space<vmem>>
    %dma_start3A_327 = tpu.memref_squeeze %dma_start3A_326 : memref<1x80x128xf32, #tpu.memory_space<vmem>> -> memref<80x128xf32, #tpu.memory_space<vmem>>
    tpu.enqueue_dma source(%dma_start3A_327 : memref<80x128xf32, #tpu.memory_space<vmem>>) target(%dma_start3A_323 : memref<80x128xf32, #tpu.memory_space<hbm>>) target_semaphore(%arg14 : memref<!tpu.dma_semaphore, #tpu.memory_space<semaphore_mem>>)
    %mul3A_328 = arith.constant 640 : i32
    %mul3A_329 = arith.muli %arg1, %mul3A_328 : i32
    %add3A_330 = arith.constant 320 : i32
    %add3A_331 = arith.addi %mul3A_329, %add3A_330 : i32
    %dma_wait3A_332 = arith.constant 0 : i32
    %dma_wait3A_333 = arith.constant 0 : i32
    %dma_wait3A_334 = arith.constant 0 : i32
    %dma_wait3A_335 = tpu.memref_slice %arg9[%dma_wait3A_332, %dma_wait3A_333, %dma_wait3A_334] : memref<4x80x128xf32, #tpu.memory_space<vmem>> -> memref<1x80x128xf32, #tpu.memory_space<vmem>>
    %dma_wait3A_336 = tpu.memref_squeeze %dma_wait3A_335 : memref<1x80x128xf32, #tpu.memory_space<vmem>> -> memref<80x128xf32, #tpu.memory_space<vmem>>
    %dma_wait3A_337 = arith.constant 0 : i32
    %dma_wait3A_338 = tpu.memref_slice %arg6[%arg0, %add3A_331, %dma_wait3A_337] : memref<2x10240x128xf32, #tpu.memory_space<hbm>> -> memref<1x80x128xf32, #tpu.memory_space<hbm>>
    %dma_wait3A_339 = tpu.memref_squeeze %dma_wait3A_338 : memref<1x80x128xf32, #tpu.memory_space<hbm>> -> memref<80x128xf32, #tpu.memory_space<hbm>>
    %dma_wait3A_340 = arith.constant 0 : i32
    %dma_wait3A_341 = tpu.memref_slice %arg6[%arg0, %add3A_331, %dma_wait3A_340] : memref<2x10240x128xf32, #tpu.memory_space<hbm>> -> memref<1x80x128xf32, #tpu.memory_space<hbm>>
    %dma_wait3A_342 = tpu.memref_squeeze %dma_wait3A_341 : memref<1x80x128xf32, #tpu.memory_space<hbm>> -> memref<80x128xf32, #tpu.memory_space<hbm>>
    %dma_wait3A_343 = arith.constant 0 : i32
    %dma_wait3A_344 = arith.constant 0 : i32
    %dma_wait3A_345 = tpu.memref_slice %arg9[%dma_wait3A_332, %dma_wait3A_343, %dma_wait3A_344] : memref<4x80x128xf32, #tpu.memory_space<vmem>> -> memref<1x80x128xf32, #tpu.memory_space<vmem>>
    %dma_wait3A_346 = tpu.memref_squeeze %dma_wait3A_345 : memref<1x80x128xf32, #tpu.memory_space<vmem>> -> memref<80x128xf32, #tpu.memory_space<vmem>>
    tpu.wait_dma2 semaphore(%arg11 : memref<!tpu.dma_semaphore, #tpu.memory_space<semaphore_mem>>) src(%dma_wait3A_346 : memref<80x128xf32, #tpu.memory_space<vmem>>) dst(%dma_wait3A_342 : memref<80x128xf32, #tpu.memory_space<hbm>>)
    %mul3A_347 = arith.constant 640 : i32
    %mul3A_348 = arith.muli %arg1, %mul3A_347 : i32
    %add3A_349 = arith.constant 400 : i32
    %add3A_350 = arith.addi %mul3A_348, %add3A_349 : i32
    %dma_wait3A_351 = arith.constant 1 : i32
    %dma_wait3A_352 = arith.constant 0 : i32
    %dma_wait3A_353 = arith.constant 0 : i32
    %dma_wait3A_354 = tpu.memref_slice %arg9[%dma_wait3A_351, %dma_wait3A_352, %dma_wait3A_353] : memref<4x80x128xf32, #tpu.memory_space<vmem>> -> memref<1x80x128xf32, #tpu.memory_space<vmem>>
    %dma_wait3A_355 = tpu.memref_squeeze %dma_wait3A_354 : memref<1x80x128xf32, #tpu.memory_space<vmem>> -> memref<80x128xf32, #tpu.memory_space<vmem>>
    %dma_wait3A_356 = arith.constant 0 : i32
    %dma_wait3A_357 = tpu.memref_slice %arg6[%arg0, %add3A_350, %dma_wait3A_356] : memref<2x10240x128xf32, #tpu.memory_space<hbm>> -> memref<1x80x128xf32, #tpu.memory_space<hbm>>
    %dma_wait3A_358 = tpu.memref_squeeze %dma_wait3A_357 : memref<1x80x128xf32, #tpu.memory_space<hbm>> -> memref<80x128xf32, #tpu.memory_space<hbm>>
    %dma_wait3A_359 = arith.constant 0 : i32
    %dma_wait3A_360 = tpu.memref_slice %arg6[%arg0, %add3A_350, %dma_wait3A_359] : memref<2x10240x128xf32, #tpu.memory_space<hbm>> -> memref<1x80x128xf32, #tpu.memory_space<hbm>>
    %dma_wait3A_361 = tpu.memref_squeeze %dma_wait3A_360 : memref<1x80x128xf32, #tpu.memory_space<hbm>> -> memref<80x128xf32, #tpu.memory_space<hbm>>
    %dma_wait3A_362 = arith.constant 0 : i32
    %dma_wait3A_363 = arith.constant 0 : i32
    %dma_wait3A_364 = tpu.memref_slice %arg9[%dma_wait3A_351, %dma_wait3A_362, %dma_wait3A_363] : memref<4x80x128xf32, #tpu.memory_space<vmem>> -> memref<1x80x128xf32, #tpu.memory_space<vmem>>
    %dma_wait3A_365 = tpu.memref_squeeze %dma_wait3A_364 : memref<1x80x128xf32, #tpu.memory_space<vmem>> -> memref<80x128xf32, #tpu.memory_space<vmem>>
    tpu.wait_dma2 semaphore(%arg12 : memref<!tpu.dma_semaphore, #tpu.memory_space<semaphore_mem>>) src(%dma_wait3A_365 : memref<80x128xf32, #tpu.memory_space<vmem>>) dst(%dma_wait3A_361 : memref<80x128xf32, #tpu.memory_space<hbm>>)
    %mul3A_366 = arith.constant 640 : i32
    %mul3A_367 = arith.muli %arg1, %mul3A_366 : i32
    %add3A_368 = arith.constant 480 : i32
    %add3A_369 = arith.addi %mul3A_367, %add3A_368 : i32
    %dma_wait3A_370 = arith.constant 2 : i32
    %dma_wait3A_371 = arith.constant 0 : i32
    %dma_wait3A_372 = arith.constant 0 : i32
    %dma_wait3A_373 = tpu.memref_slice %arg9[%dma_wait3A_370, %dma_wait3A_371, %dma_wait3A_372] : memref<4x80x128xf32, #tpu.memory_space<vmem>> -> memref<1x80x128xf32, #tpu.memory_space<vmem>>
    %dma_wait3A_374 = tpu.memref_squeeze %dma_wait3A_373 : memref<1x80x128xf32, #tpu.memory_space<vmem>> -> memref<80x128xf32, #tpu.memory_space<vmem>>
    %dma_wait3A_375 = arith.constant 0 : i32
    %dma_wait3A_376 = tpu.memref_slice %arg6[%arg0, %add3A_369, %dma_wait3A_375] : memref<2x10240x128xf32, #tpu.memory_space<hbm>> -> memref<1x80x128xf32, #tpu.memory_space<hbm>>
    %dma_wait3A_377 = tpu.memref_squeeze %dma_wait3A_376 : memref<1x80x128xf32, #tpu.memory_space<hbm>> -> memref<80x128xf32, #tpu.memory_space<hbm>>
    %dma_wait3A_378 = arith.constant 0 : i32
    %dma_wait3A_379 = tpu.memref_slice %arg6[%arg0, %add3A_369, %dma_wait3A_378] : memref<2x10240x128xf32, #tpu.memory_space<hbm>> -> memref<1x80x128xf32, #tpu.memory_space<hbm>>
    %dma_wait3A_380 = tpu.memref_squeeze %dma_wait3A_379 : memref<1x80x128xf32, #tpu.memory_space<hbm>> -> memref<80x128xf32, #tpu.memory_space<hbm>>
    %dma_wait3A_381 = arith.constant 0 : i32
    %dma_wait3A_382 = arith.constant 0 : i32
    %dma_wait3A_383 = tpu.memref_slice %arg9[%dma_wait3A_370, %dma_wait3A_381, %dma_wait3A_382] : memref<4x80x128xf32, #tpu.memory_space<vmem>> -> memref<1x80x128xf32, #tpu.memory_space<vmem>>
    %dma_wait3A_384 = tpu.memref_squeeze %dma_wait3A_383 : memref<1x80x128xf32, #tpu.memory_space<vmem>> -> memref<80x128xf32, #tpu.memory_space<vmem>>
    tpu.wait_dma2 semaphore(%arg13 : memref<!tpu.dma_semaphore, #tpu.memory_space<semaphore_mem>>) src(%dma_wait3A_384 : memref<80x128xf32, #tpu.memory_space<vmem>>) dst(%dma_wait3A_380 : memref<80x128xf32, #tpu.memory_space<hbm>>)
    %mul3A_385 = arith.constant 640 : i32
    %mul3A_386 = arith.muli %arg1, %mul3A_385 : i32
    %add3A_387 = arith.constant 560 : i32
    %add3A_388 = arith.addi %mul3A_386, %add3A_387 : i32
    %dma_wait3A_389 = arith.constant 3 : i32
    %dma_wait3A_390 = arith.constant 0 : i32
    %dma_wait3A_391 = arith.constant 0 : i32
    %dma_wait3A_392 = tpu.memref_slice %arg9[%dma_wait3A_389, %dma_wait3A_390, %dma_wait3A_391] : memref<4x80x128xf32, #tpu.memory_space<vmem>> -> memref<1x80x128xf32, #tpu.memory_space<vmem>>
    %dma_wait3A_393 = tpu.memref_squeeze %dma_wait3A_392 : memref<1x80x128xf32, #tpu.memory_space<vmem>> -> memref<80x128xf32, #tpu.memory_space<vmem>>
    %dma_wait3A_394 = arith.constant 0 : i32
    %dma_wait3A_395 = tpu.memref_slice %arg6[%arg0, %add3A_388, %dma_wait3A_394] : memref<2x10240x128xf32, #tpu.memory_space<hbm>> -> memref<1x80x128xf32, #tpu.memory_space<hbm>>
    %dma_wait3A_396 = tpu.memref_squeeze %dma_wait3A_395 : memref<1x80x128xf32, #tpu.memory_space<hbm>> -> memref<80x128xf32, #tpu.memory_space<hbm>>
    %dma_wait3A_397 = arith.constant 0 : i32
    %dma_wait3A_398 = tpu.memref_slice %arg6[%arg0, %add3A_388, %dma_wait3A_397] : memref<2x10240x128xf32, #tpu.memory_space<hbm>> -> memref<1x80x128xf32, #tpu.memory_space<hbm>>
    %dma_wait3A_399 = tpu.memref_squeeze %dma_wait3A_398 : memref<1x80x128xf32, #tpu.memory_space<hbm>> -> memref<80x128xf32, #tpu.memory_space<hbm>>
    %dma_wait3A_400 = arith.constant 0 : i32
    %dma_wait3A_401 = arith.constant 0 : i32
    %dma_wait3A_402 = tpu.memref_slice %arg9[%dma_wait3A_389, %dma_wait3A_400, %dma_wait3A_401] : memref<4x80x128xf32, #tpu.memory_space<vmem>> -> memref<1x80x128xf32, #tpu.memory_space<vmem>>
    %dma_wait3A_403 = tpu.memref_squeeze %dma_wait3A_402 : memref<1x80x128xf32, #tpu.memory_space<vmem>> -> memref<80x128xf32, #tpu.memory_space<vmem>>
    tpu.wait_dma2 semaphore(%arg14 : memref<!tpu.dma_semaphore, #tpu.memory_space<semaphore_mem>>) src(%dma_wait3A_403 : memref<80x128xf32, #tpu.memory_space<vmem>>) dst(%dma_wait3A_399 : memref<80x128xf32, #tpu.memory_space<hbm>>)
    return
  }
}

#map = affine_map<(d0, d1) -> (0, 0)>
#map1 = affine_map<(d0, d1) -> (0, 0, 0)>
module attributes {stable_mosaic.version = 14 : i64} {
  func.func @agg(%arg0: i32, %arg1: i32, %arg2: memref<10000x128xf32, #tpu.memory_space<hbm>>, %arg3: memref<32x10240xi32, #tpu.memory_space<hbm>>, %arg4: memref<32x128x80xi32, #tpu.memory_space<hbm>>, %arg5: memref<80x128xf32, #tpu.memory_space<hbm>>, %arg6: memref<2x10240x128xf32, #tpu.memory_space<hbm>>, %arg7: memref<2560xi32, #tpu.memory_space<vmem>>, %arg8: memref<2x16x80xi32, #tpu.memory_space<vmem>>, %arg9: memref<4x80x128xf32, #tpu.memory_space<vmem>>, %arg10: memref<10240x128xf32, #tpu.memory_space<vmem_shared>>, %arg11: memref<!tpu.dma_semaphore, #tpu.memory_space<semaphore_mem>>, %arg12: memref<!tpu.dma_semaphore, #tpu.memory_space<semaphore_mem>>, %arg13: memref<!tpu.dma_semaphore, #tpu.memory_space<semaphore_mem>>, %arg14: memref<!tpu.dma_semaphore, #tpu.memory_space<semaphore_mem>>, %arg15: memref<!tpu.dma_semaphore, #tpu.memory_space<semaphore_mem>>, %arg16: memref<!tpu.dma_semaphore, #tpu.memory_space<semaphore_mem>>, %arg17: memref<!tpu.dma_semaphore, #tpu.memory_space<semaphore_mem>>, %arg18: memref<!tpu.dma_semaphore, #tpu.memory_space<semaphore_mem>>) attributes {dimension_semantics = [#tpu.dimension_semantics<core_parallel>, #tpu.dimension_semantics<subcore_parallel>], iteration_bounds = array<i64: 2, 16>, scalar_prefetch = 0 : i64, scratch_operands = 12 : i64, tpu.core_type = #tpu.core_type<sc_vector_subcore>, window_params = [{transform_indices = #map}, {transform_indices = #map}, {transform_indices = #map1}, {transform_indices = #map}, {transform_indices = #map1}]} {
    %mul3A = arith.constant 2 : i32
    %mul3A_0 = arith.muli %arg1, %mul3A : i32
    %add3A = arith.addi %mul3A_0, %arg0 : i32
    "tpu.region"() ({
      %run_scoped3A_404 = tpu.sem_alloc : memref<!tpu.dma_semaphore, #tpu.memory_space<semaphore_mem>>
      %dma_start3A_405 = arith.constant 0 : i32
      %dma_start3A_406 = tpu.memref_slice %arg7[%dma_start3A_405] : memref<2560xi32, #tpu.memory_space<vmem>> -> memref<1280xi32, #tpu.memory_space<vmem>>
      %dma_start3A_407 = arith.constant 0 : i32
      %dma_start3A_408 = tpu.memref_slice %arg3[%add3A, %dma_start3A_407] : memref<32x10240xi32, #tpu.memory_space<hbm>> -> memref<1x1280xi32, #tpu.memory_space<hbm>>
      %dma_start3A_409 = tpu.memref_squeeze %dma_start3A_408 : memref<1x1280xi32, #tpu.memory_space<hbm>> -> memref<1280xi32, #tpu.memory_space<hbm>>
      %dma_start3A_410 = arith.constant 0 : i32
      %dma_start3A_411 = tpu.memref_slice %arg7[%dma_start3A_410] : memref<2560xi32, #tpu.memory_space<vmem>> -> memref<1280xi32, #tpu.memory_space<vmem>>
      %dma_start3A_412 = arith.constant 0 : i32
      %dma_start3A_413 = tpu.memref_slice %arg3[%add3A, %dma_start3A_412] : memref<32x10240xi32, #tpu.memory_space<hbm>> -> memref<1x1280xi32, #tpu.memory_space<hbm>>
      %dma_start3A_414 = tpu.memref_squeeze %dma_start3A_413 : memref<1x1280xi32, #tpu.memory_space<hbm>> -> memref<1280xi32, #tpu.memory_space<hbm>>
      tpu.enqueue_dma source(%dma_start3A_414 : memref<1280xi32, #tpu.memory_space<hbm>>) target(%dma_start3A_411 : memref<1280xi32, #tpu.memory_space<vmem>>) target_semaphore(%run_scoped3A_404 : memref<!tpu.dma_semaphore, #tpu.memory_space<semaphore_mem>>)
      %dma_wait3A_415 = arith.constant 0 : i32
      %dma_wait3A_416 = tpu.memref_slice %arg7[%dma_wait3A_415] : memref<2560xi32, #tpu.memory_space<vmem>> -> memref<1280xi32, #tpu.memory_space<vmem>>
      %dma_wait3A_417 = arith.constant 0 : i32
      %dma_wait3A_418 = tpu.memref_slice %arg3[%add3A, %dma_wait3A_417] : memref<32x10240xi32, #tpu.memory_space<hbm>> -> memref<1x1280xi32, #tpu.memory_space<hbm>>
      %dma_wait3A_419 = tpu.memref_squeeze %dma_wait3A_418 : memref<1x1280xi32, #tpu.memory_space<hbm>> -> memref<1280xi32, #tpu.memory_space<hbm>>
      %dma_wait3A_420 = arith.constant 0 : i32
      %dma_wait3A_421 = tpu.memref_slice %arg7[%dma_wait3A_420] : memref<2560xi32, #tpu.memory_space<vmem>> -> memref<1280xi32, #tpu.memory_space<vmem>>
      %dma_wait3A_422 = arith.constant 0 : i32
      %dma_wait3A_423 = tpu.memref_slice %arg3[%add3A, %dma_wait3A_422] : memref<32x10240xi32, #tpu.memory_space<hbm>> -> memref<1x1280xi32, #tpu.memory_space<hbm>>
      %dma_wait3A_424 = tpu.memref_squeeze %dma_wait3A_423 : memref<1x1280xi32, #tpu.memory_space<hbm>> -> memref<1280xi32, #tpu.memory_space<hbm>>
      tpu.wait_dma2 semaphore(%run_scoped3A_404 : memref<!tpu.dma_semaphore, #tpu.memory_space<semaphore_mem>>) src(%dma_wait3A_424 : memref<1280xi32, #tpu.memory_space<hbm>>) dst(%dma_wait3A_421 : memref<1280xi32, #tpu.memory_space<vmem>>)
      tpu.yield
    }) : () -> ()
    %run_scoped3A = arith.constant 0 : i32
    "tpu.region"() ({
      %run_scoped3A_404 = tpu.sem_alloc : memref<!tpu.dma_semaphore, #tpu.memory_space<semaphore_mem>>
      %dma_start3A_405 = arith.constant 0 : i32
      %dma_start3A_406 = arith.constant 0 : i32
      %dma_start3A_407 = tpu.memref_slice %arg8[%run_scoped3A, %dma_start3A_405, %dma_start3A_406] : memref<2x16x80xi32, #tpu.memory_space<vmem>> -> memref<1x16x80xi32, #tpu.memory_space<vmem>>
      %dma_start3A_408 = tpu.memref_squeeze %dma_start3A_407 : memref<1x16x80xi32, #tpu.memory_space<vmem>> -> memref<16x80xi32, #tpu.memory_space<vmem>>
      %dma_start3A_409 = arith.constant 0 : i32
      %dma_start3A_410 = arith.constant 0 : i32
      %dma_start3A_411 = tpu.memref_slice %arg4[%add3A, %dma_start3A_409, %dma_start3A_410] : memref<32x128x80xi32, #tpu.memory_space<hbm>> -> memref<1x16x80xi32, #tpu.memory_space<hbm>>
      %dma_start3A_412 = tpu.memref_squeeze %dma_start3A_411 : memref<1x16x80xi32, #tpu.memory_space<hbm>> -> memref<16x80xi32, #tpu.memory_space<hbm>>
      %dma_start3A_413 = arith.constant 0 : i32
      %dma_start3A_414 = arith.constant 0 : i32
      %dma_start3A_415 = tpu.memref_slice %arg8[%run_scoped3A, %dma_start3A_413, %dma_start3A_414] : memref<2x16x80xi32, #tpu.memory_space<vmem>> -> memref<1x16x80xi32, #tpu.memory_space<vmem>>
      %dma_start3A_416 = tpu.memref_squeeze %dma_start3A_415 : memref<1x16x80xi32, #tpu.memory_space<vmem>> -> memref<16x80xi32, #tpu.memory_space<vmem>>
      %dma_start3A_417 = arith.constant 0 : i32
      %dma_start3A_418 = arith.constant 0 : i32
      %dma_start3A_419 = tpu.memref_slice %arg4[%add3A, %dma_start3A_417, %dma_start3A_418] : memref<32x128x80xi32, #tpu.memory_space<hbm>> -> memref<1x16x80xi32, #tpu.memory_space<hbm>>
      %dma_start3A_420 = tpu.memref_squeeze %dma_start3A_419 : memref<1x16x80xi32, #tpu.memory_space<hbm>> -> memref<16x80xi32, #tpu.memory_space<hbm>>
      tpu.enqueue_dma source(%dma_start3A_420 : memref<16x80xi32, #tpu.memory_space<hbm>>) target(%dma_start3A_416 : memref<16x80xi32, #tpu.memory_space<vmem>>) target_semaphore(%run_scoped3A_404 : memref<!tpu.dma_semaphore, #tpu.memory_space<semaphore_mem>>)
      %dma_wait3A_421 = arith.constant 0 : i32
      %dma_wait3A_422 = arith.constant 0 : i32
      %dma_wait3A_423 = tpu.memref_slice %arg8[%run_scoped3A, %dma_wait3A_421, %dma_wait3A_422] : memref<2x16x80xi32, #tpu.memory_space<vmem>> -> memref<1x16x80xi32, #tpu.memory_space<vmem>>
      %dma_wait3A_424 = tpu.memref_squeeze %dma_wait3A_423 : memref<1x16x80xi32, #tpu.memory_space<vmem>> -> memref<16x80xi32, #tpu.memory_space<vmem>>
      %dma_wait3A_425 = arith.constant 0 : i32
      %dma_wait3A_426 = arith.constant 0 : i32
      %dma_wait3A_427 = tpu.memref_slice %arg4[%add3A, %dma_wait3A_425, %dma_wait3A_426] : memref<32x128x80xi32, #tpu.memory_space<hbm>> -> memref<1x16x80xi32, #tpu.memory_space<hbm>>
      %dma_wait3A_428 = tpu.memref_squeeze %dma_wait3A_427 : memref<1x16x80xi32, #tpu.memory_space<hbm>> -> memref<16x80xi32, #tpu.memory_space<hbm>>
      %dma_wait3A_429 = arith.constant 0 : i32
      %dma_wait3A_430 = arith.constant 0 : i32
      %dma_wait3A_431 = tpu.memref_slice %arg8[%run_scoped3A, %dma_wait3A_429, %dma_wait3A_430] : memref<2x16x80xi32, #tpu.memory_space<vmem>> -> memref<1x16x80xi32, #tpu.memory_space<vmem>>
      %dma_wait3A_432 = tpu.memref_squeeze %dma_wait3A_431 : memref<1x16x80xi32, #tpu.memory_space<vmem>> -> memref<16x80xi32, #tpu.memory_space<vmem>>
      %dma_wait3A_433 = arith.constant 0 : i32
      %dma_wait3A_434 = arith.constant 0 : i32
      %dma_wait3A_435 = tpu.memref_slice %arg4[%add3A, %dma_wait3A_433, %dma_wait3A_434] : memref<32x128x80xi32, #tpu.memory_space<hbm>> -> memref<1x16x80xi32, #tpu.memory_space<hbm>>
      %dma_wait3A_436 = tpu.memref_squeeze %dma_wait3A_435 : memref<1x16x80xi32, #tpu.memory_space<hbm>> -> memref<16x80xi32, #tpu.memory_space<hbm>>
      tpu.wait_dma2 semaphore(%run_scoped3A_404 : memref<!tpu.dma_semaphore, #tpu.memory_space<semaphore_mem>>) src(%dma_wait3A_436 : memref<16x80xi32, #tpu.memory_space<hbm>>) dst(%dma_wait3A_432 : memref<16x80xi32, #tpu.memory_space<vmem>>)
      tpu.yield
    }) : () -> ()
    %run_scoped3A_1 = arith.constant 0 : i32
    "tpu.region"() ({
      %run_scoped3A_404 = tpu.sem_alloc : memref<!tpu.dma_semaphore, #tpu.memory_space<semaphore_mem>>
      %dma_start3A_405 = arith.constant 0 : i32
      %dma_start3A_406 = arith.constant 0 : i32
      %dma_start3A_407 = tpu.memref_slice %arg9[%run_scoped3A_1, %dma_start3A_405, %dma_start3A_406] : memref<4x80x128xf32, #tpu.memory_space<vmem>> -> memref<1x80x128xf32, #tpu.memory_space<vmem>>
      %dma_start3A_408 = tpu.memref_squeeze %dma_start3A_407 : memref<1x80x128xf32, #tpu.memory_space<vmem>> -> memref<80x128xf32, #tpu.memory_space<vmem>>
      %dma_start3A_409 = arith.constant 0 : i32
      %dma_start3A_410 = arith.constant 0 : i32
      %dma_start3A_411 = tpu.memref_slice %arg9[%run_scoped3A_1, %dma_start3A_409, %dma_start3A_410] : memref<4x80x128xf32, #tpu.memory_space<vmem>> -> memref<1x80x128xf32, #tpu.memory_space<vmem>>
      %dma_start3A_412 = tpu.memref_squeeze %dma_start3A_411 : memref<1x80x128xf32, #tpu.memory_space<vmem>> -> memref<80x128xf32, #tpu.memory_space<vmem>>
      tpu.enqueue_dma source(%arg5 : memref<80x128xf32, #tpu.memory_space<hbm>>) target(%dma_start3A_412 : memref<80x128xf32, #tpu.memory_space<vmem>>) target_semaphore(%run_scoped3A_404 : memref<!tpu.dma_semaphore, #tpu.memory_space<semaphore_mem>>)
      %dma_wait3A_413 = arith.constant 0 : i32
      %dma_wait3A_414 = arith.constant 0 : i32
      %dma_wait3A_415 = tpu.memref_slice %arg9[%run_scoped3A_1, %dma_wait3A_413, %dma_wait3A_414] : memref<4x80x128xf32, #tpu.memory_space<vmem>> -> memref<1x80x128xf32, #tpu.memory_space<vmem>>
      %dma_wait3A_416 = tpu.memref_squeeze %dma_wait3A_415 : memref<1x80x128xf32, #tpu.memory_space<vmem>> -> memref<80x128xf32, #tpu.memory_space<vmem>>
      %dma_wait3A_417 = arith.constant 0 : i32
      %dma_wait3A_418 = arith.constant 0 : i32
      %dma_wait3A_419 = tpu.memref_slice %arg9[%run_scoped3A_1, %dma_wait3A_417, %dma_wait3A_418] : memref<4x80x128xf32, #tpu.memory_space<vmem>> -> memref<1x80x128xf32, #tpu.memory_space<vmem>>
      %dma_wait3A_420 = tpu.memref_squeeze %dma_wait3A_419 : memref<1x80x128xf32, #tpu.memory_space<vmem>> -> memref<80x128xf32, #tpu.memory_space<vmem>>
      tpu.wait_dma2 semaphore(%run_scoped3A_404 : memref<!tpu.dma_semaphore, #tpu.memory_space<semaphore_mem>>) src(%arg5 : memref<80x128xf32, #tpu.memory_space<hbm>>) dst(%dma_wait3A_420 : memref<80x128xf32, #tpu.memory_space<vmem>>)
      tpu.yield
    }) : () -> ()
    %mul3A_2 = arith.constant 640 : i32
    %mul3A_3 = arith.muli %arg1, %mul3A_2 : i32
    %add3A_4 = arith.constant 0 : i32
    %add3A_5 = arith.addi %mul3A_3, %add3A_4 : i32
    %run_scoped3A_6 = arith.constant 0 : i32
    "tpu.region"() ({
      %run_scoped3A_404 = tpu.sem_alloc : memref<!tpu.dma_semaphore, #tpu.memory_space<semaphore_mem>>
      %dma_start3A_405 = arith.constant 0 : i32
      %dma_start3A_406 = arith.constant 0 : i32
      %dma_start3A_407 = tpu.memref_slice %arg9[%run_scoped3A_6, %dma_start3A_405, %dma_start3A_406] : memref<4x80x128xf32, #tpu.memory_space<vmem>> -> memref<1x80x128xf32, #tpu.memory_space<vmem>>
      %dma_start3A_408 = tpu.memref_squeeze %dma_start3A_407 : memref<1x80x128xf32, #tpu.memory_space<vmem>> -> memref<80x128xf32, #tpu.memory_space<vmem>>
      %dma_start3A_409 = arith.constant 0 : i32
      %dma_start3A_410 = tpu.memref_slice %arg10[%add3A_5, %dma_start3A_409] : memref<10240x128xf32, #tpu.memory_space<vmem_shared>> -> memref<80x128xf32, #tpu.memory_space<vmem_shared>>
      %dma_start3A_411 = arith.constant 0 : i32
      %dma_start3A_412 = tpu.memref_slice %arg10[%add3A_5, %dma_start3A_411] : memref<10240x128xf32, #tpu.memory_space<vmem_shared>> -> memref<80x128xf32, #tpu.memory_space<vmem_shared>>
      %dma_start3A_413 = arith.constant 0 : i32
      %dma_start3A_414 = arith.constant 0 : i32
      %dma_start3A_415 = tpu.memref_slice %arg9[%run_scoped3A_6, %dma_start3A_413, %dma_start3A_414] : memref<4x80x128xf32, #tpu.memory_space<vmem>> -> memref<1x80x128xf32, #tpu.memory_space<vmem>>
      %dma_start3A_416 = tpu.memref_squeeze %dma_start3A_415 : memref<1x80x128xf32, #tpu.memory_space<vmem>> -> memref<80x128xf32, #tpu.memory_space<vmem>>
      tpu.enqueue_dma source(%dma_start3A_416 : memref<80x128xf32, #tpu.memory_space<vmem>>) target(%dma_start3A_412 : memref<80x128xf32, #tpu.memory_space<vmem_shared>>) target_semaphore(%run_scoped3A_404 : memref<!tpu.dma_semaphore, #tpu.memory_space<semaphore_mem>>)
      %dma_wait3A_417 = arith.constant 0 : i32
      %dma_wait3A_418 = arith.constant 0 : i32
      %dma_wait3A_419 = tpu.memref_slice %arg9[%run_scoped3A_6, %dma_wait3A_417, %dma_wait3A_418] : memref<4x80x128xf32, #tpu.memory_space<vmem>> -> memref<1x80x128xf32, #tpu.memory_space<vmem>>
      %dma_wait3A_420 = tpu.memref_squeeze %dma_wait3A_419 : memref<1x80x128xf32, #tpu.memory_space<vmem>> -> memref<80x128xf32, #tpu.memory_space<vmem>>
      %dma_wait3A_421 = arith.constant 0 : i32
      %dma_wait3A_422 = tpu.memref_slice %arg10[%add3A_5, %dma_wait3A_421] : memref<10240x128xf32, #tpu.memory_space<vmem_shared>> -> memref<80x128xf32, #tpu.memory_space<vmem_shared>>
      %dma_wait3A_423 = arith.constant 0 : i32
      %dma_wait3A_424 = tpu.memref_slice %arg10[%add3A_5, %dma_wait3A_423] : memref<10240x128xf32, #tpu.memory_space<vmem_shared>> -> memref<80x128xf32, #tpu.memory_space<vmem_shared>>
      %dma_wait3A_425 = arith.constant 0 : i32
      %dma_wait3A_426 = arith.constant 0 : i32
      %dma_wait3A_427 = tpu.memref_slice %arg9[%run_scoped3A_6, %dma_wait3A_425, %dma_wait3A_426] : memref<4x80x128xf32, #tpu.memory_space<vmem>> -> memref<1x80x128xf32, #tpu.memory_space<vmem>>
      %dma_wait3A_428 = tpu.memref_squeeze %dma_wait3A_427 : memref<1x80x128xf32, #tpu.memory_space<vmem>> -> memref<80x128xf32, #tpu.memory_space<vmem>>
      tpu.wait_dma2 semaphore(%run_scoped3A_404 : memref<!tpu.dma_semaphore, #tpu.memory_space<semaphore_mem>>) src(%dma_wait3A_428 : memref<80x128xf32, #tpu.memory_space<vmem>>) dst(%dma_wait3A_424 : memref<80x128xf32, #tpu.memory_space<vmem_shared>>)
      tpu.yield
    }) : () -> ()
    %mul3A_7 = arith.constant 640 : i32
    %mul3A_8 = arith.muli %arg1, %mul3A_7 : i32
    %add3A_9 = arith.constant 80 : i32
    %add3A_10 = arith.addi %mul3A_8, %add3A_9 : i32
    %run_scoped3A_11 = arith.constant 0 : i32
    "tpu.region"() ({
      %run_scoped3A_404 = tpu.sem_alloc : memref<!tpu.dma_semaphore, #tpu.memory_space<semaphore_mem>>
      %dma_start3A_405 = arith.constant 0 : i32
      %dma_start3A_406 = arith.constant 0 : i32
      %dma_start3A_407 = tpu.memref_slice %arg9[%run_scoped3A_11, %dma_start3A_405, %dma_start3A_406] : memref<4x80x128xf32, #tpu.memory_space<vmem>> -> memref<1x80x128xf32, #tpu.memory_space<vmem>>
      %dma_start3A_408 = tpu.memref_squeeze %dma_start3A_407 : memref<1x80x128xf32, #tpu.memory_space<vmem>> -> memref<80x128xf32, #tpu.memory_space<vmem>>
      %dma_start3A_409 = arith.constant 0 : i32
      %dma_start3A_410 = tpu.memref_slice %arg10[%add3A_10, %dma_start3A_409] : memref<10240x128xf32, #tpu.memory_space<vmem_shared>> -> memref<80x128xf32, #tpu.memory_space<vmem_shared>>
      %dma_start3A_411 = arith.constant 0 : i32
      %dma_start3A_412 = tpu.memref_slice %arg10[%add3A_10, %dma_start3A_411] : memref<10240x128xf32, #tpu.memory_space<vmem_shared>> -> memref<80x128xf32, #tpu.memory_space<vmem_shared>>
      %dma_start3A_413 = arith.constant 0 : i32
      %dma_start3A_414 = arith.constant 0 : i32
      %dma_start3A_415 = tpu.memref_slice %arg9[%run_scoped3A_11, %dma_start3A_413, %dma_start3A_414] : memref<4x80x128xf32, #tpu.memory_space<vmem>> -> memref<1x80x128xf32, #tpu.memory_space<vmem>>
      %dma_start3A_416 = tpu.memref_squeeze %dma_start3A_415 : memref<1x80x128xf32, #tpu.memory_space<vmem>> -> memref<80x128xf32, #tpu.memory_space<vmem>>
      tpu.enqueue_dma source(%dma_start3A_416 : memref<80x128xf32, #tpu.memory_space<vmem>>) target(%dma_start3A_412 : memref<80x128xf32, #tpu.memory_space<vmem_shared>>) target_semaphore(%run_scoped3A_404 : memref<!tpu.dma_semaphore, #tpu.memory_space<semaphore_mem>>)
      %dma_wait3A_417 = arith.constant 0 : i32
      %dma_wait3A_418 = arith.constant 0 : i32
      %dma_wait3A_419 = tpu.memref_slice %arg9[%run_scoped3A_11, %dma_wait3A_417, %dma_wait3A_418] : memref<4x80x128xf32, #tpu.memory_space<vmem>> -> memref<1x80x128xf32, #tpu.memory_space<vmem>>
      %dma_wait3A_420 = tpu.memref_squeeze %dma_wait3A_419 : memref<1x80x128xf32, #tpu.memory_space<vmem>> -> memref<80x128xf32, #tpu.memory_space<vmem>>
      %dma_wait3A_421 = arith.constant 0 : i32
      %dma_wait3A_422 = tpu.memref_slice %arg10[%add3A_10, %dma_wait3A_421] : memref<10240x128xf32, #tpu.memory_space<vmem_shared>> -> memref<80x128xf32, #tpu.memory_space<vmem_shared>>
      %dma_wait3A_423 = arith.constant 0 : i32
      %dma_wait3A_424 = tpu.memref_slice %arg10[%add3A_10, %dma_wait3A_423] : memref<10240x128xf32, #tpu.memory_space<vmem_shared>> -> memref<80x128xf32, #tpu.memory_space<vmem_shared>>
      %dma_wait3A_425 = arith.constant 0 : i32
      %dma_wait3A_426 = arith.constant 0 : i32
      %dma_wait3A_427 = tpu.memref_slice %arg9[%run_scoped3A_11, %dma_wait3A_425, %dma_wait3A_426] : memref<4x80x128xf32, #tpu.memory_space<vmem>> -> memref<1x80x128xf32, #tpu.memory_space<vmem>>
      %dma_wait3A_428 = tpu.memref_squeeze %dma_wait3A_427 : memref<1x80x128xf32, #tpu.memory_space<vmem>> -> memref<80x128xf32, #tpu.memory_space<vmem>>
      tpu.wait_dma2 semaphore(%run_scoped3A_404 : memref<!tpu.dma_semaphore, #tpu.memory_space<semaphore_mem>>) src(%dma_wait3A_428 : memref<80x128xf32, #tpu.memory_space<vmem>>) dst(%dma_wait3A_424 : memref<80x128xf32, #tpu.memory_space<vmem_shared>>)
      tpu.yield
    }) : () -> ()
    %mul3A_12 = arith.constant 640 : i32
    %mul3A_13 = arith.muli %arg1, %mul3A_12 : i32
    %add3A_14 = arith.constant 160 : i32
    %add3A_15 = arith.addi %mul3A_13, %add3A_14 : i32
    %run_scoped3A_16 = arith.constant 0 : i32
    "tpu.region"() ({
      %run_scoped3A_404 = tpu.sem_alloc : memref<!tpu.dma_semaphore, #tpu.memory_space<semaphore_mem>>
      %dma_start3A_405 = arith.constant 0 : i32
      %dma_start3A_406 = arith.constant 0 : i32
      %dma_start3A_407 = tpu.memref_slice %arg9[%run_scoped3A_16, %dma_start3A_405, %dma_start3A_406] : memref<4x80x128xf32, #tpu.memory_space<vmem>> -> memref<1x80x128xf32, #tpu.memory_space<vmem>>
      %dma_start3A_408 = tpu.memref_squeeze %dma_start3A_407 : memref<1x80x128xf32, #tpu.memory_space<vmem>> -> memref<80x128xf32, #tpu.memory_space<vmem>>
      %dma_start3A_409 = arith.constant 0 : i32
      %dma_start3A_410 = tpu.memref_slice %arg10[%add3A_15, %dma_start3A_409] : memref<10240x128xf32, #tpu.memory_space<vmem_shared>> -> memref<80x128xf32, #tpu.memory_space<vmem_shared>>
      %dma_start3A_411 = arith.constant 0 : i32
      %dma_start3A_412 = tpu.memref_slice %arg10[%add3A_15, %dma_start3A_411] : memref<10240x128xf32, #tpu.memory_space<vmem_shared>> -> memref<80x128xf32, #tpu.memory_space<vmem_shared>>
      %dma_start3A_413 = arith.constant 0 : i32
      %dma_start3A_414 = arith.constant 0 : i32
      %dma_start3A_415 = tpu.memref_slice %arg9[%run_scoped3A_16, %dma_start3A_413, %dma_start3A_414] : memref<4x80x128xf32, #tpu.memory_space<vmem>> -> memref<1x80x128xf32, #tpu.memory_space<vmem>>
      %dma_start3A_416 = tpu.memref_squeeze %dma_start3A_415 : memref<1x80x128xf32, #tpu.memory_space<vmem>> -> memref<80x128xf32, #tpu.memory_space<vmem>>
      tpu.enqueue_dma source(%dma_start3A_416 : memref<80x128xf32, #tpu.memory_space<vmem>>) target(%dma_start3A_412 : memref<80x128xf32, #tpu.memory_space<vmem_shared>>) target_semaphore(%run_scoped3A_404 : memref<!tpu.dma_semaphore, #tpu.memory_space<semaphore_mem>>)
      %dma_wait3A_417 = arith.constant 0 : i32
      %dma_wait3A_418 = arith.constant 0 : i32
      %dma_wait3A_419 = tpu.memref_slice %arg9[%run_scoped3A_16, %dma_wait3A_417, %dma_wait3A_418] : memref<4x80x128xf32, #tpu.memory_space<vmem>> -> memref<1x80x128xf32, #tpu.memory_space<vmem>>
      %dma_wait3A_420 = tpu.memref_squeeze %dma_wait3A_419 : memref<1x80x128xf32, #tpu.memory_space<vmem>> -> memref<80x128xf32, #tpu.memory_space<vmem>>
      %dma_wait3A_421 = arith.constant 0 : i32
      %dma_wait3A_422 = tpu.memref_slice %arg10[%add3A_15, %dma_wait3A_421] : memref<10240x128xf32, #tpu.memory_space<vmem_shared>> -> memref<80x128xf32, #tpu.memory_space<vmem_shared>>
      %dma_wait3A_423 = arith.constant 0 : i32
      %dma_wait3A_424 = tpu.memref_slice %arg10[%add3A_15, %dma_wait3A_423] : memref<10240x128xf32, #tpu.memory_space<vmem_shared>> -> memref<80x128xf32, #tpu.memory_space<vmem_shared>>
      %dma_wait3A_425 = arith.constant 0 : i32
      %dma_wait3A_426 = arith.constant 0 : i32
      %dma_wait3A_427 = tpu.memref_slice %arg9[%run_scoped3A_16, %dma_wait3A_425, %dma_wait3A_426] : memref<4x80x128xf32, #tpu.memory_space<vmem>> -> memref<1x80x128xf32, #tpu.memory_space<vmem>>
      %dma_wait3A_428 = tpu.memref_squeeze %dma_wait3A_427 : memref<1x80x128xf32, #tpu.memory_space<vmem>> -> memref<80x128xf32, #tpu.memory_space<vmem>>
      tpu.wait_dma2 semaphore(%run_scoped3A_404 : memref<!tpu.dma_semaphore, #tpu.memory_space<semaphore_mem>>) src(%dma_wait3A_428 : memref<80x128xf32, #tpu.memory_space<vmem>>) dst(%dma_wait3A_424 : memref<80x128xf32, #tpu.memory_space<vmem_shared>>)
      tpu.yield
    }) : () -> ()
    %mul3A_17 = arith.constant 640 : i32
    %mul3A_18 = arith.muli %arg1, %mul3A_17 : i32
    %add3A_19 = arith.constant 240 : i32
    %add3A_20 = arith.addi %mul3A_18, %add3A_19 : i32
    %run_scoped3A_21 = arith.constant 0 : i32
    "tpu.region"() ({
      %run_scoped3A_404 = tpu.sem_alloc : memref<!tpu.dma_semaphore, #tpu.memory_space<semaphore_mem>>
      %dma_start3A_405 = arith.constant 0 : i32
      %dma_start3A_406 = arith.constant 0 : i32
      %dma_start3A_407 = tpu.memref_slice %arg9[%run_scoped3A_21, %dma_start3A_405, %dma_start3A_406] : memref<4x80x128xf32, #tpu.memory_space<vmem>> -> memref<1x80x128xf32, #tpu.memory_space<vmem>>
      %dma_start3A_408 = tpu.memref_squeeze %dma_start3A_407 : memref<1x80x128xf32, #tpu.memory_space<vmem>> -> memref<80x128xf32, #tpu.memory_space<vmem>>
      %dma_start3A_409 = arith.constant 0 : i32
      %dma_start3A_410 = tpu.memref_slice %arg10[%add3A_20, %dma_start3A_409] : memref<10240x128xf32, #tpu.memory_space<vmem_shared>> -> memref<80x128xf32, #tpu.memory_space<vmem_shared>>
      %dma_start3A_411 = arith.constant 0 : i32
      %dma_start3A_412 = tpu.memref_slice %arg10[%add3A_20, %dma_start3A_411] : memref<10240x128xf32, #tpu.memory_space<vmem_shared>> -> memref<80x128xf32, #tpu.memory_space<vmem_shared>>
      %dma_start3A_413 = arith.constant 0 : i32
      %dma_start3A_414 = arith.constant 0 : i32
      %dma_start3A_415 = tpu.memref_slice %arg9[%run_scoped3A_21, %dma_start3A_413, %dma_start3A_414] : memref<4x80x128xf32, #tpu.memory_space<vmem>> -> memref<1x80x128xf32, #tpu.memory_space<vmem>>
      %dma_start3A_416 = tpu.memref_squeeze %dma_start3A_415 : memref<1x80x128xf32, #tpu.memory_space<vmem>> -> memref<80x128xf32, #tpu.memory_space<vmem>>
      tpu.enqueue_dma source(%dma_start3A_416 : memref<80x128xf32, #tpu.memory_space<vmem>>) target(%dma_start3A_412 : memref<80x128xf32, #tpu.memory_space<vmem_shared>>) target_semaphore(%run_scoped3A_404 : memref<!tpu.dma_semaphore, #tpu.memory_space<semaphore_mem>>)
      %dma_wait3A_417 = arith.constant 0 : i32
      %dma_wait3A_418 = arith.constant 0 : i32
      %dma_wait3A_419 = tpu.memref_slice %arg9[%run_scoped3A_21, %dma_wait3A_417, %dma_wait3A_418] : memref<4x80x128xf32, #tpu.memory_space<vmem>> -> memref<1x80x128xf32, #tpu.memory_space<vmem>>
      %dma_wait3A_420 = tpu.memref_squeeze %dma_wait3A_419 : memref<1x80x128xf32, #tpu.memory_space<vmem>> -> memref<80x128xf32, #tpu.memory_space<vmem>>
      %dma_wait3A_421 = arith.constant 0 : i32
      %dma_wait3A_422 = tpu.memref_slice %arg10[%add3A_20, %dma_wait3A_421] : memref<10240x128xf32, #tpu.memory_space<vmem_shared>> -> memref<80x128xf32, #tpu.memory_space<vmem_shared>>
      %dma_wait3A_423 = arith.constant 0 : i32
      %dma_wait3A_424 = tpu.memref_slice %arg10[%add3A_20, %dma_wait3A_423] : memref<10240x128xf32, #tpu.memory_space<vmem_shared>> -> memref<80x128xf32, #tpu.memory_space<vmem_shared>>
      %dma_wait3A_425 = arith.constant 0 : i32
      %dma_wait3A_426 = arith.constant 0 : i32
      %dma_wait3A_427 = tpu.memref_slice %arg9[%run_scoped3A_21, %dma_wait3A_425, %dma_wait3A_426] : memref<4x80x128xf32, #tpu.memory_space<vmem>> -> memref<1x80x128xf32, #tpu.memory_space<vmem>>
      %dma_wait3A_428 = tpu.memref_squeeze %dma_wait3A_427 : memref<1x80x128xf32, #tpu.memory_space<vmem>> -> memref<80x128xf32, #tpu.memory_space<vmem>>
      tpu.wait_dma2 semaphore(%run_scoped3A_404 : memref<!tpu.dma_semaphore, #tpu.memory_space<semaphore_mem>>) src(%dma_wait3A_428 : memref<80x128xf32, #tpu.memory_space<vmem>>) dst(%dma_wait3A_424 : memref<80x128xf32, #tpu.memory_space<vmem_shared>>)
      tpu.yield
    }) : () -> ()
    %mul3A_22 = arith.constant 640 : i32
    %mul3A_23 = arith.muli %arg1, %mul3A_22 : i32
    %add3A_24 = arith.constant 320 : i32
    %add3A_25 = arith.addi %mul3A_23, %add3A_24 : i32
    %run_scoped3A_26 = arith.constant 0 : i32
    "tpu.region"() ({
      %run_scoped3A_404 = tpu.sem_alloc : memref<!tpu.dma_semaphore, #tpu.memory_space<semaphore_mem>>
      %dma_start3A_405 = arith.constant 0 : i32
      %dma_start3A_406 = arith.constant 0 : i32
      %dma_start3A_407 = tpu.memref_slice %arg9[%run_scoped3A_26, %dma_start3A_405, %dma_start3A_406] : memref<4x80x128xf32, #tpu.memory_space<vmem>> -> memref<1x80x128xf32, #tpu.memory_space<vmem>>
      %dma_start3A_408 = tpu.memref_squeeze %dma_start3A_407 : memref<1x80x128xf32, #tpu.memory_space<vmem>> -> memref<80x128xf32, #tpu.memory_space<vmem>>
      %dma_start3A_409 = arith.constant 0 : i32
      %dma_start3A_410 = tpu.memref_slice %arg10[%add3A_25, %dma_start3A_409] : memref<10240x128xf32, #tpu.memory_space<vmem_shared>> -> memref<80x128xf32, #tpu.memory_space<vmem_shared>>
      %dma_start3A_411 = arith.constant 0 : i32
      %dma_start3A_412 = tpu.memref_slice %arg10[%add3A_25, %dma_start3A_411] : memref<10240x128xf32, #tpu.memory_space<vmem_shared>> -> memref<80x128xf32, #tpu.memory_space<vmem_shared>>
      %dma_start3A_413 = arith.constant 0 : i32
      %dma_start3A_414 = arith.constant 0 : i32
      %dma_start3A_415 = tpu.memref_slice %arg9[%run_scoped3A_26, %dma_start3A_413, %dma_start3A_414] : memref<4x80x128xf32, #tpu.memory_space<vmem>> -> memref<1x80x128xf32, #tpu.memory_space<vmem>>
      %dma_start3A_416 = tpu.memref_squeeze %dma_start3A_415 : memref<1x80x128xf32, #tpu.memory_space<vmem>> -> memref<80x128xf32, #tpu.memory_space<vmem>>
      tpu.enqueue_dma source(%dma_start3A_416 : memref<80x128xf32, #tpu.memory_space<vmem>>) target(%dma_start3A_412 : memref<80x128xf32, #tpu.memory_space<vmem_shared>>) target_semaphore(%run_scoped3A_404 : memref<!tpu.dma_semaphore, #tpu.memory_space<semaphore_mem>>)
      %dma_wait3A_417 = arith.constant 0 : i32
      %dma_wait3A_418 = arith.constant 0 : i32
      %dma_wait3A_419 = tpu.memref_slice %arg9[%run_scoped3A_26, %dma_wait3A_417, %dma_wait3A_418] : memref<4x80x128xf32, #tpu.memory_space<vmem>> -> memref<1x80x128xf32, #tpu.memory_space<vmem>>
      %dma_wait3A_420 = tpu.memref_squeeze %dma_wait3A_419 : memref<1x80x128xf32, #tpu.memory_space<vmem>> -> memref<80x128xf32, #tpu.memory_space<vmem>>
      %dma_wait3A_421 = arith.constant 0 : i32
      %dma_wait3A_422 = tpu.memref_slice %arg10[%add3A_25, %dma_wait3A_421] : memref<10240x128xf32, #tpu.memory_space<vmem_shared>> -> memref<80x128xf32, #tpu.memory_space<vmem_shared>>
      %dma_wait3A_423 = arith.constant 0 : i32
      %dma_wait3A_424 = tpu.memref_slice %arg10[%add3A_25, %dma_wait3A_423] : memref<10240x128xf32, #tpu.memory_space<vmem_shared>> -> memref<80x128xf32, #tpu.memory_space<vmem_shared>>
      %dma_wait3A_425 = arith.constant 0 : i32
      %dma_wait3A_426 = arith.constant 0 : i32
      %dma_wait3A_427 = tpu.memref_slice %arg9[%run_scoped3A_26, %dma_wait3A_425, %dma_wait3A_426] : memref<4x80x128xf32, #tpu.memory_space<vmem>> -> memref<1x80x128xf32, #tpu.memory_space<vmem>>
      %dma_wait3A_428 = tpu.memref_squeeze %dma_wait3A_427 : memref<1x80x128xf32, #tpu.memory_space<vmem>> -> memref<80x128xf32, #tpu.memory_space<vmem>>
      tpu.wait_dma2 semaphore(%run_scoped3A_404 : memref<!tpu.dma_semaphore, #tpu.memory_space<semaphore_mem>>) src(%dma_wait3A_428 : memref<80x128xf32, #tpu.memory_space<vmem>>) dst(%dma_wait3A_424 : memref<80x128xf32, #tpu.memory_space<vmem_shared>>)
      tpu.yield
    }) : () -> ()
    %mul3A_27 = arith.constant 640 : i32
    %mul3A_28 = arith.muli %arg1, %mul3A_27 : i32
    %add3A_29 = arith.constant 400 : i32
    %add3A_30 = arith.addi %mul3A_28, %add3A_29 : i32
    %run_scoped3A_31 = arith.constant 0 : i32
    "tpu.region"() ({
      %run_scoped3A_404 = tpu.sem_alloc : memref<!tpu.dma_semaphore, #tpu.memory_space<semaphore_mem>>
      %dma_start3A_405 = arith.constant 0 : i32
      %dma_start3A_406 = arith.constant 0 : i32
      %dma_start3A_407 = tpu.memref_slice %arg9[%run_scoped3A_31, %dma_start3A_405, %dma_start3A_406] : memref<4x80x128xf32, #tpu.memory_space<vmem>> -> memref<1x80x128xf32, #tpu.memory_space<vmem>>
      %dma_start3A_408 = tpu.memref_squeeze %dma_start3A_407 : memref<1x80x128xf32, #tpu.memory_space<vmem>> -> memref<80x128xf32, #tpu.memory_space<vmem>>
      %dma_start3A_409 = arith.constant 0 : i32
      %dma_start3A_410 = tpu.memref_slice %arg10[%add3A_30, %dma_start3A_409] : memref<10240x128xf32, #tpu.memory_space<vmem_shared>> -> memref<80x128xf32, #tpu.memory_space<vmem_shared>>
      %dma_start3A_411 = arith.constant 0 : i32
      %dma_start3A_412 = tpu.memref_slice %arg10[%add3A_30, %dma_start3A_411] : memref<10240x128xf32, #tpu.memory_space<vmem_shared>> -> memref<80x128xf32, #tpu.memory_space<vmem_shared>>
      %dma_start3A_413 = arith.constant 0 : i32
      %dma_start3A_414 = arith.constant 0 : i32
      %dma_start3A_415 = tpu.memref_slice %arg9[%run_scoped3A_31, %dma_start3A_413, %dma_start3A_414] : memref<4x80x128xf32, #tpu.memory_space<vmem>> -> memref<1x80x128xf32, #tpu.memory_space<vmem>>
      %dma_start3A_416 = tpu.memref_squeeze %dma_start3A_415 : memref<1x80x128xf32, #tpu.memory_space<vmem>> -> memref<80x128xf32, #tpu.memory_space<vmem>>
      tpu.enqueue_dma source(%dma_start3A_416 : memref<80x128xf32, #tpu.memory_space<vmem>>) target(%dma_start3A_412 : memref<80x128xf32, #tpu.memory_space<vmem_shared>>) target_semaphore(%run_scoped3A_404 : memref<!tpu.dma_semaphore, #tpu.memory_space<semaphore_mem>>)
      %dma_wait3A_417 = arith.constant 0 : i32
      %dma_wait3A_418 = arith.constant 0 : i32
      %dma_wait3A_419 = tpu.memref_slice %arg9[%run_scoped3A_31, %dma_wait3A_417, %dma_wait3A_418] : memref<4x80x128xf32, #tpu.memory_space<vmem>> -> memref<1x80x128xf32, #tpu.memory_space<vmem>>
      %dma_wait3A_420 = tpu.memref_squeeze %dma_wait3A_419 : memref<1x80x128xf32, #tpu.memory_space<vmem>> -> memref<80x128xf32, #tpu.memory_space<vmem>>
      %dma_wait3A_421 = arith.constant 0 : i32
      %dma_wait3A_422 = tpu.memref_slice %arg10[%add3A_30, %dma_wait3A_421] : memref<10240x128xf32, #tpu.memory_space<vmem_shared>> -> memref<80x128xf32, #tpu.memory_space<vmem_shared>>
      %dma_wait3A_423 = arith.constant 0 : i32
      %dma_wait3A_424 = tpu.memref_slice %arg10[%add3A_30, %dma_wait3A_423] : memref<10240x128xf32, #tpu.memory_space<vmem_shared>> -> memref<80x128xf32, #tpu.memory_space<vmem_shared>>
      %dma_wait3A_425 = arith.constant 0 : i32
      %dma_wait3A_426 = arith.constant 0 : i32
      %dma_wait3A_427 = tpu.memref_slice %arg9[%run_scoped3A_31, %dma_wait3A_425, %dma_wait3A_426] : memref<4x80x128xf32, #tpu.memory_space<vmem>> -> memref<1x80x128xf32, #tpu.memory_space<vmem>>
      %dma_wait3A_428 = tpu.memref_squeeze %dma_wait3A_427 : memref<1x80x128xf32, #tpu.memory_space<vmem>> -> memref<80x128xf32, #tpu.memory_space<vmem>>
      tpu.wait_dma2 semaphore(%run_scoped3A_404 : memref<!tpu.dma_semaphore, #tpu.memory_space<semaphore_mem>>) src(%dma_wait3A_428 : memref<80x128xf32, #tpu.memory_space<vmem>>) dst(%dma_wait3A_424 : memref<80x128xf32, #tpu.memory_space<vmem_shared>>)
      tpu.yield
    }) : () -> ()
    %mul3A_32 = arith.constant 640 : i32
    %mul3A_33 = arith.muli %arg1, %mul3A_32 : i32
    %add3A_34 = arith.constant 480 : i32
    %add3A_35 = arith.addi %mul3A_33, %add3A_34 : i32
    %run_scoped3A_36 = arith.constant 0 : i32
    "tpu.region"() ({
      %run_scoped3A_404 = tpu.sem_alloc : memref<!tpu.dma_semaphore, #tpu.memory_space<semaphore_mem>>
      %dma_start3A_405 = arith.constant 0 : i32
      %dma_start3A_406 = arith.constant 0 : i32
      %dma_start3A_407 = tpu.memref_slice %arg9[%run_scoped3A_36, %dma_start3A_405, %dma_start3A_406] : memref<4x80x128xf32, #tpu.memory_space<vmem>> -> memref<1x80x128xf32, #tpu.memory_space<vmem>>
      %dma_start3A_408 = tpu.memref_squeeze %dma_start3A_407 : memref<1x80x128xf32, #tpu.memory_space<vmem>> -> memref<80x128xf32, #tpu.memory_space<vmem>>
      %dma_start3A_409 = arith.constant 0 : i32
      %dma_start3A_410 = tpu.memref_slice %arg10[%add3A_35, %dma_start3A_409] : memref<10240x128xf32, #tpu.memory_space<vmem_shared>> -> memref<80x128xf32, #tpu.memory_space<vmem_shared>>
      %dma_start3A_411 = arith.constant 0 : i32
      %dma_start3A_412 = tpu.memref_slice %arg10[%add3A_35, %dma_start3A_411] : memref<10240x128xf32, #tpu.memory_space<vmem_shared>> -> memref<80x128xf32, #tpu.memory_space<vmem_shared>>
      %dma_start3A_413 = arith.constant 0 : i32
      %dma_start3A_414 = arith.constant 0 : i32
      %dma_start3A_415 = tpu.memref_slice %arg9[%run_scoped3A_36, %dma_start3A_413, %dma_start3A_414] : memref<4x80x128xf32, #tpu.memory_space<vmem>> -> memref<1x80x128xf32, #tpu.memory_space<vmem>>
      %dma_start3A_416 = tpu.memref_squeeze %dma_start3A_415 : memref<1x80x128xf32, #tpu.memory_space<vmem>> -> memref<80x128xf32, #tpu.memory_space<vmem>>
      tpu.enqueue_dma source(%dma_start3A_416 : memref<80x128xf32, #tpu.memory_space<vmem>>) target(%dma_start3A_412 : memref<80x128xf32, #tpu.memory_space<vmem_shared>>) target_semaphore(%run_scoped3A_404 : memref<!tpu.dma_semaphore, #tpu.memory_space<semaphore_mem>>)
      %dma_wait3A_417 = arith.constant 0 : i32
      %dma_wait3A_418 = arith.constant 0 : i32
      %dma_wait3A_419 = tpu.memref_slice %arg9[%run_scoped3A_36, %dma_wait3A_417, %dma_wait3A_418] : memref<4x80x128xf32, #tpu.memory_space<vmem>> -> memref<1x80x128xf32, #tpu.memory_space<vmem>>
      %dma_wait3A_420 = tpu.memref_squeeze %dma_wait3A_419 : memref<1x80x128xf32, #tpu.memory_space<vmem>> -> memref<80x128xf32, #tpu.memory_space<vmem>>
      %dma_wait3A_421 = arith.constant 0 : i32
      %dma_wait3A_422 = tpu.memref_slice %arg10[%add3A_35, %dma_wait3A_421] : memref<10240x128xf32, #tpu.memory_space<vmem_shared>> -> memref<80x128xf32, #tpu.memory_space<vmem_shared>>
      %dma_wait3A_423 = arith.constant 0 : i32
      %dma_wait3A_424 = tpu.memref_slice %arg10[%add3A_35, %dma_wait3A_423] : memref<10240x128xf32, #tpu.memory_space<vmem_shared>> -> memref<80x128xf32, #tpu.memory_space<vmem_shared>>
      %dma_wait3A_425 = arith.constant 0 : i32
      %dma_wait3A_426 = arith.constant 0 : i32
      %dma_wait3A_427 = tpu.memref_slice %arg9[%run_scoped3A_36, %dma_wait3A_425, %dma_wait3A_426] : memref<4x80x128xf32, #tpu.memory_space<vmem>> -> memref<1x80x128xf32, #tpu.memory_space<vmem>>
      %dma_wait3A_428 = tpu.memref_squeeze %dma_wait3A_427 : memref<1x80x128xf32, #tpu.memory_space<vmem>> -> memref<80x128xf32, #tpu.memory_space<vmem>>
      tpu.wait_dma2 semaphore(%run_scoped3A_404 : memref<!tpu.dma_semaphore, #tpu.memory_space<semaphore_mem>>) src(%dma_wait3A_428 : memref<80x128xf32, #tpu.memory_space<vmem>>) dst(%dma_wait3A_424 : memref<80x128xf32, #tpu.memory_space<vmem_shared>>)
      tpu.yield
    }) : () -> ()
    %mul3A_37 = arith.constant 640 : i32
    %mul3A_38 = arith.muli %arg1, %mul3A_37 : i32
    %add3A_39 = arith.constant 560 : i32
    %add3A_40 = arith.addi %mul3A_38, %add3A_39 : i32
    %run_scoped3A_41 = arith.constant 0 : i32
    "tpu.region"() ({
      %run_scoped3A_404 = tpu.sem_alloc : memref<!tpu.dma_semaphore, #tpu.memory_space<semaphore_mem>>
      %dma_start3A_405 = arith.constant 0 : i32
      %dma_start3A_406 = arith.constant 0 : i32
      %dma_start3A_407 = tpu.memref_slice %arg9[%run_scoped3A_41, %dma_start3A_405, %dma_start3A_406] : memref<4x80x128xf32, #tpu.memory_space<vmem>> -> memref<1x80x128xf32, #tpu.memory_space<vmem>>
      %dma_start3A_408 = tpu.memref_squeeze %dma_start3A_407 : memref<1x80x128xf32, #tpu.memory_space<vmem>> -> memref<80x128xf32, #tpu.memory_space<vmem>>
      %dma_start3A_409 = arith.constant 0 : i32
      %dma_start3A_410 = tpu.memref_slice %arg10[%add3A_40, %dma_start3A_409] : memref<10240x128xf32, #tpu.memory_space<vmem_shared>> -> memref<80x128xf32, #tpu.memory_space<vmem_shared>>
      %dma_start3A_411 = arith.constant 0 : i32
      %dma_start3A_412 = tpu.memref_slice %arg10[%add3A_40, %dma_start3A_411] : memref<10240x128xf32, #tpu.memory_space<vmem_shared>> -> memref<80x128xf32, #tpu.memory_space<vmem_shared>>
      %dma_start3A_413 = arith.constant 0 : i32
      %dma_start3A_414 = arith.constant 0 : i32
      %dma_start3A_415 = tpu.memref_slice %arg9[%run_scoped3A_41, %dma_start3A_413, %dma_start3A_414] : memref<4x80x128xf32, #tpu.memory_space<vmem>> -> memref<1x80x128xf32, #tpu.memory_space<vmem>>
      %dma_start3A_416 = tpu.memref_squeeze %dma_start3A_415 : memref<1x80x128xf32, #tpu.memory_space<vmem>> -> memref<80x128xf32, #tpu.memory_space<vmem>>
      tpu.enqueue_dma source(%dma_start3A_416 : memref<80x128xf32, #tpu.memory_space<vmem>>) target(%dma_start3A_412 : memref<80x128xf32, #tpu.memory_space<vmem_shared>>) target_semaphore(%run_scoped3A_404 : memref<!tpu.dma_semaphore, #tpu.memory_space<semaphore_mem>>)
      %dma_wait3A_417 = arith.constant 0 : i32
      %dma_wait3A_418 = arith.constant 0 : i32
      %dma_wait3A_419 = tpu.memref_slice %arg9[%run_scoped3A_41, %dma_wait3A_417, %dma_wait3A_418] : memref<4x80x128xf32, #tpu.memory_space<vmem>> -> memref<1x80x128xf32, #tpu.memory_space<vmem>>
      %dma_wait3A_420 = tpu.memref_squeeze %dma_wait3A_419 : memref<1x80x128xf32, #tpu.memory_space<vmem>> -> memref<80x128xf32, #tpu.memory_space<vmem>>
      %dma_wait3A_421 = arith.constant 0 : i32
      %dma_wait3A_422 = tpu.memref_slice %arg10[%add3A_40, %dma_wait3A_421] : memref<10240x128xf32, #tpu.memory_space<vmem_shared>> -> memref<80x128xf32, #tpu.memory_space<vmem_shared>>
      %dma_wait3A_423 = arith.constant 0 : i32
      %dma_wait3A_424 = tpu.memref_slice %arg10[%add3A_40, %dma_wait3A_423] : memref<10240x128xf32, #tpu.memory_space<vmem_shared>> -> memref<80x128xf32, #tpu.memory_space<vmem_shared>>
      %dma_wait3A_425 = arith.constant 0 : i32
      %dma_wait3A_426 = arith.constant 0 : i32
      %dma_wait3A_427 = tpu.memref_slice %arg9[%run_scoped3A_41, %dma_wait3A_425, %dma_wait3A_426] : memref<4x80x128xf32, #tpu.memory_space<vmem>> -> memref<1x80x128xf32, #tpu.memory_space<vmem>>
      %dma_wait3A_428 = tpu.memref_squeeze %dma_wait3A_427 : memref<1x80x128xf32, #tpu.memory_space<vmem>> -> memref<80x128xf32, #tpu.memory_space<vmem>>
      tpu.wait_dma2 semaphore(%run_scoped3A_404 : memref<!tpu.dma_semaphore, #tpu.memory_space<semaphore_mem>>) src(%dma_wait3A_428 : memref<80x128xf32, #tpu.memory_space<vmem>>) dst(%dma_wait3A_424 : memref<80x128xf32, #tpu.memory_space<vmem_shared>>)
      tpu.yield
    }) : () -> ()
    %barrier3A = arith.constant 0 : index
    tpu.barrier barrier_id(%barrier3A)
    %dma_start3A = arith.constant 0 : i32
    %dma_start3A_42 = arith.constant 0 : i32
    %dma_start3A_43 = arith.constant 0 : i32
    %dma_start3A_44 = tpu.memref_slice %arg9[%dma_start3A, %dma_start3A_42, %dma_start3A_43] : memref<4x80x128xf32, #tpu.memory_space<vmem>> -> memref<1x80x128xf32, #tpu.memory_space<vmem>>
    %dma_start3A_45 = tpu.memref_squeeze %dma_start3A_44 : memref<1x80x128xf32, #tpu.memory_space<vmem>> -> memref<80x128xf32, #tpu.memory_space<vmem>>
    %dma_start3A_46 = arith.constant 0 : i32
    %dma_start3A_47 = tpu.memref_slice %arg7[%dma_start3A_46] : memref<2560xi32, #tpu.memory_space<vmem>> -> memref<80xi32, #tpu.memory_space<vmem>>
    %dma_start3A_48 = arith.constant 0 : i32
    %dma_start3A_49 = arith.constant 0 : i32
    %dma_start3A_50 = tpu.memref_slice %arg2[%dma_start3A_48, %dma_start3A_49] : memref<10000x128xf32, #tpu.memory_space<hbm>> -> memref<10000x128xf32, #tpu.memory_space<hbm>>
    tpu.enqueue_indirect_dma source(%dma_start3A_50 : memref<10000x128xf32, #tpu.memory_space<hbm>>) target(%dma_start3A_45 : memref<80x128xf32, #tpu.memory_space<vmem>>) offsets(%dma_start3A_47 : memref<80xi32, #tpu.memory_space<vmem>>) semaphore(%arg11 : memref<!tpu.dma_semaphore, #tpu.memory_space<semaphore_mem>>)
    %dma_start3A_51 = arith.constant 1 : i32
    %dma_start3A_52 = arith.constant 0 : i32
    %dma_start3A_53 = arith.constant 0 : i32
    %dma_start3A_54 = tpu.memref_slice %arg9[%dma_start3A_51, %dma_start3A_52, %dma_start3A_53] : memref<4x80x128xf32, #tpu.memory_space<vmem>> -> memref<1x80x128xf32, #tpu.memory_space<vmem>>
    %dma_start3A_55 = tpu.memref_squeeze %dma_start3A_54 : memref<1x80x128xf32, #tpu.memory_space<vmem>> -> memref<80x128xf32, #tpu.memory_space<vmem>>
    %dma_start3A_56 = arith.constant 80 : i32
    %dma_start3A_57 = tpu.memref_slice %arg7[%dma_start3A_56] : memref<2560xi32, #tpu.memory_space<vmem>> -> memref<80xi32, #tpu.memory_space<vmem>>
    %dma_start3A_58 = arith.constant 0 : i32
    %dma_start3A_59 = arith.constant 0 : i32
    %dma_start3A_60 = tpu.memref_slice %arg2[%dma_start3A_58, %dma_start3A_59] : memref<10000x128xf32, #tpu.memory_space<hbm>> -> memref<10000x128xf32, #tpu.memory_space<hbm>>
    tpu.enqueue_indirect_dma source(%dma_start3A_60 : memref<10000x128xf32, #tpu.memory_space<hbm>>) target(%dma_start3A_55 : memref<80x128xf32, #tpu.memory_space<vmem>>) offsets(%dma_start3A_57 : memref<80xi32, #tpu.memory_space<vmem>>) semaphore(%arg12 : memref<!tpu.dma_semaphore, #tpu.memory_space<semaphore_mem>>)
    %scan3A = arith.constant 0 : i32
    %scan3A_61 = arith.constant 0 : i32
    %scan3A_62 = arith.constant 32 : i32
    %scan3A_63 = arith.addi %scan3A_61, %scan3A_62 : i32
    %scan3A_64 = arith.constant 1 : i32
    scf.for %scan3A_404 = %scan3A_61 to %scan3A_63 step %scan3A_64  : i32 {
      %mul3A_405 = arith.constant 4 : i32
      %mul3A_406 = arith.muli %scan3A_404, %mul3A_405 : i32
      %add3A_407 = arith.constant 0 : i32
      %add3A_408 = arith.addi %mul3A_406, %add3A_407 : i32
      %jit3A = arith.constant 16 : i32
      %div3A = arith.divsi %add3A_408, %jit3A : i32
      %sign3A = arith.constant 0 : i32
      %sign3A_409 = arith.cmpi sgt, %add3A_408, %sign3A : i32
      %sign3A_410 = arith.extui %sign3A_409 : i1 to i32
      %sign3A_411 = arith.constant 0 : i32
      %sign3A_412 = arith.cmpi slt, %add3A_408, %sign3A_411 : i32
      %sign3A_413 = arith.extui %sign3A_412 : i1 to i32
      %sign3A_414 = arith.subi %sign3A_410, %sign3A_413 : i32
      %sign3A_415 = arith.constant 0 : i32
      %sign3A_416 = arith.cmpi sgt, %jit3A, %sign3A_415 : i32
      %sign3A_417 = arith.extui %sign3A_416 : i1 to i32
      %sign3A_418 = arith.constant 0 : i32
      %sign3A_419 = arith.cmpi slt, %jit3A, %sign3A_418 : i32
      %sign3A_420 = arith.extui %sign3A_419 : i1 to i32
      %sign3A_421 = arith.subi %sign3A_417, %sign3A_420 : i32
      %ne3A = arith.cmpi ne, %sign3A_414, %sign3A_421 : i32
      %rem3A = arith.remsi %add3A_408, %jit3A : i32
      %ne3A_422 = arith.constant 0 : i32
      %ne3A_423 = arith.cmpi ne, %rem3A, %ne3A_422 : i32
      %and3A = arith.andi %ne3A, %ne3A_423 : i1
      %sub3A = arith.constant 1 : i32
      %sub3A_424 = arith.subi %div3A, %sub3A : i32
      %select_n3A = arith.select %and3A, %sub3A_424, %div3A : i32
      %mul3A_425 = arith.constant 16 : i32
      %mul3A_426 = arith.muli %select_n3A, %mul3A_425 : i32
      %sub3A_427 = arith.subi %add3A_408, %mul3A_426 : i32
      %rem3A_428 = arith.constant 2 : i32
      %rem3A_429 = arith.remsi %select_n3A, %rem3A_428 : i32
      %eq3A = arith.constant 8 : i32
      %eq3A_430 = arith.cmpi eq, %sub3A_427, %eq3A : i32
      %add3A_431 = arith.constant 16 : i32
      %add3A_432 = arith.addi %add3A_408, %add3A_431 : i32
      %le3A = arith.constant 128 : i32
      %le3A_433 = arith.cmpi sle, %add3A_432, %le3A : i32
      %and3A_434 = arith.andi %eq3A_430, %le3A_433 : i1
      %convert_element_type3A = arith.extui %and3A_434 : i1 to i32
      %cond3A = arith.constant 0 : i32
      %cond3A_435 = arith.cmpi ne, %convert_element_type3A, %cond3A : i32
      scf.if %cond3A_435 {
        %add3A_711 = arith.constant 1 : i32
        %add3A_712 = arith.addi %select_n3A, %add3A_711 : i32
        %mul3A_713 = arith.constant 1280 : i32
        %mul3A_714 = arith.muli %add3A_712, %mul3A_713 : i32
        %sub3A_715 = arith.constant 1 : i32
        %sub3A_716 = arith.subi %sub3A_715, %rem3A_429 : i32
        %mul3A_717 = arith.constant 1280 : i32
        %mul3A_718 = arith.muli %sub3A_716, %mul3A_717 : i32
        "tpu.region"() ({
          %run_scoped3A_725 = tpu.sem_alloc : memref<!tpu.dma_semaphore, #tpu.memory_space<semaphore_mem>>
          %dma_start3A_726 = tpu.memref_slice %arg7[%mul3A_718] : memref<2560xi32, #tpu.memory_space<vmem>> -> memref<1280xi32, #tpu.memory_space<vmem>>
          %dma_start3A_727 = tpu.memref_slice %arg3[%add3A, %mul3A_714] : memref<32x10240xi32, #tpu.memory_space<hbm>> -> memref<1x1280xi32, #tpu.memory_space<hbm>>
          %dma_start3A_728 = tpu.memref_squeeze %dma_start3A_727 : memref<1x1280xi32, #tpu.memory_space<hbm>> -> memref<1280xi32, #tpu.memory_space<hbm>>
          %dma_start3A_729 = tpu.memref_slice %arg7[%mul3A_718] : memref<2560xi32, #tpu.memory_space<vmem>> -> memref<1280xi32, #tpu.memory_space<vmem>>
          %dma_start3A_730 = tpu.memref_slice %arg3[%add3A, %mul3A_714] : memref<32x10240xi32, #tpu.memory_space<hbm>> -> memref<1x1280xi32, #tpu.memory_space<hbm>>
          %dma_start3A_731 = tpu.memref_squeeze %dma_start3A_730 : memref<1x1280xi32, #tpu.memory_space<hbm>> -> memref<1280xi32, #tpu.memory_space<hbm>>
          tpu.enqueue_dma source(%dma_start3A_731 : memref<1280xi32, #tpu.memory_space<hbm>>) target(%dma_start3A_729 : memref<1280xi32, #tpu.memory_space<vmem>>) target_semaphore(%run_scoped3A_725 : memref<!tpu.dma_semaphore, #tpu.memory_space<semaphore_mem>>)
          %dma_wait3A_732 = tpu.memref_slice %arg7[%mul3A_718] : memref<2560xi32, #tpu.memory_space<vmem>> -> memref<1280xi32, #tpu.memory_space<vmem>>
          %dma_wait3A_733 = tpu.memref_slice %arg3[%add3A, %mul3A_714] : memref<32x10240xi32, #tpu.memory_space<hbm>> -> memref<1x1280xi32, #tpu.memory_space<hbm>>
          %dma_wait3A_734 = tpu.memref_squeeze %dma_wait3A_733 : memref<1x1280xi32, #tpu.memory_space<hbm>> -> memref<1280xi32, #tpu.memory_space<hbm>>
          %dma_wait3A_735 = tpu.memref_slice %arg7[%mul3A_718] : memref<2560xi32, #tpu.memory_space<vmem>> -> memref<1280xi32, #tpu.memory_space<vmem>>
          %dma_wait3A_736 = tpu.memref_slice %arg3[%add3A, %mul3A_714] : memref<32x10240xi32, #tpu.memory_space<hbm>> -> memref<1x1280xi32, #tpu.memory_space<hbm>>
          %dma_wait3A_737 = tpu.memref_squeeze %dma_wait3A_736 : memref<1x1280xi32, #tpu.memory_space<hbm>> -> memref<1280xi32, #tpu.memory_space<hbm>>
          tpu.wait_dma2 semaphore(%run_scoped3A_725 : memref<!tpu.dma_semaphore, #tpu.memory_space<semaphore_mem>>) src(%dma_wait3A_737 : memref<1280xi32, #tpu.memory_space<hbm>>) dst(%dma_wait3A_735 : memref<1280xi32, #tpu.memory_space<vmem>>)
          tpu.yield
        }) : () -> ()
        %add3A_719 = arith.constant 1 : i32
        %add3A_720 = arith.addi %select_n3A, %add3A_719 : i32
        %mul3A_721 = arith.constant 16 : i32
        %mul3A_722 = arith.muli %add3A_720, %mul3A_721 : i32
        %sub3A_723 = arith.constant 1 : i32
        %sub3A_724 = arith.subi %sub3A_723, %rem3A_429 : i32
        "tpu.region"() ({
          %run_scoped3A_725 = tpu.sem_alloc : memref<!tpu.dma_semaphore, #tpu.memory_space<semaphore_mem>>
          %dma_start3A_726 = arith.constant 0 : i32
          %dma_start3A_727 = arith.constant 0 : i32
          %dma_start3A_728 = tpu.memref_slice %arg8[%sub3A_724, %dma_start3A_726, %dma_start3A_727] : memref<2x16x80xi32, #tpu.memory_space<vmem>> -> memref<1x16x80xi32, #tpu.memory_space<vmem>>
          %dma_start3A_729 = tpu.memref_squeeze %dma_start3A_728 : memref<1x16x80xi32, #tpu.memory_space<vmem>> -> memref<16x80xi32, #tpu.memory_space<vmem>>
          %dma_start3A_730 = arith.constant 0 : i32
          %dma_start3A_731 = tpu.memref_slice %arg4[%add3A, %mul3A_722, %dma_start3A_730] : memref<32x128x80xi32, #tpu.memory_space<hbm>> -> memref<1x16x80xi32, #tpu.memory_space<hbm>>
          %dma_start3A_732 = tpu.memref_squeeze %dma_start3A_731 : memref<1x16x80xi32, #tpu.memory_space<hbm>> -> memref<16x80xi32, #tpu.memory_space<hbm>>
          %dma_start3A_733 = arith.constant 0 : i32
          %dma_start3A_734 = arith.constant 0 : i32
          %dma_start3A_735 = tpu.memref_slice %arg8[%sub3A_724, %dma_start3A_733, %dma_start3A_734] : memref<2x16x80xi32, #tpu.memory_space<vmem>> -> memref<1x16x80xi32, #tpu.memory_space<vmem>>
          %dma_start3A_736 = tpu.memref_squeeze %dma_start3A_735 : memref<1x16x80xi32, #tpu.memory_space<vmem>> -> memref<16x80xi32, #tpu.memory_space<vmem>>
          %dma_start3A_737 = arith.constant 0 : i32
          %dma_start3A_738 = tpu.memref_slice %arg4[%add3A, %mul3A_722, %dma_start3A_737] : memref<32x128x80xi32, #tpu.memory_space<hbm>> -> memref<1x16x80xi32, #tpu.memory_space<hbm>>
          %dma_start3A_739 = tpu.memref_squeeze %dma_start3A_738 : memref<1x16x80xi32, #tpu.memory_space<hbm>> -> memref<16x80xi32, #tpu.memory_space<hbm>>
          tpu.enqueue_dma source(%dma_start3A_739 : memref<16x80xi32, #tpu.memory_space<hbm>>) target(%dma_start3A_736 : memref<16x80xi32, #tpu.memory_space<vmem>>) target_semaphore(%run_scoped3A_725 : memref<!tpu.dma_semaphore, #tpu.memory_space<semaphore_mem>>)
          %dma_wait3A_740 = arith.constant 0 : i32
          %dma_wait3A_741 = arith.constant 0 : i32
          %dma_wait3A_742 = tpu.memref_slice %arg8[%sub3A_724, %dma_wait3A_740, %dma_wait3A_741] : memref<2x16x80xi32, #tpu.memory_space<vmem>> -> memref<1x16x80xi32, #tpu.memory_space<vmem>>
          %dma_wait3A_743 = tpu.memref_squeeze %dma_wait3A_742 : memref<1x16x80xi32, #tpu.memory_space<vmem>> -> memref<16x80xi32, #tpu.memory_space<vmem>>
          %dma_wait3A_744 = arith.constant 0 : i32
          %dma_wait3A_745 = tpu.memref_slice %arg4[%add3A, %mul3A_722, %dma_wait3A_744] : memref<32x128x80xi32, #tpu.memory_space<hbm>> -> memref<1x16x80xi32, #tpu.memory_space<hbm>>
          %dma_wait3A_746 = tpu.memref_squeeze %dma_wait3A_745 : memref<1x16x80xi32, #tpu.memory_space<hbm>> -> memref<16x80xi32, #tpu.memory_space<hbm>>
          %dma_wait3A_747 = arith.constant 0 : i32
          %dma_wait3A_748 = arith.constant 0 : i32
          %dma_wait3A_749 = tpu.memref_slice %arg8[%sub3A_724, %dma_wait3A_747, %dma_wait3A_748] : memref<2x16x80xi32, #tpu.memory_space<vmem>> -> memref<1x16x80xi32, #tpu.memory_space<vmem>>
          %dma_wait3A_750 = tpu.memref_squeeze %dma_wait3A_749 : memref<1x16x80xi32, #tpu.memory_space<vmem>> -> memref<16x80xi32, #tpu.memory_space<vmem>>
          %dma_wait3A_751 = arith.constant 0 : i32
          %dma_wait3A_752 = tpu.memref_slice %arg4[%add3A, %mul3A_722, %dma_wait3A_751] : memref<32x128x80xi32, #tpu.memory_space<hbm>> -> memref<1x16x80xi32, #tpu.memory_space<hbm>>
          %dma_wait3A_753 = tpu.memref_squeeze %dma_wait3A_752 : memref<1x16x80xi32, #tpu.memory_space<hbm>> -> memref<16x80xi32, #tpu.memory_space<hbm>>
          tpu.wait_dma2 semaphore(%run_scoped3A_725 : memref<!tpu.dma_semaphore, #tpu.memory_space<semaphore_mem>>) src(%dma_wait3A_753 : memref<16x80xi32, #tpu.memory_space<hbm>>) dst(%dma_wait3A_750 : memref<16x80xi32, #tpu.memory_space<vmem>>)
          tpu.yield
        }) : () -> ()
      } else {
      }
      %ge3A = arith.constant 2 : i32
      %ge3A_436 = arith.cmpi sge, %add3A_408, %ge3A : i32
      %convert_element_type3A_437 = arith.extui %ge3A_436 : i1 to i32
      %cond3A_438 = arith.constant 0 : i32
      %cond3A_439 = arith.cmpi ne, %convert_element_type3A_437, %cond3A_438 : i32
      scf.if %cond3A_439 {
        %sub3A_711 = arith.constant 2 : i32
        %sub3A_712 = arith.subi %add3A_408, %sub3A_711 : i32
        %jit3A_713 = arith.constant 16 : i32
        %div3A_714 = arith.divsi %sub3A_712, %jit3A_713 : i32
        %sign3A_715 = arith.constant 0 : i32
        %sign3A_716 = arith.cmpi sgt, %sub3A_712, %sign3A_715 : i32
        %sign3A_717 = arith.extui %sign3A_716 : i1 to i32
        %sign3A_718 = arith.constant 0 : i32
        %sign3A_719 = arith.cmpi slt, %sub3A_712, %sign3A_718 : i32
        %sign3A_720 = arith.extui %sign3A_719 : i1 to i32
        %sign3A_721 = arith.subi %sign3A_717, %sign3A_720 : i32
        %sign3A_722 = arith.constant 0 : i32
        %sign3A_723 = arith.cmpi sgt, %jit3A_713, %sign3A_722 : i32
        %sign3A_724 = arith.extui %sign3A_723 : i1 to i32
        %sign3A_725 = arith.constant 0 : i32
        %sign3A_726 = arith.cmpi slt, %jit3A_713, %sign3A_725 : i32
        %sign3A_727 = arith.extui %sign3A_726 : i1 to i32
        %sign3A_728 = arith.subi %sign3A_724, %sign3A_727 : i32
        %ne3A_729 = arith.cmpi ne, %sign3A_721, %sign3A_728 : i32
        %rem3A_730 = arith.remsi %sub3A_712, %jit3A_713 : i32
        %ne3A_731 = arith.constant 0 : i32
        %ne3A_732 = arith.cmpi ne, %rem3A_730, %ne3A_731 : i32
        %and3A_733 = arith.andi %ne3A_729, %ne3A_732 : i1
        %sub3A_734 = arith.constant 1 : i32
        %sub3A_735 = arith.subi %div3A_714, %sub3A_734 : i32
        %select_n3A_736 = arith.select %and3A_733, %sub3A_735, %div3A_714 : i32
        %rem3A_737 = arith.constant 2 : i32
        %rem3A_738 = arith.remsi %select_n3A_736, %rem3A_737 : i32
        %mul3A_739 = arith.constant 16 : i32
        %mul3A_740 = arith.muli %select_n3A_736, %mul3A_739 : i32
        %sub3A_741 = arith.subi %sub3A_712, %mul3A_740 : i32
        %dma_wait3A_742 = arith.constant 2 : i32
        %dma_wait3A_743 = arith.constant 0 : i32
        %dma_wait3A_744 = arith.constant 0 : i32
        %dma_wait3A_745 = tpu.memref_slice %arg9[%dma_wait3A_742, %dma_wait3A_743, %dma_wait3A_744] : memref<4x80x128xf32, #tpu.memory_space<vmem>> -> memref<1x80x128xf32, #tpu.memory_space<vmem>>
        %dma_wait3A_746 = tpu.memref_squeeze %dma_wait3A_745 : memref<1x80x128xf32, #tpu.memory_space<vmem>> -> memref<80x128xf32, #tpu.memory_space<vmem>>
        %dma_wait3A_747 = arith.constant 0 : i32
        %dma_wait3A_748 = tpu.memref_slice %arg8[%rem3A_738, %sub3A_741, %dma_wait3A_747] : memref<2x16x80xi32, #tpu.memory_space<vmem>> -> memref<1x1x80xi32, #tpu.memory_space<vmem>>
        %dma_wait3A_749 = tpu.memref_squeeze %dma_wait3A_748 : memref<1x1x80xi32, #tpu.memory_space<vmem>> -> memref<80xi32, #tpu.memory_space<vmem>>
        %dma_wait3A_750 = arith.constant 0 : i32
        %dma_wait3A_751 = arith.constant 0 : i32
        %dma_wait3A_752 = tpu.memref_slice %arg10[%dma_wait3A_750, %dma_wait3A_751] : memref<10240x128xf32, #tpu.memory_space<vmem_shared>> -> memref<10240x128xf32, #tpu.memory_space<vmem_shared>>
        tpu.wait_indirect_dma semaphore(%arg17 : memref<!tpu.dma_semaphore, #tpu.memory_space<semaphore_mem>>) src(%dma_wait3A_746 : memref<80x128xf32, #tpu.memory_space<vmem>>) dst(%dma_wait3A_752 : memref<10240x128xf32, #tpu.memory_space<vmem_shared>>)
      } else {
      }
      %add3A_440 = arith.constant 2 : i32
      %add3A_441 = arith.addi %add3A_408, %add3A_440 : i32
      %lt3A = arith.constant 128 : i32
      %lt3A_442 = arith.cmpi slt, %add3A_441, %lt3A : i32
      %convert_element_type3A_443 = arith.extui %lt3A_442 : i1 to i32
      %cond3A_444 = arith.constant 0 : i32
      %cond3A_445 = arith.cmpi ne, %convert_element_type3A_443, %cond3A_444 : i32
      scf.if %cond3A_445 {
        %add3A_711 = arith.constant 2 : i32
        %add3A_712 = arith.addi %add3A_408, %add3A_711 : i32
        %jit3A_713 = arith.constant 16 : i32
        %div3A_714 = arith.divsi %add3A_712, %jit3A_713 : i32
        %sign3A_715 = arith.constant 0 : i32
        %sign3A_716 = arith.cmpi sgt, %add3A_712, %sign3A_715 : i32
        %sign3A_717 = arith.extui %sign3A_716 : i1 to i32
        %sign3A_718 = arith.constant 0 : i32
        %sign3A_719 = arith.cmpi slt, %add3A_712, %sign3A_718 : i32
        %sign3A_720 = arith.extui %sign3A_719 : i1 to i32
        %sign3A_721 = arith.subi %sign3A_717, %sign3A_720 : i32
        %sign3A_722 = arith.constant 0 : i32
        %sign3A_723 = arith.cmpi sgt, %jit3A_713, %sign3A_722 : i32
        %sign3A_724 = arith.extui %sign3A_723 : i1 to i32
        %sign3A_725 = arith.constant 0 : i32
        %sign3A_726 = arith.cmpi slt, %jit3A_713, %sign3A_725 : i32
        %sign3A_727 = arith.extui %sign3A_726 : i1 to i32
        %sign3A_728 = arith.subi %sign3A_724, %sign3A_727 : i32
        %ne3A_729 = arith.cmpi ne, %sign3A_721, %sign3A_728 : i32
        %rem3A_730 = arith.remsi %add3A_712, %jit3A_713 : i32
        %ne3A_731 = arith.constant 0 : i32
        %ne3A_732 = arith.cmpi ne, %rem3A_730, %ne3A_731 : i32
        %and3A_733 = arith.andi %ne3A_729, %ne3A_732 : i1
        %sub3A_734 = arith.constant 1 : i32
        %sub3A_735 = arith.subi %div3A_714, %sub3A_734 : i32
        %select_n3A_736 = arith.select %and3A_733, %sub3A_735, %div3A_714 : i32
        %rem3A_737 = arith.constant 2 : i32
        %rem3A_738 = arith.remsi %select_n3A_736, %rem3A_737 : i32
        %mul3A_739 = arith.constant 1280 : i32
        %mul3A_740 = arith.muli %rem3A_738, %mul3A_739 : i32
        %mul3A_741 = arith.constant 16 : i32
        %mul3A_742 = arith.muli %select_n3A_736, %mul3A_741 : i32
        %sub3A_743 = arith.subi %add3A_712, %mul3A_742 : i32
        %mul3A_744 = arith.constant 80 : i32
        %mul3A_745 = arith.muli %sub3A_743, %mul3A_744 : i32
        %add3A_746 = arith.addi %mul3A_740, %mul3A_745 : i32
        %dma_start3A_747 = arith.constant 2 : i32
        %dma_start3A_748 = arith.constant 0 : i32
        %dma_start3A_749 = arith.constant 0 : i32
        %dma_start3A_750 = tpu.memref_slice %arg9[%dma_start3A_747, %dma_start3A_748, %dma_start3A_749] : memref<4x80x128xf32, #tpu.memory_space<vmem>> -> memref<1x80x128xf32, #tpu.memory_space<vmem>>
        %dma_start3A_751 = tpu.memref_squeeze %dma_start3A_750 : memref<1x80x128xf32, #tpu.memory_space<vmem>> -> memref<80x128xf32, #tpu.memory_space<vmem>>
        %dma_start3A_752 = tpu.memref_slice %arg7[%add3A_746] : memref<2560xi32, #tpu.memory_space<vmem>> -> memref<80xi32, #tpu.memory_space<vmem>>
        %dma_start3A_753 = arith.constant 0 : i32
        %dma_start3A_754 = arith.constant 0 : i32
        %dma_start3A_755 = tpu.memref_slice %arg2[%dma_start3A_753, %dma_start3A_754] : memref<10000x128xf32, #tpu.memory_space<hbm>> -> memref<10000x128xf32, #tpu.memory_space<hbm>>
        tpu.enqueue_indirect_dma source(%dma_start3A_755 : memref<10000x128xf32, #tpu.memory_space<hbm>>) target(%dma_start3A_751 : memref<80x128xf32, #tpu.memory_space<vmem>>) offsets(%dma_start3A_752 : memref<80xi32, #tpu.memory_space<vmem>>) semaphore(%arg13 : memref<!tpu.dma_semaphore, #tpu.memory_space<semaphore_mem>>)
      } else {
      }
      %mul3A_446 = arith.constant 1280 : i32
      %mul3A_447 = arith.muli %rem3A_429, %mul3A_446 : i32
      %mul3A_448 = arith.constant 80 : i32
      %mul3A_449 = arith.muli %sub3A_427, %mul3A_448 : i32
      %add3A_450 = arith.addi %mul3A_447, %mul3A_449 : i32
      %dma_wait3A_451 = arith.constant 0 : i32
      %dma_wait3A_452 = arith.constant 0 : i32
      %dma_wait3A_453 = arith.constant 0 : i32
      %dma_wait3A_454 = tpu.memref_slice %arg9[%dma_wait3A_451, %dma_wait3A_452, %dma_wait3A_453] : memref<4x80x128xf32, #tpu.memory_space<vmem>> -> memref<1x80x128xf32, #tpu.memory_space<vmem>>
      %dma_wait3A_455 = tpu.memref_squeeze %dma_wait3A_454 : memref<1x80x128xf32, #tpu.memory_space<vmem>> -> memref<80x128xf32, #tpu.memory_space<vmem>>
      %dma_wait3A_456 = tpu.memref_slice %arg7[%add3A_450] : memref<2560xi32, #tpu.memory_space<vmem>> -> memref<80xi32, #tpu.memory_space<vmem>>
      %dma_wait3A_457 = arith.constant 0 : i32
      %dma_wait3A_458 = arith.constant 0 : i32
      %dma_wait3A_459 = tpu.memref_slice %arg2[%dma_wait3A_457, %dma_wait3A_458] : memref<10000x128xf32, #tpu.memory_space<hbm>> -> memref<10000x128xf32, #tpu.memory_space<hbm>>
      tpu.wait_indirect_dma semaphore(%arg11 : memref<!tpu.dma_semaphore, #tpu.memory_space<semaphore_mem>>) src(%dma_wait3A_459 : memref<10000x128xf32, #tpu.memory_space<hbm>>) dst(%dma_wait3A_455 : memref<80x128xf32, #tpu.memory_space<vmem>>)
      %dma_start3A_460 = arith.constant 0 : i32
      %dma_start3A_461 = arith.constant 0 : i32
      %dma_start3A_462 = arith.constant 0 : i32
      %dma_start3A_463 = tpu.memref_slice %arg9[%dma_start3A_460, %dma_start3A_461, %dma_start3A_462] : memref<4x80x128xf32, #tpu.memory_space<vmem>> -> memref<1x80x128xf32, #tpu.memory_space<vmem>>
      %dma_start3A_464 = tpu.memref_squeeze %dma_start3A_463 : memref<1x80x128xf32, #tpu.memory_space<vmem>> -> memref<80x128xf32, #tpu.memory_space<vmem>>
      %dma_start3A_465 = arith.constant 0 : i32
      %dma_start3A_466 = tpu.memref_slice %arg8[%rem3A_429, %sub3A_427, %dma_start3A_465] : memref<2x16x80xi32, #tpu.memory_space<vmem>> -> memref<1x1x80xi32, #tpu.memory_space<vmem>>
      %dma_start3A_467 = tpu.memref_squeeze %dma_start3A_466 : memref<1x1x80xi32, #tpu.memory_space<vmem>> -> memref<80xi32, #tpu.memory_space<vmem>>
      %dma_start3A_468 = arith.constant 0 : i32
      %dma_start3A_469 = arith.constant 0 : i32
      %dma_start3A_470 = tpu.memref_slice %arg10[%dma_start3A_468, %dma_start3A_469] : memref<10240x128xf32, #tpu.memory_space<vmem_shared>> -> memref<10240x128xf32, #tpu.memory_space<vmem_shared>>
      tpu.enqueue_indirect_dma source(%dma_start3A_464 : memref<80x128xf32, #tpu.memory_space<vmem>>) target(%dma_start3A_470 : memref<10240x128xf32, #tpu.memory_space<vmem_shared>>) offsets(%dma_start3A_467 : memref<80xi32, #tpu.memory_space<vmem>>) semaphore(%arg15 : memref<!tpu.dma_semaphore, #tpu.memory_space<semaphore_mem>>) {add = true}
      %mul3A_471 = arith.constant 4 : i32
      %mul3A_472 = arith.muli %scan3A_404, %mul3A_471 : i32
      %add3A_473 = arith.constant 1 : i32
      %add3A_474 = arith.addi %mul3A_472, %add3A_473 : i32
      %jit3A_475 = arith.constant 16 : i32
      %div3A_476 = arith.divsi %add3A_474, %jit3A_475 : i32
      %sign3A_477 = arith.constant 0 : i32
      %sign3A_478 = arith.cmpi sgt, %add3A_474, %sign3A_477 : i32
      %sign3A_479 = arith.extui %sign3A_478 : i1 to i32
      %sign3A_480 = arith.constant 0 : i32
      %sign3A_481 = arith.cmpi slt, %add3A_474, %sign3A_480 : i32
      %sign3A_482 = arith.extui %sign3A_481 : i1 to i32
      %sign3A_483 = arith.subi %sign3A_479, %sign3A_482 : i32
      %sign3A_484 = arith.constant 0 : i32
      %sign3A_485 = arith.cmpi sgt, %jit3A_475, %sign3A_484 : i32
      %sign3A_486 = arith.extui %sign3A_485 : i1 to i32
      %sign3A_487 = arith.constant 0 : i32
      %sign3A_488 = arith.cmpi slt, %jit3A_475, %sign3A_487 : i32
      %sign3A_489 = arith.extui %sign3A_488 : i1 to i32
      %sign3A_490 = arith.subi %sign3A_486, %sign3A_489 : i32
      %ne3A_491 = arith.cmpi ne, %sign3A_483, %sign3A_490 : i32
      %rem3A_492 = arith.remsi %add3A_474, %jit3A_475 : i32
      %ne3A_493 = arith.constant 0 : i32
      %ne3A_494 = arith.cmpi ne, %rem3A_492, %ne3A_493 : i32
      %and3A_495 = arith.andi %ne3A_491, %ne3A_494 : i1
      %sub3A_496 = arith.constant 1 : i32
      %sub3A_497 = arith.subi %div3A_476, %sub3A_496 : i32
      %select_n3A_498 = arith.select %and3A_495, %sub3A_497, %div3A_476 : i32
      %mul3A_499 = arith.constant 16 : i32
      %mul3A_500 = arith.muli %select_n3A_498, %mul3A_499 : i32
      %sub3A_501 = arith.subi %add3A_474, %mul3A_500 : i32
      %rem3A_502 = arith.constant 2 : i32
      %rem3A_503 = arith.remsi %select_n3A_498, %rem3A_502 : i32
      %eq3A_504 = arith.constant 8 : i32
      %eq3A_505 = arith.cmpi eq, %sub3A_501, %eq3A_504 : i32
      %add3A_506 = arith.constant 16 : i32
      %add3A_507 = arith.addi %add3A_474, %add3A_506 : i32
      %le3A_508 = arith.constant 128 : i32
      %le3A_509 = arith.cmpi sle, %add3A_507, %le3A_508 : i32
      %and3A_510 = arith.andi %eq3A_505, %le3A_509 : i1
      %convert_element_type3A_511 = arith.extui %and3A_510 : i1 to i32
      %cond3A_512 = arith.constant 0 : i32
      %cond3A_513 = arith.cmpi ne, %convert_element_type3A_511, %cond3A_512 : i32
      scf.if %cond3A_513 {
        %add3A_711 = arith.constant 1 : i32
        %add3A_712 = arith.addi %select_n3A_498, %add3A_711 : i32
        %mul3A_713 = arith.constant 1280 : i32
        %mul3A_714 = arith.muli %add3A_712, %mul3A_713 : i32
        %sub3A_715 = arith.constant 1 : i32
        %sub3A_716 = arith.subi %sub3A_715, %rem3A_503 : i32
        %mul3A_717 = arith.constant 1280 : i32
        %mul3A_718 = arith.muli %sub3A_716, %mul3A_717 : i32
        "tpu.region"() ({
          %run_scoped3A_725 = tpu.sem_alloc : memref<!tpu.dma_semaphore, #tpu.memory_space<semaphore_mem>>
          %dma_start3A_726 = tpu.memref_slice %arg7[%mul3A_718] : memref<2560xi32, #tpu.memory_space<vmem>> -> memref<1280xi32, #tpu.memory_space<vmem>>
          %dma_start3A_727 = tpu.memref_slice %arg3[%add3A, %mul3A_714] : memref<32x10240xi32, #tpu.memory_space<hbm>> -> memref<1x1280xi32, #tpu.memory_space<hbm>>
          %dma_start3A_728 = tpu.memref_squeeze %dma_start3A_727 : memref<1x1280xi32, #tpu.memory_space<hbm>> -> memref<1280xi32, #tpu.memory_space<hbm>>
          %dma_start3A_729 = tpu.memref_slice %arg7[%mul3A_718] : memref<2560xi32, #tpu.memory_space<vmem>> -> memref<1280xi32, #tpu.memory_space<vmem>>
          %dma_start3A_730 = tpu.memref_slice %arg3[%add3A, %mul3A_714] : memref<32x10240xi32, #tpu.memory_space<hbm>> -> memref<1x1280xi32, #tpu.memory_space<hbm>>
          %dma_start3A_731 = tpu.memref_squeeze %dma_start3A_730 : memref<1x1280xi32, #tpu.memory_space<hbm>> -> memref<1280xi32, #tpu.memory_space<hbm>>
          tpu.enqueue_dma source(%dma_start3A_731 : memref<1280xi32, #tpu.memory_space<hbm>>) target(%dma_start3A_729 : memref<1280xi32, #tpu.memory_space<vmem>>) target_semaphore(%run_scoped3A_725 : memref<!tpu.dma_semaphore, #tpu.memory_space<semaphore_mem>>)
          %dma_wait3A_732 = tpu.memref_slice %arg7[%mul3A_718] : memref<2560xi32, #tpu.memory_space<vmem>> -> memref<1280xi32, #tpu.memory_space<vmem>>
          %dma_wait3A_733 = tpu.memref_slice %arg3[%add3A, %mul3A_714] : memref<32x10240xi32, #tpu.memory_space<hbm>> -> memref<1x1280xi32, #tpu.memory_space<hbm>>
          %dma_wait3A_734 = tpu.memref_squeeze %dma_wait3A_733 : memref<1x1280xi32, #tpu.memory_space<hbm>> -> memref<1280xi32, #tpu.memory_space<hbm>>
          %dma_wait3A_735 = tpu.memref_slice %arg7[%mul3A_718] : memref<2560xi32, #tpu.memory_space<vmem>> -> memref<1280xi32, #tpu.memory_space<vmem>>
          %dma_wait3A_736 = tpu.memref_slice %arg3[%add3A, %mul3A_714] : memref<32x10240xi32, #tpu.memory_space<hbm>> -> memref<1x1280xi32, #tpu.memory_space<hbm>>
          %dma_wait3A_737 = tpu.memref_squeeze %dma_wait3A_736 : memref<1x1280xi32, #tpu.memory_space<hbm>> -> memref<1280xi32, #tpu.memory_space<hbm>>
          tpu.wait_dma2 semaphore(%run_scoped3A_725 : memref<!tpu.dma_semaphore, #tpu.memory_space<semaphore_mem>>) src(%dma_wait3A_737 : memref<1280xi32, #tpu.memory_space<hbm>>) dst(%dma_wait3A_735 : memref<1280xi32, #tpu.memory_space<vmem>>)
          tpu.yield
        }) : () -> ()
        %add3A_719 = arith.constant 1 : i32
        %add3A_720 = arith.addi %select_n3A_498, %add3A_719 : i32
        %mul3A_721 = arith.constant 16 : i32
        %mul3A_722 = arith.muli %add3A_720, %mul3A_721 : i32
        %sub3A_723 = arith.constant 1 : i32
        %sub3A_724 = arith.subi %sub3A_723, %rem3A_503 : i32
        "tpu.region"() ({
          %run_scoped3A_725 = tpu.sem_alloc : memref<!tpu.dma_semaphore, #tpu.memory_space<semaphore_mem>>
          %dma_start3A_726 = arith.constant 0 : i32
          %dma_start3A_727 = arith.constant 0 : i32
          %dma_start3A_728 = tpu.memref_slice %arg8[%sub3A_724, %dma_start3A_726, %dma_start3A_727] : memref<2x16x80xi32, #tpu.memory_space<vmem>> -> memref<1x16x80xi32, #tpu.memory_space<vmem>>
          %dma_start3A_729 = tpu.memref_squeeze %dma_start3A_728 : memref<1x16x80xi32, #tpu.memory_space<vmem>> -> memref<16x80xi32, #tpu.memory_space<vmem>>
          %dma_start3A_730 = arith.constant 0 : i32
          %dma_start3A_731 = tpu.memref_slice %arg4[%add3A, %mul3A_722, %dma_start3A_730] : memref<32x128x80xi32, #tpu.memory_space<hbm>> -> memref<1x16x80xi32, #tpu.memory_space<hbm>>
          %dma_start3A_732 = tpu.memref_squeeze %dma_start3A_731 : memref<1x16x80xi32, #tpu.memory_space<hbm>> -> memref<16x80xi32, #tpu.memory_space<hbm>>
          %dma_start3A_733 = arith.constant 0 : i32
          %dma_start3A_734 = arith.constant 0 : i32
          %dma_start3A_735 = tpu.memref_slice %arg8[%sub3A_724, %dma_start3A_733, %dma_start3A_734] : memref<2x16x80xi32, #tpu.memory_space<vmem>> -> memref<1x16x80xi32, #tpu.memory_space<vmem>>
          %dma_start3A_736 = tpu.memref_squeeze %dma_start3A_735 : memref<1x16x80xi32, #tpu.memory_space<vmem>> -> memref<16x80xi32, #tpu.memory_space<vmem>>
          %dma_start3A_737 = arith.constant 0 : i32
          %dma_start3A_738 = tpu.memref_slice %arg4[%add3A, %mul3A_722, %dma_start3A_737] : memref<32x128x80xi32, #tpu.memory_space<hbm>> -> memref<1x16x80xi32, #tpu.memory_space<hbm>>
          %dma_start3A_739 = tpu.memref_squeeze %dma_start3A_738 : memref<1x16x80xi32, #tpu.memory_space<hbm>> -> memref<16x80xi32, #tpu.memory_space<hbm>>
          tpu.enqueue_dma source(%dma_start3A_739 : memref<16x80xi32, #tpu.memory_space<hbm>>) target(%dma_start3A_736 : memref<16x80xi32, #tpu.memory_space<vmem>>) target_semaphore(%run_scoped3A_725 : memref<!tpu.dma_semaphore, #tpu.memory_space<semaphore_mem>>)
          %dma_wait3A_740 = arith.constant 0 : i32
          %dma_wait3A_741 = arith.constant 0 : i32
          %dma_wait3A_742 = tpu.memref_slice %arg8[%sub3A_724, %dma_wait3A_740, %dma_wait3A_741] : memref<2x16x80xi32, #tpu.memory_space<vmem>> -> memref<1x16x80xi32, #tpu.memory_space<vmem>>
          %dma_wait3A_743 = tpu.memref_squeeze %dma_wait3A_742 : memref<1x16x80xi32, #tpu.memory_space<vmem>> -> memref<16x80xi32, #tpu.memory_space<vmem>>
          %dma_wait3A_744 = arith.constant 0 : i32
          %dma_wait3A_745 = tpu.memref_slice %arg4[%add3A, %mul3A_722, %dma_wait3A_744] : memref<32x128x80xi32, #tpu.memory_space<hbm>> -> memref<1x16x80xi32, #tpu.memory_space<hbm>>
          %dma_wait3A_746 = tpu.memref_squeeze %dma_wait3A_745 : memref<1x16x80xi32, #tpu.memory_space<hbm>> -> memref<16x80xi32, #tpu.memory_space<hbm>>
          %dma_wait3A_747 = arith.constant 0 : i32
          %dma_wait3A_748 = arith.constant 0 : i32
          %dma_wait3A_749 = tpu.memref_slice %arg8[%sub3A_724, %dma_wait3A_747, %dma_wait3A_748] : memref<2x16x80xi32, #tpu.memory_space<vmem>> -> memref<1x16x80xi32, #tpu.memory_space<vmem>>
          %dma_wait3A_750 = tpu.memref_squeeze %dma_wait3A_749 : memref<1x16x80xi32, #tpu.memory_space<vmem>> -> memref<16x80xi32, #tpu.memory_space<vmem>>
          %dma_wait3A_751 = arith.constant 0 : i32
          %dma_wait3A_752 = tpu.memref_slice %arg4[%add3A, %mul3A_722, %dma_wait3A_751] : memref<32x128x80xi32, #tpu.memory_space<hbm>> -> memref<1x16x80xi32, #tpu.memory_space<hbm>>
          %dma_wait3A_753 = tpu.memref_squeeze %dma_wait3A_752 : memref<1x16x80xi32, #tpu.memory_space<hbm>> -> memref<16x80xi32, #tpu.memory_space<hbm>>
          tpu.wait_dma2 semaphore(%run_scoped3A_725 : memref<!tpu.dma_semaphore, #tpu.memory_space<semaphore_mem>>) src(%dma_wait3A_753 : memref<16x80xi32, #tpu.memory_space<hbm>>) dst(%dma_wait3A_750 : memref<16x80xi32, #tpu.memory_space<vmem>>)
          tpu.yield
        }) : () -> ()
      } else {
      }
      %ge3A_514 = arith.constant 2 : i32
      %ge3A_515 = arith.cmpi sge, %add3A_474, %ge3A_514 : i32
      %convert_element_type3A_516 = arith.extui %ge3A_515 : i1 to i32
      %cond3A_517 = arith.constant 0 : i32
      %cond3A_518 = arith.cmpi ne, %convert_element_type3A_516, %cond3A_517 : i32
      scf.if %cond3A_518 {
        %sub3A_711 = arith.constant 2 : i32
        %sub3A_712 = arith.subi %add3A_474, %sub3A_711 : i32
        %jit3A_713 = arith.constant 16 : i32
        %div3A_714 = arith.divsi %sub3A_712, %jit3A_713 : i32
        %sign3A_715 = arith.constant 0 : i32
        %sign3A_716 = arith.cmpi sgt, %sub3A_712, %sign3A_715 : i32
        %sign3A_717 = arith.extui %sign3A_716 : i1 to i32
        %sign3A_718 = arith.constant 0 : i32
        %sign3A_719 = arith.cmpi slt, %sub3A_712, %sign3A_718 : i32
        %sign3A_720 = arith.extui %sign3A_719 : i1 to i32
        %sign3A_721 = arith.subi %sign3A_717, %sign3A_720 : i32
        %sign3A_722 = arith.constant 0 : i32
        %sign3A_723 = arith.cmpi sgt, %jit3A_713, %sign3A_722 : i32
        %sign3A_724 = arith.extui %sign3A_723 : i1 to i32
        %sign3A_725 = arith.constant 0 : i32
        %sign3A_726 = arith.cmpi slt, %jit3A_713, %sign3A_725 : i32
        %sign3A_727 = arith.extui %sign3A_726 : i1 to i32
        %sign3A_728 = arith.subi %sign3A_724, %sign3A_727 : i32
        %ne3A_729 = arith.cmpi ne, %sign3A_721, %sign3A_728 : i32
        %rem3A_730 = arith.remsi %sub3A_712, %jit3A_713 : i32
        %ne3A_731 = arith.constant 0 : i32
        %ne3A_732 = arith.cmpi ne, %rem3A_730, %ne3A_731 : i32
        %and3A_733 = arith.andi %ne3A_729, %ne3A_732 : i1
        %sub3A_734 = arith.constant 1 : i32
        %sub3A_735 = arith.subi %div3A_714, %sub3A_734 : i32
        %select_n3A_736 = arith.select %and3A_733, %sub3A_735, %div3A_714 : i32
        %rem3A_737 = arith.constant 2 : i32
        %rem3A_738 = arith.remsi %select_n3A_736, %rem3A_737 : i32
        %mul3A_739 = arith.constant 16 : i32
        %mul3A_740 = arith.muli %select_n3A_736, %mul3A_739 : i32
        %sub3A_741 = arith.subi %sub3A_712, %mul3A_740 : i32
        %dma_wait3A_742 = arith.constant 3 : i32
        %dma_wait3A_743 = arith.constant 0 : i32
        %dma_wait3A_744 = arith.constant 0 : i32
        %dma_wait3A_745 = tpu.memref_slice %arg9[%dma_wait3A_742, %dma_wait3A_743, %dma_wait3A_744] : memref<4x80x128xf32, #tpu.memory_space<vmem>> -> memref<1x80x128xf32, #tpu.memory_space<vmem>>
        %dma_wait3A_746 = tpu.memref_squeeze %dma_wait3A_745 : memref<1x80x128xf32, #tpu.memory_space<vmem>> -> memref<80x128xf32, #tpu.memory_space<vmem>>
        %dma_wait3A_747 = arith.constant 0 : i32
        %dma_wait3A_748 = tpu.memref_slice %arg8[%rem3A_738, %sub3A_741, %dma_wait3A_747] : memref<2x16x80xi32, #tpu.memory_space<vmem>> -> memref<1x1x80xi32, #tpu.memory_space<vmem>>
        %dma_wait3A_749 = tpu.memref_squeeze %dma_wait3A_748 : memref<1x1x80xi32, #tpu.memory_space<vmem>> -> memref<80xi32, #tpu.memory_space<vmem>>
        %dma_wait3A_750 = arith.constant 0 : i32
        %dma_wait3A_751 = arith.constant 0 : i32
        %dma_wait3A_752 = tpu.memref_slice %arg10[%dma_wait3A_750, %dma_wait3A_751] : memref<10240x128xf32, #tpu.memory_space<vmem_shared>> -> memref<10240x128xf32, #tpu.memory_space<vmem_shared>>
        tpu.wait_indirect_dma semaphore(%arg18 : memref<!tpu.dma_semaphore, #tpu.memory_space<semaphore_mem>>) src(%dma_wait3A_746 : memref<80x128xf32, #tpu.memory_space<vmem>>) dst(%dma_wait3A_752 : memref<10240x128xf32, #tpu.memory_space<vmem_shared>>)
      } else {
      }
      %add3A_519 = arith.constant 2 : i32
      %add3A_520 = arith.addi %add3A_474, %add3A_519 : i32
      %lt3A_521 = arith.constant 128 : i32
      %lt3A_522 = arith.cmpi slt, %add3A_520, %lt3A_521 : i32
      %convert_element_type3A_523 = arith.extui %lt3A_522 : i1 to i32
      %cond3A_524 = arith.constant 0 : i32
      %cond3A_525 = arith.cmpi ne, %convert_element_type3A_523, %cond3A_524 : i32
      scf.if %cond3A_525 {
        %add3A_711 = arith.constant 2 : i32
        %add3A_712 = arith.addi %add3A_474, %add3A_711 : i32
        %jit3A_713 = arith.constant 16 : i32
        %div3A_714 = arith.divsi %add3A_712, %jit3A_713 : i32
        %sign3A_715 = arith.constant 0 : i32
        %sign3A_716 = arith.cmpi sgt, %add3A_712, %sign3A_715 : i32
        %sign3A_717 = arith.extui %sign3A_716 : i1 to i32
        %sign3A_718 = arith.constant 0 : i32
        %sign3A_719 = arith.cmpi slt, %add3A_712, %sign3A_718 : i32
        %sign3A_720 = arith.extui %sign3A_719 : i1 to i32
        %sign3A_721 = arith.subi %sign3A_717, %sign3A_720 : i32
        %sign3A_722 = arith.constant 0 : i32
        %sign3A_723 = arith.cmpi sgt, %jit3A_713, %sign3A_722 : i32
        %sign3A_724 = arith.extui %sign3A_723 : i1 to i32
        %sign3A_725 = arith.constant 0 : i32
        %sign3A_726 = arith.cmpi slt, %jit3A_713, %sign3A_725 : i32
        %sign3A_727 = arith.extui %sign3A_726 : i1 to i32
        %sign3A_728 = arith.subi %sign3A_724, %sign3A_727 : i32
        %ne3A_729 = arith.cmpi ne, %sign3A_721, %sign3A_728 : i32
        %rem3A_730 = arith.remsi %add3A_712, %jit3A_713 : i32
        %ne3A_731 = arith.constant 0 : i32
        %ne3A_732 = arith.cmpi ne, %rem3A_730, %ne3A_731 : i32
        %and3A_733 = arith.andi %ne3A_729, %ne3A_732 : i1
        %sub3A_734 = arith.constant 1 : i32
        %sub3A_735 = arith.subi %div3A_714, %sub3A_734 : i32
        %select_n3A_736 = arith.select %and3A_733, %sub3A_735, %div3A_714 : i32
        %rem3A_737 = arith.constant 2 : i32
        %rem3A_738 = arith.remsi %select_n3A_736, %rem3A_737 : i32
        %mul3A_739 = arith.constant 1280 : i32
        %mul3A_740 = arith.muli %rem3A_738, %mul3A_739 : i32
        %mul3A_741 = arith.constant 16 : i32
        %mul3A_742 = arith.muli %select_n3A_736, %mul3A_741 : i32
        %sub3A_743 = arith.subi %add3A_712, %mul3A_742 : i32
        %mul3A_744 = arith.constant 80 : i32
        %mul3A_745 = arith.muli %sub3A_743, %mul3A_744 : i32
        %add3A_746 = arith.addi %mul3A_740, %mul3A_745 : i32
        %dma_start3A_747 = arith.constant 3 : i32
        %dma_start3A_748 = arith.constant 0 : i32
        %dma_start3A_749 = arith.constant 0 : i32
        %dma_start3A_750 = tpu.memref_slice %arg9[%dma_start3A_747, %dma_start3A_748, %dma_start3A_749] : memref<4x80x128xf32, #tpu.memory_space<vmem>> -> memref<1x80x128xf32, #tpu.memory_space<vmem>>
        %dma_start3A_751 = tpu.memref_squeeze %dma_start3A_750 : memref<1x80x128xf32, #tpu.memory_space<vmem>> -> memref<80x128xf32, #tpu.memory_space<vmem>>
        %dma_start3A_752 = tpu.memref_slice %arg7[%add3A_746] : memref<2560xi32, #tpu.memory_space<vmem>> -> memref<80xi32, #tpu.memory_space<vmem>>
        %dma_start3A_753 = arith.constant 0 : i32
        %dma_start3A_754 = arith.constant 0 : i32
        %dma_start3A_755 = tpu.memref_slice %arg2[%dma_start3A_753, %dma_start3A_754] : memref<10000x128xf32, #tpu.memory_space<hbm>> -> memref<10000x128xf32, #tpu.memory_space<hbm>>
        tpu.enqueue_indirect_dma source(%dma_start3A_755 : memref<10000x128xf32, #tpu.memory_space<hbm>>) target(%dma_start3A_751 : memref<80x128xf32, #tpu.memory_space<vmem>>) offsets(%dma_start3A_752 : memref<80xi32, #tpu.memory_space<vmem>>) semaphore(%arg14 : memref<!tpu.dma_semaphore, #tpu.memory_space<semaphore_mem>>)
      } else {
      }
      %mul3A_526 = arith.constant 1280 : i32
      %mul3A_527 = arith.muli %rem3A_503, %mul3A_526 : i32
      %mul3A_528 = arith.constant 80 : i32
      %mul3A_529 = arith.muli %sub3A_501, %mul3A_528 : i32
      %add3A_530 = arith.addi %mul3A_527, %mul3A_529 : i32
      %dma_wait3A_531 = arith.constant 1 : i32
      %dma_wait3A_532 = arith.constant 0 : i32
      %dma_wait3A_533 = arith.constant 0 : i32
      %dma_wait3A_534 = tpu.memref_slice %arg9[%dma_wait3A_531, %dma_wait3A_532, %dma_wait3A_533] : memref<4x80x128xf32, #tpu.memory_space<vmem>> -> memref<1x80x128xf32, #tpu.memory_space<vmem>>
      %dma_wait3A_535 = tpu.memref_squeeze %dma_wait3A_534 : memref<1x80x128xf32, #tpu.memory_space<vmem>> -> memref<80x128xf32, #tpu.memory_space<vmem>>
      %dma_wait3A_536 = tpu.memref_slice %arg7[%add3A_530] : memref<2560xi32, #tpu.memory_space<vmem>> -> memref<80xi32, #tpu.memory_space<vmem>>
      %dma_wait3A_537 = arith.constant 0 : i32
      %dma_wait3A_538 = arith.constant 0 : i32
      %dma_wait3A_539 = tpu.memref_slice %arg2[%dma_wait3A_537, %dma_wait3A_538] : memref<10000x128xf32, #tpu.memory_space<hbm>> -> memref<10000x128xf32, #tpu.memory_space<hbm>>
      tpu.wait_indirect_dma semaphore(%arg12 : memref<!tpu.dma_semaphore, #tpu.memory_space<semaphore_mem>>) src(%dma_wait3A_539 : memref<10000x128xf32, #tpu.memory_space<hbm>>) dst(%dma_wait3A_535 : memref<80x128xf32, #tpu.memory_space<vmem>>)
      %dma_start3A_540 = arith.constant 1 : i32
      %dma_start3A_541 = arith.constant 0 : i32
      %dma_start3A_542 = arith.constant 0 : i32
      %dma_start3A_543 = tpu.memref_slice %arg9[%dma_start3A_540, %dma_start3A_541, %dma_start3A_542] : memref<4x80x128xf32, #tpu.memory_space<vmem>> -> memref<1x80x128xf32, #tpu.memory_space<vmem>>
      %dma_start3A_544 = tpu.memref_squeeze %dma_start3A_543 : memref<1x80x128xf32, #tpu.memory_space<vmem>> -> memref<80x128xf32, #tpu.memory_space<vmem>>
      %dma_start3A_545 = arith.constant 0 : i32
      %dma_start3A_546 = tpu.memref_slice %arg8[%rem3A_503, %sub3A_501, %dma_start3A_545] : memref<2x16x80xi32, #tpu.memory_space<vmem>> -> memref<1x1x80xi32, #tpu.memory_space<vmem>>
      %dma_start3A_547 = tpu.memref_squeeze %dma_start3A_546 : memref<1x1x80xi32, #tpu.memory_space<vmem>> -> memref<80xi32, #tpu.memory_space<vmem>>
      %dma_start3A_548 = arith.constant 0 : i32
      %dma_start3A_549 = arith.constant 0 : i32
      %dma_start3A_550 = tpu.memref_slice %arg10[%dma_start3A_548, %dma_start3A_549] : memref<10240x128xf32, #tpu.memory_space<vmem_shared>> -> memref<10240x128xf32, #tpu.memory_space<vmem_shared>>
      tpu.enqueue_indirect_dma source(%dma_start3A_544 : memref<80x128xf32, #tpu.memory_space<vmem>>) target(%dma_start3A_550 : memref<10240x128xf32, #tpu.memory_space<vmem_shared>>) offsets(%dma_start3A_547 : memref<80xi32, #tpu.memory_space<vmem>>) semaphore(%arg16 : memref<!tpu.dma_semaphore, #tpu.memory_space<semaphore_mem>>) {add = true}
      %mul3A_551 = arith.constant 4 : i32
      %mul3A_552 = arith.muli %scan3A_404, %mul3A_551 : i32
      %add3A_553 = arith.constant 2 : i32
      %add3A_554 = arith.addi %mul3A_552, %add3A_553 : i32
      %jit3A_555 = arith.constant 16 : i32
      %div3A_556 = arith.divsi %add3A_554, %jit3A_555 : i32
      %sign3A_557 = arith.constant 0 : i32
      %sign3A_558 = arith.cmpi sgt, %add3A_554, %sign3A_557 : i32
      %sign3A_559 = arith.extui %sign3A_558 : i1 to i32
      %sign3A_560 = arith.constant 0 : i32
      %sign3A_561 = arith.cmpi slt, %add3A_554, %sign3A_560 : i32
      %sign3A_562 = arith.extui %sign3A_561 : i1 to i32
      %sign3A_563 = arith.subi %sign3A_559, %sign3A_562 : i32
      %sign3A_564 = arith.constant 0 : i32
      %sign3A_565 = arith.cmpi sgt, %jit3A_555, %sign3A_564 : i32
      %sign3A_566 = arith.extui %sign3A_565 : i1 to i32
      %sign3A_567 = arith.constant 0 : i32
      %sign3A_568 = arith.cmpi slt, %jit3A_555, %sign3A_567 : i32
      %sign3A_569 = arith.extui %sign3A_568 : i1 to i32
      %sign3A_570 = arith.subi %sign3A_566, %sign3A_569 : i32
      %ne3A_571 = arith.cmpi ne, %sign3A_563, %sign3A_570 : i32
      %rem3A_572 = arith.remsi %add3A_554, %jit3A_555 : i32
      %ne3A_573 = arith.constant 0 : i32
      %ne3A_574 = arith.cmpi ne, %rem3A_572, %ne3A_573 : i32
      %and3A_575 = arith.andi %ne3A_571, %ne3A_574 : i1
      %sub3A_576 = arith.constant 1 : i32
      %sub3A_577 = arith.subi %div3A_556, %sub3A_576 : i32
      %select_n3A_578 = arith.select %and3A_575, %sub3A_577, %div3A_556 : i32
      %mul3A_579 = arith.constant 16 : i32
      %mul3A_580 = arith.muli %select_n3A_578, %mul3A_579 : i32
      %sub3A_581 = arith.subi %add3A_554, %mul3A_580 : i32
      %rem3A_582 = arith.constant 2 : i32
      %rem3A_583 = arith.remsi %select_n3A_578, %rem3A_582 : i32
      %eq3A_584 = arith.constant 8 : i32
      %eq3A_585 = arith.cmpi eq, %sub3A_581, %eq3A_584 : i32
      %add3A_586 = arith.constant 16 : i32
      %add3A_587 = arith.addi %add3A_554, %add3A_586 : i32
      %le3A_588 = arith.constant 128 : i32
      %le3A_589 = arith.cmpi sle, %add3A_587, %le3A_588 : i32
      %and3A_590 = arith.andi %eq3A_585, %le3A_589 : i1
      %convert_element_type3A_591 = arith.extui %and3A_590 : i1 to i32
      %cond3A_592 = arith.constant 0 : i32
      %cond3A_593 = arith.cmpi ne, %convert_element_type3A_591, %cond3A_592 : i32
      scf.if %cond3A_593 {
        %add3A_711 = arith.constant 1 : i32
        %add3A_712 = arith.addi %select_n3A_578, %add3A_711 : i32
        %mul3A_713 = arith.constant 1280 : i32
        %mul3A_714 = arith.muli %add3A_712, %mul3A_713 : i32
        %sub3A_715 = arith.constant 1 : i32
        %sub3A_716 = arith.subi %sub3A_715, %rem3A_583 : i32
        %mul3A_717 = arith.constant 1280 : i32
        %mul3A_718 = arith.muli %sub3A_716, %mul3A_717 : i32
        "tpu.region"() ({
          %run_scoped3A_725 = tpu.sem_alloc : memref<!tpu.dma_semaphore, #tpu.memory_space<semaphore_mem>>
          %dma_start3A_726 = tpu.memref_slice %arg7[%mul3A_718] : memref<2560xi32, #tpu.memory_space<vmem>> -> memref<1280xi32, #tpu.memory_space<vmem>>
          %dma_start3A_727 = tpu.memref_slice %arg3[%add3A, %mul3A_714] : memref<32x10240xi32, #tpu.memory_space<hbm>> -> memref<1x1280xi32, #tpu.memory_space<hbm>>
          %dma_start3A_728 = tpu.memref_squeeze %dma_start3A_727 : memref<1x1280xi32, #tpu.memory_space<hbm>> -> memref<1280xi32, #tpu.memory_space<hbm>>
          %dma_start3A_729 = tpu.memref_slice %arg7[%mul3A_718] : memref<2560xi32, #tpu.memory_space<vmem>> -> memref<1280xi32, #tpu.memory_space<vmem>>
          %dma_start3A_730 = tpu.memref_slice %arg3[%add3A, %mul3A_714] : memref<32x10240xi32, #tpu.memory_space<hbm>> -> memref<1x1280xi32, #tpu.memory_space<hbm>>
          %dma_start3A_731 = tpu.memref_squeeze %dma_start3A_730 : memref<1x1280xi32, #tpu.memory_space<hbm>> -> memref<1280xi32, #tpu.memory_space<hbm>>
          tpu.enqueue_dma source(%dma_start3A_731 : memref<1280xi32, #tpu.memory_space<hbm>>) target(%dma_start3A_729 : memref<1280xi32, #tpu.memory_space<vmem>>) target_semaphore(%run_scoped3A_725 : memref<!tpu.dma_semaphore, #tpu.memory_space<semaphore_mem>>)
          %dma_wait3A_732 = tpu.memref_slice %arg7[%mul3A_718] : memref<2560xi32, #tpu.memory_space<vmem>> -> memref<1280xi32, #tpu.memory_space<vmem>>
          %dma_wait3A_733 = tpu.memref_slice %arg3[%add3A, %mul3A_714] : memref<32x10240xi32, #tpu.memory_space<hbm>> -> memref<1x1280xi32, #tpu.memory_space<hbm>>
          %dma_wait3A_734 = tpu.memref_squeeze %dma_wait3A_733 : memref<1x1280xi32, #tpu.memory_space<hbm>> -> memref<1280xi32, #tpu.memory_space<hbm>>
          %dma_wait3A_735 = tpu.memref_slice %arg7[%mul3A_718] : memref<2560xi32, #tpu.memory_space<vmem>> -> memref<1280xi32, #tpu.memory_space<vmem>>
          %dma_wait3A_736 = tpu.memref_slice %arg3[%add3A, %mul3A_714] : memref<32x10240xi32, #tpu.memory_space<hbm>> -> memref<1x1280xi32, #tpu.memory_space<hbm>>
          %dma_wait3A_737 = tpu.memref_squeeze %dma_wait3A_736 : memref<1x1280xi32, #tpu.memory_space<hbm>> -> memref<1280xi32, #tpu.memory_space<hbm>>
          tpu.wait_dma2 semaphore(%run_scoped3A_725 : memref<!tpu.dma_semaphore, #tpu.memory_space<semaphore_mem>>) src(%dma_wait3A_737 : memref<1280xi32, #tpu.memory_space<hbm>>) dst(%dma_wait3A_735 : memref<1280xi32, #tpu.memory_space<vmem>>)
          tpu.yield
        }) : () -> ()
        %add3A_719 = arith.constant 1 : i32
        %add3A_720 = arith.addi %select_n3A_578, %add3A_719 : i32
        %mul3A_721 = arith.constant 16 : i32
        %mul3A_722 = arith.muli %add3A_720, %mul3A_721 : i32
        %sub3A_723 = arith.constant 1 : i32
        %sub3A_724 = arith.subi %sub3A_723, %rem3A_583 : i32
        "tpu.region"() ({
          %run_scoped3A_725 = tpu.sem_alloc : memref<!tpu.dma_semaphore, #tpu.memory_space<semaphore_mem>>
          %dma_start3A_726 = arith.constant 0 : i32
          %dma_start3A_727 = arith.constant 0 : i32
          %dma_start3A_728 = tpu.memref_slice %arg8[%sub3A_724, %dma_start3A_726, %dma_start3A_727] : memref<2x16x80xi32, #tpu.memory_space<vmem>> -> memref<1x16x80xi32, #tpu.memory_space<vmem>>
          %dma_start3A_729 = tpu.memref_squeeze %dma_start3A_728 : memref<1x16x80xi32, #tpu.memory_space<vmem>> -> memref<16x80xi32, #tpu.memory_space<vmem>>
          %dma_start3A_730 = arith.constant 0 : i32
          %dma_start3A_731 = tpu.memref_slice %arg4[%add3A, %mul3A_722, %dma_start3A_730] : memref<32x128x80xi32, #tpu.memory_space<hbm>> -> memref<1x16x80xi32, #tpu.memory_space<hbm>>
          %dma_start3A_732 = tpu.memref_squeeze %dma_start3A_731 : memref<1x16x80xi32, #tpu.memory_space<hbm>> -> memref<16x80xi32, #tpu.memory_space<hbm>>
          %dma_start3A_733 = arith.constant 0 : i32
          %dma_start3A_734 = arith.constant 0 : i32
          %dma_start3A_735 = tpu.memref_slice %arg8[%sub3A_724, %dma_start3A_733, %dma_start3A_734] : memref<2x16x80xi32, #tpu.memory_space<vmem>> -> memref<1x16x80xi32, #tpu.memory_space<vmem>>
          %dma_start3A_736 = tpu.memref_squeeze %dma_start3A_735 : memref<1x16x80xi32, #tpu.memory_space<vmem>> -> memref<16x80xi32, #tpu.memory_space<vmem>>
          %dma_start3A_737 = arith.constant 0 : i32
          %dma_start3A_738 = tpu.memref_slice %arg4[%add3A, %mul3A_722, %dma_start3A_737] : memref<32x128x80xi32, #tpu.memory_space<hbm>> -> memref<1x16x80xi32, #tpu.memory_space<hbm>>
          %dma_start3A_739 = tpu.memref_squeeze %dma_start3A_738 : memref<1x16x80xi32, #tpu.memory_space<hbm>> -> memref<16x80xi32, #tpu.memory_space<hbm>>
          tpu.enqueue_dma source(%dma_start3A_739 : memref<16x80xi32, #tpu.memory_space<hbm>>) target(%dma_start3A_736 : memref<16x80xi32, #tpu.memory_space<vmem>>) target_semaphore(%run_scoped3A_725 : memref<!tpu.dma_semaphore, #tpu.memory_space<semaphore_mem>>)
          %dma_wait3A_740 = arith.constant 0 : i32
          %dma_wait3A_741 = arith.constant 0 : i32
          %dma_wait3A_742 = tpu.memref_slice %arg8[%sub3A_724, %dma_wait3A_740, %dma_wait3A_741] : memref<2x16x80xi32, #tpu.memory_space<vmem>> -> memref<1x16x80xi32, #tpu.memory_space<vmem>>
          %dma_wait3A_743 = tpu.memref_squeeze %dma_wait3A_742 : memref<1x16x80xi32, #tpu.memory_space<vmem>> -> memref<16x80xi32, #tpu.memory_space<vmem>>
          %dma_wait3A_744 = arith.constant 0 : i32
          %dma_wait3A_745 = tpu.memref_slice %arg4[%add3A, %mul3A_722, %dma_wait3A_744] : memref<32x128x80xi32, #tpu.memory_space<hbm>> -> memref<1x16x80xi32, #tpu.memory_space<hbm>>
          %dma_wait3A_746 = tpu.memref_squeeze %dma_wait3A_745 : memref<1x16x80xi32, #tpu.memory_space<hbm>> -> memref<16x80xi32, #tpu.memory_space<hbm>>
          %dma_wait3A_747 = arith.constant 0 : i32
          %dma_wait3A_748 = arith.constant 0 : i32
          %dma_wait3A_749 = tpu.memref_slice %arg8[%sub3A_724, %dma_wait3A_747, %dma_wait3A_748] : memref<2x16x80xi32, #tpu.memory_space<vmem>> -> memref<1x16x80xi32, #tpu.memory_space<vmem>>
          %dma_wait3A_750 = tpu.memref_squeeze %dma_wait3A_749 : memref<1x16x80xi32, #tpu.memory_space<vmem>> -> memref<16x80xi32, #tpu.memory_space<vmem>>
          %dma_wait3A_751 = arith.constant 0 : i32
          %dma_wait3A_752 = tpu.memref_slice %arg4[%add3A, %mul3A_722, %dma_wait3A_751] : memref<32x128x80xi32, #tpu.memory_space<hbm>> -> memref<1x16x80xi32, #tpu.memory_space<hbm>>
          %dma_wait3A_753 = tpu.memref_squeeze %dma_wait3A_752 : memref<1x16x80xi32, #tpu.memory_space<hbm>> -> memref<16x80xi32, #tpu.memory_space<hbm>>
          tpu.wait_dma2 semaphore(%run_scoped3A_725 : memref<!tpu.dma_semaphore, #tpu.memory_space<semaphore_mem>>) src(%dma_wait3A_753 : memref<16x80xi32, #tpu.memory_space<hbm>>) dst(%dma_wait3A_750 : memref<16x80xi32, #tpu.memory_space<vmem>>)
          tpu.yield
        }) : () -> ()
      } else {
      }
      %ge3A_594 = arith.constant 2 : i32
      %ge3A_595 = arith.cmpi sge, %add3A_554, %ge3A_594 : i32
      %convert_element_type3A_596 = arith.extui %ge3A_595 : i1 to i32
      %cond3A_597 = arith.constant 0 : i32
      %cond3A_598 = arith.cmpi ne, %convert_element_type3A_596, %cond3A_597 : i32
      scf.if %cond3A_598 {
        %sub3A_711 = arith.constant 2 : i32
        %sub3A_712 = arith.subi %add3A_554, %sub3A_711 : i32
        %jit3A_713 = arith.constant 16 : i32
        %div3A_714 = arith.divsi %sub3A_712, %jit3A_713 : i32
        %sign3A_715 = arith.constant 0 : i32
        %sign3A_716 = arith.cmpi sgt, %sub3A_712, %sign3A_715 : i32
        %sign3A_717 = arith.extui %sign3A_716 : i1 to i32
        %sign3A_718 = arith.constant 0 : i32
        %sign3A_719 = arith.cmpi slt, %sub3A_712, %sign3A_718 : i32
        %sign3A_720 = arith.extui %sign3A_719 : i1 to i32
        %sign3A_721 = arith.subi %sign3A_717, %sign3A_720 : i32
        %sign3A_722 = arith.constant 0 : i32
        %sign3A_723 = arith.cmpi sgt, %jit3A_713, %sign3A_722 : i32
        %sign3A_724 = arith.extui %sign3A_723 : i1 to i32
        %sign3A_725 = arith.constant 0 : i32
        %sign3A_726 = arith.cmpi slt, %jit3A_713, %sign3A_725 : i32
        %sign3A_727 = arith.extui %sign3A_726 : i1 to i32
        %sign3A_728 = arith.subi %sign3A_724, %sign3A_727 : i32
        %ne3A_729 = arith.cmpi ne, %sign3A_721, %sign3A_728 : i32
        %rem3A_730 = arith.remsi %sub3A_712, %jit3A_713 : i32
        %ne3A_731 = arith.constant 0 : i32
        %ne3A_732 = arith.cmpi ne, %rem3A_730, %ne3A_731 : i32
        %and3A_733 = arith.andi %ne3A_729, %ne3A_732 : i1
        %sub3A_734 = arith.constant 1 : i32
        %sub3A_735 = arith.subi %div3A_714, %sub3A_734 : i32
        %select_n3A_736 = arith.select %and3A_733, %sub3A_735, %div3A_714 : i32
        %rem3A_737 = arith.constant 2 : i32
        %rem3A_738 = arith.remsi %select_n3A_736, %rem3A_737 : i32
        %mul3A_739 = arith.constant 16 : i32
        %mul3A_740 = arith.muli %select_n3A_736, %mul3A_739 : i32
        %sub3A_741 = arith.subi %sub3A_712, %mul3A_740 : i32
        %dma_wait3A_742 = arith.constant 0 : i32
        %dma_wait3A_743 = arith.constant 0 : i32
        %dma_wait3A_744 = arith.constant 0 : i32
        %dma_wait3A_745 = tpu.memref_slice %arg9[%dma_wait3A_742, %dma_wait3A_743, %dma_wait3A_744] : memref<4x80x128xf32, #tpu.memory_space<vmem>> -> memref<1x80x128xf32, #tpu.memory_space<vmem>>
        %dma_wait3A_746 = tpu.memref_squeeze %dma_wait3A_745 : memref<1x80x128xf32, #tpu.memory_space<vmem>> -> memref<80x128xf32, #tpu.memory_space<vmem>>
        %dma_wait3A_747 = arith.constant 0 : i32
        %dma_wait3A_748 = tpu.memref_slice %arg8[%rem3A_738, %sub3A_741, %dma_wait3A_747] : memref<2x16x80xi32, #tpu.memory_space<vmem>> -> memref<1x1x80xi32, #tpu.memory_space<vmem>>
        %dma_wait3A_749 = tpu.memref_squeeze %dma_wait3A_748 : memref<1x1x80xi32, #tpu.memory_space<vmem>> -> memref<80xi32, #tpu.memory_space<vmem>>
        %dma_wait3A_750 = arith.constant 0 : i32
        %dma_wait3A_751 = arith.constant 0 : i32
        %dma_wait3A_752 = tpu.memref_slice %arg10[%dma_wait3A_750, %dma_wait3A_751] : memref<10240x128xf32, #tpu.memory_space<vmem_shared>> -> memref<10240x128xf32, #tpu.memory_space<vmem_shared>>
        tpu.wait_indirect_dma semaphore(%arg15 : memref<!tpu.dma_semaphore, #tpu.memory_space<semaphore_mem>>) src(%dma_wait3A_746 : memref<80x128xf32, #tpu.memory_space<vmem>>) dst(%dma_wait3A_752 : memref<10240x128xf32, #tpu.memory_space<vmem_shared>>)
      } else {
      }
      %add3A_599 = arith.constant 2 : i32
      %add3A_600 = arith.addi %add3A_554, %add3A_599 : i32
      %lt3A_601 = arith.constant 128 : i32
      %lt3A_602 = arith.cmpi slt, %add3A_600, %lt3A_601 : i32
      %convert_element_type3A_603 = arith.extui %lt3A_602 : i1 to i32
      %cond3A_604 = arith.constant 0 : i32
      %cond3A_605 = arith.cmpi ne, %convert_element_type3A_603, %cond3A_604 : i32
      scf.if %cond3A_605 {
        %add3A_711 = arith.constant 2 : i32
        %add3A_712 = arith.addi %add3A_554, %add3A_711 : i32
        %jit3A_713 = arith.constant 16 : i32
        %div3A_714 = arith.divsi %add3A_712, %jit3A_713 : i32
        %sign3A_715 = arith.constant 0 : i32
        %sign3A_716 = arith.cmpi sgt, %add3A_712, %sign3A_715 : i32
        %sign3A_717 = arith.extui %sign3A_716 : i1 to i32
        %sign3A_718 = arith.constant 0 : i32
        %sign3A_719 = arith.cmpi slt, %add3A_712, %sign3A_718 : i32
        %sign3A_720 = arith.extui %sign3A_719 : i1 to i32
        %sign3A_721 = arith.subi %sign3A_717, %sign3A_720 : i32
        %sign3A_722 = arith.constant 0 : i32
        %sign3A_723 = arith.cmpi sgt, %jit3A_713, %sign3A_722 : i32
        %sign3A_724 = arith.extui %sign3A_723 : i1 to i32
        %sign3A_725 = arith.constant 0 : i32
        %sign3A_726 = arith.cmpi slt, %jit3A_713, %sign3A_725 : i32
        %sign3A_727 = arith.extui %sign3A_726 : i1 to i32
        %sign3A_728 = arith.subi %sign3A_724, %sign3A_727 : i32
        %ne3A_729 = arith.cmpi ne, %sign3A_721, %sign3A_728 : i32
        %rem3A_730 = arith.remsi %add3A_712, %jit3A_713 : i32
        %ne3A_731 = arith.constant 0 : i32
        %ne3A_732 = arith.cmpi ne, %rem3A_730, %ne3A_731 : i32
        %and3A_733 = arith.andi %ne3A_729, %ne3A_732 : i1
        %sub3A_734 = arith.constant 1 : i32
        %sub3A_735 = arith.subi %div3A_714, %sub3A_734 : i32
        %select_n3A_736 = arith.select %and3A_733, %sub3A_735, %div3A_714 : i32
        %rem3A_737 = arith.constant 2 : i32
        %rem3A_738 = arith.remsi %select_n3A_736, %rem3A_737 : i32
        %mul3A_739 = arith.constant 1280 : i32
        %mul3A_740 = arith.muli %rem3A_738, %mul3A_739 : i32
        %mul3A_741 = arith.constant 16 : i32
        %mul3A_742 = arith.muli %select_n3A_736, %mul3A_741 : i32
        %sub3A_743 = arith.subi %add3A_712, %mul3A_742 : i32
        %mul3A_744 = arith.constant 80 : i32
        %mul3A_745 = arith.muli %sub3A_743, %mul3A_744 : i32
        %add3A_746 = arith.addi %mul3A_740, %mul3A_745 : i32
        %dma_start3A_747 = arith.constant 0 : i32
        %dma_start3A_748 = arith.constant 0 : i32
        %dma_start3A_749 = arith.constant 0 : i32
        %dma_start3A_750 = tpu.memref_slice %arg9[%dma_start3A_747, %dma_start3A_748, %dma_start3A_749] : memref<4x80x128xf32, #tpu.memory_space<vmem>> -> memref<1x80x128xf32, #tpu.memory_space<vmem>>
        %dma_start3A_751 = tpu.memref_squeeze %dma_start3A_750 : memref<1x80x128xf32, #tpu.memory_space<vmem>> -> memref<80x128xf32, #tpu.memory_space<vmem>>
        %dma_start3A_752 = tpu.memref_slice %arg7[%add3A_746] : memref<2560xi32, #tpu.memory_space<vmem>> -> memref<80xi32, #tpu.memory_space<vmem>>
        %dma_start3A_753 = arith.constant 0 : i32
        %dma_start3A_754 = arith.constant 0 : i32
        %dma_start3A_755 = tpu.memref_slice %arg2[%dma_start3A_753, %dma_start3A_754] : memref<10000x128xf32, #tpu.memory_space<hbm>> -> memref<10000x128xf32, #tpu.memory_space<hbm>>
        tpu.enqueue_indirect_dma source(%dma_start3A_755 : memref<10000x128xf32, #tpu.memory_space<hbm>>) target(%dma_start3A_751 : memref<80x128xf32, #tpu.memory_space<vmem>>) offsets(%dma_start3A_752 : memref<80xi32, #tpu.memory_space<vmem>>) semaphore(%arg11 : memref<!tpu.dma_semaphore, #tpu.memory_space<semaphore_mem>>)
      } else {
      }
      %mul3A_606 = arith.constant 1280 : i32
      %mul3A_607 = arith.muli %rem3A_583, %mul3A_606 : i32
      %mul3A_608 = arith.constant 80 : i32
      %mul3A_609 = arith.muli %sub3A_581, %mul3A_608 : i32
      %add3A_610 = arith.addi %mul3A_607, %mul3A_609 : i32
      %dma_wait3A_611 = arith.constant 2 : i32
      %dma_wait3A_612 = arith.constant 0 : i32
      %dma_wait3A_613 = arith.constant 0 : i32
      %dma_wait3A_614 = tpu.memref_slice %arg9[%dma_wait3A_611, %dma_wait3A_612, %dma_wait3A_613] : memref<4x80x128xf32, #tpu.memory_space<vmem>> -> memref<1x80x128xf32, #tpu.memory_space<vmem>>
      %dma_wait3A_615 = tpu.memref_squeeze %dma_wait3A_614 : memref<1x80x128xf32, #tpu.memory_space<vmem>> -> memref<80x128xf32, #tpu.memory_space<vmem>>
      %dma_wait3A_616 = tpu.memref_slice %arg7[%add3A_610] : memref<2560xi32, #tpu.memory_space<vmem>> -> memref<80xi32, #tpu.memory_space<vmem>>
      %dma_wait3A_617 = arith.constant 0 : i32
      %dma_wait3A_618 = arith.constant 0 : i32
      %dma_wait3A_619 = tpu.memref_slice %arg2[%dma_wait3A_617, %dma_wait3A_618] : memref<10000x128xf32, #tpu.memory_space<hbm>> -> memref<10000x128xf32, #tpu.memory_space<hbm>>
      tpu.wait_indirect_dma semaphore(%arg13 : memref<!tpu.dma_semaphore, #tpu.memory_space<semaphore_mem>>) src(%dma_wait3A_619 : memref<10000x128xf32, #tpu.memory_space<hbm>>) dst(%dma_wait3A_615 : memref<80x128xf32, #tpu.memory_space<vmem>>)
      %dma_start3A_620 = arith.constant 2 : i32
      %dma_start3A_621 = arith.constant 0 : i32
      %dma_start3A_622 = arith.constant 0 : i32
      %dma_start3A_623 = tpu.memref_slice %arg9[%dma_start3A_620, %dma_start3A_621, %dma_start3A_622] : memref<4x80x128xf32, #tpu.memory_space<vmem>> -> memref<1x80x128xf32, #tpu.memory_space<vmem>>
      %dma_start3A_624 = tpu.memref_squeeze %dma_start3A_623 : memref<1x80x128xf32, #tpu.memory_space<vmem>> -> memref<80x128xf32, #tpu.memory_space<vmem>>
      %dma_start3A_625 = arith.constant 0 : i32
      %dma_start3A_626 = tpu.memref_slice %arg8[%rem3A_583, %sub3A_581, %dma_start3A_625] : memref<2x16x80xi32, #tpu.memory_space<vmem>> -> memref<1x1x80xi32, #tpu.memory_space<vmem>>
      %dma_start3A_627 = tpu.memref_squeeze %dma_start3A_626 : memref<1x1x80xi32, #tpu.memory_space<vmem>> -> memref<80xi32, #tpu.memory_space<vmem>>
      %dma_start3A_628 = arith.constant 0 : i32
      %dma_start3A_629 = arith.constant 0 : i32
      %dma_start3A_630 = tpu.memref_slice %arg10[%dma_start3A_628, %dma_start3A_629] : memref<10240x128xf32, #tpu.memory_space<vmem_shared>> -> memref<10240x128xf32, #tpu.memory_space<vmem_shared>>
      tpu.enqueue_indirect_dma source(%dma_start3A_624 : memref<80x128xf32, #tpu.memory_space<vmem>>) target(%dma_start3A_630 : memref<10240x128xf32, #tpu.memory_space<vmem_shared>>) offsets(%dma_start3A_627 : memref<80xi32, #tpu.memory_space<vmem>>) semaphore(%arg17 : memref<!tpu.dma_semaphore, #tpu.memory_space<semaphore_mem>>) {add = true}
      %mul3A_631 = arith.constant 4 : i32
      %mul3A_632 = arith.muli %scan3A_404, %mul3A_631 : i32
      %add3A_633 = arith.constant 3 : i32
      %add3A_634 = arith.addi %mul3A_632, %add3A_633 : i32
      %jit3A_635 = arith.constant 16 : i32
      %div3A_636 = arith.divsi %add3A_634, %jit3A_635 : i32
      %sign3A_637 = arith.constant 0 : i32
      %sign3A_638 = arith.cmpi sgt, %add3A_634, %sign3A_637 : i32
      %sign3A_639 = arith.extui %sign3A_638 : i1 to i32
      %sign3A_640 = arith.constant 0 : i32
      %sign3A_641 = arith.cmpi slt, %add3A_634, %sign3A_640 : i32
      %sign3A_642 = arith.extui %sign3A_641 : i1 to i32
      %sign3A_643 = arith.subi %sign3A_639, %sign3A_642 : i32
      %sign3A_644 = arith.constant 0 : i32
      %sign3A_645 = arith.cmpi sgt, %jit3A_635, %sign3A_644 : i32
      %sign3A_646 = arith.extui %sign3A_645 : i1 to i32
      %sign3A_647 = arith.constant 0 : i32
      %sign3A_648 = arith.cmpi slt, %jit3A_635, %sign3A_647 : i32
      %sign3A_649 = arith.extui %sign3A_648 : i1 to i32
      %sign3A_650 = arith.subi %sign3A_646, %sign3A_649 : i32
      %ne3A_651 = arith.cmpi ne, %sign3A_643, %sign3A_650 : i32
      %rem3A_652 = arith.remsi %add3A_634, %jit3A_635 : i32
      %ne3A_653 = arith.constant 0 : i32
      %ne3A_654 = arith.cmpi ne, %rem3A_652, %ne3A_653 : i32
      %and3A_655 = arith.andi %ne3A_651, %ne3A_654 : i1
      %sub3A_656 = arith.constant 1 : i32
      %sub3A_657 = arith.subi %div3A_636, %sub3A_656 : i32
      %select_n3A_658 = arith.select %and3A_655, %sub3A_657, %div3A_636 : i32
      %mul3A_659 = arith.constant 16 : i32
      %mul3A_660 = arith.muli %select_n3A_658, %mul3A_659 : i32
      %sub3A_661 = arith.subi %add3A_634, %mul3A_660 : i32
      %rem3A_662 = arith.constant 2 : i32
      %rem3A_663 = arith.remsi %select_n3A_658, %rem3A_662 : i32
      %eq3A_664 = arith.constant 8 : i32
      %eq3A_665 = arith.cmpi eq, %sub3A_661, %eq3A_664 : i32
      %add3A_666 = arith.constant 16 : i32
      %add3A_667 = arith.addi %add3A_634, %add3A_666 : i32
      %le3A_668 = arith.constant 128 : i32
      %le3A_669 = arith.cmpi sle, %add3A_667, %le3A_668 : i32
      %and3A_670 = arith.andi %eq3A_665, %le3A_669 : i1
      %convert_element_type3A_671 = arith.extui %and3A_670 : i1 to i32
      %cond3A_672 = arith.constant 0 : i32
      %cond3A_673 = arith.cmpi ne, %convert_element_type3A_671, %cond3A_672 : i32
      scf.if %cond3A_673 {
        %add3A_711 = arith.constant 1 : i32
        %add3A_712 = arith.addi %select_n3A_658, %add3A_711 : i32
        %mul3A_713 = arith.constant 1280 : i32
        %mul3A_714 = arith.muli %add3A_712, %mul3A_713 : i32
        %sub3A_715 = arith.constant 1 : i32
        %sub3A_716 = arith.subi %sub3A_715, %rem3A_663 : i32
        %mul3A_717 = arith.constant 1280 : i32
        %mul3A_718 = arith.muli %sub3A_716, %mul3A_717 : i32
        "tpu.region"() ({
          %run_scoped3A_725 = tpu.sem_alloc : memref<!tpu.dma_semaphore, #tpu.memory_space<semaphore_mem>>
          %dma_start3A_726 = tpu.memref_slice %arg7[%mul3A_718] : memref<2560xi32, #tpu.memory_space<vmem>> -> memref<1280xi32, #tpu.memory_space<vmem>>
          %dma_start3A_727 = tpu.memref_slice %arg3[%add3A, %mul3A_714] : memref<32x10240xi32, #tpu.memory_space<hbm>> -> memref<1x1280xi32, #tpu.memory_space<hbm>>
          %dma_start3A_728 = tpu.memref_squeeze %dma_start3A_727 : memref<1x1280xi32, #tpu.memory_space<hbm>> -> memref<1280xi32, #tpu.memory_space<hbm>>
          %dma_start3A_729 = tpu.memref_slice %arg7[%mul3A_718] : memref<2560xi32, #tpu.memory_space<vmem>> -> memref<1280xi32, #tpu.memory_space<vmem>>
          %dma_start3A_730 = tpu.memref_slice %arg3[%add3A, %mul3A_714] : memref<32x10240xi32, #tpu.memory_space<hbm>> -> memref<1x1280xi32, #tpu.memory_space<hbm>>
          %dma_start3A_731 = tpu.memref_squeeze %dma_start3A_730 : memref<1x1280xi32, #tpu.memory_space<hbm>> -> memref<1280xi32, #tpu.memory_space<hbm>>
          tpu.enqueue_dma source(%dma_start3A_731 : memref<1280xi32, #tpu.memory_space<hbm>>) target(%dma_start3A_729 : memref<1280xi32, #tpu.memory_space<vmem>>) target_semaphore(%run_scoped3A_725 : memref<!tpu.dma_semaphore, #tpu.memory_space<semaphore_mem>>)
          %dma_wait3A_732 = tpu.memref_slice %arg7[%mul3A_718] : memref<2560xi32, #tpu.memory_space<vmem>> -> memref<1280xi32, #tpu.memory_space<vmem>>
          %dma_wait3A_733 = tpu.memref_slice %arg3[%add3A, %mul3A_714] : memref<32x10240xi32, #tpu.memory_space<hbm>> -> memref<1x1280xi32, #tpu.memory_space<hbm>>
          %dma_wait3A_734 = tpu.memref_squeeze %dma_wait3A_733 : memref<1x1280xi32, #tpu.memory_space<hbm>> -> memref<1280xi32, #tpu.memory_space<hbm>>
          %dma_wait3A_735 = tpu.memref_slice %arg7[%mul3A_718] : memref<2560xi32, #tpu.memory_space<vmem>> -> memref<1280xi32, #tpu.memory_space<vmem>>
          %dma_wait3A_736 = tpu.memref_slice %arg3[%add3A, %mul3A_714] : memref<32x10240xi32, #tpu.memory_space<hbm>> -> memref<1x1280xi32, #tpu.memory_space<hbm>>
          %dma_wait3A_737 = tpu.memref_squeeze %dma_wait3A_736 : memref<1x1280xi32, #tpu.memory_space<hbm>> -> memref<1280xi32, #tpu.memory_space<hbm>>
          tpu.wait_dma2 semaphore(%run_scoped3A_725 : memref<!tpu.dma_semaphore, #tpu.memory_space<semaphore_mem>>) src(%dma_wait3A_737 : memref<1280xi32, #tpu.memory_space<hbm>>) dst(%dma_wait3A_735 : memref<1280xi32, #tpu.memory_space<vmem>>)
          tpu.yield
        }) : () -> ()
        %add3A_719 = arith.constant 1 : i32
        %add3A_720 = arith.addi %select_n3A_658, %add3A_719 : i32
        %mul3A_721 = arith.constant 16 : i32
        %mul3A_722 = arith.muli %add3A_720, %mul3A_721 : i32
        %sub3A_723 = arith.constant 1 : i32
        %sub3A_724 = arith.subi %sub3A_723, %rem3A_663 : i32
        "tpu.region"() ({
          %run_scoped3A_725 = tpu.sem_alloc : memref<!tpu.dma_semaphore, #tpu.memory_space<semaphore_mem>>
          %dma_start3A_726 = arith.constant 0 : i32
          %dma_start3A_727 = arith.constant 0 : i32
          %dma_start3A_728 = tpu.memref_slice %arg8[%sub3A_724, %dma_start3A_726, %dma_start3A_727] : memref<2x16x80xi32, #tpu.memory_space<vmem>> -> memref<1x16x80xi32, #tpu.memory_space<vmem>>
          %dma_start3A_729 = tpu.memref_squeeze %dma_start3A_728 : memref<1x16x80xi32, #tpu.memory_space<vmem>> -> memref<16x80xi32, #tpu.memory_space<vmem>>
          %dma_start3A_730 = arith.constant 0 : i32
          %dma_start3A_731 = tpu.memref_slice %arg4[%add3A, %mul3A_722, %dma_start3A_730] : memref<32x128x80xi32, #tpu.memory_space<hbm>> -> memref<1x16x80xi32, #tpu.memory_space<hbm>>
          %dma_start3A_732 = tpu.memref_squeeze %dma_start3A_731 : memref<1x16x80xi32, #tpu.memory_space<hbm>> -> memref<16x80xi32, #tpu.memory_space<hbm>>
          %dma_start3A_733 = arith.constant 0 : i32
          %dma_start3A_734 = arith.constant 0 : i32
          %dma_start3A_735 = tpu.memref_slice %arg8[%sub3A_724, %dma_start3A_733, %dma_start3A_734] : memref<2x16x80xi32, #tpu.memory_space<vmem>> -> memref<1x16x80xi32, #tpu.memory_space<vmem>>
          %dma_start3A_736 = tpu.memref_squeeze %dma_start3A_735 : memref<1x16x80xi32, #tpu.memory_space<vmem>> -> memref<16x80xi32, #tpu.memory_space<vmem>>
          %dma_start3A_737 = arith.constant 0 : i32
          %dma_start3A_738 = tpu.memref_slice %arg4[%add3A, %mul3A_722, %dma_start3A_737] : memref<32x128x80xi32, #tpu.memory_space<hbm>> -> memref<1x16x80xi32, #tpu.memory_space<hbm>>
          %dma_start3A_739 = tpu.memref_squeeze %dma_start3A_738 : memref<1x16x80xi32, #tpu.memory_space<hbm>> -> memref<16x80xi32, #tpu.memory_space<hbm>>
          tpu.enqueue_dma source(%dma_start3A_739 : memref<16x80xi32, #tpu.memory_space<hbm>>) target(%dma_start3A_736 : memref<16x80xi32, #tpu.memory_space<vmem>>) target_semaphore(%run_scoped3A_725 : memref<!tpu.dma_semaphore, #tpu.memory_space<semaphore_mem>>)
          %dma_wait3A_740 = arith.constant 0 : i32
          %dma_wait3A_741 = arith.constant 0 : i32
          %dma_wait3A_742 = tpu.memref_slice %arg8[%sub3A_724, %dma_wait3A_740, %dma_wait3A_741] : memref<2x16x80xi32, #tpu.memory_space<vmem>> -> memref<1x16x80xi32, #tpu.memory_space<vmem>>
          %dma_wait3A_743 = tpu.memref_squeeze %dma_wait3A_742 : memref<1x16x80xi32, #tpu.memory_space<vmem>> -> memref<16x80xi32, #tpu.memory_space<vmem>>
          %dma_wait3A_744 = arith.constant 0 : i32
          %dma_wait3A_745 = tpu.memref_slice %arg4[%add3A, %mul3A_722, %dma_wait3A_744] : memref<32x128x80xi32, #tpu.memory_space<hbm>> -> memref<1x16x80xi32, #tpu.memory_space<hbm>>
          %dma_wait3A_746 = tpu.memref_squeeze %dma_wait3A_745 : memref<1x16x80xi32, #tpu.memory_space<hbm>> -> memref<16x80xi32, #tpu.memory_space<hbm>>
          %dma_wait3A_747 = arith.constant 0 : i32
          %dma_wait3A_748 = arith.constant 0 : i32
          %dma_wait3A_749 = tpu.memref_slice %arg8[%sub3A_724, %dma_wait3A_747, %dma_wait3A_748] : memref<2x16x80xi32, #tpu.memory_space<vmem>> -> memref<1x16x80xi32, #tpu.memory_space<vmem>>
          %dma_wait3A_750 = tpu.memref_squeeze %dma_wait3A_749 : memref<1x16x80xi32, #tpu.memory_space<vmem>> -> memref<16x80xi32, #tpu.memory_space<vmem>>
          %dma_wait3A_751 = arith.constant 0 : i32
          %dma_wait3A_752 = tpu.memref_slice %arg4[%add3A, %mul3A_722, %dma_wait3A_751] : memref<32x128x80xi32, #tpu.memory_space<hbm>> -> memref<1x16x80xi32, #tpu.memory_space<hbm>>
          %dma_wait3A_753 = tpu.memref_squeeze %dma_wait3A_752 : memref<1x16x80xi32, #tpu.memory_space<hbm>> -> memref<16x80xi32, #tpu.memory_space<hbm>>
          tpu.wait_dma2 semaphore(%run_scoped3A_725 : memref<!tpu.dma_semaphore, #tpu.memory_space<semaphore_mem>>) src(%dma_wait3A_753 : memref<16x80xi32, #tpu.memory_space<hbm>>) dst(%dma_wait3A_750 : memref<16x80xi32, #tpu.memory_space<vmem>>)
          tpu.yield
        }) : () -> ()
      } else {
      }
      %ge3A_674 = arith.constant 2 : i32
      %ge3A_675 = arith.cmpi sge, %add3A_634, %ge3A_674 : i32
      %convert_element_type3A_676 = arith.extui %ge3A_675 : i1 to i32
      %cond3A_677 = arith.constant 0 : i32
      %cond3A_678 = arith.cmpi ne, %convert_element_type3A_676, %cond3A_677 : i32
      scf.if %cond3A_678 {
        %sub3A_711 = arith.constant 2 : i32
        %sub3A_712 = arith.subi %add3A_634, %sub3A_711 : i32
        %jit3A_713 = arith.constant 16 : i32
        %div3A_714 = arith.divsi %sub3A_712, %jit3A_713 : i32
        %sign3A_715 = arith.constant 0 : i32
        %sign3A_716 = arith.cmpi sgt, %sub3A_712, %sign3A_715 : i32
        %sign3A_717 = arith.extui %sign3A_716 : i1 to i32
        %sign3A_718 = arith.constant 0 : i32
        %sign3A_719 = arith.cmpi slt, %sub3A_712, %sign3A_718 : i32
        %sign3A_720 = arith.extui %sign3A_719 : i1 to i32
        %sign3A_721 = arith.subi %sign3A_717, %sign3A_720 : i32
        %sign3A_722 = arith.constant 0 : i32
        %sign3A_723 = arith.cmpi sgt, %jit3A_713, %sign3A_722 : i32
        %sign3A_724 = arith.extui %sign3A_723 : i1 to i32
        %sign3A_725 = arith.constant 0 : i32
        %sign3A_726 = arith.cmpi slt, %jit3A_713, %sign3A_725 : i32
        %sign3A_727 = arith.extui %sign3A_726 : i1 to i32
        %sign3A_728 = arith.subi %sign3A_724, %sign3A_727 : i32
        %ne3A_729 = arith.cmpi ne, %sign3A_721, %sign3A_728 : i32
        %rem3A_730 = arith.remsi %sub3A_712, %jit3A_713 : i32
        %ne3A_731 = arith.constant 0 : i32
        %ne3A_732 = arith.cmpi ne, %rem3A_730, %ne3A_731 : i32
        %and3A_733 = arith.andi %ne3A_729, %ne3A_732 : i1
        %sub3A_734 = arith.constant 1 : i32
        %sub3A_735 = arith.subi %div3A_714, %sub3A_734 : i32
        %select_n3A_736 = arith.select %and3A_733, %sub3A_735, %div3A_714 : i32
        %rem3A_737 = arith.constant 2 : i32
        %rem3A_738 = arith.remsi %select_n3A_736, %rem3A_737 : i32
        %mul3A_739 = arith.constant 16 : i32
        %mul3A_740 = arith.muli %select_n3A_736, %mul3A_739 : i32
        %sub3A_741 = arith.subi %sub3A_712, %mul3A_740 : i32
        %dma_wait3A_742 = arith.constant 1 : i32
        %dma_wait3A_743 = arith.constant 0 : i32
        %dma_wait3A_744 = arith.constant 0 : i32
        %dma_wait3A_745 = tpu.memref_slice %arg9[%dma_wait3A_742, %dma_wait3A_743, %dma_wait3A_744] : memref<4x80x128xf32, #tpu.memory_space<vmem>> -> memref<1x80x128xf32, #tpu.memory_space<vmem>>
        %dma_wait3A_746 = tpu.memref_squeeze %dma_wait3A_745 : memref<1x80x128xf32, #tpu.memory_space<vmem>> -> memref<80x128xf32, #tpu.memory_space<vmem>>
        %dma_wait3A_747 = arith.constant 0 : i32
        %dma_wait3A_748 = tpu.memref_slice %arg8[%rem3A_738, %sub3A_741, %dma_wait3A_747] : memref<2x16x80xi32, #tpu.memory_space<vmem>> -> memref<1x1x80xi32, #tpu.memory_space<vmem>>
        %dma_wait3A_749 = tpu.memref_squeeze %dma_wait3A_748 : memref<1x1x80xi32, #tpu.memory_space<vmem>> -> memref<80xi32, #tpu.memory_space<vmem>>
        %dma_wait3A_750 = arith.constant 0 : i32
        %dma_wait3A_751 = arith.constant 0 : i32
        %dma_wait3A_752 = tpu.memref_slice %arg10[%dma_wait3A_750, %dma_wait3A_751] : memref<10240x128xf32, #tpu.memory_space<vmem_shared>> -> memref<10240x128xf32, #tpu.memory_space<vmem_shared>>
        tpu.wait_indirect_dma semaphore(%arg16 : memref<!tpu.dma_semaphore, #tpu.memory_space<semaphore_mem>>) src(%dma_wait3A_746 : memref<80x128xf32, #tpu.memory_space<vmem>>) dst(%dma_wait3A_752 : memref<10240x128xf32, #tpu.memory_space<vmem_shared>>)
      } else {
      }
      %add3A_679 = arith.constant 2 : i32
      %add3A_680 = arith.addi %add3A_634, %add3A_679 : i32
      %lt3A_681 = arith.constant 128 : i32
      %lt3A_682 = arith.cmpi slt, %add3A_680, %lt3A_681 : i32
      %convert_element_type3A_683 = arith.extui %lt3A_682 : i1 to i32
      %cond3A_684 = arith.constant 0 : i32
      %cond3A_685 = arith.cmpi ne, %convert_element_type3A_683, %cond3A_684 : i32
      scf.if %cond3A_685 {
        %add3A_711 = arith.constant 2 : i32
        %add3A_712 = arith.addi %add3A_634, %add3A_711 : i32
        %jit3A_713 = arith.constant 16 : i32
        %div3A_714 = arith.divsi %add3A_712, %jit3A_713 : i32
        %sign3A_715 = arith.constant 0 : i32
        %sign3A_716 = arith.cmpi sgt, %add3A_712, %sign3A_715 : i32
        %sign3A_717 = arith.extui %sign3A_716 : i1 to i32
        %sign3A_718 = arith.constant 0 : i32
        %sign3A_719 = arith.cmpi slt, %add3A_712, %sign3A_718 : i32
        %sign3A_720 = arith.extui %sign3A_719 : i1 to i32
        %sign3A_721 = arith.subi %sign3A_717, %sign3A_720 : i32
        %sign3A_722 = arith.constant 0 : i32
        %sign3A_723 = arith.cmpi sgt, %jit3A_713, %sign3A_722 : i32
        %sign3A_724 = arith.extui %sign3A_723 : i1 to i32
        %sign3A_725 = arith.constant 0 : i32
        %sign3A_726 = arith.cmpi slt, %jit3A_713, %sign3A_725 : i32
        %sign3A_727 = arith.extui %sign3A_726 : i1 to i32
        %sign3A_728 = arith.subi %sign3A_724, %sign3A_727 : i32
        %ne3A_729 = arith.cmpi ne, %sign3A_721, %sign3A_728 : i32
        %rem3A_730 = arith.remsi %add3A_712, %jit3A_713 : i32
        %ne3A_731 = arith.constant 0 : i32
        %ne3A_732 = arith.cmpi ne, %rem3A_730, %ne3A_731 : i32
        %and3A_733 = arith.andi %ne3A_729, %ne3A_732 : i1
        %sub3A_734 = arith.constant 1 : i32
        %sub3A_735 = arith.subi %div3A_714, %sub3A_734 : i32
        %select_n3A_736 = arith.select %and3A_733, %sub3A_735, %div3A_714 : i32
        %rem3A_737 = arith.constant 2 : i32
        %rem3A_738 = arith.remsi %select_n3A_736, %rem3A_737 : i32
        %mul3A_739 = arith.constant 1280 : i32
        %mul3A_740 = arith.muli %rem3A_738, %mul3A_739 : i32
        %mul3A_741 = arith.constant 16 : i32
        %mul3A_742 = arith.muli %select_n3A_736, %mul3A_741 : i32
        %sub3A_743 = arith.subi %add3A_712, %mul3A_742 : i32
        %mul3A_744 = arith.constant 80 : i32
        %mul3A_745 = arith.muli %sub3A_743, %mul3A_744 : i32
        %add3A_746 = arith.addi %mul3A_740, %mul3A_745 : i32
        %dma_start3A_747 = arith.constant 1 : i32
        %dma_start3A_748 = arith.constant 0 : i32
        %dma_start3A_749 = arith.constant 0 : i32
        %dma_start3A_750 = tpu.memref_slice %arg9[%dma_start3A_747, %dma_start3A_748, %dma_start3A_749] : memref<4x80x128xf32, #tpu.memory_space<vmem>> -> memref<1x80x128xf32, #tpu.memory_space<vmem>>
        %dma_start3A_751 = tpu.memref_squeeze %dma_start3A_750 : memref<1x80x128xf32, #tpu.memory_space<vmem>> -> memref<80x128xf32, #tpu.memory_space<vmem>>
        %dma_start3A_752 = tpu.memref_slice %arg7[%add3A_746] : memref<2560xi32, #tpu.memory_space<vmem>> -> memref<80xi32, #tpu.memory_space<vmem>>
        %dma_start3A_753 = arith.constant 0 : i32
        %dma_start3A_754 = arith.constant 0 : i32
        %dma_start3A_755 = tpu.memref_slice %arg2[%dma_start3A_753, %dma_start3A_754] : memref<10000x128xf32, #tpu.memory_space<hbm>> -> memref<10000x128xf32, #tpu.memory_space<hbm>>
        tpu.enqueue_indirect_dma source(%dma_start3A_755 : memref<10000x128xf32, #tpu.memory_space<hbm>>) target(%dma_start3A_751 : memref<80x128xf32, #tpu.memory_space<vmem>>) offsets(%dma_start3A_752 : memref<80xi32, #tpu.memory_space<vmem>>) semaphore(%arg12 : memref<!tpu.dma_semaphore, #tpu.memory_space<semaphore_mem>>)
      } else {
      }
      %mul3A_686 = arith.constant 1280 : i32
      %mul3A_687 = arith.muli %rem3A_663, %mul3A_686 : i32
      %mul3A_688 = arith.constant 80 : i32
      %mul3A_689 = arith.muli %sub3A_661, %mul3A_688 : i32
      %add3A_690 = arith.addi %mul3A_687, %mul3A_689 : i32
      %dma_wait3A_691 = arith.constant 3 : i32
      %dma_wait3A_692 = arith.constant 0 : i32
      %dma_wait3A_693 = arith.constant 0 : i32
      %dma_wait3A_694 = tpu.memref_slice %arg9[%dma_wait3A_691, %dma_wait3A_692, %dma_wait3A_693] : memref<4x80x128xf32, #tpu.memory_space<vmem>> -> memref<1x80x128xf32, #tpu.memory_space<vmem>>
      %dma_wait3A_695 = tpu.memref_squeeze %dma_wait3A_694 : memref<1x80x128xf32, #tpu.memory_space<vmem>> -> memref<80x128xf32, #tpu.memory_space<vmem>>
      %dma_wait3A_696 = tpu.memref_slice %arg7[%add3A_690] : memref<2560xi32, #tpu.memory_space<vmem>> -> memref<80xi32, #tpu.memory_space<vmem>>
      %dma_wait3A_697 = arith.constant 0 : i32
      %dma_wait3A_698 = arith.constant 0 : i32
      %dma_wait3A_699 = tpu.memref_slice %arg2[%dma_wait3A_697, %dma_wait3A_698] : memref<10000x128xf32, #tpu.memory_space<hbm>> -> memref<10000x128xf32, #tpu.memory_space<hbm>>
      tpu.wait_indirect_dma semaphore(%arg14 : memref<!tpu.dma_semaphore, #tpu.memory_space<semaphore_mem>>) src(%dma_wait3A_699 : memref<10000x128xf32, #tpu.memory_space<hbm>>) dst(%dma_wait3A_695 : memref<80x128xf32, #tpu.memory_space<vmem>>)
      %dma_start3A_700 = arith.constant 3 : i32
      %dma_start3A_701 = arith.constant 0 : i32
      %dma_start3A_702 = arith.constant 0 : i32
      %dma_start3A_703 = tpu.memref_slice %arg9[%dma_start3A_700, %dma_start3A_701, %dma_start3A_702] : memref<4x80x128xf32, #tpu.memory_space<vmem>> -> memref<1x80x128xf32, #tpu.memory_space<vmem>>
      %dma_start3A_704 = tpu.memref_squeeze %dma_start3A_703 : memref<1x80x128xf32, #tpu.memory_space<vmem>> -> memref<80x128xf32, #tpu.memory_space<vmem>>
      %dma_start3A_705 = arith.constant 0 : i32
      %dma_start3A_706 = tpu.memref_slice %arg8[%rem3A_663, %sub3A_661, %dma_start3A_705] : memref<2x16x80xi32, #tpu.memory_space<vmem>> -> memref<1x1x80xi32, #tpu.memory_space<vmem>>
      %dma_start3A_707 = tpu.memref_squeeze %dma_start3A_706 : memref<1x1x80xi32, #tpu.memory_space<vmem>> -> memref<80xi32, #tpu.memory_space<vmem>>
      %dma_start3A_708 = arith.constant 0 : i32
      %dma_start3A_709 = arith.constant 0 : i32
      %dma_start3A_710 = tpu.memref_slice %arg10[%dma_start3A_708, %dma_start3A_709] : memref<10240x128xf32, #tpu.memory_space<vmem_shared>> -> memref<10240x128xf32, #tpu.memory_space<vmem_shared>>
      tpu.enqueue_indirect_dma source(%dma_start3A_704 : memref<80x128xf32, #tpu.memory_space<vmem>>) target(%dma_start3A_710 : memref<10240x128xf32, #tpu.memory_space<vmem_shared>>) offsets(%dma_start3A_707 : memref<80xi32, #tpu.memory_space<vmem>>) semaphore(%arg18 : memref<!tpu.dma_semaphore, #tpu.memory_space<semaphore_mem>>) {add = true}
    }
    %scan3A_65 = arith.constant 32 : i32
    %dma_wait3A = arith.constant 2 : i32
    %dma_wait3A_66 = arith.constant 1 : i32
    %dma_wait3A_67 = arith.constant 14 : i32
    %dma_wait3A_68 = arith.constant 0 : i32
    %dma_wait3A_69 = arith.constant 0 : i32
    %dma_wait3A_70 = tpu.memref_slice %arg9[%dma_wait3A, %dma_wait3A_68, %dma_wait3A_69] : memref<4x80x128xf32, #tpu.memory_space<vmem>> -> memref<1x80x128xf32, #tpu.memory_space<vmem>>
    %dma_wait3A_71 = tpu.memref_squeeze %dma_wait3A_70 : memref<1x80x128xf32, #tpu.memory_space<vmem>> -> memref<80x128xf32, #tpu.memory_space<vmem>>
    %dma_wait3A_72 = arith.constant 0 : i32
    %dma_wait3A_73 = tpu.memref_slice %arg8[%dma_wait3A_66, %dma_wait3A_67, %dma_wait3A_72] : memref<2x16x80xi32, #tpu.memory_space<vmem>> -> memref<1x1x80xi32, #tpu.memory_space<vmem>>
    %dma_wait3A_74 = tpu.memref_squeeze %dma_wait3A_73 : memref<1x1x80xi32, #tpu.memory_space<vmem>> -> memref<80xi32, #tpu.memory_space<vmem>>
    %dma_wait3A_75 = arith.constant 0 : i32
    %dma_wait3A_76 = arith.constant 0 : i32
    %dma_wait3A_77 = tpu.memref_slice %arg10[%dma_wait3A_75, %dma_wait3A_76] : memref<10240x128xf32, #tpu.memory_space<vmem_shared>> -> memref<10240x128xf32, #tpu.memory_space<vmem_shared>>
    tpu.wait_indirect_dma semaphore(%arg17 : memref<!tpu.dma_semaphore, #tpu.memory_space<semaphore_mem>>) src(%dma_wait3A_71 : memref<80x128xf32, #tpu.memory_space<vmem>>) dst(%dma_wait3A_77 : memref<10240x128xf32, #tpu.memory_space<vmem_shared>>)
    %dma_wait3A_78 = arith.constant 3 : i32
    %dma_wait3A_79 = arith.constant 1 : i32
    %dma_wait3A_80 = arith.constant 15 : i32
    %dma_wait3A_81 = arith.constant 0 : i32
    %dma_wait3A_82 = arith.constant 0 : i32
    %dma_wait3A_83 = tpu.memref_slice %arg9[%dma_wait3A_78, %dma_wait3A_81, %dma_wait3A_82] : memref<4x80x128xf32, #tpu.memory_space<vmem>> -> memref<1x80x128xf32, #tpu.memory_space<vmem>>
    %dma_wait3A_84 = tpu.memref_squeeze %dma_wait3A_83 : memref<1x80x128xf32, #tpu.memory_space<vmem>> -> memref<80x128xf32, #tpu.memory_space<vmem>>
    %dma_wait3A_85 = arith.constant 0 : i32
    %dma_wait3A_86 = tpu.memref_slice %arg8[%dma_wait3A_79, %dma_wait3A_80, %dma_wait3A_85] : memref<2x16x80xi32, #tpu.memory_space<vmem>> -> memref<1x1x80xi32, #tpu.memory_space<vmem>>
    %dma_wait3A_87 = tpu.memref_squeeze %dma_wait3A_86 : memref<1x1x80xi32, #tpu.memory_space<vmem>> -> memref<80xi32, #tpu.memory_space<vmem>>
    %dma_wait3A_88 = arith.constant 0 : i32
    %dma_wait3A_89 = arith.constant 0 : i32
    %dma_wait3A_90 = tpu.memref_slice %arg10[%dma_wait3A_88, %dma_wait3A_89] : memref<10240x128xf32, #tpu.memory_space<vmem_shared>> -> memref<10240x128xf32, #tpu.memory_space<vmem_shared>>
    tpu.wait_indirect_dma semaphore(%arg18 : memref<!tpu.dma_semaphore, #tpu.memory_space<semaphore_mem>>) src(%dma_wait3A_84 : memref<80x128xf32, #tpu.memory_space<vmem>>) dst(%dma_wait3A_90 : memref<10240x128xf32, #tpu.memory_space<vmem_shared>>)
    %barrier3A_91 = arith.constant 0 : index
    tpu.barrier barrier_id(%barrier3A_91)
    %mul3A_92 = arith.constant 640 : i32
    %mul3A_93 = arith.muli %arg1, %mul3A_92 : i32
    %add3A_94 = arith.constant 0 : i32
    %add3A_95 = arith.addi %mul3A_93, %add3A_94 : i32
    %run_scoped3A_96 = arith.constant 0 : i32
    "tpu.region"() ({
      %run_scoped3A_404 = tpu.sem_alloc : memref<!tpu.dma_semaphore, #tpu.memory_space<semaphore_mem>>
      %dma_start3A_405 = arith.constant 0 : i32
      %dma_start3A_406 = arith.constant 0 : i32
      %dma_start3A_407 = tpu.memref_slice %arg9[%run_scoped3A_96, %dma_start3A_405, %dma_start3A_406] : memref<4x80x128xf32, #tpu.memory_space<vmem>> -> memref<1x80x128xf32, #tpu.memory_space<vmem>>
      %dma_start3A_408 = tpu.memref_squeeze %dma_start3A_407 : memref<1x80x128xf32, #tpu.memory_space<vmem>> -> memref<80x128xf32, #tpu.memory_space<vmem>>
      %dma_start3A_409 = arith.constant 0 : i32
      %dma_start3A_410 = tpu.memref_slice %arg10[%add3A_95, %dma_start3A_409] : memref<10240x128xf32, #tpu.memory_space<vmem_shared>> -> memref<80x128xf32, #tpu.memory_space<vmem_shared>>
      %dma_start3A_411 = arith.constant 0 : i32
      %dma_start3A_412 = arith.constant 0 : i32
      %dma_start3A_413 = tpu.memref_slice %arg9[%run_scoped3A_96, %dma_start3A_411, %dma_start3A_412] : memref<4x80x128xf32, #tpu.memory_space<vmem>> -> memref<1x80x128xf32, #tpu.memory_space<vmem>>
      %dma_start3A_414 = tpu.memref_squeeze %dma_start3A_413 : memref<1x80x128xf32, #tpu.memory_space<vmem>> -> memref<80x128xf32, #tpu.memory_space<vmem>>
      %dma_start3A_415 = arith.constant 0 : i32
      %dma_start3A_416 = tpu.memref_slice %arg10[%add3A_95, %dma_start3A_415] : memref<10240x128xf32, #tpu.memory_space<vmem_shared>> -> memref<80x128xf32, #tpu.memory_space<vmem_shared>>
      tpu.enqueue_dma source(%dma_start3A_416 : memref<80x128xf32, #tpu.memory_space<vmem_shared>>) target(%dma_start3A_414 : memref<80x128xf32, #tpu.memory_space<vmem>>) target_semaphore(%run_scoped3A_404 : memref<!tpu.dma_semaphore, #tpu.memory_space<semaphore_mem>>)
      %dma_wait3A_417 = arith.constant 0 : i32
      %dma_wait3A_418 = arith.constant 0 : i32
      %dma_wait3A_419 = tpu.memref_slice %arg9[%run_scoped3A_96, %dma_wait3A_417, %dma_wait3A_418] : memref<4x80x128xf32, #tpu.memory_space<vmem>> -> memref<1x80x128xf32, #tpu.memory_space<vmem>>
      %dma_wait3A_420 = tpu.memref_squeeze %dma_wait3A_419 : memref<1x80x128xf32, #tpu.memory_space<vmem>> -> memref<80x128xf32, #tpu.memory_space<vmem>>
      %dma_wait3A_421 = arith.constant 0 : i32
      %dma_wait3A_422 = tpu.memref_slice %arg10[%add3A_95, %dma_wait3A_421] : memref<10240x128xf32, #tpu.memory_space<vmem_shared>> -> memref<80x128xf32, #tpu.memory_space<vmem_shared>>
      %dma_wait3A_423 = arith.constant 0 : i32
      %dma_wait3A_424 = arith.constant 0 : i32
      %dma_wait3A_425 = tpu.memref_slice %arg9[%run_scoped3A_96, %dma_wait3A_423, %dma_wait3A_424] : memref<4x80x128xf32, #tpu.memory_space<vmem>> -> memref<1x80x128xf32, #tpu.memory_space<vmem>>
      %dma_wait3A_426 = tpu.memref_squeeze %dma_wait3A_425 : memref<1x80x128xf32, #tpu.memory_space<vmem>> -> memref<80x128xf32, #tpu.memory_space<vmem>>
      %dma_wait3A_427 = arith.constant 0 : i32
      %dma_wait3A_428 = tpu.memref_slice %arg10[%add3A_95, %dma_wait3A_427] : memref<10240x128xf32, #tpu.memory_space<vmem_shared>> -> memref<80x128xf32, #tpu.memory_space<vmem_shared>>
      tpu.wait_dma2 semaphore(%run_scoped3A_404 : memref<!tpu.dma_semaphore, #tpu.memory_space<semaphore_mem>>) src(%dma_wait3A_428 : memref<80x128xf32, #tpu.memory_space<vmem_shared>>) dst(%dma_wait3A_426 : memref<80x128xf32, #tpu.memory_space<vmem>>)
      tpu.yield
    }) : () -> ()
    %dma_start3A_97 = arith.constant 0 : i32
    %dma_start3A_98 = arith.constant 0 : i32
    %dma_start3A_99 = arith.constant 0 : i32
    %dma_start3A_100 = tpu.memref_slice %arg9[%dma_start3A_97, %dma_start3A_98, %dma_start3A_99] : memref<4x80x128xf32, #tpu.memory_space<vmem>> -> memref<1x80x128xf32, #tpu.memory_space<vmem>>
    %dma_start3A_101 = tpu.memref_squeeze %dma_start3A_100 : memref<1x80x128xf32, #tpu.memory_space<vmem>> -> memref<80x128xf32, #tpu.memory_space<vmem>>
    %dma_start3A_102 = arith.constant 0 : i32
    %dma_start3A_103 = tpu.memref_slice %arg6[%arg0, %add3A_95, %dma_start3A_102] : memref<2x10240x128xf32, #tpu.memory_space<hbm>> -> memref<1x80x128xf32, #tpu.memory_space<hbm>>
    %dma_start3A_104 = tpu.memref_squeeze %dma_start3A_103 : memref<1x80x128xf32, #tpu.memory_space<hbm>> -> memref<80x128xf32, #tpu.memory_space<hbm>>
    %dma_start3A_105 = arith.constant 0 : i32
    %dma_start3A_106 = tpu.memref_slice %arg6[%arg0, %add3A_95, %dma_start3A_105] : memref<2x10240x128xf32, #tpu.memory_space<hbm>> -> memref<1x80x128xf32, #tpu.memory_space<hbm>>
    %dma_start3A_107 = tpu.memref_squeeze %dma_start3A_106 : memref<1x80x128xf32, #tpu.memory_space<hbm>> -> memref<80x128xf32, #tpu.memory_space<hbm>>
    %dma_start3A_108 = arith.constant 0 : i32
    %dma_start3A_109 = arith.constant 0 : i32
    %dma_start3A_110 = tpu.memref_slice %arg9[%dma_start3A_97, %dma_start3A_108, %dma_start3A_109] : memref<4x80x128xf32, #tpu.memory_space<vmem>> -> memref<1x80x128xf32, #tpu.memory_space<vmem>>
    %dma_start3A_111 = tpu.memref_squeeze %dma_start3A_110 : memref<1x80x128xf32, #tpu.memory_space<vmem>> -> memref<80x128xf32, #tpu.memory_space<vmem>>
    tpu.enqueue_dma source(%dma_start3A_111 : memref<80x128xf32, #tpu.memory_space<vmem>>) target(%dma_start3A_107 : memref<80x128xf32, #tpu.memory_space<hbm>>) target_semaphore(%arg11 : memref<!tpu.dma_semaphore, #tpu.memory_space<semaphore_mem>>)
    %mul3A_112 = arith.constant 640 : i32
    %mul3A_113 = arith.muli %arg1, %mul3A_112 : i32
    %add3A_114 = arith.constant 80 : i32
    %add3A_115 = arith.addi %mul3A_113, %add3A_114 : i32
    %run_scoped3A_116 = arith.constant 1 : i32
    "tpu.region"() ({
      %run_scoped3A_404 = tpu.sem_alloc : memref<!tpu.dma_semaphore, #tpu.memory_space<semaphore_mem>>
      %dma_start3A_405 = arith.constant 0 : i32
      %dma_start3A_406 = arith.constant 0 : i32
      %dma_start3A_407 = tpu.memref_slice %arg9[%run_scoped3A_116, %dma_start3A_405, %dma_start3A_406] : memref<4x80x128xf32, #tpu.memory_space<vmem>> -> memref<1x80x128xf32, #tpu.memory_space<vmem>>
      %dma_start3A_408 = tpu.memref_squeeze %dma_start3A_407 : memref<1x80x128xf32, #tpu.memory_space<vmem>> -> memref<80x128xf32, #tpu.memory_space<vmem>>
      %dma_start3A_409 = arith.constant 0 : i32
      %dma_start3A_410 = tpu.memref_slice %arg10[%add3A_115, %dma_start3A_409] : memref<10240x128xf32, #tpu.memory_space<vmem_shared>> -> memref<80x128xf32, #tpu.memory_space<vmem_shared>>
      %dma_start3A_411 = arith.constant 0 : i32
      %dma_start3A_412 = arith.constant 0 : i32
      %dma_start3A_413 = tpu.memref_slice %arg9[%run_scoped3A_116, %dma_start3A_411, %dma_start3A_412] : memref<4x80x128xf32, #tpu.memory_space<vmem>> -> memref<1x80x128xf32, #tpu.memory_space<vmem>>
      %dma_start3A_414 = tpu.memref_squeeze %dma_start3A_413 : memref<1x80x128xf32, #tpu.memory_space<vmem>> -> memref<80x128xf32, #tpu.memory_space<vmem>>
      %dma_start3A_415 = arith.constant 0 : i32
      %dma_start3A_416 = tpu.memref_slice %arg10[%add3A_115, %dma_start3A_415] : memref<10240x128xf32, #tpu.memory_space<vmem_shared>> -> memref<80x128xf32, #tpu.memory_space<vmem_shared>>
      tpu.enqueue_dma source(%dma_start3A_416 : memref<80x128xf32, #tpu.memory_space<vmem_shared>>) target(%dma_start3A_414 : memref<80x128xf32, #tpu.memory_space<vmem>>) target_semaphore(%run_scoped3A_404 : memref<!tpu.dma_semaphore, #tpu.memory_space<semaphore_mem>>)
      %dma_wait3A_417 = arith.constant 0 : i32
      %dma_wait3A_418 = arith.constant 0 : i32
      %dma_wait3A_419 = tpu.memref_slice %arg9[%run_scoped3A_116, %dma_wait3A_417, %dma_wait3A_418] : memref<4x80x128xf32, #tpu.memory_space<vmem>> -> memref<1x80x128xf32, #tpu.memory_space<vmem>>
      %dma_wait3A_420 = tpu.memref_squeeze %dma_wait3A_419 : memref<1x80x128xf32, #tpu.memory_space<vmem>> -> memref<80x128xf32, #tpu.memory_space<vmem>>
      %dma_wait3A_421 = arith.constant 0 : i32
      %dma_wait3A_422 = tpu.memref_slice %arg10[%add3A_115, %dma_wait3A_421] : memref<10240x128xf32, #tpu.memory_space<vmem_shared>> -> memref<80x128xf32, #tpu.memory_space<vmem_shared>>
      %dma_wait3A_423 = arith.constant 0 : i32
      %dma_wait3A_424 = arith.constant 0 : i32
      %dma_wait3A_425 = tpu.memref_slice %arg9[%run_scoped3A_116, %dma_wait3A_423, %dma_wait3A_424] : memref<4x80x128xf32, #tpu.memory_space<vmem>> -> memref<1x80x128xf32, #tpu.memory_space<vmem>>
      %dma_wait3A_426 = tpu.memref_squeeze %dma_wait3A_425 : memref<1x80x128xf32, #tpu.memory_space<vmem>> -> memref<80x128xf32, #tpu.memory_space<vmem>>
      %dma_wait3A_427 = arith.constant 0 : i32
      %dma_wait3A_428 = tpu.memref_slice %arg10[%add3A_115, %dma_wait3A_427] : memref<10240x128xf32, #tpu.memory_space<vmem_shared>> -> memref<80x128xf32, #tpu.memory_space<vmem_shared>>
      tpu.wait_dma2 semaphore(%run_scoped3A_404 : memref<!tpu.dma_semaphore, #tpu.memory_space<semaphore_mem>>) src(%dma_wait3A_428 : memref<80x128xf32, #tpu.memory_space<vmem_shared>>) dst(%dma_wait3A_426 : memref<80x128xf32, #tpu.memory_space<vmem>>)
      tpu.yield
    }) : () -> ()
    %dma_start3A_117 = arith.constant 1 : i32
    %dma_start3A_118 = arith.constant 0 : i32
    %dma_start3A_119 = arith.constant 0 : i32
    %dma_start3A_120 = tpu.memref_slice %arg9[%dma_start3A_117, %dma_start3A_118, %dma_start3A_119] : memref<4x80x128xf32, #tpu.memory_space<vmem>> -> memref<1x80x128xf32, #tpu.memory_space<vmem>>
    %dma_start3A_121 = tpu.memref_squeeze %dma_start3A_120 : memref<1x80x128xf32, #tpu.memory_space<vmem>> -> memref<80x128xf32, #tpu.memory_space<vmem>>
    %dma_start3A_122 = arith.constant 0 : i32
    %dma_start3A_123 = tpu.memref_slice %arg6[%arg0, %add3A_115, %dma_start3A_122] : memref<2x10240x128xf32, #tpu.memory_space<hbm>> -> memref<1x80x128xf32, #tpu.memory_space<hbm>>
    %dma_start3A_124 = tpu.memref_squeeze %dma_start3A_123 : memref<1x80x128xf32, #tpu.memory_space<hbm>> -> memref<80x128xf32, #tpu.memory_space<hbm>>
    %dma_start3A_125 = arith.constant 0 : i32
    %dma_start3A_126 = tpu.memref_slice %arg6[%arg0, %add3A_115, %dma_start3A_125] : memref<2x10240x128xf32, #tpu.memory_space<hbm>> -> memref<1x80x128xf32, #tpu.memory_space<hbm>>
    %dma_start3A_127 = tpu.memref_squeeze %dma_start3A_126 : memref<1x80x128xf32, #tpu.memory_space<hbm>> -> memref<80x128xf32, #tpu.memory_space<hbm>>
    %dma_start3A_128 = arith.constant 0 : i32
    %dma_start3A_129 = arith.constant 0 : i32
    %dma_start3A_130 = tpu.memref_slice %arg9[%dma_start3A_117, %dma_start3A_128, %dma_start3A_129] : memref<4x80x128xf32, #tpu.memory_space<vmem>> -> memref<1x80x128xf32, #tpu.memory_space<vmem>>
    %dma_start3A_131 = tpu.memref_squeeze %dma_start3A_130 : memref<1x80x128xf32, #tpu.memory_space<vmem>> -> memref<80x128xf32, #tpu.memory_space<vmem>>
    tpu.enqueue_dma source(%dma_start3A_131 : memref<80x128xf32, #tpu.memory_space<vmem>>) target(%dma_start3A_127 : memref<80x128xf32, #tpu.memory_space<hbm>>) target_semaphore(%arg12 : memref<!tpu.dma_semaphore, #tpu.memory_space<semaphore_mem>>)
    %mul3A_132 = arith.constant 640 : i32
    %mul3A_133 = arith.muli %arg1, %mul3A_132 : i32
    %add3A_134 = arith.constant 160 : i32
    %add3A_135 = arith.addi %mul3A_133, %add3A_134 : i32
    %run_scoped3A_136 = arith.constant 2 : i32
    "tpu.region"() ({
      %run_scoped3A_404 = tpu.sem_alloc : memref<!tpu.dma_semaphore, #tpu.memory_space<semaphore_mem>>
      %dma_start3A_405 = arith.constant 0 : i32
      %dma_start3A_406 = arith.constant 0 : i32
      %dma_start3A_407 = tpu.memref_slice %arg9[%run_scoped3A_136, %dma_start3A_405, %dma_start3A_406] : memref<4x80x128xf32, #tpu.memory_space<vmem>> -> memref<1x80x128xf32, #tpu.memory_space<vmem>>
      %dma_start3A_408 = tpu.memref_squeeze %dma_start3A_407 : memref<1x80x128xf32, #tpu.memory_space<vmem>> -> memref<80x128xf32, #tpu.memory_space<vmem>>
      %dma_start3A_409 = arith.constant 0 : i32
      %dma_start3A_410 = tpu.memref_slice %arg10[%add3A_135, %dma_start3A_409] : memref<10240x128xf32, #tpu.memory_space<vmem_shared>> -> memref<80x128xf32, #tpu.memory_space<vmem_shared>>
      %dma_start3A_411 = arith.constant 0 : i32
      %dma_start3A_412 = arith.constant 0 : i32
      %dma_start3A_413 = tpu.memref_slice %arg9[%run_scoped3A_136, %dma_start3A_411, %dma_start3A_412] : memref<4x80x128xf32, #tpu.memory_space<vmem>> -> memref<1x80x128xf32, #tpu.memory_space<vmem>>
      %dma_start3A_414 = tpu.memref_squeeze %dma_start3A_413 : memref<1x80x128xf32, #tpu.memory_space<vmem>> -> memref<80x128xf32, #tpu.memory_space<vmem>>
      %dma_start3A_415 = arith.constant 0 : i32
      %dma_start3A_416 = tpu.memref_slice %arg10[%add3A_135, %dma_start3A_415] : memref<10240x128xf32, #tpu.memory_space<vmem_shared>> -> memref<80x128xf32, #tpu.memory_space<vmem_shared>>
      tpu.enqueue_dma source(%dma_start3A_416 : memref<80x128xf32, #tpu.memory_space<vmem_shared>>) target(%dma_start3A_414 : memref<80x128xf32, #tpu.memory_space<vmem>>) target_semaphore(%run_scoped3A_404 : memref<!tpu.dma_semaphore, #tpu.memory_space<semaphore_mem>>)
      %dma_wait3A_417 = arith.constant 0 : i32
      %dma_wait3A_418 = arith.constant 0 : i32
      %dma_wait3A_419 = tpu.memref_slice %arg9[%run_scoped3A_136, %dma_wait3A_417, %dma_wait3A_418] : memref<4x80x128xf32, #tpu.memory_space<vmem>> -> memref<1x80x128xf32, #tpu.memory_space<vmem>>
      %dma_wait3A_420 = tpu.memref_squeeze %dma_wait3A_419 : memref<1x80x128xf32, #tpu.memory_space<vmem>> -> memref<80x128xf32, #tpu.memory_space<vmem>>
      %dma_wait3A_421 = arith.constant 0 : i32
      %dma_wait3A_422 = tpu.memref_slice %arg10[%add3A_135, %dma_wait3A_421] : memref<10240x128xf32, #tpu.memory_space<vmem_shared>> -> memref<80x128xf32, #tpu.memory_space<vmem_shared>>
      %dma_wait3A_423 = arith.constant 0 : i32
      %dma_wait3A_424 = arith.constant 0 : i32
      %dma_wait3A_425 = tpu.memref_slice %arg9[%run_scoped3A_136, %dma_wait3A_423, %dma_wait3A_424] : memref<4x80x128xf32, #tpu.memory_space<vmem>> -> memref<1x80x128xf32, #tpu.memory_space<vmem>>
      %dma_wait3A_426 = tpu.memref_squeeze %dma_wait3A_425 : memref<1x80x128xf32, #tpu.memory_space<vmem>> -> memref<80x128xf32, #tpu.memory_space<vmem>>
      %dma_wait3A_427 = arith.constant 0 : i32
      %dma_wait3A_428 = tpu.memref_slice %arg10[%add3A_135, %dma_wait3A_427] : memref<10240x128xf32, #tpu.memory_space<vmem_shared>> -> memref<80x128xf32, #tpu.memory_space<vmem_shared>>
      tpu.wait_dma2 semaphore(%run_scoped3A_404 : memref<!tpu.dma_semaphore, #tpu.memory_space<semaphore_mem>>) src(%dma_wait3A_428 : memref<80x128xf32, #tpu.memory_space<vmem_shared>>) dst(%dma_wait3A_426 : memref<80x128xf32, #tpu.memory_space<vmem>>)
      tpu.yield
    }) : () -> ()
    %dma_start3A_137 = arith.constant 2 : i32
    %dma_start3A_138 = arith.constant 0 : i32
    %dma_start3A_139 = arith.constant 0 : i32
    %dma_start3A_140 = tpu.memref_slice %arg9[%dma_start3A_137, %dma_start3A_138, %dma_start3A_139] : memref<4x80x128xf32, #tpu.memory_space<vmem>> -> memref<1x80x128xf32, #tpu.memory_space<vmem>>
    %dma_start3A_141 = tpu.memref_squeeze %dma_start3A_140 : memref<1x80x128xf32, #tpu.memory_space<vmem>> -> memref<80x128xf32, #tpu.memory_space<vmem>>
    %dma_start3A_142 = arith.constant 0 : i32
    %dma_start3A_143 = tpu.memref_slice %arg6[%arg0, %add3A_135, %dma_start3A_142] : memref<2x10240x128xf32, #tpu.memory_space<hbm>> -> memref<1x80x128xf32, #tpu.memory_space<hbm>>
    %dma_start3A_144 = tpu.memref_squeeze %dma_start3A_143 : memref<1x80x128xf32, #tpu.memory_space<hbm>> -> memref<80x128xf32, #tpu.memory_space<hbm>>
    %dma_start3A_145 = arith.constant 0 : i32
    %dma_start3A_146 = tpu.memref_slice %arg6[%arg0, %add3A_135, %dma_start3A_145] : memref<2x10240x128xf32, #tpu.memory_space<hbm>> -> memref<1x80x128xf32, #tpu.memory_space<hbm>>
    %dma_start3A_147 = tpu.memref_squeeze %dma_start3A_146 : memref<1x80x128xf32, #tpu.memory_space<hbm>> -> memref<80x128xf32, #tpu.memory_space<hbm>>
    %dma_start3A_148 = arith.constant 0 : i32
    %dma_start3A_149 = arith.constant 0 : i32
    %dma_start3A_150 = tpu.memref_slice %arg9[%dma_start3A_137, %dma_start3A_148, %dma_start3A_149] : memref<4x80x128xf32, #tpu.memory_space<vmem>> -> memref<1x80x128xf32, #tpu.memory_space<vmem>>
    %dma_start3A_151 = tpu.memref_squeeze %dma_start3A_150 : memref<1x80x128xf32, #tpu.memory_space<vmem>> -> memref<80x128xf32, #tpu.memory_space<vmem>>
    tpu.enqueue_dma source(%dma_start3A_151 : memref<80x128xf32, #tpu.memory_space<vmem>>) target(%dma_start3A_147 : memref<80x128xf32, #tpu.memory_space<hbm>>) target_semaphore(%arg13 : memref<!tpu.dma_semaphore, #tpu.memory_space<semaphore_mem>>)
    %mul3A_152 = arith.constant 640 : i32
    %mul3A_153 = arith.muli %arg1, %mul3A_152 : i32
    %add3A_154 = arith.constant 240 : i32
    %add3A_155 = arith.addi %mul3A_153, %add3A_154 : i32
    %run_scoped3A_156 = arith.constant 3 : i32
    "tpu.region"() ({
      %run_scoped3A_404 = tpu.sem_alloc : memref<!tpu.dma_semaphore, #tpu.memory_space<semaphore_mem>>
      %dma_start3A_405 = arith.constant 0 : i32
      %dma_start3A_406 = arith.constant 0 : i32
      %dma_start3A_407 = tpu.memref_slice %arg9[%run_scoped3A_156, %dma_start3A_405, %dma_start3A_406] : memref<4x80x128xf32, #tpu.memory_space<vmem>> -> memref<1x80x128xf32, #tpu.memory_space<vmem>>
      %dma_start3A_408 = tpu.memref_squeeze %dma_start3A_407 : memref<1x80x128xf32, #tpu.memory_space<vmem>> -> memref<80x128xf32, #tpu.memory_space<vmem>>
      %dma_start3A_409 = arith.constant 0 : i32
      %dma_start3A_410 = tpu.memref_slice %arg10[%add3A_155, %dma_start3A_409] : memref<10240x128xf32, #tpu.memory_space<vmem_shared>> -> memref<80x128xf32, #tpu.memory_space<vmem_shared>>
      %dma_start3A_411 = arith.constant 0 : i32
      %dma_start3A_412 = arith.constant 0 : i32
      %dma_start3A_413 = tpu.memref_slice %arg9[%run_scoped3A_156, %dma_start3A_411, %dma_start3A_412] : memref<4x80x128xf32, #tpu.memory_space<vmem>> -> memref<1x80x128xf32, #tpu.memory_space<vmem>>
      %dma_start3A_414 = tpu.memref_squeeze %dma_start3A_413 : memref<1x80x128xf32, #tpu.memory_space<vmem>> -> memref<80x128xf32, #tpu.memory_space<vmem>>
      %dma_start3A_415 = arith.constant 0 : i32
      %dma_start3A_416 = tpu.memref_slice %arg10[%add3A_155, %dma_start3A_415] : memref<10240x128xf32, #tpu.memory_space<vmem_shared>> -> memref<80x128xf32, #tpu.memory_space<vmem_shared>>
      tpu.enqueue_dma source(%dma_start3A_416 : memref<80x128xf32, #tpu.memory_space<vmem_shared>>) target(%dma_start3A_414 : memref<80x128xf32, #tpu.memory_space<vmem>>) target_semaphore(%run_scoped3A_404 : memref<!tpu.dma_semaphore, #tpu.memory_space<semaphore_mem>>)
      %dma_wait3A_417 = arith.constant 0 : i32
      %dma_wait3A_418 = arith.constant 0 : i32
      %dma_wait3A_419 = tpu.memref_slice %arg9[%run_scoped3A_156, %dma_wait3A_417, %dma_wait3A_418] : memref<4x80x128xf32, #tpu.memory_space<vmem>> -> memref<1x80x128xf32, #tpu.memory_space<vmem>>
      %dma_wait3A_420 = tpu.memref_squeeze %dma_wait3A_419 : memref<1x80x128xf32, #tpu.memory_space<vmem>> -> memref<80x128xf32, #tpu.memory_space<vmem>>
      %dma_wait3A_421 = arith.constant 0 : i32
      %dma_wait3A_422 = tpu.memref_slice %arg10[%add3A_155, %dma_wait3A_421] : memref<10240x128xf32, #tpu.memory_space<vmem_shared>> -> memref<80x128xf32, #tpu.memory_space<vmem_shared>>
      %dma_wait3A_423 = arith.constant 0 : i32
      %dma_wait3A_424 = arith.constant 0 : i32
      %dma_wait3A_425 = tpu.memref_slice %arg9[%run_scoped3A_156, %dma_wait3A_423, %dma_wait3A_424] : memref<4x80x128xf32, #tpu.memory_space<vmem>> -> memref<1x80x128xf32, #tpu.memory_space<vmem>>
      %dma_wait3A_426 = tpu.memref_squeeze %dma_wait3A_425 : memref<1x80x128xf32, #tpu.memory_space<vmem>> -> memref<80x128xf32, #tpu.memory_space<vmem>>
      %dma_wait3A_427 = arith.constant 0 : i32
      %dma_wait3A_428 = tpu.memref_slice %arg10[%add3A_155, %dma_wait3A_427] : memref<10240x128xf32, #tpu.memory_space<vmem_shared>> -> memref<80x128xf32, #tpu.memory_space<vmem_shared>>
      tpu.wait_dma2 semaphore(%run_scoped3A_404 : memref<!tpu.dma_semaphore, #tpu.memory_space<semaphore_mem>>) src(%dma_wait3A_428 : memref<80x128xf32, #tpu.memory_space<vmem_shared>>) dst(%dma_wait3A_426 : memref<80x128xf32, #tpu.memory_space<vmem>>)
      tpu.yield
    }) : () -> ()
    %dma_start3A_157 = arith.constant 3 : i32
    %dma_start3A_158 = arith.constant 0 : i32
    %dma_start3A_159 = arith.constant 0 : i32
    %dma_start3A_160 = tpu.memref_slice %arg9[%dma_start3A_157, %dma_start3A_158, %dma_start3A_159] : memref<4x80x128xf32, #tpu.memory_space<vmem>> -> memref<1x80x128xf32, #tpu.memory_space<vmem>>
    %dma_start3A_161 = tpu.memref_squeeze %dma_start3A_160 : memref<1x80x128xf32, #tpu.memory_space<vmem>> -> memref<80x128xf32, #tpu.memory_space<vmem>>
    %dma_start3A_162 = arith.constant 0 : i32
    %dma_start3A_163 = tpu.memref_slice %arg6[%arg0, %add3A_155, %dma_start3A_162] : memref<2x10240x128xf32, #tpu.memory_space<hbm>> -> memref<1x80x128xf32, #tpu.memory_space<hbm>>
    %dma_start3A_164 = tpu.memref_squeeze %dma_start3A_163 : memref<1x80x128xf32, #tpu.memory_space<hbm>> -> memref<80x128xf32, #tpu.memory_space<hbm>>
    %dma_start3A_165 = arith.constant 0 : i32
    %dma_start3A_166 = tpu.memref_slice %arg6[%arg0, %add3A_155, %dma_start3A_165] : memref<2x10240x128xf32, #tpu.memory_space<hbm>> -> memref<1x80x128xf32, #tpu.memory_space<hbm>>
    %dma_start3A_167 = tpu.memref_squeeze %dma_start3A_166 : memref<1x80x128xf32, #tpu.memory_space<hbm>> -> memref<80x128xf32, #tpu.memory_space<hbm>>
    %dma_start3A_168 = arith.constant 0 : i32
    %dma_start3A_169 = arith.constant 0 : i32
    %dma_start3A_170 = tpu.memref_slice %arg9[%dma_start3A_157, %dma_start3A_168, %dma_start3A_169] : memref<4x80x128xf32, #tpu.memory_space<vmem>> -> memref<1x80x128xf32, #tpu.memory_space<vmem>>
    %dma_start3A_171 = tpu.memref_squeeze %dma_start3A_170 : memref<1x80x128xf32, #tpu.memory_space<vmem>> -> memref<80x128xf32, #tpu.memory_space<vmem>>
    tpu.enqueue_dma source(%dma_start3A_171 : memref<80x128xf32, #tpu.memory_space<vmem>>) target(%dma_start3A_167 : memref<80x128xf32, #tpu.memory_space<hbm>>) target_semaphore(%arg14 : memref<!tpu.dma_semaphore, #tpu.memory_space<semaphore_mem>>)
    %mul3A_172 = arith.constant 640 : i32
    %mul3A_173 = arith.muli %arg1, %mul3A_172 : i32
    %add3A_174 = arith.constant 320 : i32
    %add3A_175 = arith.addi %mul3A_173, %add3A_174 : i32
    %mul3A_176 = arith.constant 640 : i32
    %mul3A_177 = arith.muli %arg1, %mul3A_176 : i32
    %add3A_178 = arith.constant 0 : i32
    %add3A_179 = arith.addi %mul3A_177, %add3A_178 : i32
    %dma_wait3A_180 = arith.constant 0 : i32
    %dma_wait3A_181 = arith.constant 0 : i32
    %dma_wait3A_182 = arith.constant 0 : i32
    %dma_wait3A_183 = tpu.memref_slice %arg9[%dma_wait3A_180, %dma_wait3A_181, %dma_wait3A_182] : memref<4x80x128xf32, #tpu.memory_space<vmem>> -> memref<1x80x128xf32, #tpu.memory_space<vmem>>
    %dma_wait3A_184 = tpu.memref_squeeze %dma_wait3A_183 : memref<1x80x128xf32, #tpu.memory_space<vmem>> -> memref<80x128xf32, #tpu.memory_space<vmem>>
    %dma_wait3A_185 = arith.constant 0 : i32
    %dma_wait3A_186 = tpu.memref_slice %arg6[%arg0, %add3A_179, %dma_wait3A_185] : memref<2x10240x128xf32, #tpu.memory_space<hbm>> -> memref<1x80x128xf32, #tpu.memory_space<hbm>>
    %dma_wait3A_187 = tpu.memref_squeeze %dma_wait3A_186 : memref<1x80x128xf32, #tpu.memory_space<hbm>> -> memref<80x128xf32, #tpu.memory_space<hbm>>
    %dma_wait3A_188 = arith.constant 0 : i32
    %dma_wait3A_189 = tpu.memref_slice %arg6[%arg0, %add3A_179, %dma_wait3A_188] : memref<2x10240x128xf32, #tpu.memory_space<hbm>> -> memref<1x80x128xf32, #tpu.memory_space<hbm>>
    %dma_wait3A_190 = tpu.memref_squeeze %dma_wait3A_189 : memref<1x80x128xf32, #tpu.memory_space<hbm>> -> memref<80x128xf32, #tpu.memory_space<hbm>>
    %dma_wait3A_191 = arith.constant 0 : i32
    %dma_wait3A_192 = arith.constant 0 : i32
    %dma_wait3A_193 = tpu.memref_slice %arg9[%dma_wait3A_180, %dma_wait3A_191, %dma_wait3A_192] : memref<4x80x128xf32, #tpu.memory_space<vmem>> -> memref<1x80x128xf32, #tpu.memory_space<vmem>>
    %dma_wait3A_194 = tpu.memref_squeeze %dma_wait3A_193 : memref<1x80x128xf32, #tpu.memory_space<vmem>> -> memref<80x128xf32, #tpu.memory_space<vmem>>
    tpu.wait_dma2 semaphore(%arg11 : memref<!tpu.dma_semaphore, #tpu.memory_space<semaphore_mem>>) src(%dma_wait3A_194 : memref<80x128xf32, #tpu.memory_space<vmem>>) dst(%dma_wait3A_190 : memref<80x128xf32, #tpu.memory_space<hbm>>)
    %run_scoped3A_195 = arith.constant 0 : i32
    "tpu.region"() ({
      %run_scoped3A_404 = tpu.sem_alloc : memref<!tpu.dma_semaphore, #tpu.memory_space<semaphore_mem>>
      %dma_start3A_405 = arith.constant 0 : i32
      %dma_start3A_406 = arith.constant 0 : i32
      %dma_start3A_407 = tpu.memref_slice %arg9[%run_scoped3A_195, %dma_start3A_405, %dma_start3A_406] : memref<4x80x128xf32, #tpu.memory_space<vmem>> -> memref<1x80x128xf32, #tpu.memory_space<vmem>>
      %dma_start3A_408 = tpu.memref_squeeze %dma_start3A_407 : memref<1x80x128xf32, #tpu.memory_space<vmem>> -> memref<80x128xf32, #tpu.memory_space<vmem>>
      %dma_start3A_409 = arith.constant 0 : i32
      %dma_start3A_410 = tpu.memref_slice %arg10[%add3A_175, %dma_start3A_409] : memref<10240x128xf32, #tpu.memory_space<vmem_shared>> -> memref<80x128xf32, #tpu.memory_space<vmem_shared>>
      %dma_start3A_411 = arith.constant 0 : i32
      %dma_start3A_412 = arith.constant 0 : i32
      %dma_start3A_413 = tpu.memref_slice %arg9[%run_scoped3A_195, %dma_start3A_411, %dma_start3A_412] : memref<4x80x128xf32, #tpu.memory_space<vmem>> -> memref<1x80x128xf32, #tpu.memory_space<vmem>>
      %dma_start3A_414 = tpu.memref_squeeze %dma_start3A_413 : memref<1x80x128xf32, #tpu.memory_space<vmem>> -> memref<80x128xf32, #tpu.memory_space<vmem>>
      %dma_start3A_415 = arith.constant 0 : i32
      %dma_start3A_416 = tpu.memref_slice %arg10[%add3A_175, %dma_start3A_415] : memref<10240x128xf32, #tpu.memory_space<vmem_shared>> -> memref<80x128xf32, #tpu.memory_space<vmem_shared>>
      tpu.enqueue_dma source(%dma_start3A_416 : memref<80x128xf32, #tpu.memory_space<vmem_shared>>) target(%dma_start3A_414 : memref<80x128xf32, #tpu.memory_space<vmem>>) target_semaphore(%run_scoped3A_404 : memref<!tpu.dma_semaphore, #tpu.memory_space<semaphore_mem>>)
      %dma_wait3A_417 = arith.constant 0 : i32
      %dma_wait3A_418 = arith.constant 0 : i32
      %dma_wait3A_419 = tpu.memref_slice %arg9[%run_scoped3A_195, %dma_wait3A_417, %dma_wait3A_418] : memref<4x80x128xf32, #tpu.memory_space<vmem>> -> memref<1x80x128xf32, #tpu.memory_space<vmem>>
      %dma_wait3A_420 = tpu.memref_squeeze %dma_wait3A_419 : memref<1x80x128xf32, #tpu.memory_space<vmem>> -> memref<80x128xf32, #tpu.memory_space<vmem>>
      %dma_wait3A_421 = arith.constant 0 : i32
      %dma_wait3A_422 = tpu.memref_slice %arg10[%add3A_175, %dma_wait3A_421] : memref<10240x128xf32, #tpu.memory_space<vmem_shared>> -> memref<80x128xf32, #tpu.memory_space<vmem_shared>>
      %dma_wait3A_423 = arith.constant 0 : i32
      %dma_wait3A_424 = arith.constant 0 : i32
      %dma_wait3A_425 = tpu.memref_slice %arg9[%run_scoped3A_195, %dma_wait3A_423, %dma_wait3A_424] : memref<4x80x128xf32, #tpu.memory_space<vmem>> -> memref<1x80x128xf32, #tpu.memory_space<vmem>>
      %dma_wait3A_426 = tpu.memref_squeeze %dma_wait3A_425 : memref<1x80x128xf32, #tpu.memory_space<vmem>> -> memref<80x128xf32, #tpu.memory_space<vmem>>
      %dma_wait3A_427 = arith.constant 0 : i32
      %dma_wait3A_428 = tpu.memref_slice %arg10[%add3A_175, %dma_wait3A_427] : memref<10240x128xf32, #tpu.memory_space<vmem_shared>> -> memref<80x128xf32, #tpu.memory_space<vmem_shared>>
      tpu.wait_dma2 semaphore(%run_scoped3A_404 : memref<!tpu.dma_semaphore, #tpu.memory_space<semaphore_mem>>) src(%dma_wait3A_428 : memref<80x128xf32, #tpu.memory_space<vmem_shared>>) dst(%dma_wait3A_426 : memref<80x128xf32, #tpu.memory_space<vmem>>)
      tpu.yield
    }) : () -> ()
    %dma_start3A_196 = arith.constant 0 : i32
    %dma_start3A_197 = arith.constant 0 : i32
    %dma_start3A_198 = arith.constant 0 : i32
    %dma_start3A_199 = tpu.memref_slice %arg9[%dma_start3A_196, %dma_start3A_197, %dma_start3A_198] : memref<4x80x128xf32, #tpu.memory_space<vmem>> -> memref<1x80x128xf32, #tpu.memory_space<vmem>>
    %dma_start3A_200 = tpu.memref_squeeze %dma_start3A_199 : memref<1x80x128xf32, #tpu.memory_space<vmem>> -> memref<80x128xf32, #tpu.memory_space<vmem>>
    %dma_start3A_201 = arith.constant 0 : i32
    %dma_start3A_202 = tpu.memref_slice %arg6[%arg0, %add3A_175, %dma_start3A_201] : memref<2x10240x128xf32, #tpu.memory_space<hbm>> -> memref<1x80x128xf32, #tpu.memory_space<hbm>>
    %dma_start3A_203 = tpu.memref_squeeze %dma_start3A_202 : memref<1x80x128xf32, #tpu.memory_space<hbm>> -> memref<80x128xf32, #tpu.memory_space<hbm>>
    %dma_start3A_204 = arith.constant 0 : i32
    %dma_start3A_205 = tpu.memref_slice %arg6[%arg0, %add3A_175, %dma_start3A_204] : memref<2x10240x128xf32, #tpu.memory_space<hbm>> -> memref<1x80x128xf32, #tpu.memory_space<hbm>>
    %dma_start3A_206 = tpu.memref_squeeze %dma_start3A_205 : memref<1x80x128xf32, #tpu.memory_space<hbm>> -> memref<80x128xf32, #tpu.memory_space<hbm>>
    %dma_start3A_207 = arith.constant 0 : i32
    %dma_start3A_208 = arith.constant 0 : i32
    %dma_start3A_209 = tpu.memref_slice %arg9[%dma_start3A_196, %dma_start3A_207, %dma_start3A_208] : memref<4x80x128xf32, #tpu.memory_space<vmem>> -> memref<1x80x128xf32, #tpu.memory_space<vmem>>
    %dma_start3A_210 = tpu.memref_squeeze %dma_start3A_209 : memref<1x80x128xf32, #tpu.memory_space<vmem>> -> memref<80x128xf32, #tpu.memory_space<vmem>>
    tpu.enqueue_dma source(%dma_start3A_210 : memref<80x128xf32, #tpu.memory_space<vmem>>) target(%dma_start3A_206 : memref<80x128xf32, #tpu.memory_space<hbm>>) target_semaphore(%arg11 : memref<!tpu.dma_semaphore, #tpu.memory_space<semaphore_mem>>)
    %mul3A_211 = arith.constant 640 : i32
    %mul3A_212 = arith.muli %arg1, %mul3A_211 : i32
    %add3A_213 = arith.constant 400 : i32
    %add3A_214 = arith.addi %mul3A_212, %add3A_213 : i32
    %mul3A_215 = arith.constant 640 : i32
    %mul3A_216 = arith.muli %arg1, %mul3A_215 : i32
    %add3A_217 = arith.constant 80 : i32
    %add3A_218 = arith.addi %mul3A_216, %add3A_217 : i32
    %dma_wait3A_219 = arith.constant 1 : i32
    %dma_wait3A_220 = arith.constant 0 : i32
    %dma_wait3A_221 = arith.constant 0 : i32
    %dma_wait3A_222 = tpu.memref_slice %arg9[%dma_wait3A_219, %dma_wait3A_220, %dma_wait3A_221] : memref<4x80x128xf32, #tpu.memory_space<vmem>> -> memref<1x80x128xf32, #tpu.memory_space<vmem>>
    %dma_wait3A_223 = tpu.memref_squeeze %dma_wait3A_222 : memref<1x80x128xf32, #tpu.memory_space<vmem>> -> memref<80x128xf32, #tpu.memory_space<vmem>>
    %dma_wait3A_224 = arith.constant 0 : i32
    %dma_wait3A_225 = tpu.memref_slice %arg6[%arg0, %add3A_218, %dma_wait3A_224] : memref<2x10240x128xf32, #tpu.memory_space<hbm>> -> memref<1x80x128xf32, #tpu.memory_space<hbm>>
    %dma_wait3A_226 = tpu.memref_squeeze %dma_wait3A_225 : memref<1x80x128xf32, #tpu.memory_space<hbm>> -> memref<80x128xf32, #tpu.memory_space<hbm>>
    %dma_wait3A_227 = arith.constant 0 : i32
    %dma_wait3A_228 = tpu.memref_slice %arg6[%arg0, %add3A_218, %dma_wait3A_227] : memref<2x10240x128xf32, #tpu.memory_space<hbm>> -> memref<1x80x128xf32, #tpu.memory_space<hbm>>
    %dma_wait3A_229 = tpu.memref_squeeze %dma_wait3A_228 : memref<1x80x128xf32, #tpu.memory_space<hbm>> -> memref<80x128xf32, #tpu.memory_space<hbm>>
    %dma_wait3A_230 = arith.constant 0 : i32
    %dma_wait3A_231 = arith.constant 0 : i32
    %dma_wait3A_232 = tpu.memref_slice %arg9[%dma_wait3A_219, %dma_wait3A_230, %dma_wait3A_231] : memref<4x80x128xf32, #tpu.memory_space<vmem>> -> memref<1x80x128xf32, #tpu.memory_space<vmem>>
    %dma_wait3A_233 = tpu.memref_squeeze %dma_wait3A_232 : memref<1x80x128xf32, #tpu.memory_space<vmem>> -> memref<80x128xf32, #tpu.memory_space<vmem>>
    tpu.wait_dma2 semaphore(%arg12 : memref<!tpu.dma_semaphore, #tpu.memory_space<semaphore_mem>>) src(%dma_wait3A_233 : memref<80x128xf32, #tpu.memory_space<vmem>>) dst(%dma_wait3A_229 : memref<80x128xf32, #tpu.memory_space<hbm>>)
    %run_scoped3A_234 = arith.constant 1 : i32
    "tpu.region"() ({
      %run_scoped3A_404 = tpu.sem_alloc : memref<!tpu.dma_semaphore, #tpu.memory_space<semaphore_mem>>
      %dma_start3A_405 = arith.constant 0 : i32
      %dma_start3A_406 = arith.constant 0 : i32
      %dma_start3A_407 = tpu.memref_slice %arg9[%run_scoped3A_234, %dma_start3A_405, %dma_start3A_406] : memref<4x80x128xf32, #tpu.memory_space<vmem>> -> memref<1x80x128xf32, #tpu.memory_space<vmem>>
      %dma_start3A_408 = tpu.memref_squeeze %dma_start3A_407 : memref<1x80x128xf32, #tpu.memory_space<vmem>> -> memref<80x128xf32, #tpu.memory_space<vmem>>
      %dma_start3A_409 = arith.constant 0 : i32
      %dma_start3A_410 = tpu.memref_slice %arg10[%add3A_214, %dma_start3A_409] : memref<10240x128xf32, #tpu.memory_space<vmem_shared>> -> memref<80x128xf32, #tpu.memory_space<vmem_shared>>
      %dma_start3A_411 = arith.constant 0 : i32
      %dma_start3A_412 = arith.constant 0 : i32
      %dma_start3A_413 = tpu.memref_slice %arg9[%run_scoped3A_234, %dma_start3A_411, %dma_start3A_412] : memref<4x80x128xf32, #tpu.memory_space<vmem>> -> memref<1x80x128xf32, #tpu.memory_space<vmem>>
      %dma_start3A_414 = tpu.memref_squeeze %dma_start3A_413 : memref<1x80x128xf32, #tpu.memory_space<vmem>> -> memref<80x128xf32, #tpu.memory_space<vmem>>
      %dma_start3A_415 = arith.constant 0 : i32
      %dma_start3A_416 = tpu.memref_slice %arg10[%add3A_214, %dma_start3A_415] : memref<10240x128xf32, #tpu.memory_space<vmem_shared>> -> memref<80x128xf32, #tpu.memory_space<vmem_shared>>
      tpu.enqueue_dma source(%dma_start3A_416 : memref<80x128xf32, #tpu.memory_space<vmem_shared>>) target(%dma_start3A_414 : memref<80x128xf32, #tpu.memory_space<vmem>>) target_semaphore(%run_scoped3A_404 : memref<!tpu.dma_semaphore, #tpu.memory_space<semaphore_mem>>)
      %dma_wait3A_417 = arith.constant 0 : i32
      %dma_wait3A_418 = arith.constant 0 : i32
      %dma_wait3A_419 = tpu.memref_slice %arg9[%run_scoped3A_234, %dma_wait3A_417, %dma_wait3A_418] : memref<4x80x128xf32, #tpu.memory_space<vmem>> -> memref<1x80x128xf32, #tpu.memory_space<vmem>>
      %dma_wait3A_420 = tpu.memref_squeeze %dma_wait3A_419 : memref<1x80x128xf32, #tpu.memory_space<vmem>> -> memref<80x128xf32, #tpu.memory_space<vmem>>
      %dma_wait3A_421 = arith.constant 0 : i32
      %dma_wait3A_422 = tpu.memref_slice %arg10[%add3A_214, %dma_wait3A_421] : memref<10240x128xf32, #tpu.memory_space<vmem_shared>> -> memref<80x128xf32, #tpu.memory_space<vmem_shared>>
      %dma_wait3A_423 = arith.constant 0 : i32
      %dma_wait3A_424 = arith.constant 0 : i32
      %dma_wait3A_425 = tpu.memref_slice %arg9[%run_scoped3A_234, %dma_wait3A_423, %dma_wait3A_424] : memref<4x80x128xf32, #tpu.memory_space<vmem>> -> memref<1x80x128xf32, #tpu.memory_space<vmem>>
      %dma_wait3A_426 = tpu.memref_squeeze %dma_wait3A_425 : memref<1x80x128xf32, #tpu.memory_space<vmem>> -> memref<80x128xf32, #tpu.memory_space<vmem>>
      %dma_wait3A_427 = arith.constant 0 : i32
      %dma_wait3A_428 = tpu.memref_slice %arg10[%add3A_214, %dma_wait3A_427] : memref<10240x128xf32, #tpu.memory_space<vmem_shared>> -> memref<80x128xf32, #tpu.memory_space<vmem_shared>>
      tpu.wait_dma2 semaphore(%run_scoped3A_404 : memref<!tpu.dma_semaphore, #tpu.memory_space<semaphore_mem>>) src(%dma_wait3A_428 : memref<80x128xf32, #tpu.memory_space<vmem_shared>>) dst(%dma_wait3A_426 : memref<80x128xf32, #tpu.memory_space<vmem>>)
      tpu.yield
    }) : () -> ()
    %dma_start3A_235 = arith.constant 1 : i32
    %dma_start3A_236 = arith.constant 0 : i32
    %dma_start3A_237 = arith.constant 0 : i32
    %dma_start3A_238 = tpu.memref_slice %arg9[%dma_start3A_235, %dma_start3A_236, %dma_start3A_237] : memref<4x80x128xf32, #tpu.memory_space<vmem>> -> memref<1x80x128xf32, #tpu.memory_space<vmem>>
    %dma_start3A_239 = tpu.memref_squeeze %dma_start3A_238 : memref<1x80x128xf32, #tpu.memory_space<vmem>> -> memref<80x128xf32, #tpu.memory_space<vmem>>
    %dma_start3A_240 = arith.constant 0 : i32
    %dma_start3A_241 = tpu.memref_slice %arg6[%arg0, %add3A_214, %dma_start3A_240] : memref<2x10240x128xf32, #tpu.memory_space<hbm>> -> memref<1x80x128xf32, #tpu.memory_space<hbm>>
    %dma_start3A_242 = tpu.memref_squeeze %dma_start3A_241 : memref<1x80x128xf32, #tpu.memory_space<hbm>> -> memref<80x128xf32, #tpu.memory_space<hbm>>
    %dma_start3A_243 = arith.constant 0 : i32
    %dma_start3A_244 = tpu.memref_slice %arg6[%arg0, %add3A_214, %dma_start3A_243] : memref<2x10240x128xf32, #tpu.memory_space<hbm>> -> memref<1x80x128xf32, #tpu.memory_space<hbm>>
    %dma_start3A_245 = tpu.memref_squeeze %dma_start3A_244 : memref<1x80x128xf32, #tpu.memory_space<hbm>> -> memref<80x128xf32, #tpu.memory_space<hbm>>
    %dma_start3A_246 = arith.constant 0 : i32
    %dma_start3A_247 = arith.constant 0 : i32
    %dma_start3A_248 = tpu.memref_slice %arg9[%dma_start3A_235, %dma_start3A_246, %dma_start3A_247] : memref<4x80x128xf32, #tpu.memory_space<vmem>> -> memref<1x80x128xf32, #tpu.memory_space<vmem>>
    %dma_start3A_249 = tpu.memref_squeeze %dma_start3A_248 : memref<1x80x128xf32, #tpu.memory_space<vmem>> -> memref<80x128xf32, #tpu.memory_space<vmem>>
    tpu.enqueue_dma source(%dma_start3A_249 : memref<80x128xf32, #tpu.memory_space<vmem>>) target(%dma_start3A_245 : memref<80x128xf32, #tpu.memory_space<hbm>>) target_semaphore(%arg12 : memref<!tpu.dma_semaphore, #tpu.memory_space<semaphore_mem>>)
    %mul3A_250 = arith.constant 640 : i32
    %mul3A_251 = arith.muli %arg1, %mul3A_250 : i32
    %add3A_252 = arith.constant 480 : i32
    %add3A_253 = arith.addi %mul3A_251, %add3A_252 : i32
    %mul3A_254 = arith.constant 640 : i32
    %mul3A_255 = arith.muli %arg1, %mul3A_254 : i32
    %add3A_256 = arith.constant 160 : i32
    %add3A_257 = arith.addi %mul3A_255, %add3A_256 : i32
    %dma_wait3A_258 = arith.constant 2 : i32
    %dma_wait3A_259 = arith.constant 0 : i32
    %dma_wait3A_260 = arith.constant 0 : i32
    %dma_wait3A_261 = tpu.memref_slice %arg9[%dma_wait3A_258, %dma_wait3A_259, %dma_wait3A_260] : memref<4x80x128xf32, #tpu.memory_space<vmem>> -> memref<1x80x128xf32, #tpu.memory_space<vmem>>
    %dma_wait3A_262 = tpu.memref_squeeze %dma_wait3A_261 : memref<1x80x128xf32, #tpu.memory_space<vmem>> -> memref<80x128xf32, #tpu.memory_space<vmem>>
    %dma_wait3A_263 = arith.constant 0 : i32
    %dma_wait3A_264 = tpu.memref_slice %arg6[%arg0, %add3A_257, %dma_wait3A_263] : memref<2x10240x128xf32, #tpu.memory_space<hbm>> -> memref<1x80x128xf32, #tpu.memory_space<hbm>>
    %dma_wait3A_265 = tpu.memref_squeeze %dma_wait3A_264 : memref<1x80x128xf32, #tpu.memory_space<hbm>> -> memref<80x128xf32, #tpu.memory_space<hbm>>
    %dma_wait3A_266 = arith.constant 0 : i32
    %dma_wait3A_267 = tpu.memref_slice %arg6[%arg0, %add3A_257, %dma_wait3A_266] : memref<2x10240x128xf32, #tpu.memory_space<hbm>> -> memref<1x80x128xf32, #tpu.memory_space<hbm>>
    %dma_wait3A_268 = tpu.memref_squeeze %dma_wait3A_267 : memref<1x80x128xf32, #tpu.memory_space<hbm>> -> memref<80x128xf32, #tpu.memory_space<hbm>>
    %dma_wait3A_269 = arith.constant 0 : i32
    %dma_wait3A_270 = arith.constant 0 : i32
    %dma_wait3A_271 = tpu.memref_slice %arg9[%dma_wait3A_258, %dma_wait3A_269, %dma_wait3A_270] : memref<4x80x128xf32, #tpu.memory_space<vmem>> -> memref<1x80x128xf32, #tpu.memory_space<vmem>>
    %dma_wait3A_272 = tpu.memref_squeeze %dma_wait3A_271 : memref<1x80x128xf32, #tpu.memory_space<vmem>> -> memref<80x128xf32, #tpu.memory_space<vmem>>
    tpu.wait_dma2 semaphore(%arg13 : memref<!tpu.dma_semaphore, #tpu.memory_space<semaphore_mem>>) src(%dma_wait3A_272 : memref<80x128xf32, #tpu.memory_space<vmem>>) dst(%dma_wait3A_268 : memref<80x128xf32, #tpu.memory_space<hbm>>)
    %run_scoped3A_273 = arith.constant 2 : i32
    "tpu.region"() ({
      %run_scoped3A_404 = tpu.sem_alloc : memref<!tpu.dma_semaphore, #tpu.memory_space<semaphore_mem>>
      %dma_start3A_405 = arith.constant 0 : i32
      %dma_start3A_406 = arith.constant 0 : i32
      %dma_start3A_407 = tpu.memref_slice %arg9[%run_scoped3A_273, %dma_start3A_405, %dma_start3A_406] : memref<4x80x128xf32, #tpu.memory_space<vmem>> -> memref<1x80x128xf32, #tpu.memory_space<vmem>>
      %dma_start3A_408 = tpu.memref_squeeze %dma_start3A_407 : memref<1x80x128xf32, #tpu.memory_space<vmem>> -> memref<80x128xf32, #tpu.memory_space<vmem>>
      %dma_start3A_409 = arith.constant 0 : i32
      %dma_start3A_410 = tpu.memref_slice %arg10[%add3A_253, %dma_start3A_409] : memref<10240x128xf32, #tpu.memory_space<vmem_shared>> -> memref<80x128xf32, #tpu.memory_space<vmem_shared>>
      %dma_start3A_411 = arith.constant 0 : i32
      %dma_start3A_412 = arith.constant 0 : i32
      %dma_start3A_413 = tpu.memref_slice %arg9[%run_scoped3A_273, %dma_start3A_411, %dma_start3A_412] : memref<4x80x128xf32, #tpu.memory_space<vmem>> -> memref<1x80x128xf32, #tpu.memory_space<vmem>>
      %dma_start3A_414 = tpu.memref_squeeze %dma_start3A_413 : memref<1x80x128xf32, #tpu.memory_space<vmem>> -> memref<80x128xf32, #tpu.memory_space<vmem>>
      %dma_start3A_415 = arith.constant 0 : i32
      %dma_start3A_416 = tpu.memref_slice %arg10[%add3A_253, %dma_start3A_415] : memref<10240x128xf32, #tpu.memory_space<vmem_shared>> -> memref<80x128xf32, #tpu.memory_space<vmem_shared>>
      tpu.enqueue_dma source(%dma_start3A_416 : memref<80x128xf32, #tpu.memory_space<vmem_shared>>) target(%dma_start3A_414 : memref<80x128xf32, #tpu.memory_space<vmem>>) target_semaphore(%run_scoped3A_404 : memref<!tpu.dma_semaphore, #tpu.memory_space<semaphore_mem>>)
      %dma_wait3A_417 = arith.constant 0 : i32
      %dma_wait3A_418 = arith.constant 0 : i32
      %dma_wait3A_419 = tpu.memref_slice %arg9[%run_scoped3A_273, %dma_wait3A_417, %dma_wait3A_418] : memref<4x80x128xf32, #tpu.memory_space<vmem>> -> memref<1x80x128xf32, #tpu.memory_space<vmem>>
      %dma_wait3A_420 = tpu.memref_squeeze %dma_wait3A_419 : memref<1x80x128xf32, #tpu.memory_space<vmem>> -> memref<80x128xf32, #tpu.memory_space<vmem>>
      %dma_wait3A_421 = arith.constant 0 : i32
      %dma_wait3A_422 = tpu.memref_slice %arg10[%add3A_253, %dma_wait3A_421] : memref<10240x128xf32, #tpu.memory_space<vmem_shared>> -> memref<80x128xf32, #tpu.memory_space<vmem_shared>>
      %dma_wait3A_423 = arith.constant 0 : i32
      %dma_wait3A_424 = arith.constant 0 : i32
      %dma_wait3A_425 = tpu.memref_slice %arg9[%run_scoped3A_273, %dma_wait3A_423, %dma_wait3A_424] : memref<4x80x128xf32, #tpu.memory_space<vmem>> -> memref<1x80x128xf32, #tpu.memory_space<vmem>>
      %dma_wait3A_426 = tpu.memref_squeeze %dma_wait3A_425 : memref<1x80x128xf32, #tpu.memory_space<vmem>> -> memref<80x128xf32, #tpu.memory_space<vmem>>
      %dma_wait3A_427 = arith.constant 0 : i32
      %dma_wait3A_428 = tpu.memref_slice %arg10[%add3A_253, %dma_wait3A_427] : memref<10240x128xf32, #tpu.memory_space<vmem_shared>> -> memref<80x128xf32, #tpu.memory_space<vmem_shared>>
      tpu.wait_dma2 semaphore(%run_scoped3A_404 : memref<!tpu.dma_semaphore, #tpu.memory_space<semaphore_mem>>) src(%dma_wait3A_428 : memref<80x128xf32, #tpu.memory_space<vmem_shared>>) dst(%dma_wait3A_426 : memref<80x128xf32, #tpu.memory_space<vmem>>)
      tpu.yield
    }) : () -> ()
    %dma_start3A_274 = arith.constant 2 : i32
    %dma_start3A_275 = arith.constant 0 : i32
    %dma_start3A_276 = arith.constant 0 : i32
    %dma_start3A_277 = tpu.memref_slice %arg9[%dma_start3A_274, %dma_start3A_275, %dma_start3A_276] : memref<4x80x128xf32, #tpu.memory_space<vmem>> -> memref<1x80x128xf32, #tpu.memory_space<vmem>>
    %dma_start3A_278 = tpu.memref_squeeze %dma_start3A_277 : memref<1x80x128xf32, #tpu.memory_space<vmem>> -> memref<80x128xf32, #tpu.memory_space<vmem>>
    %dma_start3A_279 = arith.constant 0 : i32
    %dma_start3A_280 = tpu.memref_slice %arg6[%arg0, %add3A_253, %dma_start3A_279] : memref<2x10240x128xf32, #tpu.memory_space<hbm>> -> memref<1x80x128xf32, #tpu.memory_space<hbm>>
    %dma_start3A_281 = tpu.memref_squeeze %dma_start3A_280 : memref<1x80x128xf32, #tpu.memory_space<hbm>> -> memref<80x128xf32, #tpu.memory_space<hbm>>
    %dma_start3A_282 = arith.constant 0 : i32
    %dma_start3A_283 = tpu.memref_slice %arg6[%arg0, %add3A_253, %dma_start3A_282] : memref<2x10240x128xf32, #tpu.memory_space<hbm>> -> memref<1x80x128xf32, #tpu.memory_space<hbm>>
    %dma_start3A_284 = tpu.memref_squeeze %dma_start3A_283 : memref<1x80x128xf32, #tpu.memory_space<hbm>> -> memref<80x128xf32, #tpu.memory_space<hbm>>
    %dma_start3A_285 = arith.constant 0 : i32
    %dma_start3A_286 = arith.constant 0 : i32
    %dma_start3A_287 = tpu.memref_slice %arg9[%dma_start3A_274, %dma_start3A_285, %dma_start3A_286] : memref<4x80x128xf32, #tpu.memory_space<vmem>> -> memref<1x80x128xf32, #tpu.memory_space<vmem>>
    %dma_start3A_288 = tpu.memref_squeeze %dma_start3A_287 : memref<1x80x128xf32, #tpu.memory_space<vmem>> -> memref<80x128xf32, #tpu.memory_space<vmem>>
    tpu.enqueue_dma source(%dma_start3A_288 : memref<80x128xf32, #tpu.memory_space<vmem>>) target(%dma_start3A_284 : memref<80x128xf32, #tpu.memory_space<hbm>>) target_semaphore(%arg13 : memref<!tpu.dma_semaphore, #tpu.memory_space<semaphore_mem>>)
    %mul3A_289 = arith.constant 640 : i32
    %mul3A_290 = arith.muli %arg1, %mul3A_289 : i32
    %add3A_291 = arith.constant 560 : i32
    %add3A_292 = arith.addi %mul3A_290, %add3A_291 : i32
    %mul3A_293 = arith.constant 640 : i32
    %mul3A_294 = arith.muli %arg1, %mul3A_293 : i32
    %add3A_295 = arith.constant 240 : i32
    %add3A_296 = arith.addi %mul3A_294, %add3A_295 : i32
    %dma_wait3A_297 = arith.constant 3 : i32
    %dma_wait3A_298 = arith.constant 0 : i32
    %dma_wait3A_299 = arith.constant 0 : i32
    %dma_wait3A_300 = tpu.memref_slice %arg9[%dma_wait3A_297, %dma_wait3A_298, %dma_wait3A_299] : memref<4x80x128xf32, #tpu.memory_space<vmem>> -> memref<1x80x128xf32, #tpu.memory_space<vmem>>
    %dma_wait3A_301 = tpu.memref_squeeze %dma_wait3A_300 : memref<1x80x128xf32, #tpu.memory_space<vmem>> -> memref<80x128xf32, #tpu.memory_space<vmem>>
    %dma_wait3A_302 = arith.constant 0 : i32
    %dma_wait3A_303 = tpu.memref_slice %arg6[%arg0, %add3A_296, %dma_wait3A_302] : memref<2x10240x128xf32, #tpu.memory_space<hbm>> -> memref<1x80x128xf32, #tpu.memory_space<hbm>>
    %dma_wait3A_304 = tpu.memref_squeeze %dma_wait3A_303 : memref<1x80x128xf32, #tpu.memory_space<hbm>> -> memref<80x128xf32, #tpu.memory_space<hbm>>
    %dma_wait3A_305 = arith.constant 0 : i32
    %dma_wait3A_306 = tpu.memref_slice %arg6[%arg0, %add3A_296, %dma_wait3A_305] : memref<2x10240x128xf32, #tpu.memory_space<hbm>> -> memref<1x80x128xf32, #tpu.memory_space<hbm>>
    %dma_wait3A_307 = tpu.memref_squeeze %dma_wait3A_306 : memref<1x80x128xf32, #tpu.memory_space<hbm>> -> memref<80x128xf32, #tpu.memory_space<hbm>>
    %dma_wait3A_308 = arith.constant 0 : i32
    %dma_wait3A_309 = arith.constant 0 : i32
    %dma_wait3A_310 = tpu.memref_slice %arg9[%dma_wait3A_297, %dma_wait3A_308, %dma_wait3A_309] : memref<4x80x128xf32, #tpu.memory_space<vmem>> -> memref<1x80x128xf32, #tpu.memory_space<vmem>>
    %dma_wait3A_311 = tpu.memref_squeeze %dma_wait3A_310 : memref<1x80x128xf32, #tpu.memory_space<vmem>> -> memref<80x128xf32, #tpu.memory_space<vmem>>
    tpu.wait_dma2 semaphore(%arg14 : memref<!tpu.dma_semaphore, #tpu.memory_space<semaphore_mem>>) src(%dma_wait3A_311 : memref<80x128xf32, #tpu.memory_space<vmem>>) dst(%dma_wait3A_307 : memref<80x128xf32, #tpu.memory_space<hbm>>)
    %run_scoped3A_312 = arith.constant 3 : i32
    "tpu.region"() ({
      %run_scoped3A_404 = tpu.sem_alloc : memref<!tpu.dma_semaphore, #tpu.memory_space<semaphore_mem>>
      %dma_start3A_405 = arith.constant 0 : i32
      %dma_start3A_406 = arith.constant 0 : i32
      %dma_start3A_407 = tpu.memref_slice %arg9[%run_scoped3A_312, %dma_start3A_405, %dma_start3A_406] : memref<4x80x128xf32, #tpu.memory_space<vmem>> -> memref<1x80x128xf32, #tpu.memory_space<vmem>>
      %dma_start3A_408 = tpu.memref_squeeze %dma_start3A_407 : memref<1x80x128xf32, #tpu.memory_space<vmem>> -> memref<80x128xf32, #tpu.memory_space<vmem>>
      %dma_start3A_409 = arith.constant 0 : i32
      %dma_start3A_410 = tpu.memref_slice %arg10[%add3A_292, %dma_start3A_409] : memref<10240x128xf32, #tpu.memory_space<vmem_shared>> -> memref<80x128xf32, #tpu.memory_space<vmem_shared>>
      %dma_start3A_411 = arith.constant 0 : i32
      %dma_start3A_412 = arith.constant 0 : i32
      %dma_start3A_413 = tpu.memref_slice %arg9[%run_scoped3A_312, %dma_start3A_411, %dma_start3A_412] : memref<4x80x128xf32, #tpu.memory_space<vmem>> -> memref<1x80x128xf32, #tpu.memory_space<vmem>>
      %dma_start3A_414 = tpu.memref_squeeze %dma_start3A_413 : memref<1x80x128xf32, #tpu.memory_space<vmem>> -> memref<80x128xf32, #tpu.memory_space<vmem>>
      %dma_start3A_415 = arith.constant 0 : i32
      %dma_start3A_416 = tpu.memref_slice %arg10[%add3A_292, %dma_start3A_415] : memref<10240x128xf32, #tpu.memory_space<vmem_shared>> -> memref<80x128xf32, #tpu.memory_space<vmem_shared>>
      tpu.enqueue_dma source(%dma_start3A_416 : memref<80x128xf32, #tpu.memory_space<vmem_shared>>) target(%dma_start3A_414 : memref<80x128xf32, #tpu.memory_space<vmem>>) target_semaphore(%run_scoped3A_404 : memref<!tpu.dma_semaphore, #tpu.memory_space<semaphore_mem>>)
      %dma_wait3A_417 = arith.constant 0 : i32
      %dma_wait3A_418 = arith.constant 0 : i32
      %dma_wait3A_419 = tpu.memref_slice %arg9[%run_scoped3A_312, %dma_wait3A_417, %dma_wait3A_418] : memref<4x80x128xf32, #tpu.memory_space<vmem>> -> memref<1x80x128xf32, #tpu.memory_space<vmem>>
      %dma_wait3A_420 = tpu.memref_squeeze %dma_wait3A_419 : memref<1x80x128xf32, #tpu.memory_space<vmem>> -> memref<80x128xf32, #tpu.memory_space<vmem>>
      %dma_wait3A_421 = arith.constant 0 : i32
      %dma_wait3A_422 = tpu.memref_slice %arg10[%add3A_292, %dma_wait3A_421] : memref<10240x128xf32, #tpu.memory_space<vmem_shared>> -> memref<80x128xf32, #tpu.memory_space<vmem_shared>>
      %dma_wait3A_423 = arith.constant 0 : i32
      %dma_wait3A_424 = arith.constant 0 : i32
      %dma_wait3A_425 = tpu.memref_slice %arg9[%run_scoped3A_312, %dma_wait3A_423, %dma_wait3A_424] : memref<4x80x128xf32, #tpu.memory_space<vmem>> -> memref<1x80x128xf32, #tpu.memory_space<vmem>>
      %dma_wait3A_426 = tpu.memref_squeeze %dma_wait3A_425 : memref<1x80x128xf32, #tpu.memory_space<vmem>> -> memref<80x128xf32, #tpu.memory_space<vmem>>
      %dma_wait3A_427 = arith.constant 0 : i32
      %dma_wait3A_428 = tpu.memref_slice %arg10[%add3A_292, %dma_wait3A_427] : memref<10240x128xf32, #tpu.memory_space<vmem_shared>> -> memref<80x128xf32, #tpu.memory_space<vmem_shared>>
      tpu.wait_dma2 semaphore(%run_scoped3A_404 : memref<!tpu.dma_semaphore, #tpu.memory_space<semaphore_mem>>) src(%dma_wait3A_428 : memref<80x128xf32, #tpu.memory_space<vmem_shared>>) dst(%dma_wait3A_426 : memref<80x128xf32, #tpu.memory_space<vmem>>)
      tpu.yield
    }) : () -> ()
    %dma_start3A_313 = arith.constant 3 : i32
    %dma_start3A_314 = arith.constant 0 : i32
    %dma_start3A_315 = arith.constant 0 : i32
    %dma_start3A_316 = tpu.memref_slice %arg9[%dma_start3A_313, %dma_start3A_314, %dma_start3A_315] : memref<4x80x128xf32, #tpu.memory_space<vmem>> -> memref<1x80x128xf32, #tpu.memory_space<vmem>>
    %dma_start3A_317 = tpu.memref_squeeze %dma_start3A_316 : memref<1x80x128xf32, #tpu.memory_space<vmem>> -> memref<80x128xf32, #tpu.memory_space<vmem>>
    %dma_start3A_318 = arith.constant 0 : i32
    %dma_start3A_319 = tpu.memref_slice %arg6[%arg0, %add3A_292, %dma_start3A_318] : memref<2x10240x128xf32, #tpu.memory_space<hbm>> -> memref<1x80x128xf32, #tpu.memory_space<hbm>>
    %dma_start3A_320 = tpu.memref_squeeze %dma_start3A_319 : memref<1x80x128xf32, #tpu.memory_space<hbm>> -> memref<80x128xf32, #tpu.memory_space<hbm>>
    %dma_start3A_321 = arith.constant 0 : i32
    %dma_start3A_322 = tpu.memref_slice %arg6[%arg0, %add3A_292, %dma_start3A_321] : memref<2x10240x128xf32, #tpu.memory_space<hbm>> -> memref<1x80x128xf32, #tpu.memory_space<hbm>>
    %dma_start3A_323 = tpu.memref_squeeze %dma_start3A_322 : memref<1x80x128xf32, #tpu.memory_space<hbm>> -> memref<80x128xf32, #tpu.memory_space<hbm>>
    %dma_start3A_324 = arith.constant 0 : i32
    %dma_start3A_325 = arith.constant 0 : i32
    %dma_start3A_326 = tpu.memref_slice %arg9[%dma_start3A_313, %dma_start3A_324, %dma_start3A_325] : memref<4x80x128xf32, #tpu.memory_space<vmem>> -> memref<1x80x128xf32, #tpu.memory_space<vmem>>
    %dma_start3A_327 = tpu.memref_squeeze %dma_start3A_326 : memref<1x80x128xf32, #tpu.memory_space<vmem>> -> memref<80x128xf32, #tpu.memory_space<vmem>>
    tpu.enqueue_dma source(%dma_start3A_327 : memref<80x128xf32, #tpu.memory_space<vmem>>) target(%dma_start3A_323 : memref<80x128xf32, #tpu.memory_space<hbm>>) target_semaphore(%arg14 : memref<!tpu.dma_semaphore, #tpu.memory_space<semaphore_mem>>)
    %mul3A_328 = arith.constant 640 : i32
    %mul3A_329 = arith.muli %arg1, %mul3A_328 : i32
    %add3A_330 = arith.constant 320 : i32
    %add3A_331 = arith.addi %mul3A_329, %add3A_330 : i32
    %dma_wait3A_332 = arith.constant 0 : i32
    %dma_wait3A_333 = arith.constant 0 : i32
    %dma_wait3A_334 = arith.constant 0 : i32
    %dma_wait3A_335 = tpu.memref_slice %arg9[%dma_wait3A_332, %dma_wait3A_333, %dma_wait3A_334] : memref<4x80x128xf32, #tpu.memory_space<vmem>> -> memref<1x80x128xf32, #tpu.memory_space<vmem>>
    %dma_wait3A_336 = tpu.memref_squeeze %dma_wait3A_335 : memref<1x80x128xf32, #tpu.memory_space<vmem>> -> memref<80x128xf32, #tpu.memory_space<vmem>>
    %dma_wait3A_337 = arith.constant 0 : i32
    %dma_wait3A_338 = tpu.memref_slice %arg6[%arg0, %add3A_331, %dma_wait3A_337] : memref<2x10240x128xf32, #tpu.memory_space<hbm>> -> memref<1x80x128xf32, #tpu.memory_space<hbm>>
    %dma_wait3A_339 = tpu.memref_squeeze %dma_wait3A_338 : memref<1x80x128xf32, #tpu.memory_space<hbm>> -> memref<80x128xf32, #tpu.memory_space<hbm>>
    %dma_wait3A_340 = arith.constant 0 : i32
    %dma_wait3A_341 = tpu.memref_slice %arg6[%arg0, %add3A_331, %dma_wait3A_340] : memref<2x10240x128xf32, #tpu.memory_space<hbm>> -> memref<1x80x128xf32, #tpu.memory_space<hbm>>
    %dma_wait3A_342 = tpu.memref_squeeze %dma_wait3A_341 : memref<1x80x128xf32, #tpu.memory_space<hbm>> -> memref<80x128xf32, #tpu.memory_space<hbm>>
    %dma_wait3A_343 = arith.constant 0 : i32
    %dma_wait3A_344 = arith.constant 0 : i32
    %dma_wait3A_345 = tpu.memref_slice %arg9[%dma_wait3A_332, %dma_wait3A_343, %dma_wait3A_344] : memref<4x80x128xf32, #tpu.memory_space<vmem>> -> memref<1x80x128xf32, #tpu.memory_space<vmem>>
    %dma_wait3A_346 = tpu.memref_squeeze %dma_wait3A_345 : memref<1x80x128xf32, #tpu.memory_space<vmem>> -> memref<80x128xf32, #tpu.memory_space<vmem>>
    tpu.wait_dma2 semaphore(%arg11 : memref<!tpu.dma_semaphore, #tpu.memory_space<semaphore_mem>>) src(%dma_wait3A_346 : memref<80x128xf32, #tpu.memory_space<vmem>>) dst(%dma_wait3A_342 : memref<80x128xf32, #tpu.memory_space<hbm>>)
    %mul3A_347 = arith.constant 640 : i32
    %mul3A_348 = arith.muli %arg1, %mul3A_347 : i32
    %add3A_349 = arith.constant 400 : i32
    %add3A_350 = arith.addi %mul3A_348, %add3A_349 : i32
    %dma_wait3A_351 = arith.constant 1 : i32
    %dma_wait3A_352 = arith.constant 0 : i32
    %dma_wait3A_353 = arith.constant 0 : i32
    %dma_wait3A_354 = tpu.memref_slice %arg9[%dma_wait3A_351, %dma_wait3A_352, %dma_wait3A_353] : memref<4x80x128xf32, #tpu.memory_space<vmem>> -> memref<1x80x128xf32, #tpu.memory_space<vmem>>
    %dma_wait3A_355 = tpu.memref_squeeze %dma_wait3A_354 : memref<1x80x128xf32, #tpu.memory_space<vmem>> -> memref<80x128xf32, #tpu.memory_space<vmem>>
    %dma_wait3A_356 = arith.constant 0 : i32
    %dma_wait3A_357 = tpu.memref_slice %arg6[%arg0, %add3A_350, %dma_wait3A_356] : memref<2x10240x128xf32, #tpu.memory_space<hbm>> -> memref<1x80x128xf32, #tpu.memory_space<hbm>>
    %dma_wait3A_358 = tpu.memref_squeeze %dma_wait3A_357 : memref<1x80x128xf32, #tpu.memory_space<hbm>> -> memref<80x128xf32, #tpu.memory_space<hbm>>
    %dma_wait3A_359 = arith.constant 0 : i32
    %dma_wait3A_360 = tpu.memref_slice %arg6[%arg0, %add3A_350, %dma_wait3A_359] : memref<2x10240x128xf32, #tpu.memory_space<hbm>> -> memref<1x80x128xf32, #tpu.memory_space<hbm>>
    %dma_wait3A_361 = tpu.memref_squeeze %dma_wait3A_360 : memref<1x80x128xf32, #tpu.memory_space<hbm>> -> memref<80x128xf32, #tpu.memory_space<hbm>>
    %dma_wait3A_362 = arith.constant 0 : i32
    %dma_wait3A_363 = arith.constant 0 : i32
    %dma_wait3A_364 = tpu.memref_slice %arg9[%dma_wait3A_351, %dma_wait3A_362, %dma_wait3A_363] : memref<4x80x128xf32, #tpu.memory_space<vmem>> -> memref<1x80x128xf32, #tpu.memory_space<vmem>>
    %dma_wait3A_365 = tpu.memref_squeeze %dma_wait3A_364 : memref<1x80x128xf32, #tpu.memory_space<vmem>> -> memref<80x128xf32, #tpu.memory_space<vmem>>
    tpu.wait_dma2 semaphore(%arg12 : memref<!tpu.dma_semaphore, #tpu.memory_space<semaphore_mem>>) src(%dma_wait3A_365 : memref<80x128xf32, #tpu.memory_space<vmem>>) dst(%dma_wait3A_361 : memref<80x128xf32, #tpu.memory_space<hbm>>)
    %mul3A_366 = arith.constant 640 : i32
    %mul3A_367 = arith.muli %arg1, %mul3A_366 : i32
    %add3A_368 = arith.constant 480 : i32
    %add3A_369 = arith.addi %mul3A_367, %add3A_368 : i32
    %dma_wait3A_370 = arith.constant 2 : i32
    %dma_wait3A_371 = arith.constant 0 : i32
    %dma_wait3A_372 = arith.constant 0 : i32
    %dma_wait3A_373 = tpu.memref_slice %arg9[%dma_wait3A_370, %dma_wait3A_371, %dma_wait3A_372] : memref<4x80x128xf32, #tpu.memory_space<vmem>> -> memref<1x80x128xf32, #tpu.memory_space<vmem>>
    %dma_wait3A_374 = tpu.memref_squeeze %dma_wait3A_373 : memref<1x80x128xf32, #tpu.memory_space<vmem>> -> memref<80x128xf32, #tpu.memory_space<vmem>>
    %dma_wait3A_375 = arith.constant 0 : i32
    %dma_wait3A_376 = tpu.memref_slice %arg6[%arg0, %add3A_369, %dma_wait3A_375] : memref<2x10240x128xf32, #tpu.memory_space<hbm>> -> memref<1x80x128xf32, #tpu.memory_space<hbm>>
    %dma_wait3A_377 = tpu.memref_squeeze %dma_wait3A_376 : memref<1x80x128xf32, #tpu.memory_space<hbm>> -> memref<80x128xf32, #tpu.memory_space<hbm>>
    %dma_wait3A_378 = arith.constant 0 : i32
    %dma_wait3A_379 = tpu.memref_slice %arg6[%arg0, %add3A_369, %dma_wait3A_378] : memref<2x10240x128xf32, #tpu.memory_space<hbm>> -> memref<1x80x128xf32, #tpu.memory_space<hbm>>
    %dma_wait3A_380 = tpu.memref_squeeze %dma_wait3A_379 : memref<1x80x128xf32, #tpu.memory_space<hbm>> -> memref<80x128xf32, #tpu.memory_space<hbm>>
    %dma_wait3A_381 = arith.constant 0 : i32
    %dma_wait3A_382 = arith.constant 0 : i32
    %dma_wait3A_383 = tpu.memref_slice %arg9[%dma_wait3A_370, %dma_wait3A_381, %dma_wait3A_382] : memref<4x80x128xf32, #tpu.memory_space<vmem>> -> memref<1x80x128xf32, #tpu.memory_space<vmem>>
    %dma_wait3A_384 = tpu.memref_squeeze %dma_wait3A_383 : memref<1x80x128xf32, #tpu.memory_space<vmem>> -> memref<80x128xf32, #tpu.memory_space<vmem>>
    tpu.wait_dma2 semaphore(%arg13 : memref<!tpu.dma_semaphore, #tpu.memory_space<semaphore_mem>>) src(%dma_wait3A_384 : memref<80x128xf32, #tpu.memory_space<vmem>>) dst(%dma_wait3A_380 : memref<80x128xf32, #tpu.memory_space<hbm>>)
    %mul3A_385 = arith.constant 640 : i32
    %mul3A_386 = arith.muli %arg1, %mul3A_385 : i32
    %add3A_387 = arith.constant 560 : i32
    %add3A_388 = arith.addi %mul3A_386, %add3A_387 : i32
    %dma_wait3A_389 = arith.constant 3 : i32
    %dma_wait3A_390 = arith.constant 0 : i32
    %dma_wait3A_391 = arith.constant 0 : i32
    %dma_wait3A_392 = tpu.memref_slice %arg9[%dma_wait3A_389, %dma_wait3A_390, %dma_wait3A_391] : memref<4x80x128xf32, #tpu.memory_space<vmem>> -> memref<1x80x128xf32, #tpu.memory_space<vmem>>
    %dma_wait3A_393 = tpu.memref_squeeze %dma_wait3A_392 : memref<1x80x128xf32, #tpu.memory_space<vmem>> -> memref<80x128xf32, #tpu.memory_space<vmem>>
    %dma_wait3A_394 = arith.constant 0 : i32
    %dma_wait3A_395 = tpu.memref_slice %arg6[%arg0, %add3A_388, %dma_wait3A_394] : memref<2x10240x128xf32, #tpu.memory_space<hbm>> -> memref<1x80x128xf32, #tpu.memory_space<hbm>>
    %dma_wait3A_396 = tpu.memref_squeeze %dma_wait3A_395 : memref<1x80x128xf32, #tpu.memory_space<hbm>> -> memref<80x128xf32, #tpu.memory_space<hbm>>
    %dma_wait3A_397 = arith.constant 0 : i32
    %dma_wait3A_398 = tpu.memref_slice %arg6[%arg0, %add3A_388, %dma_wait3A_397] : memref<2x10240x128xf32, #tpu.memory_space<hbm>> -> memref<1x80x128xf32, #tpu.memory_space<hbm>>
    %dma_wait3A_399 = tpu.memref_squeeze %dma_wait3A_398 : memref<1x80x128xf32, #tpu.memory_space<hbm>> -> memref<80x128xf32, #tpu.memory_space<hbm>>
    %dma_wait3A_400 = arith.constant 0 : i32
    %dma_wait3A_401 = arith.constant 0 : i32
    %dma_wait3A_402 = tpu.memref_slice %arg9[%dma_wait3A_389, %dma_wait3A_400, %dma_wait3A_401] : memref<4x80x128xf32, #tpu.memory_space<vmem>> -> memref<1x80x128xf32, #tpu.memory_space<vmem>>
    %dma_wait3A_403 = tpu.memref_squeeze %dma_wait3A_402 : memref<1x80x128xf32, #tpu.memory_space<vmem>> -> memref<80x128xf32, #tpu.memory_space<vmem>>
    tpu.wait_dma2 semaphore(%arg14 : memref<!tpu.dma_semaphore, #tpu.memory_space<semaphore_mem>>) src(%dma_wait3A_403 : memref<80x128xf32, #tpu.memory_space<vmem>>) dst(%dma_wait3A_399 : memref<80x128xf32, #tpu.memory_space<hbm>>)
    return
  }
}

module attributes {stable_mosaic.version = 14 : i64} {
  func.func @_tc_layer_body(%arg0: memref<10000x128xf32, #tpu.memory_space<vmem>>, %arg1: memref<2x10240x128xf32, #tpu.memory_space<vmem>>, %arg2: memref<128x128xf32, #tpu.memory_space<vmem>>, %arg3: memref<1x128xf32, #tpu.memory_space<vmem>>, %arg4: memref<128x128xf32, #tpu.memory_space<vmem>>, %arg5: memref<1x128xf32, #tpu.memory_space<vmem>>, %arg6: memref<1x128xf32, #tpu.memory_space<vmem>>, %arg7: memref<1x128xf32, #tpu.memory_space<vmem>>, %arg8: memref<10000x128xf32, #tpu.memory_space<vmem>>) attributes {dimension_semantics = [], scalar_prefetch = 0 : i64, scratch_operands = 0 : i64, tpu.core_type = #tpu.core_type<tc>} {
    %get3A = arith.constant 0 : index
    %get3A_0 = arith.constant 0 : index
    %get3A_1 = arith.constant 0 : index
    %get3A_2 = vector.load %arg1[%get3A, %get3A_0, %get3A_1] : memref<2x10240x128xf32, #tpu.memory_space<vmem>>, vector<1x10000x128xf32>
    %get3A_3 = vector.shape_cast %get3A_2 : vector<1x10000x128xf32> to vector<10000x128xf32>
    %get3A_4 = arith.constant 1 : index
    %get3A_5 = arith.constant 0 : index
    %get3A_6 = arith.constant 0 : index
    %get3A_7 = vector.load %arg1[%get3A_4, %get3A_5, %get3A_6] : memref<2x10240x128xf32, #tpu.memory_space<vmem>>, vector<1x10000x128xf32>
    %get3A_8 = vector.shape_cast %get3A_7 : vector<1x10000x128xf32> to vector<10000x128xf32>
    %add3A = arith.addf %get3A_3, %get3A_8 : vector<10000x128xf32>
    %get3A_9 = arith.constant 0 : index
    %get3A_10 = arith.constant 0 : index
    %get3A_11 = vector.load %arg0[%get3A_9, %get3A_10] : memref<10000x128xf32, #tpu.memory_space<vmem>>, vector<10000x128xf32>
    %add3A_12 = arith.addf %get3A_11, %add3A : vector<10000x128xf32>
    %get3A_13 = arith.constant 0 : index
    %get3A_14 = arith.constant 0 : index
    %get3A_15 = vector.load %arg2[%get3A_13, %get3A_14] : memref<128x128xf32, #tpu.memory_space<vmem>>, vector<128x128xf32>
    %get3A_16 = arith.constant 0 : index
    %get3A_17 = arith.constant 0 : index
    %get3A_18 = vector.load %arg3[%get3A_16, %get3A_17] : memref<1x128xf32, #tpu.memory_space<vmem>>, vector<1x128xf32>
    %get3A_19 = arith.constant 0 : index
    %get3A_20 = arith.constant 0 : index
    %get3A_21 = vector.load %arg4[%get3A_19, %get3A_20] : memref<128x128xf32, #tpu.memory_space<vmem>>, vector<128x128xf32>
    %get3A_22 = arith.constant 0 : index
    %get3A_23 = arith.constant 0 : index
    %get3A_24 = vector.load %arg5[%get3A_22, %get3A_23] : memref<1x128xf32, #tpu.memory_space<vmem>>, vector<1x128xf32>
    %get3A_25 = arith.constant 0 : index
    %get3A_26 = arith.constant 0 : index
    %get3A_27 = vector.load %arg6[%get3A_25, %get3A_26] : memref<1x128xf32, #tpu.memory_space<vmem>>, vector<1x128xf32>
    %get3A_28 = arith.constant 0 : index
    %get3A_29 = arith.constant 0 : index
    %get3A_30 = vector.load %arg7[%get3A_28, %get3A_29] : memref<1x128xf32, #tpu.memory_space<vmem>>, vector<1x128xf32>
    %dot_general3A = arith.constant dense<0.000000e+00> : vector<10000x128xf32>
    %dot_general3A_31 = tpu.matmul %add3A_12, %get3A_15, %dot_general3A {dimension_numbers = #tpu.dot_dimension_numbers<[1], [0], [0], [1], [0, 0, 1, 1], [], []>, transpose_lhs_hint = false} : vector<10000x128xf32>, vector<128x128xf32>, vector<10000x128xf32> -> vector<10000x128xf32>
    %add3A_32 = vector.broadcast %get3A_18 : vector<1x128xf32> to vector<10000x128xf32>
    %add3A_33 = arith.addf %dot_general3A_31, %add3A_32 : vector<10000x128xf32>
    %max3A = arith.constant 0.000000e+00 : f32
    %max3A_34 = vector.broadcast %max3A : f32 to vector<10000x128xf32>
    %max3A_35 = arith.maximumf %add3A_33, %max3A_34 : vector<10000x128xf32>
    %dot_general3A_36 = arith.constant dense<0.000000e+00> : vector<10000x128xf32>
    %dot_general3A_37 = tpu.matmul %max3A_35, %get3A_21, %dot_general3A_36 {dimension_numbers = #tpu.dot_dimension_numbers<[1], [0], [0], [1], [0, 0, 1, 1], [], []>, transpose_lhs_hint = false} : vector<10000x128xf32>, vector<128x128xf32>, vector<10000x128xf32> -> vector<10000x128xf32>
    %add3A_38 = vector.broadcast %get3A_24 : vector<1x128xf32> to vector<10000x128xf32>
    %add3A_39 = arith.addf %dot_general3A_37, %add3A_38 : vector<10000x128xf32>
    %reduce_sum3A = arith.constant dense<0.000000e+00> : vector<128xf32>
    %reduce_sum3A_40 = vector.multi_reduction <add>, %add3A_39, %reduce_sum3A [0] : vector<10000x128xf32> to vector<128xf32>
    %broadcast_in_dim3A = vector.shape_cast %reduce_sum3A_40 : vector<128xf32> to vector<1x128xf32>
    %div3A = arith.constant 1.000000e+04 : f32
    %div3A_41 = vector.broadcast %div3A : f32 to vector<1x128xf32>
    %div3A_42 = arith.divf %broadcast_in_dim3A, %div3A_41 : vector<1x128xf32>
    %sub3A = vector.broadcast %div3A_42 : vector<1x128xf32> to vector<10000x128xf32>
    %sub3A_43 = arith.subf %add3A_39, %sub3A : vector<10000x128xf32>
    %mul3A = arith.mulf %sub3A_43, %sub3A_43 : vector<10000x128xf32>
    %reduce_sum3A_44 = arith.constant dense<0.000000e+00> : vector<128xf32>
    %reduce_sum3A_45 = vector.multi_reduction <add>, %mul3A, %reduce_sum3A_44 [0] : vector<10000x128xf32> to vector<128xf32>
    %broadcast_in_dim3A_46 = vector.shape_cast %reduce_sum3A_45 : vector<128xf32> to vector<1x128xf32>
    %div3A_47 = arith.constant 1.000000e+04 : f32
    %div3A_48 = vector.broadcast %div3A_47 : f32 to vector<1x128xf32>
    %div3A_49 = arith.divf %broadcast_in_dim3A_46, %div3A_48 : vector<1x128xf32>
    %mul3A_50 = vector.broadcast %get3A_27 : vector<1x128xf32> to vector<10000x128xf32>
    %mul3A_51 = arith.mulf %mul3A_50, %sub3A_43 : vector<10000x128xf32>
    %add3A_52 = arith.constant 9.99999974E-6 : f32
    %add3A_53 = vector.broadcast %add3A_52 : f32 to vector<1x128xf32>
    %add3A_54 = arith.addf %div3A_49, %add3A_53 : vector<1x128xf32>
    %rsqrt3A = math.rsqrt %add3A_54 : vector<1x128xf32>
    %mul3A_55 = vector.broadcast %rsqrt3A : vector<1x128xf32> to vector<10000x128xf32>
    %mul3A_56 = arith.mulf %mul3A_51, %mul3A_55 : vector<10000x128xf32>
    %add3A_57 = vector.broadcast %get3A_30 : vector<1x128xf32> to vector<10000x128xf32>
    %add3A_58 = arith.addf %mul3A_56, %add3A_57 : vector<10000x128xf32>
    %swap3A = arith.constant 0 : index
    %swap3A_59 = arith.constant 0 : index
    %swap3A_60 = vector.load %arg8[%swap3A, %swap3A_59] : memref<10000x128xf32, #tpu.memory_space<vmem>>, vector<10000x128xf32>
    tpu.vector_store %arg8[%swap3A, %swap3A_59], %add3A_58 {strides = array<i32>} : memref<10000x128xf32, #tpu.memory_space<vmem>>, vector<10000x128xf32>,
    return
  }
}

module attributes {stable_mosaic.version = 14 : i64} {
  func.func @_tc_out_body(%arg0: memref<10000x128xf32, #tpu.memory_space<vmem>>, %arg1: memref<10000x128xf32, #tpu.memory_space<vmem>>, %arg2: memref<2x10240x128xf32, #tpu.memory_space<vmem>>, %arg3: memref<128x128xf32, #tpu.memory_space<vmem>>, %arg4: memref<1x128xf32, #tpu.memory_space<vmem>>, %arg5: memref<128x128xf32, #tpu.memory_space<vmem>>, %arg6: memref<1x128xf32, #tpu.memory_space<vmem>>, %arg7: memref<1x128xf32, #tpu.memory_space<vmem>>, %arg8: memref<1x128xf32, #tpu.memory_space<vmem>>, %arg9: memref<128x40xf32, #tpu.memory_space<vmem>>, %arg10: memref<128x40xf32, #tpu.memory_space<vmem>>, %arg11: memref<128x40xf32, #tpu.memory_space<vmem>>, %arg12: memref<1x40xf32, #tpu.memory_space<vmem>>, %arg13: memref<10000x40xf32, #tpu.memory_space<vmem>>) attributes {dimension_semantics = [], scalar_prefetch = 0 : i64, scratch_operands = 0 : i64, tpu.core_type = #tpu.core_type<tc>} {
    %get3A = arith.constant 0 : index
    %get3A_0 = arith.constant 0 : index
    %get3A_1 = arith.constant 0 : index
    %get3A_2 = vector.load %arg2[%get3A, %get3A_0, %get3A_1] : memref<2x10240x128xf32, #tpu.memory_space<vmem>>, vector<1x10000x128xf32>
    %get3A_3 = vector.shape_cast %get3A_2 : vector<1x10000x128xf32> to vector<10000x128xf32>
    %get3A_4 = arith.constant 1 : index
    %get3A_5 = arith.constant 0 : index
    %get3A_6 = arith.constant 0 : index
    %get3A_7 = vector.load %arg2[%get3A_4, %get3A_5, %get3A_6] : memref<2x10240x128xf32, #tpu.memory_space<vmem>>, vector<1x10000x128xf32>
    %get3A_8 = vector.shape_cast %get3A_7 : vector<1x10000x128xf32> to vector<10000x128xf32>
    %add3A = arith.addf %get3A_3, %get3A_8 : vector<10000x128xf32>
    %get3A_9 = arith.constant 0 : index
    %get3A_10 = arith.constant 0 : index
    %get3A_11 = vector.load %arg1[%get3A_9, %get3A_10] : memref<10000x128xf32, #tpu.memory_space<vmem>>, vector<10000x128xf32>
    %add3A_12 = arith.addf %get3A_11, %add3A : vector<10000x128xf32>
    %get3A_13 = arith.constant 0 : index
    %get3A_14 = arith.constant 0 : index
    %get3A_15 = vector.load %arg3[%get3A_13, %get3A_14] : memref<128x128xf32, #tpu.memory_space<vmem>>, vector<128x128xf32>
    %get3A_16 = arith.constant 0 : index
    %get3A_17 = arith.constant 0 : index
    %get3A_18 = vector.load %arg4[%get3A_16, %get3A_17] : memref<1x128xf32, #tpu.memory_space<vmem>>, vector<1x128xf32>
    %get3A_19 = arith.constant 0 : index
    %get3A_20 = arith.constant 0 : index
    %get3A_21 = vector.load %arg5[%get3A_19, %get3A_20] : memref<128x128xf32, #tpu.memory_space<vmem>>, vector<128x128xf32>
    %get3A_22 = arith.constant 0 : index
    %get3A_23 = arith.constant 0 : index
    %get3A_24 = vector.load %arg6[%get3A_22, %get3A_23] : memref<1x128xf32, #tpu.memory_space<vmem>>, vector<1x128xf32>
    %get3A_25 = arith.constant 0 : index
    %get3A_26 = arith.constant 0 : index
    %get3A_27 = vector.load %arg7[%get3A_25, %get3A_26] : memref<1x128xf32, #tpu.memory_space<vmem>>, vector<1x128xf32>
    %get3A_28 = arith.constant 0 : index
    %get3A_29 = arith.constant 0 : index
    %get3A_30 = vector.load %arg8[%get3A_28, %get3A_29] : memref<1x128xf32, #tpu.memory_space<vmem>>, vector<1x128xf32>
    %dot_general3A = arith.constant dense<0.000000e+00> : vector<10000x128xf32>
    %dot_general3A_31 = tpu.matmul %add3A_12, %get3A_15, %dot_general3A {dimension_numbers = #tpu.dot_dimension_numbers<[1], [0], [0], [1], [0, 0, 1, 1], [], []>, transpose_lhs_hint = false} : vector<10000x128xf32>, vector<128x128xf32>, vector<10000x128xf32> -> vector<10000x128xf32>
    %add3A_32 = vector.broadcast %get3A_18 : vector<1x128xf32> to vector<10000x128xf32>
    %add3A_33 = arith.addf %dot_general3A_31, %add3A_32 : vector<10000x128xf32>
    %max3A = arith.constant 0.000000e+00 : f32
    %max3A_34 = vector.broadcast %max3A : f32 to vector<10000x128xf32>
    %max3A_35 = arith.maximumf %add3A_33, %max3A_34 : vector<10000x128xf32>
    %dot_general3A_36 = arith.constant dense<0.000000e+00> : vector<10000x128xf32>
    %dot_general3A_37 = tpu.matmul %max3A_35, %get3A_21, %dot_general3A_36 {dimension_numbers = #tpu.dot_dimension_numbers<[1], [0], [0], [1], [0, 0, 1, 1], [], []>, transpose_lhs_hint = false} : vector<10000x128xf32>, vector<128x128xf32>, vector<10000x128xf32> -> vector<10000x128xf32>
    %add3A_38 = vector.broadcast %get3A_24 : vector<1x128xf32> to vector<10000x128xf32>
    %add3A_39 = arith.addf %dot_general3A_37, %add3A_38 : vector<10000x128xf32>
    %reduce_sum3A = arith.constant dense<0.000000e+00> : vector<128xf32>
    %reduce_sum3A_40 = vector.multi_reduction <add>, %add3A_39, %reduce_sum3A [0] : vector<10000x128xf32> to vector<128xf32>
    %broadcast_in_dim3A = vector.shape_cast %reduce_sum3A_40 : vector<128xf32> to vector<1x128xf32>
    %div3A = arith.constant 1.000000e+04 : f32
    %div3A_41 = vector.broadcast %div3A : f32 to vector<1x128xf32>
    %div3A_42 = arith.divf %broadcast_in_dim3A, %div3A_41 : vector<1x128xf32>
    %sub3A = vector.broadcast %div3A_42 : vector<1x128xf32> to vector<10000x128xf32>
    %sub3A_43 = arith.subf %add3A_39, %sub3A : vector<10000x128xf32>
    %mul3A = arith.mulf %sub3A_43, %sub3A_43 : vector<10000x128xf32>
    %reduce_sum3A_44 = arith.constant dense<0.000000e+00> : vector<128xf32>
    %reduce_sum3A_45 = vector.multi_reduction <add>, %mul3A, %reduce_sum3A_44 [0] : vector<10000x128xf32> to vector<128xf32>
    %broadcast_in_dim3A_46 = vector.shape_cast %reduce_sum3A_45 : vector<128xf32> to vector<1x128xf32>
    %div3A_47 = arith.constant 1.000000e+04 : f32
    %div3A_48 = vector.broadcast %div3A_47 : f32 to vector<1x128xf32>
    %div3A_49 = arith.divf %broadcast_in_dim3A_46, %div3A_48 : vector<1x128xf32>
    %mul3A_50 = vector.broadcast %get3A_27 : vector<1x128xf32> to vector<10000x128xf32>
    %mul3A_51 = arith.mulf %mul3A_50, %sub3A_43 : vector<10000x128xf32>
    %add3A_52 = arith.constant 9.99999974E-6 : f32
    %add3A_53 = vector.broadcast %add3A_52 : f32 to vector<1x128xf32>
    %add3A_54 = arith.addf %div3A_49, %add3A_53 : vector<1x128xf32>
    %rsqrt3A = math.rsqrt %add3A_54 : vector<1x128xf32>
    %mul3A_55 = vector.broadcast %rsqrt3A : vector<1x128xf32> to vector<10000x128xf32>
    %mul3A_56 = arith.mulf %mul3A_51, %mul3A_55 : vector<10000x128xf32>
    %add3A_57 = vector.broadcast %get3A_30 : vector<1x128xf32> to vector<10000x128xf32>
    %add3A_58 = arith.addf %mul3A_56, %add3A_57 : vector<10000x128xf32>
    %get3A_59 = arith.constant 0 : index
    %get3A_60 = arith.constant 0 : index
    %get3A_61 = vector.load %arg0[%get3A_59, %get3A_60] : memref<10000x128xf32, #tpu.memory_space<vmem>>, vector<10000x128xf32>
    %get3A_62 = arith.constant 0 : index
    %get3A_63 = arith.constant 0 : index
    %get3A_64 = vector.load %arg9[%get3A_62, %get3A_63] : memref<128x40xf32, #tpu.memory_space<vmem>>, vector<128x40xf32>
    %dot_general3A_65 = arith.constant dense<0.000000e+00> : vector<10000x40xf32>
    %dot_general3A_66 = tpu.matmul %get3A_61, %get3A_64, %dot_general3A_65 {dimension_numbers = #tpu.dot_dimension_numbers<[1], [0], [0], [1], [0, 0, 1, 1], [], []>, transpose_lhs_hint = false} : vector<10000x128xf32>, vector<128x40xf32>, vector<10000x40xf32> -> vector<10000x40xf32>
    %get3A_67 = arith.constant 0 : index
    %get3A_68 = arith.constant 0 : index
    %get3A_69 = vector.load %arg1[%get3A_67, %get3A_68] : memref<10000x128xf32, #tpu.memory_space<vmem>>, vector<10000x128xf32>
    %get3A_70 = arith.constant 0 : index
    %get3A_71 = arith.constant 0 : index
    %get3A_72 = vector.load %arg10[%get3A_70, %get3A_71] : memref<128x40xf32, #tpu.memory_space<vmem>>, vector<128x40xf32>
    %dot_general3A_73 = arith.constant dense<0.000000e+00> : vector<10000x40xf32>
    %dot_general3A_74 = tpu.matmul %get3A_69, %get3A_72, %dot_general3A_73 {dimension_numbers = #tpu.dot_dimension_numbers<[1], [0], [0], [1], [0, 0, 1, 1], [], []>, transpose_lhs_hint = false} : vector<10000x128xf32>, vector<128x40xf32>, vector<10000x40xf32> -> vector<10000x40xf32>
    %add3A_75 = arith.addf %dot_general3A_66, %dot_general3A_74 : vector<10000x40xf32>
    %get3A_76 = arith.constant 0 : index
    %get3A_77 = arith.constant 0 : index
    %get3A_78 = vector.load %arg11[%get3A_76, %get3A_77] : memref<128x40xf32, #tpu.memory_space<vmem>>, vector<128x40xf32>
    %dot_general3A_79 = arith.constant dense<0.000000e+00> : vector<10000x40xf32>
    %dot_general3A_80 = tpu.matmul %add3A_58, %get3A_78, %dot_general3A_79 {dimension_numbers = #tpu.dot_dimension_numbers<[1], [0], [0], [1], [0, 0, 1, 1], [], []>, transpose_lhs_hint = false} : vector<10000x128xf32>, vector<128x40xf32>, vector<10000x40xf32> -> vector<10000x40xf32>
    %add3A_81 = arith.addf %add3A_75, %dot_general3A_80 : vector<10000x40xf32>
    %get3A_82 = arith.constant 0 : index
    %get3A_83 = arith.constant 0 : index
    %get3A_84 = vector.load %arg12[%get3A_82, %get3A_83] : memref<1x40xf32, #tpu.memory_space<vmem>>, vector<1x40xf32>
    %add3A_85 = vector.broadcast %get3A_84 : vector<1x40xf32> to vector<10000x40xf32>
    %add3A_86 = arith.addf %add3A_81, %add3A_85 : vector<10000x40xf32>
    %swap3A = arith.constant 0 : index
    %swap3A_87 = arith.constant 0 : index
    %swap3A_88 = vector.load %arg13[%swap3A, %swap3A_87] : memref<10000x40xf32, #tpu.memory_space<vmem>>, vector<10000x40xf32>
    tpu.vector_store %arg13[%swap3A, %swap3A_87], %add3A_86 {strides = array<i32>} : memref<10000x40xf32, #tpu.memory_space<vmem>>, vector<10000x40xf32>,
    return
  }
}

</mosaic_0001>

<sc_bundles>
// kernel: kernel.6.cloned.1.call-start
scs
__scs_entry_jumppad:
0x0: {  	(pc) =	sbr.rel $0x88, $3  }
0x1: {  	(tag) =	ssettag $0x0;
	lr =	simm.s32 $0x1  }
0x2: {  	[smem:$0x3F91] =	sst lr;
	_ =	strace $0xD0000000  }
0x3: {  	_ = 	snop  }
0x4: {  	_ = 	snop  }
0x5: {  	_ = 	snop  }
0x6: {  	_ = 	snop  }
0x7: {  	_ = 	snop  }
__scs_overlays_trampoline_lowered:
0x8: {  	[smem:$0x3FA0] =	sst s0  }
0x9: {  	[smem:$0x3FA1] =	sst s1  }
0xa: {  	[smem:$0x3FA2] =	sst s2  }
0xb: {  	[smem:$0x3FA3] =	sst s3  }
0xc: {  	[smem:$0x3FA4] =	sst s4  }
0xd: {  	[smem:$0x3FA5] =	sst s5  }
0xe: {  	[smem:$0x3FA6] =	sst s6  }
0xf: {  	[smem:$0x3FA7] =	sst s7  }
0x10: {  	[smem:$0x3FA8] =	sst s8  }
0x11: {  	[smem:$0x3FA9] =	sst s9;
	s0 =	simm.s32 @!p0 $0x0  }
0x12: {  	s1 =	sld [smem:$0x3F8F];
	s0 =	simm.s32 @p0 $0x1  }
0x13: {  	[smem:$0x3FAA] =	sst s0;
	s0 =	simm.s32 @!p1 $0x0  }
0x14: {  	s2 =	sld [smem:$0x3F8E];
	s0 =	simm.s32 @p1 $0x1  }
0x15: {  	[smem:$0x3FAB] =	sst s0;
	s0 =	simm.s32 @!p2 $0x0  }
0x16: {  	s3 =	sld [smem:$0x3FDB];
	s0 =	simm.s32 @p2 $0x1  }
0x17: {  	s4 =	simm.s32 $0x1BF5;
	[smem:$0x3FAD] =	sst s0  }
0x18: {  	s0 =	sld [smem:$0x3F90];
	_ =	swait.ge [sflag:s4], $0x0  }
0x19: {  	s7 =	sld [smem:$0x3F91]  }
0x1a: {  	s8 =	sadd.s32 $0xFFFFE003, lr  }
0x1b: {  	s9 =	sadd.s32 $0xFFFFFEF7, lr;
	s5 =	simm.s32 $0xFFFFFFFF;
	p2 =	slt.u32 s8, $0xFFFFF086  }
0x1c: {  	p1 =	slt.u32 s9, $0xF7A;
	s5 =	simm.s32 @!p2 $0x0  }
0x1d: {  	s5 =	simm.s32 @p1 $0x1;
	p0 =	seq.s32 s7, s2  }
0x1e: {  	s7 =	smul.u32 @!p0 $0xF7A, s2;
	p2 =	seq.s32 @!p0 s5, $0x0  }
0x1f: {  	s9 =	smul.u32 $0xF7A, s1;
	s8 =	simm.s32 @!p0 $0x1BF5;
	p2 =	por !p2, p0  }
0x20: {  	[sflag:s8] =	ssyncset.s32 @!p0 $0xFFFFF086;
	s6 =	sadd.s32 @!p0 s3, s7;
	s7 =	simm.s32 @!p0 $0x108  }
0x21: {  	s3 =	sadd.s32 s3, s9;
	s6 =	sadd.s32 @!p0 $0x88, s6;
	s7 =	simm.s32 @p2 $0x1082  }
0x22: {  	[simem:s7], [sflag:s8] =	dma.local @!p0 [hbm:s6], $0xF7A  }
0x23: {  	s9 =	sor.u32 $0xD0000000, s2;
	s6 =	simm.s32 $0x108;
	_ =	swait.ge @!p0 [sflag:s8], $0x0  }
0x24: {  	s3 =	sadd.s32 $0x88, s3;
	s6 =	simm.s32 @!p1 $0x1082;
	[sflag:s4] =	ssyncset.s32 $0xFFFFF086  }
0x25: {  	[simem:s6], [sflag:s4] =	dma.local [hbm:s3], $0xF7A  }
0x26: {  	[smem:$0x3F91] =	sst s1;
	(tag) =	ssettag s2;
	_ =	strace s9  }
0x27: {  	s1 =	sld [smem:$0x3FA1]  }
0x28: {  	s2 =	sld [smem:$0x3FA2]  }
0x29: {  	s4 =	sld [smem:$0x3FA4]  }
0x2a: {  	p0 =	seq.s32 s5, $0x0;
	s5 =	sld [smem:$0x3FA5]  }
0x2b: {  	s6 =	sld [smem:$0x3FA6]  }
0x2c: {  	s7 =	sld [smem:$0x3FA7]  }
0x2d: {  	s3 =	simm.s32 $0x108;
	s8 =	sld [smem:$0x3FA8]  }
0x2e: {  	s3 =	simm.s32 @!p0 $0x1082;
	s9 =	sld [smem:$0x3FA9]  }
0x2f: {  	lr =	sadd.s32 s0, s3;
	s0 =	sld [smem:$0x3FA0]  }
0x30: {  	s3 =	sld [smem:$0x3FA3]  }
0x31: {  	[smem:$0x3FAC] =	sst s10  }
0x32: {  	s10 =	sld [smem:$0x3FAA];
	_ =	sdelay $0x3  }
0x33: {  	p0 =	seq.s32 s10, $0x1;
	s10 =	sld [smem:$0x3FAC];
	_ =	sdelay $0x3  }
0x34: {  	[smem:$0x3FAC] =	sst s10  }
0x35: {  	s10 =	sld [smem:$0x3FAB];
	_ =	sdelay $0x3  }
0x36: {  	p1 =	seq.s32 s10, $0x1;
	s10 =	sld [smem:$0x3FAC];
	_ =	sdelay $0x3  }
0x37: {  	[smem:$0x3FAC] =	sst s10  }
0x38: {  	s10 =	sld [smem:$0x3FAD]  }
0x39: {  	_ = 	snop;
	(pc) =	sbr.ind lr, $3  }
0x3a: {  	_ = 	snop  }
0x3b: {  	_ = 	snop  }
0x3c: {  	p2 =	seq.s32 s10, $0x1;
	s10 =	sld [smem:$0x3FAC]  }
0x3d: {  	_ =	shalt  }
0x3e: {  	_ =	shalt  }
0x3f: {  	_ =	shalt  }
0x40: {  	_ =	shalt  }
0x41: {  	_ =	shalt  }
0x42: {  	_ =	shalt  }
0x43: {  	_ =	shalt  }
0x44: {  	_ =	shalt  }
0x45: {  	_ =	shalt  }
0x46: {  	_ =	shalt  }
0x47: {  	_ =	shalt  }
0x48: {  	_ =	shalt  }
0x49: {  	_ =	shalt  }
0x4a: {  	_ =	shalt  }
0x4b: {  	_ =	shalt  }
0x4c: {  	_ =	shalt  }
0x4d: {  	_ =	shalt  }
0x4e: {  	_ =	shalt  }
0x4f: {  	_ =	shalt  }
0x50: {  	_ =	shalt  }
0x51: {  	_ =	shalt  }
0x52: {  	_ =	shalt  }
0x53: {  	_ =	shalt  }
0x54: {  	_ =	shalt  }
0x55: {  	_ =	shalt  }
0x56: {  	_ =	shalt  }
0x57: {  	_ =	shalt  }
0x58: {  	_ =	shalt  }
0x59: {  	_ =	shalt  }
0x5a: {  	_ =	shalt  }
0x5b: {  	_ =	shalt  }
0x5c: {  	_ =	shalt  }
0x5d: {  	_ =	shalt  }
0x5e: {  	_ =	shalt  }
0x5f: {  	_ =	shalt  }
0x60: {  	_ =	shalt  }
0x61: {  	_ =	shalt  }
0x62: {  	_ =	shalt  }
0x63: {  	_ =	shalt  }
0x64: {  	_ =	shalt  }
0x65: {  	_ =	shalt  }
0x66: {  	_ =	shalt  }
0x67: {  	_ =	shalt  }
0x68: {  	_ =	shalt  }
0x69: {  	_ =	shalt  }
0x6a: {  	_ =	shalt  }
0x6b: {  	_ =	shalt  }
0x6c: {  	_ =	shalt  }
0x6d: {  	_ =	shalt  }
0x6e: {  	_ =	shalt  }
0x6f: {  	_ =	shalt  }
0x70: {  	_ =	shalt  }
0x71: {  	_ =	shalt  }
0x72: {  	_ =	shalt  }
0x73: {  	_ =	shalt  }
0x74: {  	_ =	shalt  }
0x75: {  	_ =	shalt  }
0x76: {  	_ =	shalt  }
0x77: {  	_ =	shalt  }
0x78: {  	_ =	shalt  }
0x79: {  	_ =	shalt  }
0x7a: {  	_ =	shalt  }
0x7b: {  	_ =	shalt  }
0x7c: {  	_ =	shalt  }
0x7d: {  	_ =	shalt  }
0x7e: {  	_ =	shalt  }
0x7f: {  	_ =	shalt  }
0x80: {  	_ =	shalt  }
0x81: {  	_ =	shalt  }
0x82: {  	_ =	shalt  }
0x83: {  	_ =	shalt  }
0x84: {  	_ =	shalt  }
0x85: {  	_ =	shalt  }
0x86: {  	_ =	shalt  }
0x87: {  	_ =	shalt  }
.Lfunc_end0:
.L_simem_size_0:
called_computation_lowered:
.L_overlay_start_0:
0x88: {  	s2 =	sld [smem:$0x3FD9]  }
0x89: {  	s3 =	sld [smem:$0x3FFE];
	_ =	sdelay $0x1  }
0x8a: {  	s1 =	srdreg.scid  }
0x8b: {  	s0 =	sand.u32 $0x1, s1  }
0x8c: {  	s17 =	sshll.u32 s0, $0xA;
	s2 =	sadd.s32 s3, s2  }
0x8d: {  	s2 =	sadd.s32 s2, s17  }
0x8e: {  	[smem:$0x3FB8] =	sst s2  }
0x8f: {  	_ = 	snop  }
0x90: {  	s2 =	sld [smem:$0x3FC9]  }
0x91: {  	s18 =	sld [smem:$0x3FD0];
	(tm) =	ssettm $0x1  }
0x92: {  	s4 =	sld [smem:$0x3FFB];
	_ =	sdelay $0x3  }
0x93: {  	_ =	strace s4  }
0x94: {  	s4 =	sld [smem:$0x3FFC];
	_ =	sdelay $0x3  }
0x95: {  	_ =	strace s4  }
0x96: {  	s4 =	sld [smem:$0x3FFD];
	_ =	sdelay $0x3  }
0x97: {  	_ =	strace s4  }
0x98: {  	_ =	strace $0x8FFFFFFF  }
0x99: {  	s19 =	sld [smem:$0x3FDB];
	_ =	sdelay $0x1  }
0x9a: {  	s5 =	simm.s32 $_scs_section_size  }
0x9b: {  	s6 =	simm.s32 $_size__tile_overlayer_lowered;
	s7 =	simm.s32 $_tile_overlayer_lowered  }
0x9c: {  	s22 =	simm.s32 $0x1BFF;
	s21 =	sshll.u32 s7, $0x1;
	s4 =	sadd.s32 s5, s19  }
0x9d: {  	s8 =	simm.s32 $0x0;
	s20 =	sshll.u32 s6, $0x1;
	s6 =	sadd.s32 s21, s4  }
0x9e: {  	[timem:s8], [sflag:s22] =	dma.local [hbm:s6], s20  }
0x9f: {  	_ =	swait.ge [sflag:s22], s20  }
0xa0: {  	s5 =	ssub.s32 $0x0, s20;
	[sflag:s22] =	ssyncset.done $0x0  }
0xa1: {  	[sflag:s22] =	ssyncadd.s32 s5;
	_ =	sdelay $0x1  }
0xa2: {  	s23 =	simm.s32 $0x1B8B  }
0xa3: {  	_ =	swait.ge [sflag:s23], $0x1  }
0xa4: {  	[sflag:s23] =	ssyncset.done $0x0  }
0xa5: {  	s25 =	simm.s32 $0x1B8E;
	s24 =	sld [smem:$0x3FFE];
	[sflag:s23] =	ssyncadd.s32 $0xFFFFFFFF  }
0xa6: {  	s26 =	simm.s32 $execute0_lowered;
	[smem:$0x3FD2] =	sst s25  }
0xa7: {  	s6 =	sshll.u32 s26, $0x1;
	_ =	strace $0x80000046;
	[dreg:$0x1] =	wrdreg $0xFFFFFFFF  }
0xa8: {  	s28 =	simm.s32 $_size_execute0_lowered;
	s4 =	sadd.s32 s4, s6;
	[dreg:$0x0] =	wrdreg $0x0  }
0xa9: {  	s6 =	sshll.u32 s28, $0x1;
	[dreg:$0x2] =	wrdreg s4  }
0xaa: {  	[dreg:$0x3] =	wrdreg s6  }
0xab: {  	[dreg:$0x4] =	wrdreg $0xC0  }
0xac: {  	_ =	task [dreg:s8], $0x5FFFF  }
0xad: {  	[dreg:$0x1] =	wrdreg $0xFFFFFFFF  }
0xae: {  	[dreg:$0x0] =	wrdreg $0x60  }
0xaf: {  	[dreg:$0x2] =	wrdreg s2  }
0xb0: {  	[dreg:$0x3] =	wrdreg s18  }
0xb1: {  	[dreg:$0x4] =	wrdreg s24  }
0xb2: {  	[dreg:$0x5] =	wrdreg $0xBA000  }
0xb3: {  	[dreg:$0x6] =	wrdreg $0x9  }
0xb4: {  	_ =	task.clear_ibuf [dreg:s8], $0x7FFFF;
	_ =	strace $0x90000046  }
0xb5: {  	s29 =	simm.s32 $0x9;
	_ =	strace $0x80000048  }
0xb6: {  	_ =	swait.ge [sflag:s29], $0x1  }
0xb7: {  	[sflag:s29] =	ssyncadd.s32 $0xFFFFFFFF  }
0xb8: {  	_ =	strace $0x90000048  }
0xb9: {  	_ =	sfence  }
0xba: {  	s30 =	sld [smem:$0x0];
	_ =	sdelay $0x2  }
0xbb: {  	s31 =	sshll.u32 s1, $0xD;
	s1 =	sshrl.u32 s1, $0x2  }
0xbc: {  	s3 =	sand.u32 $0x4000, s31;
	s1 =	sadd.s32 s1, s30  }
0xbd: {  	s0 =	sor.u32 s3, s0;
	s1 =	sshll.u32 s1, $0x11  }
0xbe: {  	s0 =	sor.u32 s1, s0  }
0xbf: {  	s0 =	sadd.s32 $0x8F2B, s0  }
0xc0: {  	[sflag:s0] =	ssyncadd.remote.s32 $0x1  }
0xc1: {  	_ =	sfence.sel $0xFFFF  }
0xc2: {  	[dreg:$0x0] =	wrdreg $0xFFFFFFFF;
	(pc) =	sbr.abs _section_cstart, $3  }
0xc3: {  	[dreg:$0x1] =	wrdreg $0xFFFFFFFF  }
0xc4: {  	_ =	task.clear_ibuf [dreg:s8], $0x2FFFF;
	_ =	strace $0x9FFFFFFF  }
0xc5: {  	(tm) =	ssettm $0x7FFFFFFF  }
tec
execute0_lowered:
.L_overlay_start_1:
0x0: {  	(tag) =	ssettag $0x1  }
0x1: {  	s17 =	rddreg [dreg:$0x1]  }
0x2: {  	s0 =	rddreg [dreg:$0x2]  }
0x3: {  	s4 =	rddreg [dreg:$0x3];
	s19 =	simm.s32 $0x0  }
0x4: {  	s2 =	srdreg.scid;
	s18 =	stileid.u32;
	s24 =	simm.s32 $0x1400  }
0x5: {  	[smem:$0x7FF] =	sst s19;
	s2 =	sand.u32 $0x1, s2;
	s10 =	smul.u32 $0x14000, s18  }
0x6: {  	s3 =	sshll.u32 s18, $0x1;
	s7 =	sshrl.u32 s18, $0x2;
	s23 =	smul.u32 $0x50000, s18  }
0x7: {  	s6 =	sadd.s32 $0x13400, s0;
	_ =	strace $0x80000047;
	s7 =	smul.u32 $0x14000, s7  }
0x8: {  	s3 =	sor.u32 s2, s3;
	s8 =	ssub.s32 $0x2, s2;
	s2 =	smul.u32 $0x140000, s2  }
0x9: {  	[dreg:$0x5] =	wrdreg s24;
	s5 =	sshll.u32 s3, $0xB;
	s3 =	sshll.u32 s3, $0x7  }
0xa: {  	s9 =	sshrl.u32 s8, $0x1;
	s11 =	sadd.s32 $0xA000, s10;
	s12 =	sadd.s32 $0xC800, s10  }
0xb: {  	s14 =	sadd.s32 $0xF000, s10;
	s3 =	sand.u32 $0x380, s3;
	s8 =	ssub.s32 s8, s9  }
0xc: {  	s9 =	sadd.s32 $0x7800, s10;
	s13 =	sadd.s32 s10, s2;
	s16 =	sadd.s32 s2, s11  }
0xd: {  	s21 =	sadd.s32 s2, s14;
	s5 =	sadd.s32 s5, s0;
	s0 =	sadd.s32 $0x12E00, s0  }
0xe: {  	s20 =	sor.u32 s7, s3;
	s3 =	sor.u32 $0x2800, s10;
	s7 =	sadd.s32 $0x5000, s10  }
0xf: {  	s13 =	sshrl.u32 s13, $0x3;
	s10 =	sadd.s32 $0x11800, s10;
	s30 =	sadd.s32 s2, s9  }
0x10: {  	[dreg:$0x10] =	wrdreg s0;
	s15 =	sadd.s32 s2, s3;
	s13 =	sadd.s32 s6, s13  }
0x11: {  	s29 =	sadd.s32 s2, s7;
	[dreg:$0x6] =	wrdreg s20;
	s25 =	sshrl.u32 s20, $0x3  }
0x12: {  	[dreg:$0x8] =	wrdreg s13;
	s28 =	sshrl.u32 s15, $0x3;
	s26 =	sadd.s32 s17, s25  }
0x13: {  	s15 =	sshrl.u32 s30, $0x3;
	s30 =	smax.u32 s8, $0x1;
	[dreg:$0x11] =	wrdreg s26  }
0x14: {  	s13 =	sadd.s32 s6, s28;
	s1 =	sadd.s32 s6, s15;
	[dreg:$0x1a] =	wrdreg s30  }
0x15: {  	s15 =	sshrl.u32 s16, $0x3;
	s16 =	sadd.s32 s2, s12;
	[dreg:$0x9] =	wrdreg s13  }
0x16: {  	s13 =	sshrl.u32 s29, $0x3;
	[dreg:$0xb] =	wrdreg s1;
	s29 =	sadd.s32 $0x2E00, s5  }
0x17: {  	s2 =	sadd.s32 s2, s10;
	s5 =	sadd.s32 s3, s4;
	[dreg:$0x7] =	wrdreg s29  }
0x18: {  	s2 =	sshrl.u32 s2, $0x3;
	s13 =	sadd.s32 s6, s13;
	[dreg:$0x13] =	wrdreg s5  }
0x19: {  	s2 =	sadd.s32 s6, s2;
	[dreg:$0xa] =	wrdreg s13  }
0x1a: {  	s28 =	sshrl.u32 s23, $0x2;
	s13 =	sadd.s32 s6, s15;
	[dreg:$0xf] =	wrdreg s2  }
0x1b: {  	s15 =	sshrl.u32 s21, $0x3;
	s2 =	sadd.s32 s28, s4;
	[dreg:$0xc] =	wrdreg s13  }
0x1c: {  	s13 =	sshrl.u32 s16, $0x3;
	s22 =	sadd.s32 s6, s15;
	[dreg:$0x12] =	wrdreg s2  }
0x1d: {  	s13 =	sadd.s32 s6, s13;
	[dreg:$0xe] =	wrdreg s22  }
0x1e: {  	s6 =	sadd.s32 s7, s4;
	[dreg:$0xd] =	wrdreg s13  }
0x1f: {  	s7 =	sadd.s32 s9, s4;
	[dreg:$0x14] =	wrdreg s6  }
0x20: {  	s9 =	sadd.s32 s11, s4;
	[dreg:$0x15] =	wrdreg s7  }
0x21: {  	s11 =	sadd.s32 s12, s4;
	[dreg:$0x16] =	wrdreg s9  }
0x22: {  	s31 =	simm.s32 $0x9200;
	s12 =	sadd.s32 s14, s4;
	[dreg:$0x17] =	wrdreg s11  }
0x23: {  	s3 =	simm.s32 $0x50;
	s13 =	sadd.s32 s10, s4;
	[dreg:$0x18] =	wrdreg s12  }
0x24: {  	s1 =	simm.s32 $0x0;
	s14 =	simm.s32 $0x9;
	[dreg:$0x19] =	wrdreg s13  }
.LBB2_1:
0x25: {  	[dreg:$0x1b] =	wrdreg s1  }
0x26: {  	s0 =	rddreg [dreg:$0x11];
	s8 =	simm.s32 $0x80;
	s10 =	simm.s32 $0x400  }
0x27: {  	[tilespmem:s19], [sflag:$0x9] =	stream.strided.gather [hbm4b:s0+s8], $0x500, s10, s8, $0x38;
	[tilespmem:$0x1FA00] =	vst v63  }
0x28: {  	_ =	swait.ge [sflag:s14], $0x500  }
0x29: {  	[sflag:s14] =	ssyncset.done $0x0  }
0x2a: {  	s20 =	simm.s32 $0xA00;
	s10 =	rddreg [dreg:$0x7];
	[sflag:s14] =	ssyncadd.s32 $0xFFFFFB00  }
0x2b: {  	[tilespmem:s20], [sflag:$0x9] =	stream.linear.gather [hbm4b:s10+s19], $0x800, $0x38;
	[tilespmem:$0x1FA00] =	vst v63  }
0x2c: {  	_ =	swait.ge [sflag:s14], $0x800  }
0x2d: {  	[sflag:s14] =	ssyncset.done $0x0  }
0x2e: {  	s28 =	simm.s32 $0x1A00;
	s21 =	rddreg [dreg:$0x10];
	[sflag:s14] =	ssyncadd.s32 $0xFFFFF800  }
0x2f: {  	[tilespmem:s28], [sflag:$0x9] =	stream.linear.gather [hbm4b:s21+s19], $0x2800, $0x38;
	[tilespmem:$0x1FA00] =	vst v63  }
0x30: {  	_ =	swait.ge [sflag:s14], $0x2800  }
0x31: {  	[sflag:s14] =	ssyncset.done $0x0  }
0x32: {  	[sflag:s14] =	ssyncadd.s32 $0xFFFFD800  }
0x33: {  	[spmem:s2] =	stream.linear.scatter [tilespmem:s28], [sflag:$0x9], $0x2800, $0x38;
	[tilespmem:$0x1FA00] =	vst v63  }
0x34: {  	_ =	swait.ge [sflag:s14], $0x2800  }
0x35: {  	[sflag:s14] =	ssyncset.done $0x0  }
0x36: {  	[sflag:s14] =	ssyncadd.s32 $0xFFFFD800  }
0x37: {  	[spmem:s5] =	stream.linear.scatter [tilespmem:s28], [sflag:$0x9], $0x2800, $0x38;
	[tilespmem:$0x1FA00] =	vst v63  }
0x38: {  	_ =	swait.ge [sflag:s14], $0x2800  }
0x39: {  	[sflag:s14] =	ssyncset.done $0x0  }
0x3a: {  	[sflag:s14] =	ssyncadd.s32 $0xFFFFD800  }
0x3b: {  	[spmem:s6] =	stream.linear.scatter [tilespmem:s28], [sflag:$0x9], $0x2800, $0x38;
	[tilespmem:$0x1FA00] =	vst v63  }
0x3c: {  	s22 =	simm.s32 $0x4200;
	_ =	swait.ge [sflag:s14], $0x2800  }
0x3d: {  	s15 =	simm.s32 $0x800;
	p0 =	por $0x1, $0x1;
	[sflag:s14] =	ssyncset.done $0x0  }
0x3e: {  	p1 =	por $0x0, $0x0;
	s23 =	simm.s32 $0x0;
	[sflag:s14] =	ssyncadd.s32 $0xFFFFD800  }
0x3f: {  	[spmem:s7] =	stream.linear.scatter [tilespmem:s28], [sflag:$0x9], $0x2800, $0x38;
	[tilespmem:$0x1FA00] =	vst v63  }
0x40: {  	p2 =	por $0x0, $0x0;
	s24 =	simm.s32 $0x0;
	_ =	swait.ge [sflag:s14], $0x2800  }
0x41: {  	s0 =	simm.s32 @!p0 $0x7;
	s5 =	sand.u32 $0x1, s24;
	[sflag:s14] =	ssyncset.done $0x0  }
0x42: {  	s25 =	smul.u32 $0xFFFFEC00, s24;
	s26 =	sshll.u32 s5, $0xD;
	[sflag:s14] =	ssyncadd.s32 $0xFFFFD800  }
0x43: {  	[spmem:s9] =	stream.linear.scatter [tilespmem:s28], [sflag:$0x9], $0x2800, $0x38;
	[tilespmem:$0x1FA00] =	vst v63  }
0x44: {  	p0 =	por p0, p0;
	s2 =	ssub.s32 s26, s23;
	_ =	swait.ge [sflag:s14], $0x2800  }
0x45: {  	s26 =	simm.s32 $0x140;
	s16 =	sor.u32 $0x200, s2;
	[sflag:s14] =	ssyncset.done $0x0  }
0x46: {  	s17 =	sadd.s32 $0x0, s2;
	s6 =	sor.u32 $0x1000, s23;
	[sflag:s14] =	ssyncadd.s32 $0xFFFFD800  }
0x47: {  	[spmem:s11] =	stream.linear.scatter [tilespmem:s28], [sflag:$0x9], $0x2800, $0x38;
	[tilespmem:$0x1FA00] =	vst v63  }
0x48: {  	s17 =	sshra.s32 s17, $0x2;
	p3 =	sne.s32 @!p2 s6, $0x0;
	_ =	swait.ge [sflag:s14], $0x2800  }
0x49: {  	p2 =	por p3, p2;
	p3 =	por $0x0, $0x0;
	[sflag:s14] =	ssyncset.done $0x0  }
0x4a: {  	s18 =	sadd.s32 @!p2 $0x100, s10;
	s20 =	simm.s32 @!p2 $0x400;
	[sflag:s14] =	ssyncadd.s32 $0xFFFFD800  }
0x4b: {  	[spmem:s12] =	stream.linear.scatter [tilespmem:s28], [sflag:$0x9], $0x2800, $0x38;
	[tilespmem:$0x1FA00] =	vst v63  }
0x4c: {  	s10 =	sadd.s32 $0x0, s16;
	s7 =	simm.s32 @!p1 $0x4;
	_ =	swait.ge [sflag:s14], $0x2800  }
0x4d: {  	s6 =	sand.u32 @!p1 $0xC, s7;
	s7 =	simm.s32 $0x5;
	[sflag:s14] =	ssyncset.done $0x0  }
0x4e: {  	s7 =	sand.u32 @!p1 $0xD, s7;
	s6 =	smul.u32 @!p1 $0x140, s6;
	[sflag:s14] =	ssyncadd.s32 $0xFFFFD800  }
0x4f: {  	[spmem:s13] =	stream.linear.scatter [tilespmem:s28], [sflag:$0x9], $0x2800, $0x38;
	[tilespmem:$0x1FA00] =	vst v63  }
0x50: {  	s16 =	simm.s32 $0x9;
	s7 =	smul.u32 @!p1 $0x140, s7;
	_ =	swait.ge [sflag:s14], $0x2800  }
0x51: {  	s6 =	sshrl.u32 @!p1 s6, $0x2;
	s9 =	sshra.s32 s25, $0x2;
	[sflag:s14] =	ssyncset.done $0x0  }
0x52: {  	s25 =	simm.s32 $0x6A00;
	s12 =	simm.s32 @!p2 $0x1;
	[sflag:s14] =	ssyncadd.s32 $0xFFFFD800  }
0x53: {  	s11 =	sxor.u32 @!p2 $0x1, s5;
	s12 =	smul.u32 @!p2 $0x2800, s12;
	[bflag:$0x0] =	sbarrier.arrive $0xFFFF  }
0x54: {  	s13 =	smul.u32 @!p2 $0x1400, s11;
	s11 =	sshll.u32 @!p2 s11, $0xB;
	s1 =	rddreg [dreg:$0x0]  }
0x55: {  	s11 =	sadd.s32 @!p2 $0xA00, s11;
	s14 =	simm.s32 $0x0;
	s8 =	rddreg [dreg:$0x6]  }
0x56: {  	[tilespmem:s28], [sflag:$0x1] =	stream.indirect.gather [hbm4b:s1+s3], $0x80, s19, s3, $0xb8;
	[tilespmem:$0x1FA00] =	vst v63  }
0x57: {  	s13 =	sshrl.u32 @!p2 s13, $0x2;
	s21 =	sand.u32 $0x800, s14;
	s12 =	sadd.s32 @!p2 s8, s12  }
0x58: {  	s19 =	simm.s32 @!p2 $0x80;
	s8 =	rddreg [dreg:$0x1];
	s12 =	sshrl.u32 @!p2 s12, $0x3  }
0x59: {  	[tilespmem:s22], [sflag:$0x2] =	stream.indirect.gather [hbm4b:s1+s3], $0x80, s3, s3, $0xb8;
	[tilespmem:$0x1FA00] =	vst v63  }
0x5a: {  	s12 =	sadd.s32 @!p2 s8, s12;
	s22 =	simm.s32 @!p2 $0x9;
	s8 =	sadd.s32 $0x0, s9  }
0x5b: {  	[tilespmem:s13], [sflag:$0x9] =	stream.strided.gather @!p2 [hbm4b:s12+s19], $0x500, s20, s19, $0x38;
	[tilespmem:$0x1FA00] =	vst v63  }
0x5c: {  	s12 =	sadd.s32 $0xA00, s21;
	s13 =	sor.u32 $0x400, s2;
	_ =	swait.ge @!p2 [sflag:s22], $0x500  }
0x5d: {  	s2 =	sor.u32 $0x600, s2;
	s12 =	ssub.s32 @p1 s12, s14;
	[sflag:s22] =	ssyncset.done @!p2 $0x0  }
0x5e: {  	s14 =	simm.s32 @!p2 $0x0;
	s13 =	sadd.s32 @!p1 $0x0, s13;
	[sflag:s22] =	ssyncadd.s32 @!p2 $0xFFFFFB00  }
0x5f: {  	[tilespmem:s11], [sflag:$0x9] =	stream.linear.gather @!p2 [hbm4b:s18+s14], $0x800, $0x38;
	[tilespmem:$0x1FA00] =	vst v63  }
0x60: {  	s2 =	sadd.s32 $0x0, s2;
	s30 =	sadd.s32 @p1 $0x3F00, s12;
	_ =	swait.ge @!p2 [sflag:s22], $0x800  }
0x61: {  	s12 =	sshra.s32 @!p1 s13, $0x2;
	s13 =	simm.s32 $0x4200;
	[sflag:s22] =	ssyncset.done @!p2 $0x0  }
0x62: {  	s21 =	sadd.s32 @!p1 $0xA00, s12;
	s14 =	sshra.s32 s2, $0x2;
	[sflag:s22] =	ssyncadd.s32 @!p2 $0xFFFFF800  }
0x63: {  	s2 =	simm.s32 @!p1 $0x0;
	s11 =	simm.s32 $0x1000;
	_ =	swait.ge @!p0 [sflag:s0], $0x2800  }
0x64: {  	s18 =	simm.s32 $0x1;
	p2 =	seq.s32 s5, $0x1;
	s9 =	rddreg [dreg:$0x5]  }
0x65: {  	s2 =	sand.u32 @!p1 $0x500, s2;
	s5 =	sshrl.u32 @!p1 s7, $0x2;
	s9 =	simm.s32 @!p2 $0x0  }
0x66: {  	s19 =	sadd.s32 @!p1 s5, s2;
	s2 =	simm.s32 @!p1 $0x0;
	s20 =	sshrl.u32 s9, $0x2  }
0x67: {  	s2 =	sand.u32 @!p1 $0x500, s2;
	[sflag:s0] =	ssyncset.done @!p0 $0x0;
	s22 =	sadd.s32 s20, s8  }
0x68: {  	s23 =	sadd.s32 @!p1 s6, s2;
	[sflag:s0] =	ssyncadd.s32 @!p0 $0xFFFFD800;
	s2 =	sadd.s32 $0xA0, s22  }
0x69: {  	[tilespmem:s25], [sflag:$0x3] =	stream.indirect.gather [hbm4b:s1+s3], $0x80, s2, s3, $0xb8;
	[tilespmem:$0x1FA00] =	vst v63  }
0x6a: {  	s5 =	sshra.s32 s10, $0x2;
	s10 =	simm.s32 $0x2;
	s2 =	simm.s32 $0x1  }
0x6b: {  	s5 =	sadd.s32 $0xA00, s5;
	p1 =	por p1, p1;
	_ =	swait.ge [sflag:s2], $0x2800  }
0x6c: {  	s6 =	simm.s32 @!p0 $0x8;
	p2 =	por $0x0, $0x0;
	[sflag:s2] =	ssyncset.done $0x0  }
0x6d: {  	s24 =	simm.s32 @!p1 $0x6;
	s8 =	sadd.s32 $0xA00, s17;
	[sflag:s2] =	ssyncadd.s32 $0xFFFFD800  }
0x6e: {  	[spmem:s4] =	stream.indirect.scatter.add.f32 [tilespmem:s28], [sflag:$0x5], $0x80, s8, s3, $0xb8;
	[tilespmem:$0x1FA00] =	vst v63  }
0x6f: {  	s12 =	simm.s32 @!p2 $0x7;
	s0 =	simm.s32 @!p1 $0x3;
	_ =	swait.ge @!p0 [sflag:s6], $0x2800  }
0x70: {  	s29 =	simm.s32 @!p1 $0x6A00;
	s17 =	simm.s32 @!p1 $0x1A00;
	[sflag:s6] =	ssyncset.done @!p0 $0x0  }
0x71: {  	s20 =	simm.s32 $0x5;
	s9 =	sadd.s32 $0xF0, s22;
	[sflag:s6] =	ssyncadd.s32 @!p0 $0xFFFFD800  }
0x72: {  	[tilespmem:s31], [sflag:$0x4] =	stream.indirect.gather [hbm4b:s1+s3], $0x80, s9, s3, $0xb8;
	[tilespmem:$0x1FA00] =	vst v63  }
0x73: {  	s25 =	simm.s32 @!p1 $0x4200;
	s2 =	simm.s32 @!p1 $0x50;
	_ =	swait.ge [sflag:s10], $0x2800  }
0x74: {  	s8 =	simm.s32 @p1 $0x6A00;
	s28 =	sadd.s32 $0xA00, s14;
	[sflag:s10] =	ssyncset.done $0x0  }
0x75: {  	s14 =	simm.s32 $0x5;
	p0 =	por $0x0, $0x0;
	[sflag:s10] =	ssyncadd.s32 $0xFFFFD800  }
0x76: {  	[spmem:s4] =	stream.indirect.scatter.add.f32 [tilespmem:s13], [sflag:$0x6], $0x80, s5, s3, $0xb8;
	[tilespmem:$0x1FA00] =	vst v63  }
0x77: {  	s6 =	simm.s32 $0x0;
	s9 =	simm.s32 @p1 $0x6;
	_ =	swait.ge [sflag:s14], $0x2800  }
0x78: {  	s31 =	simm.s32 @p1 $0x50;
	s22 =	simm.s32 @!p0 $0x8;
	[sflag:s14] =	ssyncset.done $0x0  }
0x79: {  	s7 =	sand.u32 @!p0 $0xC, s22;
	s13 =	simm.s32 @p1 $0x3;
	[sflag:s20] =	ssyncadd.s32 $0xFFFFD800  }
0x7a: {  	s14 =	simm.s32 $0x0;
	s20 =	sor.u32 $0x1000, s6;
	_ =	swait.ge @p1 [sflag:s13], $0x2800  }
0x7b: {  	s5 =	smul.u32 $0xFFFFEC00, s14;
	p4 =	sne.s32 @!p3 s20, $0x800;
	[sflag:s13] =	ssyncset.done @p1 $0x0  }
0x7c: {  	s20 =	sand.u32 @!p0 $0xD, s16;
	p4 =	por p4, p3;
	[sflag:s13] =	ssyncadd.s32 @p1 $0xFFFFD800  }
0x7d: {  	[spmem:s4] =	stream.indirect.scatter.add.f32 @p1 [tilespmem:s8], [sflag:$0x7], $0x80, s30, s31, $0xb8;
	[tilespmem:$0x1FA00] =	vst v63  }
0x7e: {  	s13 =	smul.u32 @!p0 $0x140, s7;
	s30 =	sand.u32 $0x1, s14;
	_ =	swait.ge @p1 [sflag:s9], $0x2800  }
0x7f: {  	s7 =	simm.s32 @!p4 $0x1;
	s31 =	sxor.u32 @!p4 $0x1, s30;
	[sflag:s9] =	ssyncset.done @p1 $0x0  }
0x80: {  	[sflag:s9] =	ssyncadd.s32 @p1 $0xFFFFD800;
	s9 =	smul.u32 @!p4 $0x1400, s31;
	s31 =	sshll.u32 @!p4 s31, $0xB  }
.LBB2_2:
0x81: {  	s1 =	rddreg [dreg:$0x0]  }
0x82: {  	p3 =	por p2, p2;
	s31 =	sadd.s32 @!p4 $0xA00, s31;
	s8 =	sshll.u32 s30, $0xD  }
0x83: {  	s14 =	sshll.u32 s14, $0xB;
	s13 =	sshrl.u32 @!p0 s13, $0x2;
	s22 =	sshll.u32 @!p0 s22, $0x1B  }
0x84: {  	[tilespmem:s17], [sflag:$0x1] =	stream.indirect.gather @!p1 [hbm4b:s1+s2], $0x80, s23, s2, $0xb8;
	[tilespmem:$0x1FA00] =	vst v63  }
0x85: {  	s18 =	sadd.s32 $0x1, s18;
	s17 =	smov.u32 s11;
	s23 =	smul.u32 @!p4 $0x2800, s7  }
0x86: {  	s9 =	sshrl.u32 @!p4 s9, $0x2;
	s7 =	sshll.u32 @!p4 s7, $0x8;
	s8 =	ssub.s32 s8, s6  }
0x87: {  	s11 =	sadd.s32 $0x800, s11;
	_ =	swait.ge @!p1 [sflag:s0], $0x2800;
	s6 =	sor.u32 $0x200, s8  }
0x88: {  	p5 =	sne.s32 s11, $0x10000;
	[sflag:s0] =	ssyncset.done @!p1 $0x0;
	s10 =	rddreg [dreg:$0x6]  }
0x89: {  	s6 =	sadd.s32 s6, s15;
	s23 =	sadd.s32 @!p4 s10, s23;
	[sflag:s0] =	ssyncadd.s32 @!p1 $0xFFFFD800  }
0x8a: {  	[spmem:s4] =	stream.indirect.scatter.add.f32 @!p1 [tilespmem:s29], [sflag:$0x7], $0x80, s21, s2, $0xb8;
	[tilespmem:$0x1FA00] =	vst v63  }
0x8b: {  	s0 =	sadd.s32 s8, s15;
	s6 =	sshra.s32 s6, $0x2;
	s21 =	sshrl.u32 @!p4 s23, $0x3  }
0x8c: {  	s23 =	simm.s32 $0x4;
	s0 =	sshra.s32 s0, $0x2;
	_ =	swait.ge @!p1 [sflag:s24], $0x2800  }
0x8d: {  	s6 =	sadd.s32 $0xA00, s6;
	[sflag:s24] =	ssyncset.done @!p1 $0x0;
	s10 =	rddreg [dreg:$0x7]  }
0x8e: {  	s0 =	sadd.s32 $0xA00, s0;
	s7 =	sadd.s32 @!p4 s7, s10;
	[sflag:s24] =	ssyncadd.s32 @!p1 $0xFFFFD800  }
0x8f: {  	[tilespmem:s25], [sflag:$0x2] =	stream.indirect.gather @!p1 [hbm4b:s1+s2], $0x80, s19, s2, $0xb8;
	[tilespmem:$0x1FA00] =	vst v63  }
0x90: {  	s24 =	simm.s32 @!p4 $0x9;
	s2 =	simm.s32 @!p4 $0x80;
	_ =	swait.ge [sflag:s23], $0x2800  }
0x91: {  	s25 =	sand.u32 $0x800, s14;
	s10 =	rddreg [dreg:$0x1];
	[sflag:s23] =	ssyncset.done $0x0  }
0x92: {  	s21 =	sadd.s32 @!p4 s10, s21;
	[sflag:s23] =	ssyncadd.s32 $0xFFFFD800;
	s10 =	simm.s32 $0x9200  }
0x93: {  	[spmem:s4] =	stream.indirect.scatter.add.f32 [tilespmem:s10], [sflag:$0x8], $0x80, s28, s3, $0xb8;
	[tilespmem:$0x1FA00] =	vst v63  }
0x94: {  	s19 =	simm.s32 @!p4 $0x400;
	p1 =	seq.s32 s30, $0x1;
	s23 =	sadd.s32 $0xA00, s25  }
0x95: {  	[tilespmem:s9], [sflag:$0x9] =	stream.strided.gather @!p4 [hbm4b:s21+s2], $0x500, s19, s2, $0x38;
	[tilespmem:$0x1FA00] =	vst v63  }
0x96: {  	s2 =	sor.u32 $0x400, s8;
	s9 =	ssub.s32 @p0 s23, s14;
	s14 =	simm.s32 @!p4 $0x0  }
0x97: {  	s21 =	sshra.s32 s5, $0x2;
	s23 =	sor.u32 $0x600, s8;
	_ =	swait.ge @!p4 [sflag:s24], $0x500  }
0x98: {  	s8 =	smul.u32 @!p0 $0x140, s20;
	s20 =	simm.s32 $0x1A00;
	[sflag:s24] =	ssyncset.done @!p4 $0x0  }
0x99: {  	s2 =	sadd.s32 @!p0 s2, s15;
	s5 =	sadd.s32 s23, s15;
	[sflag:s24] =	ssyncadd.s32 @!p4 $0xFFFFFB00  }
0x9a: {  	[tilespmem:s31], [sflag:$0x9] =	stream.linear.gather @!p4 [hbm4b:s7+s14], $0x800, $0x38;
	[tilespmem:$0x1FA00] =	vst v63  }
0x9b: {  	s25 =	sadd.s32 s21, s26;
	s30 =	sadd.s32 @p0 $0x3F00, s9;
	_ =	swait.ge @!p4 [sflag:s24], $0x800  }
0x9c: {  	s15 =	smov.u32 s17;
	s7 =	sshll.u32 @!p0 s16, $0x1B;
	[sflag:s24] =	ssyncset.done @!p4 $0x0  }
0x9d: {  	s26 =	sadd.s32 $0x140, s26;
	s7 =	sshra.s32 @!p0 s7, $0x1F;
	[sflag:s24] =	ssyncadd.s32 @!p4 $0xFFFFF800  }
0x9e: {  	s8 =	sshrl.u32 @!p0 s8, $0x2;
	s7 =	sand.u32 @!p0 $0x500, s7;
	_ =	swait.ge @!p3 [sflag:s12], $0x2800  }
0x9f: {  	s17 =	simm.s32 $0x1;
	s19 =	sadd.s32 @!p0 s8, s7;
	s7 =	rddreg [dreg:$0x5]  }
0xa0: {  	s2 =	sshra.s32 @!p0 s2, $0x2;
	[sflag:s12] =	ssyncset.done @!p3 $0x0;
	s7 =	simm.s32 @!p1 $0x0  }
0xa1: {  	s8 =	sshra.s32 @!p0 s22, $0x1F;
	[sflag:s12] =	ssyncadd.s32 @!p3 $0xFFFFD800;
	s12 =	sshrl.u32 s7, $0x2  }
0xa2: {  	s21 =	sadd.s32 @!p0 $0xA00, s2;
	s8 =	sand.u32 @!p0 $0x500, s8;
	s2 =	sadd.s32 s12, s25  }
0xa3: {  	s14 =	simm.s32 $0x6A00;
	s23 =	sadd.s32 @!p0 s13, s8;
	s13 =	sadd.s32 $0xA0, s2  }
0xa4: {  	[tilespmem:s14], [sflag:$0x3] =	stream.indirect.gather [hbm4b:s1+s3], $0x80, s13, s3, $0xb8;
	[tilespmem:$0x1FA00] =	vst v63  }
0xa5: {  	s5 =	sshra.s32 s5, $0x2;
	p2 =	seq.s32 s15, $0x0;
	_ =	swait.ge [sflag:s17], $0x2800  }
0xa6: {  	s28 =	sadd.s32 $0xA00, s5;
	s16 =	sadd.s32 $0x4, s16;
	[sflag:s17] =	ssyncset.done $0x0  }
0xa7: {  	p1 =	por p0, p0;
	s7 =	simm.s32 @!p3 $0x8;
	[sflag:s17] =	ssyncadd.s32 $0xFFFFD800  }
0xa8: {  	[spmem:s4] =	stream.indirect.scatter.add.f32 [tilespmem:s20], [sflag:$0x5], $0x80, s0, s3, $0xb8;
	[tilespmem:$0x1FA00] =	vst v63  }
0xa9: {  	p0 =	seq.s32 s15, $0xF800;
	s24 =	simm.s32 @!p1 $0x6;
	_ =	swait.ge @!p3 [sflag:s7], $0x2800  }
0xaa: {  	s29 =	simm.s32 @!p1 $0x6A00;
	s8 =	simm.s32 @p1 $0x6;
	[sflag:s7] =	ssyncset.done @!p3 $0x0  }
0xab: {  	s9 =	simm.s32 @p1 $0x50;
	s22 =	sadd.s32 $0xF0, s2;
	[sflag:s7] =	ssyncadd.s32 @!p3 $0xFFFFD800  }
0xac: {  	[tilespmem:s10], [sflag:$0x4] =	stream.indirect.gather [hbm4b:s1+s3], $0x80, s22, s3, $0xb8;
	[tilespmem:$0x1FA00] =	vst v63  }
0xad: {  	s31 =	simm.s32 @p1 $0x3;
	s25 =	simm.s32 @!p1 $0x4200;
	s1 =	simm.s32 $0x2  }
0xae: {  	s12 =	simm.s32 @!p2 $0x7;
	s2 =	simm.s32 @!p1 $0x50;
	_ =	swait.ge [sflag:s1], $0x2800  }
0xaf: {  	s13 =	simm.s32 $0x5;
	s14 =	sshrl.u32 s18, $0x2;
	[sflag:s1] =	ssyncset.done $0x0  }
0xb0: {  	s5 =	smul.u32 $0xFFFFEC00, s14;
	s10 =	simm.s32 $0x4200;
	[sflag:s1] =	ssyncadd.s32 $0xFFFFD800  }
0xb1: {  	[spmem:s4] =	stream.indirect.scatter.add.f32 [tilespmem:s10], [sflag:$0x6], $0x80, s6, s3, $0xb8;
	[tilespmem:$0x1FA00] =	vst v63  }
0xb2: {  	s17 =	simm.s32 @!p1 $0x1A00;
	s0 =	simm.s32 @!p1 $0x3;
	_ =	swait.ge [sflag:s13], $0x2800  }
0xb3: {  	s20 =	sand.u32 @!p0 $0xD, s16;
	p3 =	sgt.u32 s18, $0x1C;
	[sflag:s13] =	ssyncset.done $0x0  }
0xb4: {  	s22 =	sadd.s32 @!p0 $0xFFFFFFFF, s16;
	s6 =	sshll.u32 s14, $0xD;
	[sflag:s13] =	ssyncadd.s32 $0xFFFFD800  }
0xb5: {  	s10 =	sand.u32 @!p0 $0xC, s22;
	s13 =	sor.u32 $0x1000, s6;
	_ =	swait.ge @p1 [sflag:s31], $0x2800  }
0xb6: {  	p4 =	sne.s32 @!p3 s13, s15;
	s13 =	smul.u32 @!p0 $0x140, s10;
	[sflag:s31] =	ssyncset.done @p1 $0x0  }
.Ltmp0:
0xb7: {  	s7 =	simm.s32 @p1 $0x6A00;
	[sflag:s31] =	ssyncadd.s32 @p1 $0xFFFFD800;
	(pc) =	sbr.rel @p5 .LBB2_2-.Ltmp0, $4  }
0xb8: {  	[spmem:s4] =	stream.indirect.scatter.add.f32 @p1 [tilespmem:s7], [sflag:$0x7], $0x80, s30, s9, $0xb8;
	[tilespmem:$0x1FA00] =	vst v63  }
0xb9: {  	p4 =	por p4, p3;
	s30 =	sand.u32 $0x1, s14;
	_ =	swait.ge @p1 [sflag:s8], $0x2800  }
0xba: {  	s7 =	sadd.s32 @!p4 $0x1, s14;
	s10 =	sxor.u32 @!p4 $0x1, s30;
	[sflag:s8] =	ssyncset.done @p1 $0x0  }
0xbb: {  	s9 =	smul.u32 @!p4 $0x1400, s10;
	s31 =	sshll.u32 @!p4 s10, $0xB;
	[sflag:s8] =	ssyncadd.s32 @p1 $0xFFFFD800  }
0xbc: {  	s1 =	rddreg [dreg:$0x0]  }
0xbd: {  	[tilespmem:s17], [sflag:$0x1] =	stream.indirect.gather @!p1 [hbm4b:s1+s2], $0x80, s23, s2, $0xb8;
	[tilespmem:$0x1FA00] =	vst v63  }
0xbe: {  	_ =	swait.ge @!p1 [sflag:s0], $0x2800  }
0xbf: {  	[sflag:s0] =	ssyncset.done @!p1 $0x0  }
0xc0: {  	[sflag:s0] =	ssyncadd.s32 @!p1 $0xFFFFD800  }
0xc1: {  	[spmem:s4] =	stream.indirect.scatter.add.f32 @!p1 [tilespmem:s29], [sflag:$0x7], $0x80, s21, s2, $0xb8;
	[tilespmem:$0x1FA00] =	vst v63  }
0xc2: {  	_ =	swait.ge @!p1 [sflag:s24], $0x2800  }
0xc3: {  	[sflag:s24] =	ssyncset.done @!p1 $0x0  }
0xc4: {  	[sflag:s24] =	ssyncadd.s32 @!p1 $0xFFFFD800;
	s24 =	simm.s32 $0x4  }
0xc5: {  	[tilespmem:s25], [sflag:$0x2] =	stream.indirect.gather @!p1 [hbm4b:s1+s2], $0x80, s19, s2, $0xb8;
	[tilespmem:$0x1FA00] =	vst v63  }
0xc6: {  	s0 =	smul.u32 @!p4 $0x2800, s7;
	_ =	swait.ge [sflag:s24], $0x2800  }
0xc7: {  	s2 =	rddreg [dreg:$0x6];
	[sflag:s24] =	ssyncset.done $0x0  }
0xc8: {  	s21 =	simm.s32 $0x9200;
	s0 =	sadd.s32 @!p4 s2, s0;
	[sflag:s24] =	ssyncadd.s32 $0xFFFFD800  }
0xc9: {  	[spmem:s4] =	stream.indirect.scatter.add.f32 [tilespmem:s21], [sflag:$0x8], $0x80, s28, s3, $0xb8;
	[tilespmem:$0x1FA00] =	vst v63  }
0xca: {  	s8 =	simm.s32 @!p4 $0x80;
	s0 =	sshrl.u32 @!p4 s0, $0x3;
	s10 =	rddreg [dreg:$0x1]  }
0xcb: {  	s2 =	sshrl.u32 @!p4 s9, $0x2;
	s9 =	simm.s32 @!p4 $0x400;
	s0 =	sadd.s32 @!p4 s10, s0  }
0xcc: {  	[tilespmem:s2], [sflag:$0x9] =	stream.strided.gather @!p4 [hbm4b:s0+s8], $0x500, s9, s8, $0x38;
	[tilespmem:$0x1FA00] =	vst v63  }
0xcd: {  	s0 =	simm.s32 @!p4 $0x9  }
0xce: {  	s7 =	sshll.u32 @!p4 s7, $0x8;
	_ =	swait.ge @!p4 [sflag:s0], $0x500  }
0xcf: {  	s2 =	sadd.s32 @!p4 $0xA00, s31;
	[sflag:s0] =	ssyncset.done @!p4 $0x0;
	s8 =	rddreg [dreg:$0x7]  }
0xd0: {  	s7 =	sadd.s32 @!p4 s7, s8;
	s8 =	simm.s32 @!p4 $0x0;
	[sflag:s0] =	ssyncadd.s32 @!p4 $0xFFFFFB00  }
0xd1: {  	[tilespmem:s2], [sflag:$0x9] =	stream.linear.gather @!p4 [hbm4b:s7+s8], $0x800, $0x38;
	[tilespmem:$0x1FA00] =	vst v63  }
0xd2: {  	_ =	swait.ge @!p4 [sflag:s0], $0x800  }
0xd3: {  	[sflag:s0] =	ssyncset.done @!p4 $0x0  }
0xd4: {  	p1 =	por p2, p2;
	[sflag:s0] =	ssyncadd.s32 @!p4 $0xFFFFF800  }
0xd5: {  	_ =	swait.ge @!p1 [sflag:s12], $0x2800  }
0xd6: {  	p2 =	seq.s32 s30, $0x1;
	s0 =	rddreg [dreg:$0x5]  }
0xd7: {  	s18 =	sshll.u32 s30, $0xD;
	s17 =	sshra.s32 s5, $0x2;
	s0 =	simm.s32 @!p2 $0x0  }
0xd8: {  	s2 =	sadd.s32 s17, s26;
	[sflag:s12] =	ssyncset.done @!p1 $0x0;
	s0 =	sshrl.u32 s0, $0x2  }
0xd9: {  	s17 =	simm.s32 $0x6A00;
	[sflag:s12] =	ssyncadd.s32 @!p1 $0xFFFFD800;
	s2 =	sadd.s32 s0, s2  }
0xda: {  	s0 =	ssub.s32 s18, s6;
	s18 =	simm.s32 $0x1;
	s19 =	sadd.s32 $0xA0, s2  }
0xdb: {  	[tilespmem:s17], [sflag:$0x3] =	stream.indirect.gather [hbm4b:s1+s3], $0x80, s19, s3, $0xb8;
	[tilespmem:$0x1FA00] =	vst v63  }
0xdc: {  	s23 =	sadd.s32 s0, s15;
	_ =	swait.ge [sflag:s18], $0x2800  }
0xdd: {  	s5 =	sshra.s32 s23, $0x2;
	[sflag:s18] =	ssyncset.done $0x0  }
0xde: {  	s25 =	simm.s32 $0x1A00;
	s5 =	sadd.s32 $0xA00, s5;
	[sflag:s18] =	ssyncadd.s32 $0xFFFFD800  }
0xdf: {  	[spmem:s4] =	stream.indirect.scatter.add.f32 [tilespmem:s25], [sflag:$0x5], $0x80, s5, s3, $0xb8;
	[tilespmem:$0x1FA00] =	vst v63  }
0xe0: {  	s5 =	simm.s32 @!p1 $0x8  }
0xe1: {  	_ =	swait.ge @!p1 [sflag:s5], $0x2800  }
0xe2: {  	s26 =	sor.u32 $0x200, s0;
	[sflag:s5] =	ssyncset.done @!p1 $0x0  }
0xe3: {  	s2 =	sadd.s32 $0xF0, s2;
	s23 =	simm.s32 $0x2;
	[sflag:s5] =	ssyncadd.s32 @!p1 $0xFFFFD800  }
0xe4: {  	[tilespmem:s21], [sflag:$0x4] =	stream.indirect.gather [hbm4b:s1+s3], $0x80, s2, s3, $0xb8;
	[tilespmem:$0x1FA00] =	vst v63  }
0xe5: {  	s28 =	sadd.s32 s26, s15;
	_ =	swait.ge [sflag:s23], $0x2800  }
0xe6: {  	s29 =	simm.s32 $0x4200;
	s2 =	sshra.s32 s28, $0x2;
	[sflag:s23] =	ssyncset.done $0x0  }
0xe7: {  	s30 =	simm.s32 $0x5;
	s2 =	sadd.s32 $0xA00, s2;
	[sflag:s23] =	ssyncadd.s32 $0xFFFFD800  }
0xe8: {  	[spmem:s4] =	stream.indirect.scatter.add.f32 [tilespmem:s29], [sflag:$0x6], $0x80, s2, s3, $0xb8;
	[tilespmem:$0x1FA00] =	vst v63  }
0xe9: {  	s2 =	sshll.u32 s14, $0xB;
	_ =	swait.ge [sflag:s30], $0x2800  }
0xea: {  	p1 =	por p0, p0;
	s6 =	sand.u32 $0x800, s2;
	[sflag:s30] =	ssyncset.done $0x0  }
0xeb: {  	s5 =	sadd.s32 $0xA00, s6;
	s6 =	simm.s32 @p1 $0x3;
	[sflag:s30] =	ssyncadd.s32 $0xFFFFD800  }
0xec: {  	_ =	swait.ge @p1 [sflag:s6], $0x2800  }
0xed: {  	s2 =	ssub.s32 @p0 s5, s2;
	s5 =	simm.s32 @p1 $0x6A00;
	[sflag:s6] =	ssyncset.done @p1 $0x0  }
0xee: {  	s2 =	sadd.s32 @p0 $0x3F00, s2;
	[sflag:s6] =	ssyncadd.s32 @p1 $0xFFFFD800;
	s6 =	simm.s32 @p1 $0x50  }
0xef: {  	[spmem:s4] =	stream.indirect.scatter.add.f32 @p1 [tilespmem:s5], [sflag:$0x7], $0x80, s2, s6, $0xb8;
	[tilespmem:$0x1FA00] =	vst v63  }
0xf0: {  	s2 =	sshll.u32 @!p0 s22, $0x1B  }
0xf1: {  	s5 =	simm.s32 @p1 $0x6;
	s2 =	sshra.s32 @!p0 s2, $0x1F  }
0xf2: {  	s6 =	sshrl.u32 @!p0 s13, $0x2;
	_ =	swait.ge @p1 [sflag:s5], $0x2800;
	s2 =	sand.u32 @!p0 $0x500, s2  }
0xf3: {  	[sflag:s5] =	ssyncset.done @p1 $0x0;
	s2 =	sadd.s32 @!p0 s6, s2  }
0xf4: {  	s6 =	simm.s32 @!p1 $0x50;
	[sflag:s5] =	ssyncadd.s32 @p1 $0xFFFFD800;
	s5 =	simm.s32 @!p1 $0x1A00  }
0xf5: {  	[tilespmem:s5], [sflag:$0x1] =	stream.indirect.gather @!p1 [hbm4b:s1+s6], $0x80, s2, s6, $0xb8;
	[tilespmem:$0x1FA00] =	vst v63  }
0xf6: {  	s2 =	sor.u32 $0x400, s0;
	s5 =	simm.s32 @!p1 $0x3  }
0xf7: {  	s2 =	sadd.s32 @!p0 s2, s15;
	_ =	swait.ge @!p1 [sflag:s5], $0x2800  }
0xf8: {  	s2 =	sshra.s32 @!p0 s2, $0x2;
	[sflag:s5] =	ssyncset.done @!p1 $0x0  }
0xf9: {  	s2 =	sadd.s32 @!p0 $0xA00, s2;
	[sflag:s5] =	ssyncadd.s32 @!p1 $0xFFFFD800;
	s5 =	simm.s32 @!p1 $0x6A00  }
0xfa: {  	[spmem:s4] =	stream.indirect.scatter.add.f32 @!p1 [tilespmem:s5], [sflag:$0x7], $0x80, s2, s6, $0xb8;
	[tilespmem:$0x1FA00] =	vst v63  }
0xfb: {  	s7 =	simm.s32 @!p1 $0x6;
	s2 =	sshll.u32 @!p0 s16, $0x1B;
	s5 =	smul.u32 @!p0 $0x140, s20  }
0xfc: {  	s0 =	sor.u32 $0x600, s0;
	s2 =	sshra.s32 @!p0 s2, $0x1F;
	_ =	swait.ge @!p1 [sflag:s7], $0x2800  }
0xfd: {  	s2 =	sand.u32 @!p0 $0x500, s2;
	s5 =	sshrl.u32 @!p0 s5, $0x2;
	[sflag:s7] =	ssyncset.done @!p1 $0x0  }
0xfe: {  	s2 =	sadd.s32 @!p0 s5, s2;
	[sflag:s7] =	ssyncadd.s32 @!p1 $0xFFFFD800;
	s5 =	simm.s32 @!p1 $0x4200  }
0xff: {  	[tilespmem:s5], [sflag:$0x2] =	stream.indirect.gather @!p1 [hbm4b:s1+s6], $0x80, s2, s6, $0xb8;
	[tilespmem:$0x1FA00] =	vst v63  }
0x100: {  	s0 =	sadd.s32 s0, s15;
	_ =	swait.ge [sflag:s24], $0x2800  }
0x101: {  	s0 =	sshra.s32 s0, $0x2;
	[sflag:s24] =	ssyncset.done $0x0  }
0x102: {  	s9 =	simm.s32 $0x7;
	s0 =	sadd.s32 $0xA00, s0;
	[sflag:s24] =	ssyncadd.s32 $0xFFFFD800  }
0x103: {  	[spmem:s4] =	stream.indirect.scatter.add.f32 [tilespmem:s21], [sflag:$0x8], $0x80, s0, s3, $0xb8;
	[tilespmem:$0x1FA00] =	vst v63  }
0x104: {  	_ =	swait.ge [sflag:s9], $0x2800  }
0x105: {  	[sflag:s9] =	ssyncset.done $0x0  }
0x106: {  	s11 =	simm.s32 $0x8;
	[sflag:s9] =	ssyncadd.s32 $0xFFFFD800  }
0x107: {  	_ =	swait.ge [sflag:s11], $0x2800  }
0x108: {  	[sflag:s11] =	ssyncset.done $0x0  }
0x109: {  	[sflag:s11] =	ssyncadd.s32 $0xFFFFD800  }
0x10a: {  	[bflag:$0x0] =	sbarrier.arrive $0xFFFF  }
0x10b: {  	s14 =	simm.s32 $0x9;
	s2 =	rddreg [dreg:$0x12]  }
0x10c: {  	[tilespmem:s25], [sflag:$0x9] =	stream.linear.gather [spmem:s2], $0x2800, $0x38;
	[tilespmem:$0x1FA00] =	vst v63  }
0x10d: {  	_ =	swait.ge [sflag:s14], $0x2800  }
0x10e: {  	[sflag:s14] =	ssyncset.done $0x0  }
0x10f: {  	s19 =	simm.s32 $0x0;
	s12 =	rddreg [dreg:$0x8];
	[sflag:s14] =	ssyncadd.s32 $0xFFFFD800  }
0x110: {  	[hbm4b:s12+s19] =	stream.linear.scatter [tilespmem:s25], [sflag:$0x1], $0x2800, $0x38;
	[tilespmem:$0x1FA00] =	vst v63  }
0x111: {  	s5 =	rddreg [dreg:$0x13]  }
0x112: {  	[tilespmem:s29], [sflag:$0x9] =	stream.linear.gather [spmem:s5], $0x2800, $0x38;
	[tilespmem:$0x1FA00] =	vst v63  }
0x113: {  	_ =	swait.ge [sflag:s14], $0x2800  }
0x114: {  	[sflag:s14] =	ssyncset.done $0x0  }
0x115: {  	s13 =	rddreg [dreg:$0x9];
	[sflag:s14] =	ssyncadd.s32 $0xFFFFD800  }
0x116: {  	[hbm4b:s13+s19] =	stream.linear.scatter [tilespmem:s29], [sflag:$0x2], $0x2800, $0x38;
	[tilespmem:$0x1FA00] =	vst v63  }
0x117: {  	s6 =	rddreg [dreg:$0x14]  }
0x118: {  	[tilespmem:s17], [sflag:$0x9] =	stream.linear.gather [spmem:s6], $0x2800, $0x38;
	[tilespmem:$0x1FA00] =	vst v63  }
0x119: {  	_ =	swait.ge [sflag:s14], $0x2800  }
0x11a: {  	[sflag:s14] =	ssyncset.done $0x0  }
0x11b: {  	s15 =	rddreg [dreg:$0xa];
	[sflag:s14] =	ssyncadd.s32 $0xFFFFD800  }
0x11c: {  	[hbm4b:s15+s19] =	stream.linear.scatter [tilespmem:s17], [sflag:$0x3], $0x2800, $0x38;
	[tilespmem:$0x1FA00] =	vst v63  }
0x11d: {  	s7 =	rddreg [dreg:$0x15]  }
0x11e: {  	[tilespmem:s21], [sflag:$0x9] =	stream.linear.gather [spmem:s7], $0x2800, $0x38;
	[tilespmem:$0x1FA00] =	vst v63  }
0x11f: {  	_ =	swait.ge [sflag:s14], $0x2800  }
0x120: {  	[sflag:s14] =	ssyncset.done $0x0  }
0x121: {  	s16 =	rddreg [dreg:$0xb];
	[sflag:s14] =	ssyncadd.s32 $0xFFFFD800  }
0x122: {  	[hbm4b:s16+s19] =	stream.linear.scatter [tilespmem:s21], [sflag:$0x4], $0x2800, $0x38;
	[tilespmem:$0x1FA00] =	vst v63  }
0x123: {  	_ =	swait.ge [sflag:s18], $0x2800  }
0x124: {  	[sflag:s18] =	ssyncset.done $0x0  }
0x125: {  	s9 =	rddreg [dreg:$0x16];
	[sflag:s18] =	ssyncadd.s32 $0xFFFFD800  }
0x126: {  	[tilespmem:s25], [sflag:$0x9] =	stream.linear.gather [spmem:s9], $0x2800, $0x38;
	[tilespmem:$0x1FA00] =	vst v63  }
0x127: {  	_ =	swait.ge [sflag:s14], $0x2800  }
0x128: {  	[sflag:s14] =	ssyncset.done $0x0  }
0x129: {  	s20 =	rddreg [dreg:$0xc];
	[sflag:s14] =	ssyncadd.s32 $0xFFFFD800  }
0x12a: {  	[hbm4b:s20+s19] =	stream.linear.scatter [tilespmem:s25], [sflag:$0x1], $0x2800, $0x38;
	[tilespmem:$0x1FA00] =	vst v63  }
0x12b: {  	_ =	swait.ge [sflag:s23], $0x2800  }
0x12c: {  	[sflag:s23] =	ssyncset.done $0x0  }
0x12d: {  	s11 =	rddreg [dreg:$0x17];
	[sflag:s23] =	ssyncadd.s32 $0xFFFFD800  }
0x12e: {  	[tilespmem:s29], [sflag:$0x9] =	stream.linear.gather [spmem:s11], $0x2800, $0x38;
	[tilespmem:$0x1FA00] =	vst v63  }
0x12f: {  	_ =	swait.ge [sflag:s14], $0x2800  }
0x130: {  	[sflag:s14] =	ssyncset.done $0x0  }
0x131: {  	s25 =	simm.s32 $0x3;
	s22 =	rddreg [dreg:$0xd];
	[sflag:s14] =	ssyncadd.s32 $0xFFFFD800  }
0x132: {  	[hbm4b:s22+s19] =	stream.linear.scatter [tilespmem:s29], [sflag:$0x2], $0x2800, $0x38;
	[tilespmem:$0x1FA00] =	vst v63  }
0x133: {  	_ =	swait.ge [sflag:s25], $0x2800  }
0x134: {  	[sflag:s25] =	ssyncset.done $0x0  }
0x135: {  	s12 =	rddreg [dreg:$0x18];
	[sflag:s25] =	ssyncadd.s32 $0xFFFFD800  }
0x136: {  	[tilespmem:s17], [sflag:$0x9] =	stream.linear.gather [spmem:s12], $0x2800, $0x38;
	[tilespmem:$0x1FA00] =	vst v63  }
0x137: {  	_ =	swait.ge [sflag:s14], $0x2800  }
0x138: {  	[sflag:s14] =	ssyncset.done $0x0  }
0x139: {  	s26 =	rddreg [dreg:$0xe];
	[sflag:s14] =	ssyncadd.s32 $0xFFFFD800  }
0x13a: {  	[hbm4b:s26+s19] =	stream.linear.scatter [tilespmem:s17], [sflag:$0x3], $0x2800, $0x38;
	[tilespmem:$0x1FA00] =	vst v63  }
0x13b: {  	_ =	swait.ge [sflag:s24], $0x2800  }
0x13c: {  	[sflag:s24] =	ssyncset.done $0x0  }
0x13d: {  	s13 =	rddreg [dreg:$0x19];
	[sflag:s24] =	ssyncadd.s32 $0xFFFFD800  }
0x13e: {  	[tilespmem:s21], [sflag:$0x9] =	stream.linear.gather [spmem:s13], $0x2800, $0x38;
	[tilespmem:$0x1FA00] =	vst v63  }
0x13f: {  	_ =	swait.ge [sflag:s14], $0x2800  }
0x140: {  	[sflag:s14] =	ssyncset.done $0x0  }
0x141: {  	s28 =	rddreg [dreg:$0xf];
	[sflag:s14] =	ssyncadd.s32 $0xFFFFD800  }
0x142: {  	[hbm4b:s28+s19] =	stream.linear.scatter [tilespmem:s21], [sflag:$0x4], $0x2800, $0x38;
	[tilespmem:$0x1FA00] =	vst v63  }
0x143: {  	_ =	swait.ge [sflag:s18], $0x2800  }
0x144: {  	[sflag:s18] =	ssyncset.done $0x0  }
0x145: {  	[sflag:s18] =	ssyncadd.s32 $0xFFFFD800  }
0x146: {  	_ =	swait.ge [sflag:s23], $0x2800  }
0x147: {  	[sflag:s23] =	ssyncset.done $0x0  }
0x148: {  	[sflag:s23] =	ssyncadd.s32 $0xFFFFD800  }
0x149: {  	_ =	swait.ge [sflag:s25], $0x2800  }
0x14a: {  	[sflag:s25] =	ssyncset.done $0x0  }
0x14b: {  	[sflag:s25] =	ssyncadd.s32 $0xFFFFD800  }
0x14c: {  	_ =	swait.ge [sflag:s24], $0x2800  }
0x14d: {  	s29 =	rddreg [dreg:$0x1b]  }
0x14e: {  	s30 =	rddreg [dreg:$0x1a];
	s1 =	sadd.s32 $0x1, s29  }
0x14f: {  	p0 =	sne.s32 s1, s30  }
.Ltmp1:
0x150: {  	_ = 	snop;
	(pc) =	sbr.rel @p0 .LBB2_1-.Ltmp1, $3  }
0x151: {  	_ =	sdelay $0x1  }
0x152: {  	[sflag:s24] =	ssyncset.done $0x0  }
0x153: {  	s31 =	simm.s32 $0x9200;
	[sflag:s24] =	ssyncadd.s32 $0xFFFFD800  }
0x154: {  	_ =	sfence.sel $0x180000  }
0x155: {  	[bflag:$0x0] =	sbarrier.arrive $0xFFFF  }
0x156: {  	_ =	strace $0x90000047  }
0x157: {  	s0 =	stileid.u32;
	[bflag:$0x2] =	sbarrier.arrive $0xFFFF  }
0x158: {  	p0 =	sne.s32 s0, $0x0;
	s0 =	rddreg [dreg:$0x4]  }
0x159: {  	s0 =	sadd.s32 @!p0 $0x100000, s0  }
0x15a: {  	[sflag:s0] =	ssyncadd.tile.s32 @!p0 $0x1;
	_ =	shalt  }
.Lfunc_end2:
_tile_overlayer_lowered:
.L_overlay_start_2:
0x15b: {  	(tag) =	ssettag $0x2  }
0x15c: {  	s0 =	rddreg [dreg:$0x0];
	s2 =	stileid.u32  }
0x15d: {  	s1 =	rddreg [dreg:$0x1];
	p0 =	sne.s32 s2, $0x0  }
0x15e: {  	s3 =	rddreg [dreg:$0x2];
	[bflag:$0x3] =	sbarrier.arrive $0xFFFF;
	s2 =	simm.s32 @!p0 $0x1C09  }
0x15f: {  	[timem:s3], [sflag:s2] =	dma.local @!p0 [hbm:s0], s1  }
0x160: {  	s0 =	simm.s32 @!p0 $0x9  }
0x161: {  	_ =	swait.ge @!p0 [sflag:s0], s1  }
0x162: {  	s1 =	ssub.s32 @!p0 $0x0, s1;
	[sflag:s0] =	ssyncset.done @!p0 $0x0  }
0x163: {  	[sflag:s0] =	ssyncadd.s32 @!p0 s1  }
0x164: {  	[bflag:$0x3] =	sbarrier.arrive $0xFFFF  }
0x165: {  	_ =	shalt  }

// kernel: kernel.9.cloned.1.call-start
scs
__scs_entry_jumppad:
0x0: {  	(pc) =	sbr.rel $0x88, $3  }
0x1: {  	(tag) =	ssettag $0x0;
	lr =	simm.s32 $0x1  }
0x2: {  	[smem:$0x3F91] =	sst lr;
	_ =	strace $0xD0000000  }
0x3: {  	_ = 	snop  }
0x4: {  	_ = 	snop  }
0x5: {  	_ = 	snop  }
0x6: {  	_ = 	snop  }
0x7: {  	_ = 	snop  }
__scs_overlays_trampoline_lowered:
0x8: {  	[smem:$0x3FA0] =	sst s0  }
0x9: {  	[smem:$0x3FA1] =	sst s1  }
0xa: {  	[smem:$0x3FA2] =	sst s2  }
0xb: {  	[smem:$0x3FA3] =	sst s3  }
0xc: {  	[smem:$0x3FA4] =	sst s4  }
0xd: {  	[smem:$0x3FA5] =	sst s5  }
0xe: {  	[smem:$0x3FA6] =	sst s6  }
0xf: {  	[smem:$0x3FA7] =	sst s7  }
0x10: {  	[smem:$0x3FA8] =	sst s8  }
0x11: {  	[smem:$0x3FA9] =	sst s9;
	s0 =	simm.s32 @!p0 $0x0  }
0x12: {  	s1 =	sld [smem:$0x3F8F];
	s0 =	simm.s32 @p0 $0x1  }
0x13: {  	[smem:$0x3FAA] =	sst s0;
	s0 =	simm.s32 @!p1 $0x0  }
0x14: {  	s2 =	sld [smem:$0x3F8E];
	s0 =	simm.s32 @p1 $0x1  }
0x15: {  	[smem:$0x3FAB] =	sst s0;
	s0 =	simm.s32 @!p2 $0x0  }
0x16: {  	s3 =	sld [smem:$0x3FDB];
	s0 =	simm.s32 @p2 $0x1  }
0x17: {  	s4 =	simm.s32 $0x1BF5;
	[smem:$0x3FAD] =	sst s0  }
0x18: {  	s0 =	sld [smem:$0x3F90];
	_ =	swait.ge [sflag:s4], $0x0  }
0x19: {  	s7 =	sld [smem:$0x3F91]  }
0x1a: {  	s8 =	sadd.s32 $0xFFFFE003, lr  }
0x1b: {  	s9 =	sadd.s32 $0xFFFFFEF7, lr;
	s5 =	simm.s32 $0xFFFFFFFF;
	p2 =	slt.u32 s8, $0xFFFFF086  }
0x1c: {  	p1 =	slt.u32 s9, $0xF7A;
	s5 =	simm.s32 @!p2 $0x0  }
0x1d: {  	s5 =	simm.s32 @p1 $0x1;
	p0 =	seq.s32 s7, s2  }
0x1e: {  	s7 =	smul.u32 @!p0 $0xF7A, s2;
	p2 =	seq.s32 @!p0 s5, $0x0  }
0x1f: {  	s9 =	smul.u32 $0xF7A, s1;
	s8 =	simm.s32 @!p0 $0x1BF5;
	p2 =	por !p2, p0  }
0x20: {  	[sflag:s8] =	ssyncset.s32 @!p0 $0xFFFFF086;
	s6 =	sadd.s32 @!p0 s3, s7;
	s7 =	simm.s32 @!p0 $0x108  }
0x21: {  	s3 =	sadd.s32 s3, s9;
	s6 =	sadd.s32 @!p0 $0x88, s6;
	s7 =	simm.s32 @p2 $0x1082  }
0x22: {  	[simem:s7], [sflag:s8] =	dma.local @!p0 [hbm:s6], $0xF7A  }
0x23: {  	s9 =	sor.u32 $0xD0000000, s2;
	s6 =	simm.s32 $0x108;
	_ =	swait.ge @!p0 [sflag:s8], $0x0  }
0x24: {  	s3 =	sadd.s32 $0x88, s3;
	s6 =	simm.s32 @!p1 $0x1082;
	[sflag:s4] =	ssyncset.s32 $0xFFFFF086  }
0x25: {  	[simem:s6], [sflag:s4] =	dma.local [hbm:s3], $0xF7A  }
0x26: {  	[smem:$0x3F91] =	sst s1;
	(tag) =	ssettag s2;
	_ =	strace s9  }
0x27: {  	s1 =	sld [smem:$0x3FA1]  }
0x28: {  	s2 =	sld [smem:$0x3FA2]  }
0x29: {  	s4 =	sld [smem:$0x3FA4]  }
0x2a: {  	p0 =	seq.s32 s5, $0x0;
	s5 =	sld [smem:$0x3FA5]  }
0x2b: {  	s6 =	sld [smem:$0x3FA6]  }
0x2c: {  	s7 =	sld [smem:$0x3FA7]  }
0x2d: {  	s3 =	simm.s32 $0x108;
	s8 =	sld [smem:$0x3FA8]  }
0x2e: {  	s3 =	simm.s32 @!p0 $0x1082;
	s9 =	sld [smem:$0x3FA9]  }
0x2f: {  	lr =	sadd.s32 s0, s3;
	s0 =	sld [smem:$0x3FA0]  }
0x30: {  	s3 =	sld [smem:$0x3FA3]  }
0x31: {  	[smem:$0x3FAC] =	sst s10  }
0x32: {  	s10 =	sld [smem:$0x3FAA];
	_ =	sdelay $0x3  }
0x33: {  	p0 =	seq.s32 s10, $0x1;
	s10 =	sld [smem:$0x3FAC];
	_ =	sdelay $0x3  }
0x34: {  	[smem:$0x3FAC] =	sst s10  }
0x35: {  	s10 =	sld [smem:$0x3FAB];
	_ =	sdelay $0x3  }
0x36: {  	p1 =	seq.s32 s10, $0x1;
	s10 =	sld [smem:$0x3FAC];
	_ =	sdelay $0x3  }
0x37: {  	[smem:$0x3FAC] =	sst s10  }
0x38: {  	s10 =	sld [smem:$0x3FAD]  }
0x39: {  	_ = 	snop;
	(pc) =	sbr.ind lr, $3  }
0x3a: {  	_ = 	snop  }
0x3b: {  	_ = 	snop  }
0x3c: {  	p2 =	seq.s32 s10, $0x1;
	s10 =	sld [smem:$0x3FAC]  }
0x3d: {  	_ =	shalt  }
0x3e: {  	_ =	shalt  }
0x3f: {  	_ =	shalt  }
0x40: {  	_ =	shalt  }
0x41: {  	_ =	shalt  }
0x42: {  	_ =	shalt  }
0x43: {  	_ =	shalt  }
0x44: {  	_ =	shalt  }
0x45: {  	_ =	shalt  }
0x46: {  	_ =	shalt  }
0x47: {  	_ =	shalt  }
0x48: {  	_ =	shalt  }
0x49: {  	_ =	shalt  }
0x4a: {  	_ =	shalt  }
0x4b: {  	_ =	shalt  }
0x4c: {  	_ =	shalt  }
0x4d: {  	_ =	shalt  }
0x4e: {  	_ =	shalt  }
0x4f: {  	_ =	shalt  }
0x50: {  	_ =	shalt  }
0x51: {  	_ =	shalt  }
0x52: {  	_ =	shalt  }
0x53: {  	_ =	shalt  }
0x54: {  	_ =	shalt  }
0x55: {  	_ =	shalt  }
0x56: {  	_ =	shalt  }
0x57: {  	_ =	shalt  }
0x58: {  	_ =	shalt  }
0x59: {  	_ =	shalt  }
0x5a: {  	_ =	shalt  }
0x5b: {  	_ =	shalt  }
0x5c: {  	_ =	shalt  }
0x5d: {  	_ =	shalt  }
0x5e: {  	_ =	shalt  }
0x5f: {  	_ =	shalt  }
0x60: {  	_ =	shalt  }
0x61: {  	_ =	shalt  }
0x62: {  	_ =	shalt  }
0x63: {  	_ =	shalt  }
0x64: {  	_ =	shalt  }
0x65: {  	_ =	shalt  }
0x66: {  	_ =	shalt  }
0x67: {  	_ =	shalt  }
0x68: {  	_ =	shalt  }
0x69: {  	_ =	shalt  }
0x6a: {  	_ =	shalt  }
0x6b: {  	_ =	shalt  }
0x6c: {  	_ =	shalt  }
0x6d: {  	_ =	shalt  }
0x6e: {  	_ =	shalt  }
0x6f: {  	_ =	shalt  }
0x70: {  	_ =	shalt  }
0x71: {  	_ =	shalt  }
0x72: {  	_ =	shalt  }
0x73: {  	_ =	shalt  }
0x74: {  	_ =	shalt  }
0x75: {  	_ =	shalt  }
0x76: {  	_ =	shalt  }
0x77: {  	_ =	shalt  }
0x78: {  	_ =	shalt  }
0x79: {  	_ =	shalt  }
0x7a: {  	_ =	shalt  }
0x7b: {  	_ =	shalt  }
0x7c: {  	_ =	shalt  }
0x7d: {  	_ =	shalt  }
0x7e: {  	_ =	shalt  }
0x7f: {  	_ =	shalt  }
0x80: {  	_ =	shalt  }
0x81: {  	_ =	shalt  }
0x82: {  	_ =	shalt  }
0x83: {  	_ =	shalt  }
0x84: {  	_ =	shalt  }
0x85: {  	_ =	shalt  }
0x86: {  	_ =	shalt  }
0x87: {  	_ =	shalt  }
.Lfunc_end0:
.L_simem_size_0:
called_computation.1_lowered:
.L_overlay_start_0:
0x88: {  	s2 =	sld [smem:$0x3FD9]  }
0x89: {  	s3 =	sld [smem:$0x3FFE];
	_ =	sdelay $0x1  }
0x8a: {  	s1 =	srdreg.scid  }
0x8b: {  	s0 =	sand.u32 $0x1, s1  }
0x8c: {  	s17 =	sshll.u32 s0, $0xA;
	s2 =	sadd.s32 s3, s2  }
0x8d: {  	s2 =	sadd.s32 s2, s17  }
0x8e: {  	[smem:$0x3FB8] =	sst s2  }
0x8f: {  	_ = 	snop  }
0x90: {  	s2 =	sld [smem:$0x3FD0];
	(tm) =	ssettm $0x1  }
0x91: {  	s18 =	sld [smem:$0x3FFB];
	_ =	sdelay $0x3  }
0x92: {  	_ =	strace s18  }
0x93: {  	s3 =	sld [smem:$0x3FFC];
	_ =	sdelay $0x3  }
0x94: {  	_ =	strace s3  }
0x95: {  	s3 =	sld [smem:$0x3FFD];
	_ =	sdelay $0x3  }
0x96: {  	_ =	strace s3  }
0x97: {  	_ =	strace $0x8FFFFFFF  }
0x98: {  	s19 =	sld [smem:$0x3FDB];
	_ =	sdelay $0x1  }
0x99: {  	s4 =	simm.s32 $_scs_section_size  }
0x9a: {  	s5 =	simm.s32 $_size__tile_overlayer_lowered;
	s6 =	simm.s32 $_tile_overlayer_lowered  }
0x9b: {  	s22 =	simm.s32 $0x1BFF;
	s21 =	sshll.u32 s6, $0x1;
	s3 =	sadd.s32 s4, s19  }
0x9c: {  	s7 =	simm.s32 $0x0;
	s20 =	sshll.u32 s5, $0x1;
	s5 =	sadd.s32 s21, s3  }
0x9d: {  	[timem:s7], [sflag:s22] =	dma.local [hbm:s5], s20  }
0x9e: {  	_ =	swait.ge [sflag:s22], s20  }
0x9f: {  	s4 =	ssub.s32 $0x0, s20;
	[sflag:s22] =	ssyncset.done $0x0  }
0xa0: {  	[sflag:s22] =	ssyncadd.s32 s4;
	_ =	sdelay $0x1  }
0xa1: {  	s23 =	simm.s32 $0x1B8B  }
0xa2: {  	_ =	swait.ge [sflag:s23], $0x1  }
0xa3: {  	[sflag:s23] =	ssyncset.done $0x0  }
0xa4: {  	s25 =	simm.s32 $0x1B8E;
	s24 =	sld [smem:$0x3FFE];
	[sflag:s23] =	ssyncadd.s32 $0xFFFFFFFF  }
0xa5: {  	s26 =	simm.s32 $execute0_lowered;
	[smem:$0x3FD2] =	sst s25  }
0xa6: {  	s5 =	sshll.u32 s26, $0x1;
	_ =	strace $0x80000049;
	[dreg:$0x1] =	wrdreg $0xFFFFFFFF  }
0xa7: {  	s28 =	simm.s32 $_size_execute0_lowered;
	s3 =	sadd.s32 s3, s5;
	[dreg:$0x0] =	wrdreg $0x0  }
0xa8: {  	s5 =	sshll.u32 s28, $0x1;
	[dreg:$0x2] =	wrdreg s3  }
0xa9: {  	[dreg:$0x3] =	wrdreg s5  }
0xaa: {  	[dreg:$0x4] =	wrdreg $0xC0  }
0xab: {  	_ =	task [dreg:s7], $0x5FFFF  }
0xac: {  	[dreg:$0x1] =	wrdreg $0xFFFFFFFF  }
0xad: {  	[dreg:$0x0] =	wrdreg $0x60  }
0xae: {  	[dreg:$0x2] =	wrdreg s24  }
0xaf: {  	[dreg:$0x3] =	wrdreg s2  }
0xb0: {  	[dreg:$0x4] =	wrdreg $0xBA000  }
0xb1: {  	[dreg:$0x5] =	wrdreg $0x9  }
0xb2: {  	_ =	task.clear_ibuf [dreg:s7], $0x6FFFF;
	_ =	strace $0x90000049  }
0xb3: {  	s29 =	simm.s32 $0x9;
	_ =	strace $0x8000004B  }
0xb4: {  	_ =	swait.ge [sflag:s29], $0x1  }
0xb5: {  	[sflag:s29] =	ssyncadd.s32 $0xFFFFFFFF  }
0xb6: {  	_ =	strace $0x9000004B  }
0xb7: {  	_ =	sfence  }
0xb8: {  	s30 =	sld [smem:$0x0];
	_ =	sdelay $0x2  }
0xb9: {  	s31 =	sshll.u32 s1, $0xD;
	s1 =	sshrl.u32 s1, $0x2  }
0xba: {  	s3 =	sand.u32 $0x4000, s31;
	s1 =	sadd.s32 s1, s30  }
0xbb: {  	s0 =	sor.u32 s3, s0;
	s1 =	sshll.u32 s1, $0x11  }
0xbc: {  	s0 =	sor.u32 s1, s0  }
0xbd: {  	s0 =	sadd.s32 $0x8F2B, s0  }
0xbe: {  	[sflag:s0] =	ssyncadd.remote.s32 $0x1  }
0xbf: {  	_ =	sfence.sel $0xFFFF  }
0xc0: {  	[dreg:$0x0] =	wrdreg $0xFFFFFFFF;
	(pc) =	sbr.abs _section_cstart, $3  }
0xc1: {  	[dreg:$0x1] =	wrdreg $0xFFFFFFFF  }
0xc2: {  	_ =	task.clear_ibuf [dreg:s7], $0x2FFFF;
	_ =	strace $0x9FFFFFFF  }
0xc3: {  	(tm) =	ssettm $0x7FFFFFFF  }
tec
execute0_lowered:
.L_overlay_start_1:
0x0: {  	(tag) =	ssettag $0x1  }
0x1: {  	s0 =	rddreg [dreg:$0x0]  }
0x2: {  	s15 =	rddreg [dreg:$0x1]  }
0x3: {  	s3 =	rddreg [dreg:$0x2];
	s17 =	simm.s32 $0x0;
	s1 =	srdreg.scid  }
0x4: {  	s16 =	stileid.u32;
	s23 =	simm.s32 $0x1400;
	[smem:$0x7FF] =	sst s17  }
0x5: {  	s1 =	sand.u32 $0x1, s1;
	s2 =	sshll.u32 s16, $0x1;
	s4 =	sshrl.u32 s16, $0x2  }
0x6: {  	s8 =	smul.u32 $0x14000, s16;
	s9 =	sadd.s32 $0x3A600, s0;
	_ =	strace $0x8000004A  }
0x7: {  	s2 =	sor.u32 s1, s2;
	s6 =	ssub.s32 $0x2, s1;
	s4 =	smul.u32 $0x14000, s4  }
0x8: {  	s1 =	smul.u32 $0x140000, s1;
	[dreg:$0x4] =	wrdreg s23;
	s5 =	sshll.u32 s2, $0xB  }
0x9: {  	s7 =	sshrl.u32 s6, $0x1;
	s2 =	sshll.u32 s2, $0x7;
	s10 =	sadd.s32 $0xA000, s8  }
0xa: {  	s11 =	sadd.s32 $0xC800, s8;
	s12 =	sadd.s32 $0xF000, s8;
	s6 =	ssub.s32 s6, s7  }
0xb: {  	s2 =	sand.u32 $0x380, s2;
	s7 =	sadd.s32 $0x7800, s8;
	s13 =	sadd.s32 s8, s1  }
0xc: {  	s30 =	sadd.s32 s1, s10;
	s19 =	sadd.s32 s1, s11;
	s21 =	sadd.s32 s1, s12  }
0xd: {  	s10 =	sadd.s32 s10, s3;
	s11 =	sadd.s32 s11, s3;
	s12 =	sadd.s32 s12, s3  }
0xe: {  	s18 =	sor.u32 s4, s2;
	s2 =	sor.u32 $0x2800, s8;
	[dreg:$0x15] =	wrdreg s10  }
0xf: {  	s4 =	sadd.s32 $0x5000, s8;
	s8 =	sadd.s32 $0x11800, s8;
	[dreg:$0x16] =	wrdreg s11  }
0x10: {  	s13 =	sshrl.u32 s13, $0x3;
	s28 =	sadd.s32 s1, s7;
	[dreg:$0x17] =	wrdreg s12  }
0x11: {  	s7 =	sadd.s32 s7, s3;
	s14 =	sadd.s32 s1, s2;
	[dreg:$0x5] =	wrdreg s18  }
0x12: {  	s13 =	sadd.s32 s9, s13;
	s25 =	sadd.s32 s1, s4;
	[dreg:$0x14] =	wrdreg s7  }
0x13: {  	s1 =	sadd.s32 s1, s8;
	s4 =	sadd.s32 s4, s3;
	[dreg:$0x7] =	wrdreg s13  }
0x14: {  	s8 =	sadd.s32 s8, s3;
	s24 =	sshrl.u32 s14, $0x3;
	[dreg:$0x13] =	wrdreg s4  }
0x15: {  	s14 =	sshrl.u32 s30, $0x3;
	s30 =	smax.u32 s6, $0x1;
	[dreg:$0x18] =	wrdreg s8  }
0x16: {  	s1 =	sshrl.u32 s1, $0x3;
	s13 =	sadd.s32 s9, s24;
	[dreg:$0x19] =	wrdreg s30  }
0x17: {  	s26 =	sshrl.u32 s25, $0x3;
	s1 =	sadd.s32 s9, s1;
	[dreg:$0x8] =	wrdreg s13  }
0x18: {  	s25 =	sshrl.u32 s18, $0x3;
	s13 =	sadd.s32 s9, s26;
	[dreg:$0xe] =	wrdreg s1  }
0x19: {  	s29 =	sshrl.u32 s28, $0x3;
	s26 =	sadd.s32 s15, s25;
	[dreg:$0x9] =	wrdreg s13  }
0x1a: {  	s5 =	sadd.s32 s5, s0;
	s13 =	sadd.s32 s9, s29;
	[dreg:$0x10] =	wrdreg s26  }
0x1b: {  	s24 =	smul.u32 $0x50000, s16;
	s29 =	sadd.s32 $0x2E00, s5;
	[dreg:$0xa] =	wrdreg s13  }
0x1c: {  	s31 =	simm.s32 $0x9200;
	s5 =	sadd.s32 s2, s3;
	[dreg:$0x6] =	wrdreg s29  }
0x1d: {  	s28 =	sshrl.u32 s24, $0x2;
	s13 =	sadd.s32 s9, s14;
	[dreg:$0x12] =	wrdreg s5  }
0x1e: {  	s14 =	sadd.s32 $0x13400, s0;
	s0 =	sadd.s32 $0x12E00, s0;
	[dreg:$0xb] =	wrdreg s13  }
0x1f: {  	s20 =	sshrl.u32 s19, $0x3;
	s1 =	sadd.s32 s28, s3;
	[dreg:$0xf] =	wrdreg s0  }
0x20: {  	s22 =	sshrl.u32 s21, $0x3;
	s13 =	sadd.s32 s9, s20;
	[dreg:$0x11] =	wrdreg s1  }
0x21: {  	s6 =	simm.s32 $0x0;
	[dreg:$0xc] =	wrdreg s13;
	s13 =	sadd.s32 s9, s22  }
0x22: {  	s2 =	simm.s32 $0x50;
	[dreg:$0xd] =	wrdreg s13;
	s13 =	simm.s32 $0x9  }
.LBB2_1:
0x23: {  	[dreg:$0x1a] =	wrdreg s6  }
0x24: {  	s0 =	rddreg [dreg:$0x10];
	s18 =	simm.s32 $0x80;
	s9 =	simm.s32 $0x400  }
0x25: {  	[tilespmem:s17], [sflag:$0x9] =	stream.strided.gather [hbm4b:s0+s18], $0x500, s9, s18, $0x38;
	[tilespmem:$0x1FA00] =	vst v63  }
0x26: {  	_ =	swait.ge [sflag:s13], $0x500  }
0x27: {  	[sflag:s13] =	ssyncset.done $0x0  }
0x28: {  	s19 =	simm.s32 $0xA00;
	s9 =	rddreg [dreg:$0x6];
	[sflag:s13] =	ssyncadd.s32 $0xFFFFFB00  }
0x29: {  	[tilespmem:s19], [sflag:$0x9] =	stream.linear.gather [hbm4b:s9+s17], $0x800, $0x38;
	[tilespmem:$0x1FA00] =	vst v63  }
0x2a: {  	_ =	swait.ge [sflag:s13], $0x800  }
0x2b: {  	[sflag:s13] =	ssyncset.done $0x0  }
0x2c: {  	s28 =	simm.s32 $0x1A00;
	s20 =	rddreg [dreg:$0xf];
	[sflag:s13] =	ssyncadd.s32 $0xFFFFF800  }
0x2d: {  	[tilespmem:s28], [sflag:$0x9] =	stream.linear.gather [hbm4b:s20+s17], $0x2800, $0x38;
	[tilespmem:$0x1FA00] =	vst v63  }
0x2e: {  	_ =	swait.ge [sflag:s13], $0x2800  }
0x2f: {  	[sflag:s13] =	ssyncset.done $0x0  }
0x30: {  	[sflag:s13] =	ssyncadd.s32 $0xFFFFD800  }
0x31: {  	[spmem:s1] =	stream.linear.scatter [tilespmem:s28], [sflag:$0x9], $0x2800, $0x38;
	[tilespmem:$0x1FA00] =	vst v63  }
0x32: {  	_ =	swait.ge [sflag:s13], $0x2800  }
0x33: {  	[sflag:s13] =	ssyncset.done $0x0  }
0x34: {  	[sflag:s13] =	ssyncadd.s32 $0xFFFFD800  }
0x35: {  	[spmem:s5] =	stream.linear.scatter [tilespmem:s28], [sflag:$0x9], $0x2800, $0x38;
	[tilespmem:$0x1FA00] =	vst v63  }
0x36: {  	_ =	swait.ge [sflag:s13], $0x2800  }
0x37: {  	[sflag:s13] =	ssyncset.done $0x0  }
0x38: {  	s21 =	simm.s32 $0x4200;
	[sflag:s13] =	ssyncadd.s32 $0xFFFFD800  }
0x39: {  	[spmem:s4] =	stream.linear.scatter [tilespmem:s28], [sflag:$0x9], $0x2800, $0x38;
	[tilespmem:$0x1FA00] =	vst v63  }
0x3a: {  	s15 =	simm.s32 $0x800;
	p0 =	por $0x1, $0x1;
	_ =	swait.ge [sflag:s13], $0x2800  }
0x3b: {  	p1 =	por $0x0, $0x0;
	s22 =	simm.s32 $0x0;
	[sflag:s13] =	ssyncset.done $0x0  }
0x3c: {  	p2 =	por $0x0, $0x0;
	s23 =	simm.s32 $0x0;
	[sflag:s13] =	ssyncadd.s32 $0xFFFFD800  }
0x3d: {  	[spmem:s7] =	stream.linear.scatter [tilespmem:s28], [sflag:$0x9], $0x2800, $0x38;
	[tilespmem:$0x1FA00] =	vst v63  }
0x3e: {  	s0 =	simm.s32 @!p0 $0x7;
	s6 =	simm.s32 @!p1 $0x4;
	_ =	swait.ge [sflag:s13], $0x2800  }
0x3f: {  	s24 =	smul.u32 $0xFFFFEC00, s23;
	s5 =	sor.u32 $0x1000, s22;
	[sflag:s13] =	ssyncset.done $0x0  }
0x40: {  	p0 =	por p0, p0;
	p3 =	sne.s32 @!p2 s5, $0x0;
	[sflag:s13] =	ssyncadd.s32 $0xFFFFD800  }
0x41: {  	[spmem:s10] =	stream.linear.scatter [tilespmem:s28], [sflag:$0x9], $0x2800, $0x38;
	[tilespmem:$0x1FA00] =	vst v63  }
0x42: {  	s5 =	sand.u32 @!p1 $0xC, s6;
	s6 =	simm.s32 $0x5;
	_ =	swait.ge [sflag:s13], $0x2800  }
0x43: {  	p2 =	por p3, p2;
	s6 =	sand.u32 @!p1 $0xD, s6;
	[sflag:s13] =	ssyncset.done $0x0  }
0x44: {  	s5 =	smul.u32 @!p1 $0x140, s5;
	p3 =	por $0x0, $0x0;
	[sflag:s13] =	ssyncadd.s32 $0xFFFFD800  }
0x45: {  	[spmem:s11] =	stream.linear.scatter [tilespmem:s28], [sflag:$0x9], $0x2800, $0x38;
	[tilespmem:$0x1FA00] =	vst v63  }
0x46: {  	s18 =	sadd.s32 @!p2 $0x100, s9;
	s19 =	simm.s32 @!p2 $0x80;
	_ =	swait.ge [sflag:s13], $0x2800  }
0x47: {  	s20 =	simm.s32 @!p2 $0x400;
	s4 =	sand.u32 $0x1, s23;
	[sflag:s13] =	ssyncset.done $0x0  }
0x48: {  	s6 =	smul.u32 @!p1 $0x140, s6;
	s25 =	sshll.u32 s4, $0xD;
	[sflag:s13] =	ssyncadd.s32 $0xFFFFD800  }
0x49: {  	[spmem:s12] =	stream.linear.scatter [tilespmem:s28], [sflag:$0x9], $0x2800, $0x38;
	[tilespmem:$0x1FA00] =	vst v63  }
0x4a: {  	s5 =	sshrl.u32 @!p1 s5, $0x2;
	s1 =	ssub.s32 s25, s22;
	_ =	swait.ge [sflag:s13], $0x2800  }
0x4b: {  	s22 =	simm.s32 @!p2 $0x9;
	s25 =	simm.s32 $0x6A00;
	[sflag:s13] =	ssyncset.done $0x0  }
0x4c: {  	s16 =	sor.u32 $0x200, s1;
	s26 =	sadd.s32 $0x0, s1;
	[sflag:s13] =	ssyncadd.s32 $0xFFFFD800  }
0x4d: {  	[spmem:s8] =	stream.linear.scatter [tilespmem:s28], [sflag:$0x9], $0x2800, $0x38;
	[tilespmem:$0x1FA00] =	vst v63  }
0x4e: {  	s9 =	sadd.s32 $0x0, s16;
	s16 =	simm.s32 $0x9;
	_ =	swait.ge [sflag:s13], $0x2800  }
0x4f: {  	s10 =	sxor.u32 @!p2 $0x1, s4;
	s11 =	simm.s32 @!p2 $0x1;
	[sflag:s13] =	ssyncset.done $0x0  }
0x50: {  	s12 =	smul.u32 @!p2 $0x1400, s10;
	s10 =	sshll.u32 @!p2 s10, $0xB;
	[sflag:s13] =	ssyncadd.s32 $0xFFFFD800  }
0x51: {  	s11 =	smul.u32 @!p2 $0x2800, s11;
	s10 =	sadd.s32 @!p2 $0xA00, s10;
	[bflag:$0x0] =	sbarrier.arrive $0xFFFF  }
0x52: {  	[tilespmem:s28], [sflag:$0x1] =	stream.indirect.gather [hbm4b:s14+s2], $0x80, s17, s2, $0xb8;
	[tilespmem:$0x1FA00] =	vst v63  }
0x53: {  	s12 =	sshrl.u32 @!p2 s12, $0x2;
	s8 =	sshra.s32 s24, $0x2;
	s7 =	rddreg [dreg:$0x5]  }
0x54: {  	s13 =	simm.s32 $0x0;
	s17 =	sshra.s32 s26, $0x2;
	s11 =	sadd.s32 @!p2 s7, s11  }
0x55: {  	[tilespmem:s21], [sflag:$0x2] =	stream.indirect.gather [hbm4b:s14+s2], $0x80, s2, s2, $0xb8;
	[tilespmem:$0x1FA00] =	vst v63  }
0x56: {  	s26 =	simm.s32 $0x140;
	s7 =	rddreg [dreg:$0x1];
	s11 =	sshrl.u32 @!p2 s11, $0x3  }
0x57: {  	s21 =	sand.u32 $0x800, s13;
	s11 =	sadd.s32 @!p2 s7, s11;
	s7 =	sadd.s32 $0x0, s8  }
0x58: {  	[tilespmem:s12], [sflag:$0x9] =	stream.strided.gather @!p2 [hbm4b:s11+s19], $0x500, s20, s19, $0x38;
	[tilespmem:$0x1FA00] =	vst v63  }
0x59: {  	s11 =	sadd.s32 $0xA00, s21;
	s12 =	sor.u32 $0x400, s1;
	_ =	swait.ge @!p2 [sflag:s22], $0x500  }
0x5a: {  	s1 =	sor.u32 $0x600, s1;
	s11 =	ssub.s32 @p1 s11, s13;
	[sflag:s22] =	ssyncset.done @!p2 $0x0  }
0x5b: {  	s13 =	simm.s32 @!p2 $0x0;
	s12 =	sadd.s32 @!p1 $0x0, s12;
	[sflag:s22] =	ssyncadd.s32 @!p2 $0xFFFFFB00  }
0x5c: {  	[tilespmem:s10], [sflag:$0x9] =	stream.linear.gather @!p2 [hbm4b:s18+s13], $0x800, $0x38;
	[tilespmem:$0x1FA00] =	vst v63  }
0x5d: {  	s1 =	sadd.s32 $0x0, s1;
	s30 =	sadd.s32 @p1 $0x3F00, s11;
	_ =	swait.ge @!p2 [sflag:s22], $0x800  }
0x5e: {  	s11 =	sshra.s32 @!p1 s12, $0x2;
	s12 =	simm.s32 $0x4200;
	[sflag:s22] =	ssyncset.done @!p2 $0x0  }
0x5f: {  	s21 =	sadd.s32 @!p1 $0xA00, s11;
	s13 =	sshra.s32 s1, $0x2;
	[sflag:s22] =	ssyncadd.s32 @!p2 $0xFFFFF800  }
0x60: {  	s1 =	simm.s32 @!p1 $0x0;
	s10 =	simm.s32 $0x1000;
	_ =	swait.ge @!p0 [sflag:s0], $0x2800  }
0x61: {  	s18 =	simm.s32 $0x1;
	p2 =	seq.s32 s4, $0x1;
	s8 =	rddreg [dreg:$0x4]  }
0x62: {  	s1 =	sand.u32 @!p1 $0x500, s1;
	s4 =	sshrl.u32 @!p1 s6, $0x2;
	s8 =	simm.s32 @!p2 $0x0  }
0x63: {  	s19 =	sadd.s32 @!p1 s4, s1;
	s1 =	simm.s32 @!p1 $0x0;
	s20 =	sshrl.u32 s8, $0x2  }
0x64: {  	s1 =	sand.u32 @!p1 $0x500, s1;
	[sflag:s0] =	ssyncset.done @!p0 $0x0;
	s22 =	sadd.s32 s20, s7  }
0x65: {  	s23 =	sadd.s32 @!p1 s5, s1;
	[sflag:s0] =	ssyncadd.s32 @!p0 $0xFFFFD800;
	s1 =	sadd.s32 $0xA0, s22  }
0x66: {  	[tilespmem:s25], [sflag:$0x3] =	stream.indirect.gather [hbm4b:s14+s2], $0x80, s1, s2, $0xb8;
	[tilespmem:$0x1FA00] =	vst v63  }
0x67: {  	s4 =	sshra.s32 s9, $0x2;
	s9 =	simm.s32 $0x2;
	s1 =	simm.s32 $0x1  }
0x68: {  	s4 =	sadd.s32 $0xA00, s4;
	p1 =	por p1, p1;
	_ =	swait.ge [sflag:s1], $0x2800  }
0x69: {  	s5 =	simm.s32 @!p0 $0x8;
	p2 =	por $0x0, $0x0;
	[sflag:s1] =	ssyncset.done $0x0  }
0x6a: {  	s24 =	simm.s32 @!p1 $0x6;
	s7 =	sadd.s32 $0xA00, s17;
	[sflag:s1] =	ssyncadd.s32 $0xFFFFD800  }
0x6b: {  	[spmem:s3] =	stream.indirect.scatter.add.f32 [tilespmem:s28], [sflag:$0x5], $0x80, s7, s2, $0xb8;
	[tilespmem:$0x1FA00] =	vst v63  }
0x6c: {  	s11 =	simm.s32 @!p2 $0x7;
	s0 =	simm.s32 @!p1 $0x3;
	_ =	swait.ge @!p0 [sflag:s5], $0x2800  }
0x6d: {  	s29 =	simm.s32 @!p1 $0x6A00;
	s17 =	simm.s32 @!p1 $0x1A00;
	[sflag:s5] =	ssyncset.done @!p0 $0x0  }
0x6e: {  	s20 =	simm.s32 $0x5;
	s8 =	sadd.s32 $0xF0, s22;
	[sflag:s5] =	ssyncadd.s32 @!p0 $0xFFFFD800  }
0x6f: {  	[tilespmem:s31], [sflag:$0x4] =	stream.indirect.gather [hbm4b:s14+s2], $0x80, s8, s2, $0xb8;
	[tilespmem:$0x1FA00] =	vst v63  }
0x70: {  	s25 =	simm.s32 @!p1 $0x4200;
	s1 =	simm.s32 @!p1 $0x50;
	_ =	swait.ge [sflag:s9], $0x2800  }
0x71: {  	s7 =	simm.s32 @p1 $0x6A00;
	s28 =	sadd.s32 $0xA00, s13;
	[sflag:s9] =	ssyncset.done $0x0  }
0x72: {  	s13 =	simm.s32 $0x5;
	p0 =	por $0x0, $0x0;
	[sflag:s9] =	ssyncadd.s32 $0xFFFFD800  }
0x73: {  	[spmem:s3] =	stream.indirect.scatter.add.f32 [tilespmem:s12], [sflag:$0x6], $0x80, s4, s2, $0xb8;
	[tilespmem:$0x1FA00] =	vst v63  }
0x74: {  	s5 =	simm.s32 $0x0;
	s8 =	simm.s32 @p1 $0x6;
	_ =	swait.ge [sflag:s13], $0x2800  }
0x75: {  	s31 =	simm.s32 @p1 $0x50;
	s22 =	simm.s32 @!p0 $0x8;
	[sflag:s13] =	ssyncset.done $0x0  }
0x76: {  	s6 =	sand.u32 @!p0 $0xC, s22;
	s12 =	simm.s32 @p1 $0x3;
	[sflag:s20] =	ssyncadd.s32 $0xFFFFD800  }
0x77: {  	s13 =	simm.s32 $0x0;
	s20 =	sor.u32 $0x1000, s5;
	_ =	swait.ge @p1 [sflag:s12], $0x2800  }
0x78: {  	s4 =	smul.u32 $0xFFFFEC00, s13;
	p4 =	sne.s32 @!p3 s20, $0x800;
	[sflag:s12] =	ssyncset.done @p1 $0x0  }
0x79: {  	s20 =	sand.u32 @!p0 $0xD, s16;
	p4 =	por p4, p3;
	[sflag:s12] =	ssyncadd.s32 @p1 $0xFFFFD800  }
0x7a: {  	[spmem:s3] =	stream.indirect.scatter.add.f32 @p1 [tilespmem:s7], [sflag:$0x7], $0x80, s30, s31, $0xb8;
	[tilespmem:$0x1FA00] =	vst v63  }
0x7b: {  	s12 =	smul.u32 @!p0 $0x140, s6;
	s30 =	sand.u32 $0x1, s13;
	_ =	swait.ge @p1 [sflag:s8], $0x2800  }
0x7c: {  	s6 =	simm.s32 @!p4 $0x1;
	s31 =	sxor.u32 @!p4 $0x1, s30;
	[sflag:s8] =	ssyncset.done @p1 $0x0  }
0x7d: {  	[sflag:s8] =	ssyncadd.s32 @p1 $0xFFFFD800;
	s8 =	smul.u32 @!p4 $0x1400, s31;
	s31 =	sshll.u32 @!p4 s31, $0xB  }
.LBB2_2:
0x7e: {  	[tilespmem:s17], [sflag:$0x1] =	stream.indirect.gather @!p1 [hbm4b:s14+s1], $0x80, s23, s1, $0xb8;
	[tilespmem:$0x1FA00] =	vst v63  }
0x7f: {  	s17 =	smov.u32 s10;
	p3 =	por p2, p2;
	s23 =	smul.u32 @!p4 $0x2800, s6  }
0x80: {  	s31 =	sadd.s32 @!p4 $0xA00, s31;
	s6 =	sshll.u32 @!p4 s6, $0x8;
	s7 =	sshll.u32 s30, $0xD  }
0x81: {  	s13 =	sshll.u32 s13, $0xB;
	s12 =	sshrl.u32 @!p0 s12, $0x2;
	s22 =	sshll.u32 @!p0 s22, $0x1B  }
0x82: {  	s10 =	sadd.s32 $0x800, s10;
	s18 =	sadd.s32 $0x1, s18;
	_ =	swait.ge @!p1 [sflag:s0], $0x2800  }
0x83: {  	s8 =	sshrl.u32 @!p4 s8, $0x2;
	s7 =	ssub.s32 s7, s5;
	p5 =	sne.s32 s10, $0x10000  }
0x84: {  	[sflag:s0] =	ssyncset.done @!p1 $0x0;
	s9 =	rddreg [dreg:$0x5];
	s5 =	sor.u32 $0x200, s7  }
0x85: {  	s23 =	sadd.s32 @!p4 s9, s23;
	[sflag:s0] =	ssyncadd.s32 @!p1 $0xFFFFD800;
	s0 =	sadd.s32 s7, s15  }
0x86: {  	[spmem:s3] =	stream.indirect.scatter.add.f32 @!p1 [tilespmem:s29], [sflag:$0x7], $0x80, s21, s1, $0xb8;
	[tilespmem:$0x1FA00] =	vst v63  }
0x87: {  	s5 =	sadd.s32 s5, s15;
	s21 =	sshrl.u32 @!p4 s23, $0x3;
	s23 =	simm.s32 $0x4  }
0x88: {  	s0 =	sshra.s32 s0, $0x2;
	s5 =	sshra.s32 s5, $0x2;
	_ =	swait.ge @!p1 [sflag:s24], $0x2800  }
0x89: {  	s0 =	sadd.s32 $0xA00, s0;
	[sflag:s24] =	ssyncset.done @!p1 $0x0;
	s9 =	rddreg [dreg:$0x6]  }
0x8a: {  	s5 =	sadd.s32 $0xA00, s5;
	s6 =	sadd.s32 @!p4 s6, s9;
	[sflag:s24] =	ssyncadd.s32 @!p1 $0xFFFFD800  }
0x8b: {  	[tilespmem:s25], [sflag:$0x2] =	stream.indirect.gather @!p1 [hbm4b:s14+s1], $0x80, s19, s1, $0xb8;
	[tilespmem:$0x1FA00] =	vst v63  }
0x8c: {  	s24 =	simm.s32 @!p4 $0x9;
	s1 =	simm.s32 @!p4 $0x80;
	_ =	swait.ge [sflag:s23], $0x2800  }
0x8d: {  	s25 =	sand.u32 $0x800, s13;
	s9 =	rddreg [dreg:$0x1];
	[sflag:s23] =	ssyncset.done $0x0  }
0x8e: {  	s21 =	sadd.s32 @!p4 s9, s21;
	[sflag:s23] =	ssyncadd.s32 $0xFFFFD800;
	s9 =	simm.s32 $0x9200  }
0x8f: {  	[spmem:s3] =	stream.indirect.scatter.add.f32 [tilespmem:s9], [sflag:$0x8], $0x80, s28, s2, $0xb8;
	[tilespmem:$0x1FA00] =	vst v63  }
0x90: {  	s19 =	simm.s32 @!p4 $0x400;
	p1 =	seq.s32 s30, $0x1;
	s23 =	sadd.s32 $0xA00, s25  }
0x91: {  	[tilespmem:s8], [sflag:$0x9] =	stream.strided.gather @!p4 [hbm4b:s21+s1], $0x500, s19, s1, $0x38;
	[tilespmem:$0x1FA00] =	vst v63  }
0x92: {  	s1 =	sor.u32 $0x400, s7;
	s8 =	ssub.s32 @p0 s23, s13;
	s13 =	simm.s32 @!p4 $0x0  }
0x93: {  	s21 =	sshra.s32 s4, $0x2;
	s23 =	sor.u32 $0x600, s7;
	s7 =	smul.u32 @!p0 $0x140, s20  }
0x94: {  	_ =	swait.ge @!p4 [sflag:s24], $0x500;
	s1 =	sadd.s32 @!p0 s1, s15;
	s4 =	sadd.s32 s23, s15  }
0x95: {  	s25 =	sadd.s32 s21, s26;
	s30 =	sadd.s32 @p0 $0x3F00, s8;
	[sflag:s24] =	ssyncset.done @!p4 $0x0  }
0x96: {  	s15 =	smov.u32 s17;
	s26 =	sadd.s32 $0x140, s26;
	[sflag:s24] =	ssyncadd.s32 @!p4 $0xFFFFFB00  }
0x97: {  	[tilespmem:s31], [sflag:$0x9] =	stream.linear.gather @!p4 [hbm4b:s6+s13], $0x800, $0x38;
	[tilespmem:$0x1FA00] =	vst v63  }
0x98: {  	s17 =	simm.s32 $0x1A00;
	s4 =	sshra.s32 s4, $0x2;
	_ =	swait.ge @!p4 [sflag:s24], $0x800  }
0x99: {  	s7 =	sshrl.u32 @!p0 s7, $0x2;
	s6 =	sshll.u32 @!p0 s16, $0x1B;
	[sflag:s24] =	ssyncset.done @!p4 $0x0  }
0x9a: {  	s1 =	sshra.s32 @!p0 s1, $0x2;
	s6 =	sshra.s32 @!p0 s6, $0x1F;
	[sflag:s24] =	ssyncadd.s32 @!p4 $0xFFFFF800  }
0x9b: {  	p2 =	seq.s32 s15, $0x0;
	s6 =	sand.u32 @!p0 $0x500, s6;
	_ =	swait.ge @!p3 [sflag:s11], $0x2800  }
0x9c: {  	s21 =	sadd.s32 @!p0 $0xA00, s1;
	s19 =	sadd.s32 @!p0 s7, s6;
	s6 =	rddreg [dreg:$0x4]  }
0x9d: {  	s28 =	sadd.s32 $0xA00, s4;
	s7 =	sshra.s32 @!p0 s22, $0x1F;
	s6 =	simm.s32 @!p1 $0x0  }
0x9e: {  	s13 =	simm.s32 $0x1;
	s7 =	sand.u32 @!p0 $0x500, s7;
	s8 =	sshrl.u32 s6, $0x2  }
0x9f: {  	s23 =	sadd.s32 @!p0 s12, s7;
	[sflag:s11] =	ssyncset.done @!p3 $0x0;
	s1 =	sadd.s32 s8, s25  }
0xa0: {  	s12 =	simm.s32 $0x6A00;
	[sflag:s11] =	ssyncadd.s32 @!p3 $0xFFFFD800;
	s11 =	sadd.s32 $0xA0, s1  }
0xa1: {  	[tilespmem:s12], [sflag:$0x3] =	stream.indirect.gather [hbm4b:s14+s2], $0x80, s11, s2, $0xb8;
	[tilespmem:$0x1FA00] =	vst v63  }
0xa2: {  	s16 =	sadd.s32 $0x4, s16;
	s22 =	simm.s32 $0x2;
	_ =	swait.ge [sflag:s13], $0x2800  }
0xa3: {  	p1 =	por p0, p0;
	p0 =	seq.s32 s15, $0xF800;
	[sflag:s13] =	ssyncset.done $0x0  }
0xa4: {  	s6 =	simm.s32 @!p3 $0x8;
	s24 =	simm.s32 @!p1 $0x6;
	[sflag:s13] =	ssyncadd.s32 $0xFFFFD800  }
0xa5: {  	[spmem:s3] =	stream.indirect.scatter.add.f32 [tilespmem:s17], [sflag:$0x5], $0x80, s0, s2, $0xb8;
	[tilespmem:$0x1FA00] =	vst v63  }
0xa6: {  	s29 =	simm.s32 @!p1 $0x6A00;
	s7 =	simm.s32 @p1 $0x6;
	_ =	swait.ge @!p3 [sflag:s6], $0x2800  }
0xa7: {  	s31 =	simm.s32 @p1 $0x3;
	s25 =	simm.s32 @!p1 $0x4200;
	[sflag:s6] =	ssyncset.done @!p3 $0x0  }
0xa8: {  	s8 =	simm.s32 @p1 $0x50;
	s20 =	sadd.s32 $0xF0, s1;
	[sflag:s6] =	ssyncadd.s32 @!p3 $0xFFFFD800  }
0xa9: {  	[tilespmem:s9], [sflag:$0x4] =	stream.indirect.gather [hbm4b:s14+s2], $0x80, s20, s2, $0xb8;
	[tilespmem:$0x1FA00] =	vst v63  }
0xaa: {  	s1 =	simm.s32 @!p1 $0x50;
	s11 =	simm.s32 @!p2 $0x7;
	_ =	swait.ge [sflag:s22], $0x2800  }
0xab: {  	s12 =	simm.s32 $0x5;
	s13 =	sshrl.u32 s18, $0x2;
	[sflag:s22] =	ssyncset.done $0x0  }
0xac: {  	s0 =	simm.s32 @!p1 $0x3;
	s9 =	simm.s32 $0x4200;
	[sflag:s22] =	ssyncadd.s32 $0xFFFFD800  }
0xad: {  	[spmem:s3] =	stream.indirect.scatter.add.f32 [tilespmem:s9], [sflag:$0x6], $0x80, s5, s2, $0xb8;
	[tilespmem:$0x1FA00] =	vst v63  }
0xae: {  	s17 =	simm.s32 @!p1 $0x1A00;
	s4 =	smul.u32 $0xFFFFEC00, s13;
	_ =	swait.ge [sflag:s12], $0x2800  }
0xaf: {  	s6 =	simm.s32 @p1 $0x6A00;
	p3 =	sgt.u32 s18, $0x1C;
	[sflag:s12] =	ssyncset.done $0x0  }
0xb0: {  	s22 =	sadd.s32 @!p0 $0xFFFFFFFF, s16;
	s5 =	sshll.u32 s13, $0xD;
	[sflag:s12] =	ssyncadd.s32 $0xFFFFD800  }
0xb1: {  	s9 =	sand.u32 @!p0 $0xC, s22;
	s12 =	sor.u32 $0x1000, s5;
	_ =	swait.ge @p1 [sflag:s31], $0x2800  }
0xb2: {  	p4 =	sne.s32 @!p3 s12, s15;
	s12 =	smul.u32 @!p0 $0x140, s9;
	[sflag:s31] =	ssyncset.done @p1 $0x0  }
.Ltmp0:
0xb3: {  	s20 =	sand.u32 @!p0 $0xD, s16;
	[sflag:s31] =	ssyncadd.s32 @p1 $0xFFFFD800;
	(pc) =	sbr.rel @p5 .LBB2_2-.Ltmp0, $4  }
0xb4: {  	[spmem:s3] =	stream.indirect.scatter.add.f32 @p1 [tilespmem:s6], [sflag:$0x7], $0x80, s30, s8, $0xb8;
	[tilespmem:$0x1FA00] =	vst v63  }
0xb5: {  	p4 =	por p4, p3;
	s30 =	sand.u32 $0x1, s13;
	_ =	swait.ge @p1 [sflag:s7], $0x2800  }
0xb6: {  	s6 =	sadd.s32 @!p4 $0x1, s13;
	s9 =	sxor.u32 @!p4 $0x1, s30;
	[sflag:s7] =	ssyncset.done @p1 $0x0  }
0xb7: {  	s8 =	smul.u32 @!p4 $0x1400, s9;
	s31 =	sshll.u32 @!p4 s9, $0xB;
	[sflag:s7] =	ssyncadd.s32 @p1 $0xFFFFD800  }
0xb8: {  	[tilespmem:s17], [sflag:$0x1] =	stream.indirect.gather @!p1 [hbm4b:s14+s1], $0x80, s23, s1, $0xb8;
	[tilespmem:$0x1FA00] =	vst v63  }
0xb9: {  	_ =	swait.ge @!p1 [sflag:s0], $0x2800  }
0xba: {  	[sflag:s0] =	ssyncset.done @!p1 $0x0  }
0xbb: {  	[sflag:s0] =	ssyncadd.s32 @!p1 $0xFFFFD800  }
0xbc: {  	[spmem:s3] =	stream.indirect.scatter.add.f32 @!p1 [tilespmem:s29], [sflag:$0x7], $0x80, s21, s1, $0xb8;
	[tilespmem:$0x1FA00] =	vst v63  }
0xbd: {  	_ =	swait.ge @!p1 [sflag:s24], $0x2800  }
0xbe: {  	[sflag:s24] =	ssyncset.done @!p1 $0x0  }
0xbf: {  	[sflag:s24] =	ssyncadd.s32 @!p1 $0xFFFFD800;
	s24 =	simm.s32 $0x4  }
0xc0: {  	[tilespmem:s25], [sflag:$0x2] =	stream.indirect.gather @!p1 [hbm4b:s14+s1], $0x80, s19, s1, $0xb8;
	[tilespmem:$0x1FA00] =	vst v63  }
0xc1: {  	s0 =	smul.u32 @!p4 $0x2800, s6;
	_ =	swait.ge [sflag:s24], $0x2800  }
0xc2: {  	s1 =	rddreg [dreg:$0x5];
	[sflag:s24] =	ssyncset.done $0x0  }
0xc3: {  	s21 =	simm.s32 $0x9200;
	s0 =	sadd.s32 @!p4 s1, s0;
	[sflag:s24] =	ssyncadd.s32 $0xFFFFD800  }
0xc4: {  	[spmem:s3] =	stream.indirect.scatter.add.f32 [tilespmem:s21], [sflag:$0x8], $0x80, s28, s2, $0xb8;
	[tilespmem:$0x1FA00] =	vst v63  }
0xc5: {  	s7 =	simm.s32 @!p4 $0x80;
	s0 =	sshrl.u32 @!p4 s0, $0x3;
	s9 =	rddreg [dreg:$0x1]  }
0xc6: {  	s1 =	sshrl.u32 @!p4 s8, $0x2;
	s8 =	simm.s32 @!p4 $0x400;
	s0 =	sadd.s32 @!p4 s9, s0  }
0xc7: {  	[tilespmem:s1], [sflag:$0x9] =	stream.strided.gather @!p4 [hbm4b:s0+s7], $0x500, s8, s7, $0x38;
	[tilespmem:$0x1FA00] =	vst v63  }
0xc8: {  	s0 =	simm.s32 @!p4 $0x9  }
0xc9: {  	s6 =	sshll.u32 @!p4 s6, $0x8;
	_ =	swait.ge @!p4 [sflag:s0], $0x500  }
0xca: {  	s1 =	sadd.s32 @!p4 $0xA00, s31;
	[sflag:s0] =	ssyncset.done @!p4 $0x0;
	s7 =	rddreg [dreg:$0x6]  }
0xcb: {  	s6 =	sadd.s32 @!p4 s6, s7;
	s7 =	simm.s32 @!p4 $0x0;
	[sflag:s0] =	ssyncadd.s32 @!p4 $0xFFFFFB00  }
0xcc: {  	[tilespmem:s1], [sflag:$0x9] =	stream.linear.gather @!p4 [hbm4b:s6+s7], $0x800, $0x38;
	[tilespmem:$0x1FA00] =	vst v63  }
0xcd: {  	_ =	swait.ge @!p4 [sflag:s0], $0x800  }
0xce: {  	[sflag:s0] =	ssyncset.done @!p4 $0x0  }
0xcf: {  	p1 =	por p2, p2;
	[sflag:s0] =	ssyncadd.s32 @!p4 $0xFFFFF800  }
0xd0: {  	_ =	swait.ge @!p1 [sflag:s11], $0x2800  }
0xd1: {  	p2 =	seq.s32 s30, $0x1;
	s0 =	rddreg [dreg:$0x4]  }
0xd2: {  	s17 =	sshra.s32 s4, $0x2;
	s0 =	simm.s32 @!p2 $0x0  }
0xd3: {  	s1 =	sadd.s32 s17, s26;
	[sflag:s11] =	ssyncset.done @!p1 $0x0;
	s0 =	sshrl.u32 s0, $0x2  }
0xd4: {  	s18 =	sshll.u32 s30, $0xD;
	[sflag:s11] =	ssyncadd.s32 @!p1 $0xFFFFD800;
	s1 =	sadd.s32 s0, s1  }
0xd5: {  	s0 =	ssub.s32 s18, s5;
	s18 =	simm.s32 $0x6A00;
	s19 =	sadd.s32 $0xA0, s1  }
0xd6: {  	[tilespmem:s18], [sflag:$0x3] =	stream.indirect.gather [hbm4b:s14+s2], $0x80, s19, s2, $0xb8;
	[tilespmem:$0x1FA00] =	vst v63  }
0xd7: {  	s19 =	simm.s32 $0x1  }
0xd8: {  	s23 =	sadd.s32 s0, s15;
	_ =	swait.ge [sflag:s19], $0x2800  }
0xd9: {  	s4 =	sshra.s32 s23, $0x2;
	[sflag:s19] =	ssyncset.done $0x0  }
0xda: {  	s25 =	simm.s32 $0x1A00;
	s4 =	sadd.s32 $0xA00, s4;
	[sflag:s19] =	ssyncadd.s32 $0xFFFFD800  }
0xdb: {  	[spmem:s3] =	stream.indirect.scatter.add.f32 [tilespmem:s25], [sflag:$0x5], $0x80, s4, s2, $0xb8;
	[tilespmem:$0x1FA00] =	vst v63  }
0xdc: {  	s4 =	simm.s32 @!p1 $0x8  }
0xdd: {  	_ =	swait.ge @!p1 [sflag:s4], $0x2800  }
0xde: {  	s26 =	sor.u32 $0x200, s0;
	[sflag:s4] =	ssyncset.done @!p1 $0x0  }
0xdf: {  	s1 =	sadd.s32 $0xF0, s1;
	s23 =	simm.s32 $0x2;
	[sflag:s4] =	ssyncadd.s32 @!p1 $0xFFFFD800  }
0xe0: {  	[tilespmem:s21], [sflag:$0x4] =	stream.indirect.gather [hbm4b:s14+s2], $0x80, s1, s2, $0xb8;
	[tilespmem:$0x1FA00] =	vst v63  }
0xe1: {  	s28 =	sadd.s32 s26, s15;
	_ =	swait.ge [sflag:s23], $0x2800  }
0xe2: {  	s29 =	simm.s32 $0x4200;
	s1 =	sshra.s32 s28, $0x2;
	[sflag:s23] =	ssyncset.done $0x0  }
0xe3: {  	s30 =	simm.s32 $0x5;
	s1 =	sadd.s32 $0xA00, s1;
	[sflag:s23] =	ssyncadd.s32 $0xFFFFD800  }
0xe4: {  	[spmem:s3] =	stream.indirect.scatter.add.f32 [tilespmem:s29], [sflag:$0x6], $0x80, s1, s2, $0xb8;
	[tilespmem:$0x1FA00] =	vst v63  }
0xe5: {  	s1 =	sshll.u32 s13, $0xB;
	_ =	swait.ge [sflag:s30], $0x2800  }
0xe6: {  	p1 =	por p0, p0;
	s5 =	sand.u32 $0x800, s1;
	[sflag:s30] =	ssyncset.done $0x0  }
0xe7: {  	s4 =	sadd.s32 $0xA00, s5;
	s5 =	simm.s32 @p1 $0x3;
	[sflag:s30] =	ssyncadd.s32 $0xFFFFD800  }
0xe8: {  	_ =	swait.ge @p1 [sflag:s5], $0x2800  }
0xe9: {  	s1 =	ssub.s32 @p0 s4, s1;
	s4 =	simm.s32 @p1 $0x6A00;
	[sflag:s5] =	ssyncset.done @p1 $0x0  }
0xea: {  	s1 =	sadd.s32 @p0 $0x3F00, s1;
	[sflag:s5] =	ssyncadd.s32 @p1 $0xFFFFD800;
	s5 =	simm.s32 @p1 $0x50  }
0xeb: {  	[spmem:s3] =	stream.indirect.scatter.add.f32 @p1 [tilespmem:s4], [sflag:$0x7], $0x80, s1, s5, $0xb8;
	[tilespmem:$0x1FA00] =	vst v63  }
0xec: {  	s1 =	sshll.u32 @!p0 s22, $0x1B  }
0xed: {  	s4 =	simm.s32 @p1 $0x6;
	s1 =	sshra.s32 @!p0 s1, $0x1F  }
0xee: {  	s5 =	sshrl.u32 @!p0 s12, $0x2;
	_ =	swait.ge @p1 [sflag:s4], $0x2800;
	s1 =	sand.u32 @!p0 $0x500, s1  }
0xef: {  	[sflag:s4] =	ssyncset.done @p1 $0x0;
	s1 =	sadd.s32 @!p0 s5, s1  }
0xf0: {  	s5 =	simm.s32 @!p1 $0x50;
	[sflag:s4] =	ssyncadd.s32 @p1 $0xFFFFD800;
	s4 =	simm.s32 @!p1 $0x1A00  }
0xf1: {  	[tilespmem:s4], [sflag:$0x1] =	stream.indirect.gather @!p1 [hbm4b:s14+s5], $0x80, s1, s5, $0xb8;
	[tilespmem:$0x1FA00] =	vst v63  }
0xf2: {  	s1 =	sor.u32 $0x400, s0;
	s4 =	simm.s32 @!p1 $0x3  }
0xf3: {  	s1 =	sadd.s32 @!p0 s1, s15;
	_ =	swait.ge @!p1 [sflag:s4], $0x2800  }
0xf4: {  	s1 =	sshra.s32 @!p0 s1, $0x2;
	[sflag:s4] =	ssyncset.done @!p1 $0x0  }
0xf5: {  	s1 =	sadd.s32 @!p0 $0xA00, s1;
	[sflag:s4] =	ssyncadd.s32 @!p1 $0xFFFFD800;
	s4 =	simm.s32 @!p1 $0x6A00  }
0xf6: {  	[spmem:s3] =	stream.indirect.scatter.add.f32 @!p1 [tilespmem:s4], [sflag:$0x7], $0x80, s1, s5, $0xb8;
	[tilespmem:$0x1FA00] =	vst v63  }
0xf7: {  	s6 =	simm.s32 @!p1 $0x6;
	s1 =	sshll.u32 @!p0 s16, $0x1B;
	s4 =	smul.u32 @!p0 $0x140, s20  }
0xf8: {  	s0 =	sor.u32 $0x600, s0;
	s1 =	sshra.s32 @!p0 s1, $0x1F;
	_ =	swait.ge @!p1 [sflag:s6], $0x2800  }
0xf9: {  	s1 =	sand.u32 @!p0 $0x500, s1;
	s4 =	sshrl.u32 @!p0 s4, $0x2;
	[sflag:s6] =	ssyncset.done @!p1 $0x0  }
0xfa: {  	s1 =	sadd.s32 @!p0 s4, s1;
	[sflag:s6] =	ssyncadd.s32 @!p1 $0xFFFFD800;
	s4 =	simm.s32 @!p1 $0x4200  }
0xfb: {  	[tilespmem:s4], [sflag:$0x2] =	stream.indirect.gather @!p1 [hbm4b:s14+s5], $0x80, s1, s5, $0xb8;
	[tilespmem:$0x1FA00] =	vst v63  }
0xfc: {  	s0 =	sadd.s32 s0, s15;
	_ =	swait.ge [sflag:s24], $0x2800  }
0xfd: {  	s0 =	sshra.s32 s0, $0x2;
	[sflag:s24] =	ssyncset.done $0x0  }
0xfe: {  	s7 =	simm.s32 $0x7;
	s0 =	sadd.s32 $0xA00, s0;
	[sflag:s24] =	ssyncadd.s32 $0xFFFFD800  }
0xff: {  	[spmem:s3] =	stream.indirect.scatter.add.f32 [tilespmem:s21], [sflag:$0x8], $0x80, s0, s2, $0xb8;
	[tilespmem:$0x1FA00] =	vst v63  }
0x100: {  	_ =	swait.ge [sflag:s7], $0x2800  }
0x101: {  	[sflag:s7] =	ssyncset.done $0x0  }
0x102: {  	s10 =	simm.s32 $0x8;
	[sflag:s7] =	ssyncadd.s32 $0xFFFFD800  }
0x103: {  	_ =	swait.ge [sflag:s10], $0x2800  }
0x104: {  	[sflag:s10] =	ssyncset.done $0x0  }
0x105: {  	[sflag:s10] =	ssyncadd.s32 $0xFFFFD800  }
0x106: {  	[bflag:$0x0] =	sbarrier.arrive $0xFFFF  }
0x107: {  	s13 =	simm.s32 $0x9;
	s1 =	rddreg [dreg:$0x11]  }
0x108: {  	[tilespmem:s25], [sflag:$0x9] =	stream.linear.gather [spmem:s1], $0x2800, $0x38;
	[tilespmem:$0x1FA00] =	vst v63  }
0x109: {  	_ =	swait.ge [sflag:s13], $0x2800  }
0x10a: {  	[sflag:s13] =	ssyncset.done $0x0  }
0x10b: {  	s17 =	simm.s32 $0x0;
	s11 =	rddreg [dreg:$0x7];
	[sflag:s13] =	ssyncadd.s32 $0xFFFFD800  }
0x10c: {  	[hbm4b:s11+s17] =	stream.linear.scatter [tilespmem:s25], [sflag:$0x1], $0x2800, $0x38;
	[tilespmem:$0x1FA00] =	vst v63  }
0x10d: {  	s5 =	rddreg [dreg:$0x12]  }
0x10e: {  	[tilespmem:s29], [sflag:$0x9] =	stream.linear.gather [spmem:s5], $0x2800, $0x38;
	[tilespmem:$0x1FA00] =	vst v63  }
0x10f: {  	_ =	swait.ge [sflag:s13], $0x2800  }
0x110: {  	[sflag:s13] =	ssyncset.done $0x0  }
0x111: {  	s12 =	rddreg [dreg:$0x8];
	[sflag:s13] =	ssyncadd.s32 $0xFFFFD800  }
0x112: {  	[hbm4b:s12+s17] =	stream.linear.scatter [tilespmem:s29], [sflag:$0x2], $0x2800, $0x38;
	[tilespmem:$0x1FA00] =	vst v63  }
0x113: {  	s4 =	rddreg [dreg:$0x13]  }
0x114: {  	[tilespmem:s18], [sflag:$0x9] =	stream.linear.gather [spmem:s4], $0x2800, $0x38;
	[tilespmem:$0x1FA00] =	vst v63  }
0x115: {  	_ =	swait.ge [sflag:s13], $0x2800  }
0x116: {  	[sflag:s13] =	ssyncset.done $0x0  }
0x117: {  	s15 =	rddreg [dreg:$0x9];
	[sflag:s13] =	ssyncadd.s32 $0xFFFFD800  }
0x118: {  	[hbm4b:s15+s17] =	stream.linear.scatter [tilespmem:s18], [sflag:$0x3], $0x2800, $0x38;
	[tilespmem:$0x1FA00] =	vst v63  }
0x119: {  	s7 =	rddreg [dreg:$0x14]  }
0x11a: {  	[tilespmem:s21], [sflag:$0x9] =	stream.linear.gather [spmem:s7], $0x2800, $0x38;
	[tilespmem:$0x1FA00] =	vst v63  }
0x11b: {  	_ =	swait.ge [sflag:s13], $0x2800  }
0x11c: {  	[sflag:s13] =	ssyncset.done $0x0  }
0x11d: {  	s16 =	rddreg [dreg:$0xa];
	[sflag:s13] =	ssyncadd.s32 $0xFFFFD800  }
0x11e: {  	[hbm4b:s16+s17] =	stream.linear.scatter [tilespmem:s21], [sflag:$0x4], $0x2800, $0x38;
	[tilespmem:$0x1FA00] =	vst v63  }
0x11f: {  	_ =	swait.ge [sflag:s19], $0x2800  }
0x120: {  	[sflag:s19] =	ssyncset.done $0x0  }
0x121: {  	s10 =	rddreg [dreg:$0x15];
	[sflag:s19] =	ssyncadd.s32 $0xFFFFD800  }
0x122: {  	[tilespmem:s25], [sflag:$0x9] =	stream.linear.gather [spmem:s10], $0x2800, $0x38;
	[tilespmem:$0x1FA00] =	vst v63  }
0x123: {  	_ =	swait.ge [sflag:s13], $0x2800  }
0x124: {  	[sflag:s13] =	ssyncset.done $0x0  }
0x125: {  	s20 =	rddreg [dreg:$0xb];
	[sflag:s13] =	ssyncadd.s32 $0xFFFFD800  }
0x126: {  	[hbm4b:s20+s17] =	stream.linear.scatter [tilespmem:s25], [sflag:$0x1], $0x2800, $0x38;
	[tilespmem:$0x1FA00] =	vst v63  }
0x127: {  	_ =	swait.ge [sflag:s23], $0x2800  }
0x128: {  	[sflag:s23] =	ssyncset.done $0x0  }
0x129: {  	s11 =	rddreg [dreg:$0x16];
	[sflag:s23] =	ssyncadd.s32 $0xFFFFD800  }
0x12a: {  	[tilespmem:s29], [sflag:$0x9] =	stream.linear.gather [spmem:s11], $0x2800, $0x38;
	[tilespmem:$0x1FA00] =	vst v63  }
0x12b: {  	_ =	swait.ge [sflag:s13], $0x2800  }
0x12c: {  	[sflag:s13] =	ssyncset.done $0x0  }
0x12d: {  	s25 =	simm.s32 $0x3;
	s22 =	rddreg [dreg:$0xc];
	[sflag:s13] =	ssyncadd.s32 $0xFFFFD800  }
0x12e: {  	[hbm4b:s22+s17] =	stream.linear.scatter [tilespmem:s29], [sflag:$0x2], $0x2800, $0x38;
	[tilespmem:$0x1FA00] =	vst v63  }
0x12f: {  	_ =	swait.ge [sflag:s25], $0x2800  }
0x130: {  	[sflag:s25] =	ssyncset.done $0x0  }
0x131: {  	s12 =	rddreg [dreg:$0x17];
	[sflag:s25] =	ssyncadd.s32 $0xFFFFD800  }
0x132: {  	[tilespmem:s18], [sflag:$0x9] =	stream.linear.gather [spmem:s12], $0x2800, $0x38;
	[tilespmem:$0x1FA00] =	vst v63  }
0x133: {  	_ =	swait.ge [sflag:s13], $0x2800  }
0x134: {  	[sflag:s13] =	ssyncset.done $0x0  }
0x135: {  	s26 =	rddreg [dreg:$0xd];
	[sflag:s13] =	ssyncadd.s32 $0xFFFFD800  }
0x136: {  	[hbm4b:s26+s17] =	stream.linear.scatter [tilespmem:s18], [sflag:$0x3], $0x2800, $0x38;
	[tilespmem:$0x1FA00] =	vst v63  }
0x137: {  	_ =	swait.ge [sflag:s24], $0x2800  }
0x138: {  	[sflag:s24] =	ssyncset.done $0x0  }
0x139: {  	s8 =	rddreg [dreg:$0x18];
	[sflag:s24] =	ssyncadd.s32 $0xFFFFD800  }
0x13a: {  	[tilespmem:s21], [sflag:$0x9] =	stream.linear.gather [spmem:s8], $0x2800, $0x38;
	[tilespmem:$0x1FA00] =	vst v63  }
0x13b: {  	_ =	swait.ge [sflag:s13], $0x2800  }
0x13c: {  	[sflag:s13] =	ssyncset.done $0x0  }
0x13d: {  	s28 =	rddreg [dreg:$0xe];
	[sflag:s13] =	ssyncadd.s32 $0xFFFFD800  }
0x13e: {  	[hbm4b:s28+s17] =	stream.linear.scatter [tilespmem:s21], [sflag:$0x4], $0x2800, $0x38;
	[tilespmem:$0x1FA00] =	vst v63  }
0x13f: {  	_ =	swait.ge [sflag:s19], $0x2800  }
0x140: {  	[sflag:s19] =	ssyncset.done $0x0  }
0x141: {  	[sflag:s19] =	ssyncadd.s32 $0xFFFFD800  }
0x142: {  	_ =	swait.ge [sflag:s23], $0x2800  }
0x143: {  	[sflag:s23] =	ssyncset.done $0x0  }
0x144: {  	[sflag:s23] =	ssyncadd.s32 $0xFFFFD800  }
0x145: {  	_ =	swait.ge [sflag:s25], $0x2800  }
0x146: {  	[sflag:s25] =	ssyncset.done $0x0  }
0x147: {  	[sflag:s25] =	ssyncadd.s32 $0xFFFFD800  }
0x148: {  	_ =	swait.ge [sflag:s24], $0x2800  }
0x149: {  	s29 =	rddreg [dreg:$0x1a]  }
0x14a: {  	s30 =	rddreg [dreg:$0x19];
	s6 =	sadd.s32 $0x1, s29  }
0x14b: {  	p0 =	sne.s32 s6, s30  }
.Ltmp1:
0x14c: {  	_ = 	snop;
	(pc) =	sbr.rel @p0 .LBB2_1-.Ltmp1, $3  }
0x14d: {  	_ =	sdelay $0x1  }
0x14e: {  	[sflag:s24] =	ssyncset.done $0x0  }
0x14f: {  	s31 =	simm.s32 $0x9200;
	[sflag:s24] =	ssyncadd.s32 $0xFFFFD800  }
0x150: {  	_ =	sfence.sel $0x180000  }
0x151: {  	[bflag:$0x0] =	sbarrier.arrive $0xFFFF  }
0x152: {  	_ =	strace $0x9000004A  }
0x153: {  	s0 =	stileid.u32;
	[bflag:$0x2] =	sbarrier.arrive $0xFFFF  }
0x154: {  	p0 =	sne.s32 s0, $0x0;
	s0 =	rddreg [dreg:$0x3]  }
0x155: {  	s0 =	sadd.s32 @!p0 $0x100000, s0  }
0x156: {  	[sflag:s0] =	ssyncadd.tile.s32 @!p0 $0x1;
	_ =	shalt  }
.Lfunc_end2:
_tile_overlayer_lowered:
.L_overlay_start_2:
0x157: {  	(tag) =	ssettag $0x2  }
0x158: {  	s0 =	rddreg [dreg:$0x0];
	s2 =	stileid.u32  }
0x159: {  	s1 =	rddreg [dreg:$0x1];
	p0 =	sne.s32 s2, $0x0  }
0x15a: {  	s3 =	rddreg [dreg:$0x2];
	[bflag:$0x3] =	sbarrier.arrive $0xFFFF;
	s2 =	simm.s32 @!p0 $0x1C09  }
0x15b: {  	[timem:s3], [sflag:s2] =	dma.local @!p0 [hbm:s0], s1  }
0x15c: {  	s0 =	simm.s32 @!p0 $0x9  }
0x15d: {  	_ =	swait.ge @!p0 [sflag:s0], s1  }
0x15e: {  	s1 =	ssub.s32 @!p0 $0x0, s1;
	[sflag:s0] =	ssyncset.done @!p0 $0x0  }
0x15f: {  	[sflag:s0] =	ssyncadd.s32 @!p0 s1  }
0x160: {  	[bflag:$0x3] =	sbarrier.arrive $0xFFFF  }
0x161: {  	_ =	shalt  }

</sc_bundles>
